<compile_context>
chip_gen: v7x
topology: tpu7x:2x2x1
jax: 0.10.2.dev20260603
libtpu: 0.0.44.dev20260713+nightly
codegen_flags: <defaults>
</compile_context>

<pallas_src>
import functools

import jax
import jax.numpy as jnp
from jax import lax
from jax.experimental import pallas as pl
from jax.experimental.pallas import tpu as pltpu
from jax.experimental.pallas import tpu_sc as plsc

N = 10000
E = 320000
D = 128
NT = 100
NRBF = 16

NC = 2
NS = 16
NW = NC * NS
EPT = E // NW
ROWS = 80
ACC = 237 * 128
BE = 6400
NB = E // BE
BN = 2000
NBN = N // BN

_mesh = plsc.VectorSubcoreMesh(core_axis_name="c", subcore_axis_name="s")
_sc_params = pltpu.CompilerParams(needs_layout_passes=False)


@functools.partial(
    pl.kernel,
    mesh=_mesh,
    compiler_params=_sc_params,
    out_type=[
        jax.ShapeDtypeStruct((E,), jnp.float32),
        jax.ShapeDtypeStruct((E,), jnp.float32),
        jax.ShapeDtypeStruct((E,), jnp.int32),
    ],
    scratch_types=[
        pltpu.VMEM((N,), jnp.float32),
        pltpu.VMEM((N,), jnp.float32),
        pltpu.VMEM((N,), jnp.float32),
        pltpu.VMEM((N,), jnp.int32),
        pltpu.VMEM((EPT,), jnp.int32),
        pltpu.VMEM((EPT,), jnp.int32),
        pltpu.VMEM((EPT,), jnp.float32),
        pltpu.VMEM((EPT,), jnp.float32),
        pltpu.VMEM((EPT,), jnp.float32),
        pltpu.VMEM((EPT,), jnp.float32),
        pltpu.VMEM((EPT,), jnp.float32),
        pltpu.VMEM((EPT,), jnp.int32),
        pltpu.VMEM((16,), jnp.float32),
        pltpu.SemaphoreType.DMA,
    ],
)
def _geom(pxh, pyh, pzh, z_hbm, eif, sxh, syh, szh, w16,
          s_out, d_out, zs_out,
          px, py, pz, zn, sv, dv, sx, sy, sz, sb, db, zb, wv, sem):
    wid = lax.axis_index("s") * NC + lax.axis_index("c")
    base = wid * EPT
    descs = [
        pltpu.async_copy(pxh, px, sem),
        pltpu.async_copy(pyh, py, sem),
        pltpu.async_copy(pzh, pz, sem),
        pltpu.async_copy(z_hbm, zn, sem),
        pltpu.async_copy(eif.at[pl.ds(base, EPT)], sv, sem),
        pltpu.async_copy(eif.at[pl.ds(E + base, EPT)], dv, sem),
        pltpu.async_copy(sxh.at[pl.ds(base, EPT)], sx, sem),
        pltpu.async_copy(syh.at[pl.ds(base, EPT)], sy, sem),
        pltpu.async_copy(szh.at[pl.ds(base, EPT)], sz, sem),
        pltpu.async_copy(w16, wv, sem),
    ]
    for de in descs:
        de.wait()
    one = jnp.full((16,), 1, jnp.int32)
    w1 = plsc.load_gather(wv, [one])
    w2 = plsc.load_gather(wv, [one + 1])
    w3 = plsc.load_gather(wv, [one + 2])

    @pl.loop(0, EPT // 16, unroll=4)
    def body(i):
        off = i * 16
        s16 = sv[pl.ds(off, 16)]
        d16 = dv[pl.ds(off, 16)]
        ax = plsc.load_gather(px, [d16]) - plsc.load_gather(px, [s16]) + sx[pl.ds(off, 16)]
        ay = plsc.load_gather(py, [d16]) - plsc.load_gather(py, [s16]) + sy[pl.ds(off, 16)]
        az = plsc.load_gather(pz, [d16]) - plsc.load_gather(pz, [s16]) + sz[pl.ds(off, 16)]
        zg = plsc.load_gather(zn, [s16])
        sb[pl.ds(off, 16)] = ax * ax + ay * ay + az * az
        db[pl.ds(off, 16)] = ax * w1 + ay * w2 + az * w3
        zb[pl.ds(off, 16)] = zg

    outs = [
        pltpu.async_copy(sb, s_out.at[pl.ds(base, EPT)], sem),
        pltpu.async_copy(db, d_out.at[pl.ds(base, EPT)], sem),
        pltpu.async_copy(zb, zs_out.at[pl.ds(base, EPT)], sem),
    ]
    for de in outs:
        de.wait()


def _silu(x):
    return 0.5 * x + (0.5 * x) * jnp.tanh(0.5 * x)


def _edge_body(s_ref, d_ref, zs_ref, W3T_ref, embT_ref, b3c_ref, W1cat_ref,
               b1_ref, cen_ref, w0_ref, W5T_ref, out_ref, nfs_ref):
    i = pl.program_id(0)

    @pl.when(i == 0)
    def _():
        x = jnp.dot(W3T_ref[...], embT_ref[...],
                    preferred_element_type=jnp.float32) + b3c_ref[...]
        nfT = _silu(x)
        hi = nfT.astype(jnp.bfloat16)
        lo = (nfT - hi.astype(jnp.float32)).astype(jnp.bfloat16)
        nfs_ref[0:D, :] = hi
        nfs_ref[D:2 * D, :] = lo

    s = s_ref[0, :]
    dd = d_ref[0, :]
    zs = zs_ref[0, :]
    se = s + 1e-12
    inv = jax.lax.rsqrt(se)
    ln = se * inv
    shw = w0_ref[0, 0] + dd * inv
    diff = cen_ref[...] - ln[None, :]
    rbf = jnp.exp(-2.0 * diff * diff)
    rh = rbf.astype(jnp.bfloat16)
    rl = (rbf - rh.astype(jnp.float32)).astype(jnp.bfloat16)
    rcat = jnp.concatenate([rh, rl], axis=0)
    pre = jnp.dot(W1cat_ref[...], rcat, preferred_element_type=jnp.float32)
    pre = pre + b1_ref[...]
    ef = _silu(pre)
    ohT = (jax.lax.broadcasted_iota(jnp.int32, (D, BE), 0) == zs[None, :])
    ohb = ohT.astype(jnp.bfloat16)
    sel = jnp.dot(nfs_ref[...], ohb, preferred_element_type=jnp.float32)
    nfT = sel[0:D, :] + sel[D:2 * D, :]
    t = nfT * ef * shw[None, :]
    out_ref[...] = jnp.dot(W5T_ref[...], t, preferred_element_type=jnp.float32)


_edge = pl.pallas_call(
    _edge_body,
    grid=(NB,),
    in_specs=[
        pl.BlockSpec((1, BE), lambda i: (0, i)),
        pl.BlockSpec((1, BE), lambda i: (0, i)),
        pl.BlockSpec((1, BE), lambda i: (0, i)),
        pl.BlockSpec((D, D), lambda i: (0, 0)),
        pl.BlockSpec((D, D), lambda i: (0, 0)),
        pl.BlockSpec((D, 1), lambda i: (0, 0)),
        pl.BlockSpec((D, 2 * NRBF), lambda i: (0, 0)),
        pl.BlockSpec((D, 1), lambda i: (0, 0)),
        pl.BlockSpec((NRBF, 1), lambda i: (0, 0)),
        pl.BlockSpec((1, 1), lambda i: (0, 0)),
        pl.BlockSpec((3, D), lambda i: (0, 0)),
    ],
    out_specs=pl.BlockSpec((3, BE), lambda i: (0, i)),
    out_shape=jax.ShapeDtypeStruct((3, E), jnp.float32),
    scratch_shapes=[pltpu.VMEM((2 * D, D), jnp.bfloat16)],
)


@functools.partial(
    pl.kernel,
    mesh=_mesh,
    compiler_params=_sc_params,
    out_type=jax.ShapeDtypeStruct((NC * ACC,), jnp.float32),
    scratch_types=[
        pltpu.VMEM((EPT,), jnp.int32),
        pltpu.VMEM((ROWS * 128,), jnp.float32),
        pltpu.VMEM((ROWS * 128,), jnp.float32),
        pltpu.VMEM((ROWS * 128,), jnp.float32),
        pltpu.VMEM((ROWS, 128), jnp.int32),
        pltpu.VMEM((ROWS, 128), jnp.int32),
        pltpu.VMEM((ROWS, 128), jnp.int32),
        pltpu.VMEM((ACC,), jnp.float32),
        pltpu.VMEM_SHARED((ACC,), jnp.float32),
        pltpu.SemaphoreType.DMA,
    ],
)
def _scat(eif, oxh, oyh, ozh, zeros_hbm, out_hbm,
          dv, ux, uy, uz, ix, iy, iz, bb, acc, sem):
    cid = lax.axis_index("c")
    sid = lax.axis_index("s")
    wid = sid * NC + cid
    base = wid * EPT
    pltpu.sync_copy(eif.at[pl.ds(E + base, EPT)], dv)
    ins = [
        pltpu.async_copy(oxh.at[pl.ds(base, EPT)], ux.at[pl.ds(0, EPT)], sem),
        pltpu.async_copy(oyh.at[pl.ds(base, EPT)], uy.at[pl.ds(0, EPT)], sem),
        pltpu.async_copy(ozh.at[pl.ds(base, EPT)], uz.at[pl.ds(0, EPT)], sem),
    ]

    @pl.when(sid == 0)
    def _():
        pltpu.sync_copy(zeros_hbm, bb)
        pltpu.sync_copy(bb, acc)

    @pl.loop(0, ROWS - 2, unroll=4)
    def ibody(r):
        for k in range(8):
            d16 = dv[pl.ds(r * 128 + k * 16, 16)]
            f = d16 * 3
            ix[r, pl.ds(k * 16, 16)] = f
            iy[r, pl.ds(k * 16, 16)] = f + 1
            iz[r, pl.ds(k * 16, 16)] = f + 2

    d16 = dv[pl.ds((ROWS - 2) * 128, 16)]
    f = d16 * 3
    ix[ROWS - 2, pl.ds(0, 16)] = f
    iy[ROWS - 2, pl.ds(0, 16)] = f + 1
    iz[ROWS - 2, pl.ds(0, 16)] = f + 2
    ar16 = jnp.arange(16, dtype=jnp.int32)
    for k in range(1, 8):
        pad = 3 * N + (k - 1) * 16 + ar16
        ix[ROWS - 2, pl.ds(k * 16, 16)] = pad
        iy[ROWS - 2, pl.ds(k * 16, 16)] = pad
        iz[ROWS - 2, pl.ds(k * 16, 16)] = pad
    for k in range(8):
        pad = 3 * N + 112 + k * 16 + ar16
        ix[ROWS - 1, pl.ds(k * 16, 16)] = pad
        iy[ROWS - 1, pl.ds(k * 16, 16)] = pad
        iz[ROWS - 1, pl.ds(k * 16, 16)] = pad

    for de in ins:
        de.wait()
    zero16 = jnp.zeros((16,), jnp.float32)
    for k in range((ROWS * 128 - EPT) // 16):
        off = EPT + k * 16
        ux[pl.ds(off, 16)] = zero16
        uy[pl.ds(off, 16)] = zero16
        uz[pl.ds(off, 16)] = zero16

    plsc.subcore_barrier()

    @pl.loop(0, ROWS // 8)
    def sbody(g):
        descs = []
        for rr in range(8):
            r = g * 8 + rr
            for u, ii in ((ux, ix), (uy, iy), (uz, iz)):
                descs.append(pltpu.async_copy(
                    u.at[pl.ds(r * 128, 128)], acc.at[ii.at[r]], sem,
                    add=True))
        for de in descs:
            de.wait()

    plsc.subcore_barrier()

    @pl.when(sid == 0)
    def _():
        pltpu.sync_copy(acc, bb)
        pltpu.sync_copy(bb, out_hbm.at[pl.ds(cid * ACC, ACC)])


def _fin_body(p_ref, z_ref, emb_ref, W4_ref, W5_ref, b5_ref, o_ref, w45_ref):
    i = pl.program_id(0)

    @pl.when(i == 0)
    def _():
        w45 = jnp.dot(W4_ref[...], W5_ref[...],
                      preferred_element_type=jnp.float32)
        w45_ref[...] = jnp.dot(emb_ref[...], w45,
                               preferred_element_type=jnp.float32)

    zb = z_ref[0, 0, :]
    oh = (jax.lax.broadcasted_iota(jnp.int32, (BN, D), 1) == zb[:, None])
    bse = jnp.dot(oh.astype(jnp.float32), w45_ref[...],
                  preferred_element_type=jnp.float32)
    o_ref[...] = p_ref[0] + p_ref[1] + bse + b5_ref[...][None, :]


_fin = pl.pallas_call(
    _fin_body,
    grid=(NBN,),
    in_specs=[
        pl.BlockSpec((2, BN, 3), lambda i: (0, i, 0)),
        pl.BlockSpec((1, 1, BN), lambda i: (i, 0, 0)),
        pl.BlockSpec((D, D), lambda i: (0, 0)),
        pl.BlockSpec((D, D), lambda i: (0, 0)),
        pl.BlockSpec((D, 3), lambda i: (0, 0)),
        pl.BlockSpec((3,), lambda i: (0,)),
    ],
    out_specs=pl.BlockSpec((BN, 3), lambda i: (i, 0)),
    out_shape=jax.ShapeDtypeStruct((N, 3), jnp.float32),
    scratch_shapes=[pltpu.VMEM((D, 3), jnp.float32)],
)


def kernel(z, pos, edge_index, shift_vector, emb, rbf_centers, W1, b1,
           W3, b3, w_sh, W4, W5, b5):
    f32 = jnp.float32
    bf16 = jnp.bfloat16
    w16 = jnp.pad(w_sh, (0, 12))
    emb128 = jnp.pad(emb, ((0, D - NT), (0, 0)))
    W1T = W1.T
    W1h = W1T.astype(bf16)
    W1l = (W1T - W1h.astype(f32)).astype(bf16)
    W1cat = jnp.concatenate([W1h, W1l], axis=1)
    eif = edge_index.reshape(2 * E)
    s_e, d_e, zs = _geom(pos[:, 0], pos[:, 1], pos[:, 2], z, eif,
                         shift_vector[:, 0], shift_vector[:, 1],
                         shift_vector[:, 2], w16)
    out3 = _edge(s_e.reshape(1, E), d_e.reshape(1, E), zs.reshape(1, E),
                 W3.T, emb128.T, b3.reshape(D, 1), W1cat,
                 b1.reshape(D, 1), rbf_centers.reshape(NRBF, 1),
                 w_sh[0].reshape(1, 1), W5.T)
    zeros = jnp.zeros((ACC,), f32)
    parts = _scat(eif, out3[0], out3[1], out3[2], zeros)
    p3 = parts.reshape(NC, ACC)[:, :3 * N].reshape(NC, N, 3)
    return _fin(p3, z.reshape(NBN, 1, BN), emb128, W4, W5, b5)

# --- scband reference (transcript-rebuilt; emitter-appended) ---
"""Pipeline reference for scband-model-59382217835041 (READ-ONLY COPY).

The authoritative reference and input builder live on the scoring server;
editing this copy changes nothing except your own understanding.
"""

import jax, jax.numpy as jnp
import numpy as np

N = 10000
E = 320000
D = 128
NUM_RBF = 16
NUM_TYPES = 100
SH_DIM = 4


def setup_inputs(seed: int = 0) -> dict:
    key = jax.random.key(seed)
    ks = jax.random.split(key, 14)
    z = jax.random.randint(ks[0], (N,), 0, NUM_TYPES, dtype=jnp.int32)
    pos = jax.random.normal(ks[1], (N, 3), dtype=jnp.float32) * 3.0
    edge_index = jax.random.randint(ks[2], (2, E), 0, N, dtype=jnp.int32)
    shift_vector = jax.random.normal(ks[3], (E, 3), dtype=jnp.float32) * 0.1
    # learned parameters
    emb = jax.random.normal(ks[4], (NUM_TYPES, D), dtype=jnp.float32) * 0.1
    rbf_centers = jnp.linspace(0.0, 8.0, NUM_RBF, dtype=jnp.float32)
    W1 = jax.random.normal(ks[5], (NUM_RBF, D), dtype=jnp.float32) * 0.1
    b1 = jnp.zeros((D,), dtype=jnp.float32)
    W3 = jax.random.normal(ks[6], (D, D), dtype=jnp.float32) * 0.02
    b3 = jnp.zeros((D,), dtype=jnp.float32)
    w_sh = jax.random.normal(ks[7], (SH_DIM,), dtype=jnp.float32) * 0.5
    W4 = jax.random.normal(ks[8], (D, D), dtype=jnp.float32) * 0.02
    W5 = jax.random.normal(ks[9], (D, 3), dtype=jnp.float32) * 0.02
    b5 = jnp.zeros((3,), dtype=jnp.float32)
    return {"z": z, "pos": pos, "edge_index": edge_index, "shift_vector": shift_vector,
            "emb": emb, "rbf_centers": rbf_centers, "W1": W1, "b1": b1,
            "W3": W3, "b3": b3, "w_sh": w_sh, "W4": W4, "W5": W5, "b5": b5}


def reference(z, pos, edge_index, shift_vector, emb, rbf_centers, W1, b1, W3, b3, w_sh, W4, W5, b5):
    src = edge_index[0]
    dst = edge_index[1]
    # layers[0]: edge geometry -> edge_vec, edge_length, edge_sh (l=0 + l=1 spherical harmonics)
    edge_vec = pos[dst] - pos[src] + shift_vector
    edge_length = jnp.sqrt(jnp.sum(edge_vec * edge_vec, axis=-1) + 1e-12)
    unit = edge_vec / edge_length[:, None]
    edge_sh = jnp.concatenate([jnp.ones((edge_vec.shape[0], 1), dtype=edge_vec.dtype), unit], axis=-1)
    # layers[1]: radial basis expansion + MLP on edge_length -> edge_feat
    rbf = jnp.exp(-2.0 * (edge_length[:, None] - rbf_centers[None, :]) ** 2)
    edge_feat = jax.nn.silu(rbf @ W1 + b1)
    # layers[2]: atom-type embedding lookup -> node_attr
    node_attr = emb[z]
    # layers[3]: linear on node_attr -> node_feat
    node_feat = jax.nn.silu(node_attr @ W3 + b3)
    # layers[4]: message passing: gather src features, modulate by edge_feat and SH weight, scatter-add to dst
    sh_w = edge_sh @ w_sh  # [E]
    msg = node_feat[src] * edge_feat * sh_w[:, None]
    agg = jax.ops.segment_sum(msg, dst, num_segments=N)
    node_feat2 = agg + node_attr @ W4
    # layers[5]: force output head
    forces = node_feat2 @ W5 + b5
    return forces

if __name__ == "__main__":
    import jax
    _d = setup_inputs()
    print(jax.jit(kernel)(*tuple(_d.values())))

</pallas_src>

<mosaic_0001>
#map = affine_map<(d0, d1) -> (0)>
module attributes {stable_mosaic.version = 14 : i64} {
  func.func @_geom(%arg0: i32, %arg1: i32, %arg2: memref<10000xf32, #tpu.memory_space<hbm>>, %arg3: memref<10000xf32, #tpu.memory_space<hbm>>, %arg4: memref<10000xf32, #tpu.memory_space<hbm>>, %arg5: memref<10000xi32, #tpu.memory_space<hbm>>, %arg6: memref<640000xi32, #tpu.memory_space<hbm>>, %arg7: memref<320000xf32, #tpu.memory_space<hbm>>, %arg8: memref<320000xf32, #tpu.memory_space<hbm>>, %arg9: memref<320000xf32, #tpu.memory_space<hbm>>, %arg10: memref<16xf32, #tpu.memory_space<hbm>>, %arg11: memref<320000xf32, #tpu.memory_space<hbm>>, %arg12: memref<320000xf32, #tpu.memory_space<hbm>>, %arg13: memref<320000xi32, #tpu.memory_space<hbm>>, %arg14: memref<10000xf32, #tpu.memory_space<vmem>>, %arg15: memref<10000xf32, #tpu.memory_space<vmem>>, %arg16: memref<10000xf32, #tpu.memory_space<vmem>>, %arg17: memref<10000xi32, #tpu.memory_space<vmem>>, %arg18: memref<10000xi32, #tpu.memory_space<vmem>>, %arg19: memref<10000xi32, #tpu.memory_space<vmem>>, %arg20: memref<10000xf32, #tpu.memory_space<vmem>>, %arg21: memref<10000xf32, #tpu.memory_space<vmem>>, %arg22: memref<10000xf32, #tpu.memory_space<vmem>>, %arg23: memref<10000xf32, #tpu.memory_space<vmem>>, %arg24: memref<10000xf32, #tpu.memory_space<vmem>>, %arg25: memref<10000xi32, #tpu.memory_space<vmem>>, %arg26: memref<16xf32, #tpu.memory_space<vmem>>, %arg27: memref<!tpu.dma_semaphore, #tpu.memory_space<semaphore_mem>>) attributes {dimension_semantics = [#tpu.dimension_semantics<core_parallel>, #tpu.dimension_semantics<subcore_parallel>], iteration_bounds = array<i64: 2, 16>, scalar_prefetch = 0 : i64, scratch_operands = 14 : i64, tpu.core_type = #tpu.core_type<sc_vector_subcore>, window_params = [{transform_indices = #map}, {transform_indices = #map}, {transform_indices = #map}, {transform_indices = #map}, {transform_indices = #map}, {transform_indices = #map}, {transform_indices = #map}, {transform_indices = #map}, {transform_indices = #map}, {transform_indices = #map}, {transform_indices = #map}, {transform_indices = #map}]} {
    %mul3A = arith.constant 2 : i32
    %mul3A_0 = arith.muli %arg1, %mul3A : i32
    %add3A = arith.addi %mul3A_0, %arg0 : i32
    %mul3A_1 = arith.constant 10000 : i32
    %mul3A_2 = arith.muli %add3A, %mul3A_1 : i32
    tpu.enqueue_dma source(%arg2 : memref<10000xf32, #tpu.memory_space<hbm>>) target(%arg14 : memref<10000xf32, #tpu.memory_space<vmem>>) target_semaphore(%arg27 : memref<!tpu.dma_semaphore, #tpu.memory_space<semaphore_mem>>)
    tpu.enqueue_dma source(%arg3 : memref<10000xf32, #tpu.memory_space<hbm>>) target(%arg15 : memref<10000xf32, #tpu.memory_space<vmem>>) target_semaphore(%arg27 : memref<!tpu.dma_semaphore, #tpu.memory_space<semaphore_mem>>)
    tpu.enqueue_dma source(%arg4 : memref<10000xf32, #tpu.memory_space<hbm>>) target(%arg16 : memref<10000xf32, #tpu.memory_space<vmem>>) target_semaphore(%arg27 : memref<!tpu.dma_semaphore, #tpu.memory_space<semaphore_mem>>)
    tpu.enqueue_dma source(%arg5 : memref<10000xi32, #tpu.memory_space<hbm>>) target(%arg17 : memref<10000xi32, #tpu.memory_space<vmem>>) target_semaphore(%arg27 : memref<!tpu.dma_semaphore, #tpu.memory_space<semaphore_mem>>)
    %dma_start3A = tpu.memref_slice %arg6[%mul3A_2] : memref<640000xi32, #tpu.memory_space<hbm>> -> memref<10000xi32, #tpu.memory_space<hbm>>
    %dma_start3A_3 = tpu.memref_slice %arg6[%mul3A_2] : memref<640000xi32, #tpu.memory_space<hbm>> -> memref<10000xi32, #tpu.memory_space<hbm>>
    tpu.enqueue_dma source(%dma_start3A_3 : memref<10000xi32, #tpu.memory_space<hbm>>) target(%arg18 : memref<10000xi32, #tpu.memory_space<vmem>>) target_semaphore(%arg27 : memref<!tpu.dma_semaphore, #tpu.memory_space<semaphore_mem>>)
    %add3A_4 = arith.constant 320000 : i32
    %add3A_5 = arith.addi %add3A_4, %mul3A_2 : i32
    %dma_start3A_6 = tpu.memref_slice %arg6[%add3A_5] : memref<640000xi32, #tpu.memory_space<hbm>> -> memref<10000xi32, #tpu.memory_space<hbm>>
    %dma_start3A_7 = tpu.memref_slice %arg6[%add3A_5] : memref<640000xi32, #tpu.memory_space<hbm>> -> memref<10000xi32, #tpu.memory_space<hbm>>
    tpu.enqueue_dma source(%dma_start3A_7 : memref<10000xi32, #tpu.memory_space<hbm>>) target(%arg19 : memref<10000xi32, #tpu.memory_space<vmem>>) target_semaphore(%arg27 : memref<!tpu.dma_semaphore, #tpu.memory_space<semaphore_mem>>)
    %dma_start3A_8 = tpu.memref_slice %arg7[%mul3A_2] : memref<320000xf32, #tpu.memory_space<hbm>> -> memref<10000xf32, #tpu.memory_space<hbm>>
    %dma_start3A_9 = tpu.memref_slice %arg7[%mul3A_2] : memref<320000xf32, #tpu.memory_space<hbm>> -> memref<10000xf32, #tpu.memory_space<hbm>>
    tpu.enqueue_dma source(%dma_start3A_9 : memref<10000xf32, #tpu.memory_space<hbm>>) target(%arg20 : memref<10000xf32, #tpu.memory_space<vmem>>) target_semaphore(%arg27 : memref<!tpu.dma_semaphore, #tpu.memory_space<semaphore_mem>>)
    %dma_start3A_10 = tpu.memref_slice %arg8[%mul3A_2] : memref<320000xf32, #tpu.memory_space<hbm>> -> memref<10000xf32, #tpu.memory_space<hbm>>
    %dma_start3A_11 = tpu.memref_slice %arg8[%mul3A_2] : memref<320000xf32, #tpu.memory_space<hbm>> -> memref<10000xf32, #tpu.memory_space<hbm>>
    tpu.enqueue_dma source(%dma_start3A_11 : memref<10000xf32, #tpu.memory_space<hbm>>) target(%arg21 : memref<10000xf32, #tpu.memory_space<vmem>>) target_semaphore(%arg27 : memref<!tpu.dma_semaphore, #tpu.memory_space<semaphore_mem>>)
    %dma_start3A_12 = tpu.memref_slice %arg9[%mul3A_2] : memref<320000xf32, #tpu.memory_space<hbm>> -> memref<10000xf32, #tpu.memory_space<hbm>>
    %dma_start3A_13 = tpu.memref_slice %arg9[%mul3A_2] : memref<320000xf32, #tpu.memory_space<hbm>> -> memref<10000xf32, #tpu.memory_space<hbm>>
    tpu.enqueue_dma source(%dma_start3A_13 : memref<10000xf32, #tpu.memory_space<hbm>>) target(%arg22 : memref<10000xf32, #tpu.memory_space<vmem>>) target_semaphore(%arg27 : memref<!tpu.dma_semaphore, #tpu.memory_space<semaphore_mem>>)
    tpu.enqueue_dma source(%arg10 : memref<16xf32, #tpu.memory_space<hbm>>) target(%arg26 : memref<16xf32, #tpu.memory_space<vmem>>) target_semaphore(%arg27 : memref<!tpu.dma_semaphore, #tpu.memory_space<semaphore_mem>>)
    tpu.wait_dma2 semaphore(%arg27 : memref<!tpu.dma_semaphore, #tpu.memory_space<semaphore_mem>>) src(%arg2 : memref<10000xf32, #tpu.memory_space<hbm>>) dst(%arg14 : memref<10000xf32, #tpu.memory_space<vmem>>)
    tpu.wait_dma2 semaphore(%arg27 : memref<!tpu.dma_semaphore, #tpu.memory_space<semaphore_mem>>) src(%arg3 : memref<10000xf32, #tpu.memory_space<hbm>>) dst(%arg15 : memref<10000xf32, #tpu.memory_space<vmem>>)
    tpu.wait_dma2 semaphore(%arg27 : memref<!tpu.dma_semaphore, #tpu.memory_space<semaphore_mem>>) src(%arg4 : memref<10000xf32, #tpu.memory_space<hbm>>) dst(%arg16 : memref<10000xf32, #tpu.memory_space<vmem>>)
    tpu.wait_dma2 semaphore(%arg27 : memref<!tpu.dma_semaphore, #tpu.memory_space<semaphore_mem>>) src(%arg5 : memref<10000xi32, #tpu.memory_space<hbm>>) dst(%arg17 : memref<10000xi32, #tpu.memory_space<vmem>>)
    %dma_wait3A = tpu.memref_slice %arg6[%mul3A_2] : memref<640000xi32, #tpu.memory_space<hbm>> -> memref<10000xi32, #tpu.memory_space<hbm>>
    %dma_wait3A_14 = tpu.memref_slice %arg6[%mul3A_2] : memref<640000xi32, #tpu.memory_space<hbm>> -> memref<10000xi32, #tpu.memory_space<hbm>>
    tpu.wait_dma2 semaphore(%arg27 : memref<!tpu.dma_semaphore, #tpu.memory_space<semaphore_mem>>) src(%dma_wait3A_14 : memref<10000xi32, #tpu.memory_space<hbm>>) dst(%arg18 : memref<10000xi32, #tpu.memory_space<vmem>>)
    %dma_wait3A_15 = tpu.memref_slice %arg6[%add3A_5] : memref<640000xi32, #tpu.memory_space<hbm>> -> memref<10000xi32, #tpu.memory_space<hbm>>
    %dma_wait3A_16 = tpu.memref_slice %arg6[%add3A_5] : memref<640000xi32, #tpu.memory_space<hbm>> -> memref<10000xi32, #tpu.memory_space<hbm>>
    tpu.wait_dma2 semaphore(%arg27 : memref<!tpu.dma_semaphore, #tpu.memory_space<semaphore_mem>>) src(%dma_wait3A_16 : memref<10000xi32, #tpu.memory_space<hbm>>) dst(%arg19 : memref<10000xi32, #tpu.memory_space<vmem>>)
    %dma_wait3A_17 = tpu.memref_slice %arg7[%mul3A_2] : memref<320000xf32, #tpu.memory_space<hbm>> -> memref<10000xf32, #tpu.memory_space<hbm>>
    %dma_wait3A_18 = tpu.memref_slice %arg7[%mul3A_2] : memref<320000xf32, #tpu.memory_space<hbm>> -> memref<10000xf32, #tpu.memory_space<hbm>>
    tpu.wait_dma2 semaphore(%arg27 : memref<!tpu.dma_semaphore, #tpu.memory_space<semaphore_mem>>) src(%dma_wait3A_18 : memref<10000xf32, #tpu.memory_space<hbm>>) dst(%arg20 : memref<10000xf32, #tpu.memory_space<vmem>>)
    %dma_wait3A_19 = tpu.memref_slice %arg8[%mul3A_2] : memref<320000xf32, #tpu.memory_space<hbm>> -> memref<10000xf32, #tpu.memory_space<hbm>>
    %dma_wait3A_20 = tpu.memref_slice %arg8[%mul3A_2] : memref<320000xf32, #tpu.memory_space<hbm>> -> memref<10000xf32, #tpu.memory_space<hbm>>
    tpu.wait_dma2 semaphore(%arg27 : memref<!tpu.dma_semaphore, #tpu.memory_space<semaphore_mem>>) src(%dma_wait3A_20 : memref<10000xf32, #tpu.memory_space<hbm>>) dst(%arg21 : memref<10000xf32, #tpu.memory_space<vmem>>)
    %dma_wait3A_21 = tpu.memref_slice %arg9[%mul3A_2] : memref<320000xf32, #tpu.memory_space<hbm>> -> memref<10000xf32, #tpu.memory_space<hbm>>
    %dma_wait3A_22 = tpu.memref_slice %arg9[%mul3A_2] : memref<320000xf32, #tpu.memory_space<hbm>> -> memref<10000xf32, #tpu.memory_space<hbm>>
    tpu.wait_dma2 semaphore(%arg27 : memref<!tpu.dma_semaphore, #tpu.memory_space<semaphore_mem>>) src(%dma_wait3A_22 : memref<10000xf32, #tpu.memory_space<hbm>>) dst(%arg22 : memref<10000xf32, #tpu.memory_space<vmem>>)
    tpu.wait_dma2 semaphore(%arg27 : memref<!tpu.dma_semaphore, #tpu.memory_space<semaphore_mem>>) src(%arg10 : memref<16xf32, #tpu.memory_space<hbm>>) dst(%arg26 : memref<16xf32, #tpu.memory_space<vmem>>)
    %broadcast_in_dim3A = arith.constant 1 : i32
    %broadcast_in_dim3A_23 = vector.broadcast %broadcast_in_dim3A : i32 to vector<16xi32>
    %gather3A = tpu.vector_load_idx %arg26[%broadcast_in_dim3A_23] : memref<16xf32, #tpu.memory_space<vmem>>[vector<16xi32>], vector<16xf32>,
    %add3A_24 = arith.constant 1 : i32
    %add3A_25 = vector.broadcast %add3A_24 : i32 to vector<16xi32>
    %add3A_26 = arith.addi %broadcast_in_dim3A_23, %add3A_25 : vector<16xi32>
    %gather3A_27 = tpu.vector_load_idx %arg26[%add3A_26] : memref<16xf32, #tpu.memory_space<vmem>>[vector<16xi32>], vector<16xf32>,
    %add3A_28 = arith.constant 2 : i32
    %add3A_29 = vector.broadcast %add3A_28 : i32 to vector<16xi32>
    %add3A_30 = arith.addi %broadcast_in_dim3A_23, %add3A_29 : vector<16xi32>
    %gather3A_31 = tpu.vector_load_idx %arg26[%add3A_30] : memref<16xf32, #tpu.memory_space<vmem>>[vector<16xi32>], vector<16xf32>,
    %scan3A = arith.constant 0 : i32
    %scan3A_32 = arith.constant 624 : i32
    %scan3A_33 = arith.addi %scan3A, %scan3A_32 : i32
    %scan3A_34 = arith.constant 4 : i32
    scf.for %scan3A_92 = %scan3A to %scan3A_33 step %scan3A_34  : i32 {
      %mul3A_93 = arith.constant 1 : i32
      %mul3A_94 = arith.muli %scan3A_92, %mul3A_93 : i32
      %add3A_95 = arith.constant 0 : i32
      %add3A_96 = arith.addi %add3A_95, %mul3A_94 : i32
      %mul3A_97 = arith.constant 16 : i32
      %mul3A_98 = arith.muli %add3A_96, %mul3A_97 : i32
      %get3A_99 = arith.index_cast %mul3A_98 : i32 to index
      %get3A_100 = tpu.vector_load %arg18[%get3A_99] {strides = array<i32>} : memref<10000xi32, #tpu.memory_space<vmem>>, vector<16xi32>,
      %get3A_101 = arith.index_cast %mul3A_98 : i32 to index
      %get3A_102 = tpu.vector_load %arg19[%get3A_101] {strides = array<i32>} : memref<10000xi32, #tpu.memory_space<vmem>>, vector<16xi32>,
      %gather3A_103 = tpu.vector_load_idx %arg14[%get3A_102] : memref<10000xf32, #tpu.memory_space<vmem>>[vector<16xi32>], vector<16xf32>,
      %gather3A_104 = tpu.vector_load_idx %arg14[%get3A_100] : memref<10000xf32, #tpu.memory_space<vmem>>[vector<16xi32>], vector<16xf32>,
      %sub3A_105 = arith.subf %gather3A_103, %gather3A_104 : vector<16xf32>
      %get3A_106 = arith.index_cast %mul3A_98 : i32 to index
      %get3A_107 = tpu.vector_load %arg20[%get3A_106] {strides = array<i32>} : memref<10000xf32, #tpu.memory_space<vmem>>, vector<16xf32>,
      %add3A_108 = arith.addf %sub3A_105, %get3A_107 : vector<16xf32>
      %gather3A_109 = tpu.vector_load_idx %arg15[%get3A_102] : memref<10000xf32, #tpu.memory_space<vmem>>[vector<16xi32>], vector<16xf32>,
      %gather3A_110 = tpu.vector_load_idx %arg15[%get3A_100] : memref<10000xf32, #tpu.memory_space<vmem>>[vector<16xi32>], vector<16xf32>,
      %sub3A_111 = arith.subf %gather3A_109, %gather3A_110 : vector<16xf32>
      %get3A_112 = arith.index_cast %mul3A_98 : i32 to index
      %get3A_113 = tpu.vector_load %arg21[%get3A_112] {strides = array<i32>} : memref<10000xf32, #tpu.memory_space<vmem>>, vector<16xf32>,
      %add3A_114 = arith.addf %sub3A_111, %get3A_113 : vector<16xf32>
      %gather3A_115 = tpu.vector_load_idx %arg16[%get3A_102] : memref<10000xf32, #tpu.memory_space<vmem>>[vector<16xi32>], vector<16xf32>,
      %gather3A_116 = tpu.vector_load_idx %arg16[%get3A_100] : memref<10000xf32, #tpu.memory_space<vmem>>[vector<16xi32>], vector<16xf32>,
      %sub3A_117 = arith.subf %gather3A_115, %gather3A_116 : vector<16xf32>
      %get3A_118 = arith.index_cast %mul3A_98 : i32 to index
      %get3A_119 = tpu.vector_load %arg22[%get3A_118] {strides = array<i32>} : memref<10000xf32, #tpu.memory_space<vmem>>, vector<16xf32>,
      %add3A_120 = arith.addf %sub3A_117, %get3A_119 : vector<16xf32>
      %gather3A_121 = tpu.vector_load_idx %arg17[%get3A_100] : memref<10000xi32, #tpu.memory_space<vmem>>[vector<16xi32>], vector<16xi32>,
      %mul3A_122 = arith.mulf %add3A_108, %add3A_108 : vector<16xf32>
      %mul3A_123 = arith.mulf %add3A_114, %add3A_114 : vector<16xf32>
      %add3A_124 = arith.addf %mul3A_122, %mul3A_123 : vector<16xf32>
      %mul3A_125 = arith.mulf %add3A_120, %add3A_120 : vector<16xf32>
      %add3A_126 = arith.addf %add3A_124, %mul3A_125 : vector<16xf32>
      %swap3A_127 = arith.index_cast %mul3A_98 : i32 to index
      %swap3A_128 = tpu.vector_load %arg23[%swap3A_127] {strides = array<i32>} : memref<10000xf32, #tpu.memory_space<vmem>>, vector<16xf32>,
      tpu.vector_store %arg23[%swap3A_127], %add3A_126 {strides = array<i32>} : memref<10000xf32, #tpu.memory_space<vmem>>, vector<16xf32>,
      %mul3A_129 = arith.mulf %add3A_108, %gather3A : vector<16xf32>
      %mul3A_130 = arith.mulf %add3A_114, %gather3A_27 : vector<16xf32>
      %add3A_131 = arith.addf %mul3A_129, %mul3A_130 : vector<16xf32>
      %mul3A_132 = arith.mulf %add3A_120, %gather3A_31 : vector<16xf32>
      %add3A_133 = arith.addf %add3A_131, %mul3A_132 : vector<16xf32>
      %swap3A_134 = arith.index_cast %mul3A_98 : i32 to index
      %swap3A_135 = tpu.vector_load %arg24[%swap3A_134] {strides = array<i32>} : memref<10000xf32, #tpu.memory_space<vmem>>, vector<16xf32>,
      tpu.vector_store %arg24[%swap3A_134], %add3A_133 {strides = array<i32>} : memref<10000xf32, #tpu.memory_space<vmem>>, vector<16xf32>,
      %swap3A_136 = arith.index_cast %mul3A_98 : i32 to index
      %swap3A_137 = tpu.vector_load %arg25[%swap3A_136] {strides = array<i32>} : memref<10000xi32, #tpu.memory_space<vmem>>, vector<16xi32>,
      tpu.vector_store %arg25[%swap3A_136], %gather3A_121 {strides = array<i32>} : memref<10000xi32, #tpu.memory_space<vmem>>, vector<16xi32>,
      %scan3A_138 = arith.constant 1 : i32
      %scan3A_139 = arith.addi %scan3A_92, %scan3A_138 : i32
      %mul3A_140 = arith.constant 1 : i32
      %mul3A_141 = arith.muli %scan3A_139, %mul3A_140 : i32
      %add3A_142 = arith.constant 0 : i32
      %add3A_143 = arith.addi %add3A_142, %mul3A_141 : i32
      %mul3A_144 = arith.constant 16 : i32
      %mul3A_145 = arith.muli %add3A_143, %mul3A_144 : i32
      %get3A_146 = arith.index_cast %mul3A_145 : i32 to index
      %get3A_147 = tpu.vector_load %arg18[%get3A_146] {strides = array<i32>} : memref<10000xi32, #tpu.memory_space<vmem>>, vector<16xi32>,
      %get3A_148 = arith.index_cast %mul3A_145 : i32 to index
      %get3A_149 = tpu.vector_load %arg19[%get3A_148] {strides = array<i32>} : memref<10000xi32, #tpu.memory_space<vmem>>, vector<16xi32>,
      %gather3A_150 = tpu.vector_load_idx %arg14[%get3A_149] : memref<10000xf32, #tpu.memory_space<vmem>>[vector<16xi32>], vector<16xf32>,
      %gather3A_151 = tpu.vector_load_idx %arg14[%get3A_147] : memref<10000xf32, #tpu.memory_space<vmem>>[vector<16xi32>], vector<16xf32>,
      %sub3A_152 = arith.subf %gather3A_150, %gather3A_151 : vector<16xf32>
      %get3A_153 = arith.index_cast %mul3A_145 : i32 to index
      %get3A_154 = tpu.vector_load %arg20[%get3A_153] {strides = array<i32>} : memref<10000xf32, #tpu.memory_space<vmem>>, vector<16xf32>,
      %add3A_155 = arith.addf %sub3A_152, %get3A_154 : vector<16xf32>
      %gather3A_156 = tpu.vector_load_idx %arg15[%get3A_149] : memref<10000xf32, #tpu.memory_space<vmem>>[vector<16xi32>], vector<16xf32>,
      %gather3A_157 = tpu.vector_load_idx %arg15[%get3A_147] : memref<10000xf32, #tpu.memory_space<vmem>>[vector<16xi32>], vector<16xf32>,
      %sub3A_158 = arith.subf %gather3A_156, %gather3A_157 : vector<16xf32>
      %get3A_159 = arith.index_cast %mul3A_145 : i32 to index
      %get3A_160 = tpu.vector_load %arg21[%get3A_159] {strides = array<i32>} : memref<10000xf32, #tpu.memory_space<vmem>>, vector<16xf32>,
      %add3A_161 = arith.addf %sub3A_158, %get3A_160 : vector<16xf32>
      %gather3A_162 = tpu.vector_load_idx %arg16[%get3A_149] : memref<10000xf32, #tpu.memory_space<vmem>>[vector<16xi32>], vector<16xf32>,
      %gather3A_163 = tpu.vector_load_idx %arg16[%get3A_147] : memref<10000xf32, #tpu.memory_space<vmem>>[vector<16xi32>], vector<16xf32>,
      %sub3A_164 = arith.subf %gather3A_162, %gather3A_163 : vector<16xf32>
      %get3A_165 = arith.index_cast %mul3A_145 : i32 to index
      %get3A_166 = tpu.vector_load %arg22[%get3A_165] {strides = array<i32>} : memref<10000xf32, #tpu.memory_space<vmem>>, vector<16xf32>,
      %add3A_167 = arith.addf %sub3A_164, %get3A_166 : vector<16xf32>
      %gather3A_168 = tpu.vector_load_idx %arg17[%get3A_147] : memref<10000xi32, #tpu.memory_space<vmem>>[vector<16xi32>], vector<16xi32>,
      %mul3A_169 = arith.mulf %add3A_155, %add3A_155 : vector<16xf32>
      %mul3A_170 = arith.mulf %add3A_161, %add3A_161 : vector<16xf32>
      %add3A_171 = arith.addf %mul3A_169, %mul3A_170 : vector<16xf32>
      %mul3A_172 = arith.mulf %add3A_167, %add3A_167 : vector<16xf32>
      %add3A_173 = arith.addf %add3A_171, %mul3A_172 : vector<16xf32>
      %swap3A_174 = arith.index_cast %mul3A_145 : i32 to index
      %swap3A_175 = tpu.vector_load %arg23[%swap3A_174] {strides = array<i32>} : memref<10000xf32, #tpu.memory_space<vmem>>, vector<16xf32>,
      tpu.vector_store %arg23[%swap3A_174], %add3A_173 {strides = array<i32>} : memref<10000xf32, #tpu.memory_space<vmem>>, vector<16xf32>,
      %mul3A_176 = arith.mulf %add3A_155, %gather3A : vector<16xf32>
      %mul3A_177 = arith.mulf %add3A_161, %gather3A_27 : vector<16xf32>
      %add3A_178 = arith.addf %mul3A_176, %mul3A_177 : vector<16xf32>
      %mul3A_179 = arith.mulf %add3A_167, %gather3A_31 : vector<16xf32>
      %add3A_180 = arith.addf %add3A_178, %mul3A_179 : vector<16xf32>
      %swap3A_181 = arith.index_cast %mul3A_145 : i32 to index
      %swap3A_182 = tpu.vector_load %arg24[%swap3A_181] {strides = array<i32>} : memref<10000xf32, #tpu.memory_space<vmem>>, vector<16xf32>,
      tpu.vector_store %arg24[%swap3A_181], %add3A_180 {strides = array<i32>} : memref<10000xf32, #tpu.memory_space<vmem>>, vector<16xf32>,
      %swap3A_183 = arith.index_cast %mul3A_145 : i32 to index
      %swap3A_184 = tpu.vector_load %arg25[%swap3A_183] {strides = array<i32>} : memref<10000xi32, #tpu.memory_space<vmem>>, vector<16xi32>,
      tpu.vector_store %arg25[%swap3A_183], %gather3A_168 {strides = array<i32>} : memref<10000xi32, #tpu.memory_space<vmem>>, vector<16xi32>,
      %scan3A_185 = arith.constant 2 : i32
      %scan3A_186 = arith.addi %scan3A_92, %scan3A_185 : i32
      %mul3A_187 = arith.constant 1 : i32
      %mul3A_188 = arith.muli %scan3A_186, %mul3A_187 : i32
      %add3A_189 = arith.constant 0 : i32
      %add3A_190 = arith.addi %add3A_189, %mul3A_188 : i32
      %mul3A_191 = arith.constant 16 : i32
      %mul3A_192 = arith.muli %add3A_190, %mul3A_191 : i32
      %get3A_193 = arith.index_cast %mul3A_192 : i32 to index
      %get3A_194 = tpu.vector_load %arg18[%get3A_193] {strides = array<i32>} : memref<10000xi32, #tpu.memory_space<vmem>>, vector<16xi32>,
      %get3A_195 = arith.index_cast %mul3A_192 : i32 to index
      %get3A_196 = tpu.vector_load %arg19[%get3A_195] {strides = array<i32>} : memref<10000xi32, #tpu.memory_space<vmem>>, vector<16xi32>,
      %gather3A_197 = tpu.vector_load_idx %arg14[%get3A_196] : memref<10000xf32, #tpu.memory_space<vmem>>[vector<16xi32>], vector<16xf32>,
      %gather3A_198 = tpu.vector_load_idx %arg14[%get3A_194] : memref<10000xf32, #tpu.memory_space<vmem>>[vector<16xi32>], vector<16xf32>,
      %sub3A_199 = arith.subf %gather3A_197, %gather3A_198 : vector<16xf32>
      %get3A_200 = arith.index_cast %mul3A_192 : i32 to index
      %get3A_201 = tpu.vector_load %arg20[%get3A_200] {strides = array<i32>} : memref<10000xf32, #tpu.memory_space<vmem>>, vector<16xf32>,
      %add3A_202 = arith.addf %sub3A_199, %get3A_201 : vector<16xf32>
      %gather3A_203 = tpu.vector_load_idx %arg15[%get3A_196] : memref<10000xf32, #tpu.memory_space<vmem>>[vector<16xi32>], vector<16xf32>,
      %gather3A_204 = tpu.vector_load_idx %arg15[%get3A_194] : memref<10000xf32, #tpu.memory_space<vmem>>[vector<16xi32>], vector<16xf32>,
      %sub3A_205 = arith.subf %gather3A_203, %gather3A_204 : vector<16xf32>
      %get3A_206 = arith.index_cast %mul3A_192 : i32 to index
      %get3A_207 = tpu.vector_load %arg21[%get3A_206] {strides = array<i32>} : memref<10000xf32, #tpu.memory_space<vmem>>, vector<16xf32>,
      %add3A_208 = arith.addf %sub3A_205, %get3A_207 : vector<16xf32>
      %gather3A_209 = tpu.vector_load_idx %arg16[%get3A_196] : memref<10000xf32, #tpu.memory_space<vmem>>[vector<16xi32>], vector<16xf32>,
      %gather3A_210 = tpu.vector_load_idx %arg16[%get3A_194] : memref<10000xf32, #tpu.memory_space<vmem>>[vector<16xi32>], vector<16xf32>,
      %sub3A_211 = arith.subf %gather3A_209, %gather3A_210 : vector<16xf32>
      %get3A_212 = arith.index_cast %mul3A_192 : i32 to index
      %get3A_213 = tpu.vector_load %arg22[%get3A_212] {strides = array<i32>} : memref<10000xf32, #tpu.memory_space<vmem>>, vector<16xf32>,
      %add3A_214 = arith.addf %sub3A_211, %get3A_213 : vector<16xf32>
      %gather3A_215 = tpu.vector_load_idx %arg17[%get3A_194] : memref<10000xi32, #tpu.memory_space<vmem>>[vector<16xi32>], vector<16xi32>,
      %mul3A_216 = arith.mulf %add3A_202, %add3A_202 : vector<16xf32>
      %mul3A_217 = arith.mulf %add3A_208, %add3A_208 : vector<16xf32>
      %add3A_218 = arith.addf %mul3A_216, %mul3A_217 : vector<16xf32>
      %mul3A_219 = arith.mulf %add3A_214, %add3A_214 : vector<16xf32>
      %add3A_220 = arith.addf %add3A_218, %mul3A_219 : vector<16xf32>
      %swap3A_221 = arith.index_cast %mul3A_192 : i32 to index
      %swap3A_222 = tpu.vector_load %arg23[%swap3A_221] {strides = array<i32>} : memref<10000xf32, #tpu.memory_space<vmem>>, vector<16xf32>,
      tpu.vector_store %arg23[%swap3A_221], %add3A_220 {strides = array<i32>} : memref<10000xf32, #tpu.memory_space<vmem>>, vector<16xf32>,
      %mul3A_223 = arith.mulf %add3A_202, %gather3A : vector<16xf32>
      %mul3A_224 = arith.mulf %add3A_208, %gather3A_27 : vector<16xf32>
      %add3A_225 = arith.addf %mul3A_223, %mul3A_224 : vector<16xf32>
      %mul3A_226 = arith.mulf %add3A_214, %gather3A_31 : vector<16xf32>
      %add3A_227 = arith.addf %add3A_225, %mul3A_226 : vector<16xf32>
      %swap3A_228 = arith.index_cast %mul3A_192 : i32 to index
      %swap3A_229 = tpu.vector_load %arg24[%swap3A_228] {strides = array<i32>} : memref<10000xf32, #tpu.memory_space<vmem>>, vector<16xf32>,
      tpu.vector_store %arg24[%swap3A_228], %add3A_227 {strides = array<i32>} : memref<10000xf32, #tpu.memory_space<vmem>>, vector<16xf32>,
      %swap3A_230 = arith.index_cast %mul3A_192 : i32 to index
      %swap3A_231 = tpu.vector_load %arg25[%swap3A_230] {strides = array<i32>} : memref<10000xi32, #tpu.memory_space<vmem>>, vector<16xi32>,
      tpu.vector_store %arg25[%swap3A_230], %gather3A_215 {strides = array<i32>} : memref<10000xi32, #tpu.memory_space<vmem>>, vector<16xi32>,
      %scan3A_232 = arith.constant 3 : i32
      %scan3A_233 = arith.addi %scan3A_92, %scan3A_232 : i32
      %mul3A_234 = arith.constant 1 : i32
      %mul3A_235 = arith.muli %scan3A_233, %mul3A_234 : i32
      %add3A_236 = arith.constant 0 : i32
      %add3A_237 = arith.addi %add3A_236, %mul3A_235 : i32
      %mul3A_238 = arith.constant 16 : i32
      %mul3A_239 = arith.muli %add3A_237, %mul3A_238 : i32
      %get3A_240 = arith.index_cast %mul3A_239 : i32 to index
      %get3A_241 = tpu.vector_load %arg18[%get3A_240] {strides = array<i32>} : memref<10000xi32, #tpu.memory_space<vmem>>, vector<16xi32>,
      %get3A_242 = arith.index_cast %mul3A_239 : i32 to index
      %get3A_243 = tpu.vector_load %arg19[%get3A_242] {strides = array<i32>} : memref<10000xi32, #tpu.memory_space<vmem>>, vector<16xi32>,
      %gather3A_244 = tpu.vector_load_idx %arg14[%get3A_243] : memref<10000xf32, #tpu.memory_space<vmem>>[vector<16xi32>], vector<16xf32>,
      %gather3A_245 = tpu.vector_load_idx %arg14[%get3A_241] : memref<10000xf32, #tpu.memory_space<vmem>>[vector<16xi32>], vector<16xf32>,
      %sub3A_246 = arith.subf %gather3A_244, %gather3A_245 : vector<16xf32>
      %get3A_247 = arith.index_cast %mul3A_239 : i32 to index
      %get3A_248 = tpu.vector_load %arg20[%get3A_247] {strides = array<i32>} : memref<10000xf32, #tpu.memory_space<vmem>>, vector<16xf32>,
      %add3A_249 = arith.addf %sub3A_246, %get3A_248 : vector<16xf32>
      %gather3A_250 = tpu.vector_load_idx %arg15[%get3A_243] : memref<10000xf32, #tpu.memory_space<vmem>>[vector<16xi32>], vector<16xf32>,
      %gather3A_251 = tpu.vector_load_idx %arg15[%get3A_241] : memref<10000xf32, #tpu.memory_space<vmem>>[vector<16xi32>], vector<16xf32>,
      %sub3A_252 = arith.subf %gather3A_250, %gather3A_251 : vector<16xf32>
      %get3A_253 = arith.index_cast %mul3A_239 : i32 to index
      %get3A_254 = tpu.vector_load %arg21[%get3A_253] {strides = array<i32>} : memref<10000xf32, #tpu.memory_space<vmem>>, vector<16xf32>,
      %add3A_255 = arith.addf %sub3A_252, %get3A_254 : vector<16xf32>
      %gather3A_256 = tpu.vector_load_idx %arg16[%get3A_243] : memref<10000xf32, #tpu.memory_space<vmem>>[vector<16xi32>], vector<16xf32>,
      %gather3A_257 = tpu.vector_load_idx %arg16[%get3A_241] : memref<10000xf32, #tpu.memory_space<vmem>>[vector<16xi32>], vector<16xf32>,
      %sub3A_258 = arith.subf %gather3A_256, %gather3A_257 : vector<16xf32>
      %get3A_259 = arith.index_cast %mul3A_239 : i32 to index
      %get3A_260 = tpu.vector_load %arg22[%get3A_259] {strides = array<i32>} : memref<10000xf32, #tpu.memory_space<vmem>>, vector<16xf32>,
      %add3A_261 = arith.addf %sub3A_258, %get3A_260 : vector<16xf32>
      %gather3A_262 = tpu.vector_load_idx %arg17[%get3A_241] : memref<10000xi32, #tpu.memory_space<vmem>>[vector<16xi32>], vector<16xi32>,
      %mul3A_263 = arith.mulf %add3A_249, %add3A_249 : vector<16xf32>
      %mul3A_264 = arith.mulf %add3A_255, %add3A_255 : vector<16xf32>
      %add3A_265 = arith.addf %mul3A_263, %mul3A_264 : vector<16xf32>
      %mul3A_266 = arith.mulf %add3A_261, %add3A_261 : vector<16xf32>
      %add3A_267 = arith.addf %add3A_265, %mul3A_266 : vector<16xf32>
      %swap3A_268 = arith.index_cast %mul3A_239 : i32 to index
      %swap3A_269 = tpu.vector_load %arg23[%swap3A_268] {strides = array<i32>} : memref<10000xf32, #tpu.memory_space<vmem>>, vector<16xf32>,
      tpu.vector_store %arg23[%swap3A_268], %add3A_267 {strides = array<i32>} : memref<10000xf32, #tpu.memory_space<vmem>>, vector<16xf32>,
      %mul3A_270 = arith.mulf %add3A_249, %gather3A : vector<16xf32>
      %mul3A_271 = arith.mulf %add3A_255, %gather3A_27 : vector<16xf32>
      %add3A_272 = arith.addf %mul3A_270, %mul3A_271 : vector<16xf32>
      %mul3A_273 = arith.mulf %add3A_261, %gather3A_31 : vector<16xf32>
      %add3A_274 = arith.addf %add3A_272, %mul3A_273 : vector<16xf32>
      %swap3A_275 = arith.index_cast %mul3A_239 : i32 to index
      %swap3A_276 = tpu.vector_load %arg24[%swap3A_275] {strides = array<i32>} : memref<10000xf32, #tpu.memory_space<vmem>>, vector<16xf32>,
      tpu.vector_store %arg24[%swap3A_275], %add3A_274 {strides = array<i32>} : memref<10000xf32, #tpu.memory_space<vmem>>, vector<16xf32>,
      %swap3A_277 = arith.index_cast %mul3A_239 : i32 to index
      %swap3A_278 = tpu.vector_load %arg25[%swap3A_277] {strides = array<i32>} : memref<10000xi32, #tpu.memory_space<vmem>>, vector<16xi32>,
      tpu.vector_store %arg25[%swap3A_277], %gather3A_262 {strides = array<i32>} : memref<10000xi32, #tpu.memory_space<vmem>>, vector<16xi32>,
    }
    %scan3A_35 = arith.constant 624 : i32
    %scan3A_36 = arith.addi %scan3A, %scan3A_35 : i32
    %mul3A_37 = arith.constant 1 : i32
    %mul3A_38 = arith.muli %scan3A_36, %mul3A_37 : i32
    %add3A_39 = arith.constant 0 : i32
    %add3A_40 = arith.addi %add3A_39, %mul3A_38 : i32
    %mul3A_41 = arith.constant 16 : i32
    %mul3A_42 = arith.muli %add3A_40, %mul3A_41 : i32
    %get3A = arith.index_cast %mul3A_42 : i32 to index
    %get3A_43 = tpu.vector_load %arg18[%get3A] {strides = array<i32>} : memref<10000xi32, #tpu.memory_space<vmem>>, vector<16xi32>,
    %get3A_44 = arith.index_cast %mul3A_42 : i32 to index
    %get3A_45 = tpu.vector_load %arg19[%get3A_44] {strides = array<i32>} : memref<10000xi32, #tpu.memory_space<vmem>>, vector<16xi32>,
    %gather3A_46 = tpu.vector_load_idx %arg14[%get3A_45] : memref<10000xf32, #tpu.memory_space<vmem>>[vector<16xi32>], vector<16xf32>,
    %gather3A_47 = tpu.vector_load_idx %arg14[%get3A_43] : memref<10000xf32, #tpu.memory_space<vmem>>[vector<16xi32>], vector<16xf32>,
    %sub3A = arith.subf %gather3A_46, %gather3A_47 : vector<16xf32>
    %get3A_48 = arith.index_cast %mul3A_42 : i32 to index
    %get3A_49 = tpu.vector_load %arg20[%get3A_48] {strides = array<i32>} : memref<10000xf32, #tpu.memory_space<vmem>>, vector<16xf32>,
    %add3A_50 = arith.addf %sub3A, %get3A_49 : vector<16xf32>
    %gather3A_51 = tpu.vector_load_idx %arg15[%get3A_45] : memref<10000xf32, #tpu.memory_space<vmem>>[vector<16xi32>], vector<16xf32>,
    %gather3A_52 = tpu.vector_load_idx %arg15[%get3A_43] : memref<10000xf32, #tpu.memory_space<vmem>>[vector<16xi32>], vector<16xf32>,
    %sub3A_53 = arith.subf %gather3A_51, %gather3A_52 : vector<16xf32>
    %get3A_54 = arith.index_cast %mul3A_42 : i32 to index
    %get3A_55 = tpu.vector_load %arg21[%get3A_54] {strides = array<i32>} : memref<10000xf32, #tpu.memory_space<vmem>>, vector<16xf32>,
    %add3A_56 = arith.addf %sub3A_53, %get3A_55 : vector<16xf32>
    %gather3A_57 = tpu.vector_load_idx %arg16[%get3A_45] : memref<10000xf32, #tpu.memory_space<vmem>>[vector<16xi32>], vector<16xf32>,
    %gather3A_58 = tpu.vector_load_idx %arg16[%get3A_43] : memref<10000xf32, #tpu.memory_space<vmem>>[vector<16xi32>], vector<16xf32>,
    %sub3A_59 = arith.subf %gather3A_57, %gather3A_58 : vector<16xf32>
    %get3A_60 = arith.index_cast %mul3A_42 : i32 to index
    %get3A_61 = tpu.vector_load %arg22[%get3A_60] {strides = array<i32>} : memref<10000xf32, #tpu.memory_space<vmem>>, vector<16xf32>,
    %add3A_62 = arith.addf %sub3A_59, %get3A_61 : vector<16xf32>
    %gather3A_63 = tpu.vector_load_idx %arg17[%get3A_43] : memref<10000xi32, #tpu.memory_space<vmem>>[vector<16xi32>], vector<16xi32>,
    %mul3A_64 = arith.mulf %add3A_50, %add3A_50 : vector<16xf32>
    %mul3A_65 = arith.mulf %add3A_56, %add3A_56 : vector<16xf32>
    %add3A_66 = arith.addf %mul3A_64, %mul3A_65 : vector<16xf32>
    %mul3A_67 = arith.mulf %add3A_62, %add3A_62 : vector<16xf32>
    %add3A_68 = arith.addf %add3A_66, %mul3A_67 : vector<16xf32>
    %swap3A = arith.index_cast %mul3A_42 : i32 to index
    %swap3A_69 = tpu.vector_load %arg23[%swap3A] {strides = array<i32>} : memref<10000xf32, #tpu.memory_space<vmem>>, vector<16xf32>,
    tpu.vector_store %arg23[%swap3A], %add3A_68 {strides = array<i32>} : memref<10000xf32, #tpu.memory_space<vmem>>, vector<16xf32>,
    %mul3A_70 = arith.mulf %add3A_50, %gather3A : vector<16xf32>
    %mul3A_71 = arith.mulf %add3A_56, %gather3A_27 : vector<16xf32>
    %add3A_72 = arith.addf %mul3A_70, %mul3A_71 : vector<16xf32>
    %mul3A_73 = arith.mulf %add3A_62, %gather3A_31 : vector<16xf32>
    %add3A_74 = arith.addf %add3A_72, %mul3A_73 : vector<16xf32>
    %swap3A_75 = arith.index_cast %mul3A_42 : i32 to index
    %swap3A_76 = tpu.vector_load %arg24[%swap3A_75] {strides = array<i32>} : memref<10000xf32, #tpu.memory_space<vmem>>, vector<16xf32>,
    tpu.vector_store %arg24[%swap3A_75], %add3A_74 {strides = array<i32>} : memref<10000xf32, #tpu.memory_space<vmem>>, vector<16xf32>,
    %swap3A_77 = arith.index_cast %mul3A_42 : i32 to index
    %swap3A_78 = tpu.vector_load %arg25[%swap3A_77] {strides = array<i32>} : memref<10000xi32, #tpu.memory_space<vmem>>, vector<16xi32>,
    tpu.vector_store %arg25[%swap3A_77], %gather3A_63 {strides = array<i32>} : memref<10000xi32, #tpu.memory_space<vmem>>, vector<16xi32>,
    %scan3A_79 = arith.constant 625 : i32
    %dma_start3A_80 = tpu.memref_slice %arg11[%mul3A_2] : memref<320000xf32, #tpu.memory_space<hbm>> -> memref<10000xf32, #tpu.memory_space<hbm>>
    %dma_start3A_81 = tpu.memref_slice %arg11[%mul3A_2] : memref<320000xf32, #tpu.memory_space<hbm>> -> memref<10000xf32, #tpu.memory_space<hbm>>
    tpu.enqueue_dma source(%arg23 : memref<10000xf32, #tpu.memory_space<vmem>>) target(%dma_start3A_81 : memref<10000xf32, #tpu.memory_space<hbm>>) target_semaphore(%arg27 : memref<!tpu.dma_semaphore, #tpu.memory_space<semaphore_mem>>)
    %dma_start3A_82 = tpu.memref_slice %arg12[%mul3A_2] : memref<320000xf32, #tpu.memory_space<hbm>> -> memref<10000xf32, #tpu.memory_space<hbm>>
    %dma_start3A_83 = tpu.memref_slice %arg12[%mul3A_2] : memref<320000xf32, #tpu.memory_space<hbm>> -> memref<10000xf32, #tpu.memory_space<hbm>>
    tpu.enqueue_dma source(%arg24 : memref<10000xf32, #tpu.memory_space<vmem>>) target(%dma_start3A_83 : memref<10000xf32, #tpu.memory_space<hbm>>) target_semaphore(%arg27 : memref<!tpu.dma_semaphore, #tpu.memory_space<semaphore_mem>>)
    %dma_start3A_84 = tpu.memref_slice %arg13[%mul3A_2] : memref<320000xi32, #tpu.memory_space<hbm>> -> memref<10000xi32, #tpu.memory_space<hbm>>
    %dma_start3A_85 = tpu.memref_slice %arg13[%mul3A_2] : memref<320000xi32, #tpu.memory_space<hbm>> -> memref<10000xi32, #tpu.memory_space<hbm>>
    tpu.enqueue_dma source(%arg25 : memref<10000xi32, #tpu.memory_space<vmem>>) target(%dma_start3A_85 : memref<10000xi32, #tpu.memory_space<hbm>>) target_semaphore(%arg27 : memref<!tpu.dma_semaphore, #tpu.memory_space<semaphore_mem>>)
    %dma_wait3A_86 = tpu.memref_slice %arg11[%mul3A_2] : memref<320000xf32, #tpu.memory_space<hbm>> -> memref<10000xf32, #tpu.memory_space<hbm>>
    %dma_wait3A_87 = tpu.memref_slice %arg11[%mul3A_2] : memref<320000xf32, #tpu.memory_space<hbm>> -> memref<10000xf32, #tpu.memory_space<hbm>>
    tpu.wait_dma2 semaphore(%arg27 : memref<!tpu.dma_semaphore, #tpu.memory_space<semaphore_mem>>) src(%arg23 : memref<10000xf32, #tpu.memory_space<vmem>>) dst(%dma_wait3A_87 : memref<10000xf32, #tpu.memory_space<hbm>>)
    %dma_wait3A_88 = tpu.memref_slice %arg12[%mul3A_2] : memref<320000xf32, #tpu.memory_space<hbm>> -> memref<10000xf32, #tpu.memory_space<hbm>>
    %dma_wait3A_89 = tpu.memref_slice %arg12[%mul3A_2] : memref<320000xf32, #tpu.memory_space<hbm>> -> memref<10000xf32, #tpu.memory_space<hbm>>
    tpu.wait_dma2 semaphore(%arg27 : memref<!tpu.dma_semaphore, #tpu.memory_space<semaphore_mem>>) src(%arg24 : memref<10000xf32, #tpu.memory_space<vmem>>) dst(%dma_wait3A_89 : memref<10000xf32, #tpu.memory_space<hbm>>)
    %dma_wait3A_90 = tpu.memref_slice %arg13[%mul3A_2] : memref<320000xi32, #tpu.memory_space<hbm>> -> memref<10000xi32, #tpu.memory_space<hbm>>
    %dma_wait3A_91 = tpu.memref_slice %arg13[%mul3A_2] : memref<320000xi32, #tpu.memory_space<hbm>> -> memref<10000xi32, #tpu.memory_space<hbm>>
    tpu.wait_dma2 semaphore(%arg27 : memref<!tpu.dma_semaphore, #tpu.memory_space<semaphore_mem>>) src(%arg25 : memref<10000xi32, #tpu.memory_space<vmem>>) dst(%dma_wait3A_91 : memref<10000xi32, #tpu.memory_space<hbm>>)
    return
  }
}

#map = affine_map<(d0, d1) -> (0)>
module attributes {stable_mosaic.version = 14 : i64} {
  func.func @_scat(%arg0: i32, %arg1: i32, %arg2: memref<640000xi32, #tpu.memory_space<hbm>>, %arg3: memref<320000xf32, #tpu.memory_space<hbm>>, %arg4: memref<320000xf32, #tpu.memory_space<hbm>>, %arg5: memref<320000xf32, #tpu.memory_space<hbm>>, %arg6: memref<30336xf32, #tpu.memory_space<hbm>>, %arg7: memref<60672xf32, #tpu.memory_space<hbm>>, %arg8: memref<10000xi32, #tpu.memory_space<vmem>>, %arg9: memref<10240xf32, #tpu.memory_space<vmem>>, %arg10: memref<10240xf32, #tpu.memory_space<vmem>>, %arg11: memref<10240xf32, #tpu.memory_space<vmem>>, %arg12: memref<80x128xi32, #tpu.memory_space<vmem>>, %arg13: memref<80x128xi32, #tpu.memory_space<vmem>>, %arg14: memref<80x128xi32, #tpu.memory_space<vmem>>, %arg15: memref<30336xf32, #tpu.memory_space<vmem>>, %arg16: memref<30336xf32, #tpu.memory_space<vmem_shared>>, %arg17: memref<!tpu.dma_semaphore, #tpu.memory_space<semaphore_mem>>) attributes {dimension_semantics = [#tpu.dimension_semantics<core_parallel>, #tpu.dimension_semantics<subcore_parallel>], iteration_bounds = array<i64: 2, 16>, scalar_prefetch = 0 : i64, scratch_operands = 10 : i64, tpu.core_type = #tpu.core_type<sc_vector_subcore>, window_params = [{transform_indices = #map}, {transform_indices = #map}, {transform_indices = #map}, {transform_indices = #map}, {transform_indices = #map}, {transform_indices = #map}]} {
    %mul3A = arith.constant 2 : i32
    %mul3A_0 = arith.muli %arg1, %mul3A : i32
    %add3A = arith.addi %mul3A_0, %arg0 : i32
    %mul3A_1 = arith.constant 10000 : i32
    %mul3A_2 = arith.muli %add3A, %mul3A_1 : i32
    %add3A_3 = arith.constant 320000 : i32
    %add3A_4 = arith.addi %add3A_3, %mul3A_2 : i32
    "tpu.region"() ({
      %run_scoped3A = tpu.sem_alloc : memref<!tpu.dma_semaphore, #tpu.memory_space<semaphore_mem>>
      %dma_start3A_789 = tpu.memref_slice %arg2[%add3A_4] : memref<640000xi32, #tpu.memory_space<hbm>> -> memref<10000xi32, #tpu.memory_space<hbm>>
      %dma_start3A_790 = tpu.memref_slice %arg2[%add3A_4] : memref<640000xi32, #tpu.memory_space<hbm>> -> memref<10000xi32, #tpu.memory_space<hbm>>
      tpu.enqueue_dma source(%dma_start3A_790 : memref<10000xi32, #tpu.memory_space<hbm>>) target(%arg8 : memref<10000xi32, #tpu.memory_space<vmem>>) target_semaphore(%run_scoped3A : memref<!tpu.dma_semaphore, #tpu.memory_space<semaphore_mem>>)
      %dma_wait3A_791 = tpu.memref_slice %arg2[%add3A_4] : memref<640000xi32, #tpu.memory_space<hbm>> -> memref<10000xi32, #tpu.memory_space<hbm>>
      %dma_wait3A_792 = tpu.memref_slice %arg2[%add3A_4] : memref<640000xi32, #tpu.memory_space<hbm>> -> memref<10000xi32, #tpu.memory_space<hbm>>
      tpu.wait_dma2 semaphore(%run_scoped3A : memref<!tpu.dma_semaphore, #tpu.memory_space<semaphore_mem>>) src(%dma_wait3A_792 : memref<10000xi32, #tpu.memory_space<hbm>>) dst(%arg8 : memref<10000xi32, #tpu.memory_space<vmem>>)
      tpu.yield
    }) : () -> ()
    %dma_start3A = arith.constant 0 : i32
    %dma_start3A_5 = tpu.memref_slice %arg9[%dma_start3A] : memref<10240xf32, #tpu.memory_space<vmem>> -> memref<10000xf32, #tpu.memory_space<vmem>>
    %dma_start3A_6 = tpu.memref_slice %arg3[%mul3A_2] : memref<320000xf32, #tpu.memory_space<hbm>> -> memref<10000xf32, #tpu.memory_space<hbm>>
    %dma_start3A_7 = arith.constant 0 : i32
    %dma_start3A_8 = tpu.memref_slice %arg9[%dma_start3A_7] : memref<10240xf32, #tpu.memory_space<vmem>> -> memref<10000xf32, #tpu.memory_space<vmem>>
    %dma_start3A_9 = tpu.memref_slice %arg3[%mul3A_2] : memref<320000xf32, #tpu.memory_space<hbm>> -> memref<10000xf32, #tpu.memory_space<hbm>>
    tpu.enqueue_dma source(%dma_start3A_9 : memref<10000xf32, #tpu.memory_space<hbm>>) target(%dma_start3A_8 : memref<10000xf32, #tpu.memory_space<vmem>>) target_semaphore(%arg17 : memref<!tpu.dma_semaphore, #tpu.memory_space<semaphore_mem>>)
    %dma_start3A_10 = arith.constant 0 : i32
    %dma_start3A_11 = tpu.memref_slice %arg10[%dma_start3A_10] : memref<10240xf32, #tpu.memory_space<vmem>> -> memref<10000xf32, #tpu.memory_space<vmem>>
    %dma_start3A_12 = tpu.memref_slice %arg4[%mul3A_2] : memref<320000xf32, #tpu.memory_space<hbm>> -> memref<10000xf32, #tpu.memory_space<hbm>>
    %dma_start3A_13 = arith.constant 0 : i32
    %dma_start3A_14 = tpu.memref_slice %arg10[%dma_start3A_13] : memref<10240xf32, #tpu.memory_space<vmem>> -> memref<10000xf32, #tpu.memory_space<vmem>>
    %dma_start3A_15 = tpu.memref_slice %arg4[%mul3A_2] : memref<320000xf32, #tpu.memory_space<hbm>> -> memref<10000xf32, #tpu.memory_space<hbm>>
    tpu.enqueue_dma source(%dma_start3A_15 : memref<10000xf32, #tpu.memory_space<hbm>>) target(%dma_start3A_14 : memref<10000xf32, #tpu.memory_space<vmem>>) target_semaphore(%arg17 : memref<!tpu.dma_semaphore, #tpu.memory_space<semaphore_mem>>)
    %dma_start3A_16 = arith.constant 0 : i32
    %dma_start3A_17 = tpu.memref_slice %arg11[%dma_start3A_16] : memref<10240xf32, #tpu.memory_space<vmem>> -> memref<10000xf32, #tpu.memory_space<vmem>>
    %dma_start3A_18 = tpu.memref_slice %arg5[%mul3A_2] : memref<320000xf32, #tpu.memory_space<hbm>> -> memref<10000xf32, #tpu.memory_space<hbm>>
    %dma_start3A_19 = arith.constant 0 : i32
    %dma_start3A_20 = tpu.memref_slice %arg11[%dma_start3A_19] : memref<10240xf32, #tpu.memory_space<vmem>> -> memref<10000xf32, #tpu.memory_space<vmem>>
    %dma_start3A_21 = tpu.memref_slice %arg5[%mul3A_2] : memref<320000xf32, #tpu.memory_space<hbm>> -> memref<10000xf32, #tpu.memory_space<hbm>>
    tpu.enqueue_dma source(%dma_start3A_21 : memref<10000xf32, #tpu.memory_space<hbm>>) target(%dma_start3A_20 : memref<10000xf32, #tpu.memory_space<vmem>>) target_semaphore(%arg17 : memref<!tpu.dma_semaphore, #tpu.memory_space<semaphore_mem>>)
    %eq3A = arith.constant 0 : i32
    %eq3A_22 = arith.cmpi eq, %arg1, %eq3A : i32
    %convert_element_type3A = arith.extui %eq3A_22 : i1 to i32
    %cond3A = arith.constant 0 : i32
    %cond3A_23 = arith.cmpi ne, %convert_element_type3A, %cond3A : i32
    scf.if %cond3A_23 {
      "tpu.region"() ({
        %run_scoped3A = tpu.sem_alloc : memref<!tpu.dma_semaphore, #tpu.memory_space<semaphore_mem>>
        tpu.enqueue_dma source(%arg6 : memref<30336xf32, #tpu.memory_space<hbm>>) target(%arg15 : memref<30336xf32, #tpu.memory_space<vmem>>) target_semaphore(%run_scoped3A : memref<!tpu.dma_semaphore, #tpu.memory_space<semaphore_mem>>)
        tpu.wait_dma2 semaphore(%run_scoped3A : memref<!tpu.dma_semaphore, #tpu.memory_space<semaphore_mem>>) src(%arg6 : memref<30336xf32, #tpu.memory_space<hbm>>) dst(%arg15 : memref<30336xf32, #tpu.memory_space<vmem>>)
        tpu.yield
      }) : () -> ()
      "tpu.region"() ({
        %run_scoped3A = tpu.sem_alloc : memref<!tpu.dma_semaphore, #tpu.memory_space<semaphore_mem>>
        tpu.enqueue_dma source(%arg15 : memref<30336xf32, #tpu.memory_space<vmem>>) target(%arg16 : memref<30336xf32, #tpu.memory_space<vmem_shared>>) target_semaphore(%run_scoped3A : memref<!tpu.dma_semaphore, #tpu.memory_space<semaphore_mem>>)
        tpu.wait_dma2 semaphore(%run_scoped3A : memref<!tpu.dma_semaphore, #tpu.memory_space<semaphore_mem>>) src(%arg15 : memref<30336xf32, #tpu.memory_space<vmem>>) dst(%arg16 : memref<30336xf32, #tpu.memory_space<vmem_shared>>)
        tpu.yield
      }) : () -> ()
    } else {
    }
    %scan3A = arith.constant 0 : i32
    %scan3A_24 = arith.constant 76 : i32
    %scan3A_25 = arith.addi %scan3A, %scan3A_24 : i32
    %scan3A_26 = arith.constant 4 : i32
    scf.for %scan3A_789 = %scan3A to %scan3A_25 step %scan3A_26  : i32 {
      %mul3A_790 = arith.constant 1 : i32
      %mul3A_791 = arith.muli %scan3A_789, %mul3A_790 : i32
      %add3A_792 = arith.constant 0 : i32
      %add3A_793 = arith.addi %add3A_792, %mul3A_791 : i32
      %mul3A_794 = arith.constant 128 : i32
      %mul3A_795 = arith.muli %add3A_793, %mul3A_794 : i32
      %add3A_796 = arith.constant 0 : i32
      %add3A_797 = arith.addi %mul3A_795, %add3A_796 : i32
      %get3A_798 = arith.index_cast %add3A_797 : i32 to index
      %get3A_799 = tpu.vector_load %arg8[%get3A_798] {strides = array<i32>} : memref<10000xi32, #tpu.memory_space<vmem>>, vector<16xi32>,
      %mul3A_800 = arith.constant 3 : i32
      %mul3A_801 = vector.broadcast %mul3A_800 : i32 to vector<16xi32>
      %mul3A_802 = arith.muli %get3A_799, %mul3A_801 : vector<16xi32>
      %swap3A_803 = arith.index_cast %add3A_793 : i32 to index
      %swap3A_804 = arith.constant 0 : index
      %swap3A_805 = tpu.vector_load %arg12[%swap3A_803, %swap3A_804] {strides = array<i32>} : memref<80x128xi32, #tpu.memory_space<vmem>>, vector<16xi32>,
      tpu.vector_store %arg12[%swap3A_803, %swap3A_804], %mul3A_802 {strides = array<i32>} : memref<80x128xi32, #tpu.memory_space<vmem>>, vector<16xi32>,
      %add3A_806 = arith.constant 1 : i32
      %add3A_807 = vector.broadcast %add3A_806 : i32 to vector<16xi32>
      %add3A_808 = arith.addi %mul3A_802, %add3A_807 : vector<16xi32>
      %swap3A_809 = arith.index_cast %add3A_793 : i32 to index
      %swap3A_810 = arith.constant 0 : index
      %swap3A_811 = tpu.vector_load %arg13[%swap3A_809, %swap3A_810] {strides = array<i32>} : memref<80x128xi32, #tpu.memory_space<vmem>>, vector<16xi32>,
      tpu.vector_store %arg13[%swap3A_809, %swap3A_810], %add3A_808 {strides = array<i32>} : memref<80x128xi32, #tpu.memory_space<vmem>>, vector<16xi32>,
      %add3A_812 = arith.constant 2 : i32
      %add3A_813 = vector.broadcast %add3A_812 : i32 to vector<16xi32>
      %add3A_814 = arith.addi %mul3A_802, %add3A_813 : vector<16xi32>
      %swap3A_815 = arith.index_cast %add3A_793 : i32 to index
      %swap3A_816 = arith.constant 0 : index
      %swap3A_817 = tpu.vector_load %arg14[%swap3A_815, %swap3A_816] {strides = array<i32>} : memref<80x128xi32, #tpu.memory_space<vmem>>, vector<16xi32>,
      tpu.vector_store %arg14[%swap3A_815, %swap3A_816], %add3A_814 {strides = array<i32>} : memref<80x128xi32, #tpu.memory_space<vmem>>, vector<16xi32>,
      %mul3A_818 = arith.constant 128 : i32
      %mul3A_819 = arith.muli %add3A_793, %mul3A_818 : i32
      %add3A_820 = arith.constant 16 : i32
      %add3A_821 = arith.addi %mul3A_819, %add3A_820 : i32
      %get3A_822 = arith.index_cast %add3A_821 : i32 to index
      %get3A_823 = tpu.vector_load %arg8[%get3A_822] {strides = array<i32>} : memref<10000xi32, #tpu.memory_space<vmem>>, vector<16xi32>,
      %mul3A_824 = arith.constant 3 : i32
      %mul3A_825 = vector.broadcast %mul3A_824 : i32 to vector<16xi32>
      %mul3A_826 = arith.muli %get3A_823, %mul3A_825 : vector<16xi32>
      %swap3A_827 = arith.index_cast %add3A_793 : i32 to index
      %swap3A_828 = arith.constant 16 : index
      %swap3A_829 = tpu.vector_load %arg12[%swap3A_827, %swap3A_828] {strides = array<i32>} : memref<80x128xi32, #tpu.memory_space<vmem>>, vector<16xi32>,
      tpu.vector_store %arg12[%swap3A_827, %swap3A_828], %mul3A_826 {strides = array<i32>} : memref<80x128xi32, #tpu.memory_space<vmem>>, vector<16xi32>,
      %add3A_830 = arith.constant 1 : i32
      %add3A_831 = vector.broadcast %add3A_830 : i32 to vector<16xi32>
      %add3A_832 = arith.addi %mul3A_826, %add3A_831 : vector<16xi32>
      %swap3A_833 = arith.index_cast %add3A_793 : i32 to index
      %swap3A_834 = arith.constant 16 : index
      %swap3A_835 = tpu.vector_load %arg13[%swap3A_833, %swap3A_834] {strides = array<i32>} : memref<80x128xi32, #tpu.memory_space<vmem>>, vector<16xi32>,
      tpu.vector_store %arg13[%swap3A_833, %swap3A_834], %add3A_832 {strides = array<i32>} : memref<80x128xi32, #tpu.memory_space<vmem>>, vector<16xi32>,
      %add3A_836 = arith.constant 2 : i32
      %add3A_837 = vector.broadcast %add3A_836 : i32 to vector<16xi32>
      %add3A_838 = arith.addi %mul3A_826, %add3A_837 : vector<16xi32>
      %swap3A_839 = arith.index_cast %add3A_793 : i32 to index
      %swap3A_840 = arith.constant 16 : index
      %swap3A_841 = tpu.vector_load %arg14[%swap3A_839, %swap3A_840] {strides = array<i32>} : memref<80x128xi32, #tpu.memory_space<vmem>>, vector<16xi32>,
      tpu.vector_store %arg14[%swap3A_839, %swap3A_840], %add3A_838 {strides = array<i32>} : memref<80x128xi32, #tpu.memory_space<vmem>>, vector<16xi32>,
      %mul3A_842 = arith.constant 128 : i32
      %mul3A_843 = arith.muli %add3A_793, %mul3A_842 : i32
      %add3A_844 = arith.constant 32 : i32
      %add3A_845 = arith.addi %mul3A_843, %add3A_844 : i32
      %get3A_846 = arith.index_cast %add3A_845 : i32 to index
      %get3A_847 = tpu.vector_load %arg8[%get3A_846] {strides = array<i32>} : memref<10000xi32, #tpu.memory_space<vmem>>, vector<16xi32>,
      %mul3A_848 = arith.constant 3 : i32
      %mul3A_849 = vector.broadcast %mul3A_848 : i32 to vector<16xi32>
      %mul3A_850 = arith.muli %get3A_847, %mul3A_849 : vector<16xi32>
      %swap3A_851 = arith.index_cast %add3A_793 : i32 to index
      %swap3A_852 = arith.constant 32 : index
      %swap3A_853 = tpu.vector_load %arg12[%swap3A_851, %swap3A_852] {strides = array<i32>} : memref<80x128xi32, #tpu.memory_space<vmem>>, vector<16xi32>,
      tpu.vector_store %arg12[%swap3A_851, %swap3A_852], %mul3A_850 {strides = array<i32>} : memref<80x128xi32, #tpu.memory_space<vmem>>, vector<16xi32>,
      %add3A_854 = arith.constant 1 : i32
      %add3A_855 = vector.broadcast %add3A_854 : i32 to vector<16xi32>
      %add3A_856 = arith.addi %mul3A_850, %add3A_855 : vector<16xi32>
      %swap3A_857 = arith.index_cast %add3A_793 : i32 to index
      %swap3A_858 = arith.constant 32 : index
      %swap3A_859 = tpu.vector_load %arg13[%swap3A_857, %swap3A_858] {strides = array<i32>} : memref<80x128xi32, #tpu.memory_space<vmem>>, vector<16xi32>,
      tpu.vector_store %arg13[%swap3A_857, %swap3A_858], %add3A_856 {strides = array<i32>} : memref<80x128xi32, #tpu.memory_space<vmem>>, vector<16xi32>,
      %add3A_860 = arith.constant 2 : i32
      %add3A_861 = vector.broadcast %add3A_860 : i32 to vector<16xi32>
      %add3A_862 = arith.addi %mul3A_850, %add3A_861 : vector<16xi32>
      %swap3A_863 = arith.index_cast %add3A_793 : i32 to index
      %swap3A_864 = arith.constant 32 : index
      %swap3A_865 = tpu.vector_load %arg14[%swap3A_863, %swap3A_864] {strides = array<i32>} : memref<80x128xi32, #tpu.memory_space<vmem>>, vector<16xi32>,
      tpu.vector_store %arg14[%swap3A_863, %swap3A_864], %add3A_862 {strides = array<i32>} : memref<80x128xi32, #tpu.memory_space<vmem>>, vector<16xi32>,
      %mul3A_866 = arith.constant 128 : i32
      %mul3A_867 = arith.muli %add3A_793, %mul3A_866 : i32
      %add3A_868 = arith.constant 48 : i32
      %add3A_869 = arith.addi %mul3A_867, %add3A_868 : i32
      %get3A_870 = arith.index_cast %add3A_869 : i32 to index
      %get3A_871 = tpu.vector_load %arg8[%get3A_870] {strides = array<i32>} : memref<10000xi32, #tpu.memory_space<vmem>>, vector<16xi32>,
      %mul3A_872 = arith.constant 3 : i32
      %mul3A_873 = vector.broadcast %mul3A_872 : i32 to vector<16xi32>
      %mul3A_874 = arith.muli %get3A_871, %mul3A_873 : vector<16xi32>
      %swap3A_875 = arith.index_cast %add3A_793 : i32 to index
      %swap3A_876 = arith.constant 48 : index
      %swap3A_877 = tpu.vector_load %arg12[%swap3A_875, %swap3A_876] {strides = array<i32>} : memref<80x128xi32, #tpu.memory_space<vmem>>, vector<16xi32>,
      tpu.vector_store %arg12[%swap3A_875, %swap3A_876], %mul3A_874 {strides = array<i32>} : memref<80x128xi32, #tpu.memory_space<vmem>>, vector<16xi32>,
      %add3A_878 = arith.constant 1 : i32
      %add3A_879 = vector.broadcast %add3A_878 : i32 to vector<16xi32>
      %add3A_880 = arith.addi %mul3A_874, %add3A_879 : vector<16xi32>
      %swap3A_881 = arith.index_cast %add3A_793 : i32 to index
      %swap3A_882 = arith.constant 48 : index
      %swap3A_883 = tpu.vector_load %arg13[%swap3A_881, %swap3A_882] {strides = array<i32>} : memref<80x128xi32, #tpu.memory_space<vmem>>, vector<16xi32>,
      tpu.vector_store %arg13[%swap3A_881, %swap3A_882], %add3A_880 {strides = array<i32>} : memref<80x128xi32, #tpu.memory_space<vmem>>, vector<16xi32>,
      %add3A_884 = arith.constant 2 : i32
      %add3A_885 = vector.broadcast %add3A_884 : i32 to vector<16xi32>
      %add3A_886 = arith.addi %mul3A_874, %add3A_885 : vector<16xi32>
      %swap3A_887 = arith.index_cast %add3A_793 : i32 to index
      %swap3A_888 = arith.constant 48 : index
      %swap3A_889 = tpu.vector_load %arg14[%swap3A_887, %swap3A_888] {strides = array<i32>} : memref<80x128xi32, #tpu.memory_space<vmem>>, vector<16xi32>,
      tpu.vector_store %arg14[%swap3A_887, %swap3A_888], %add3A_886 {strides = array<i32>} : memref<80x128xi32, #tpu.memory_space<vmem>>, vector<16xi32>,
      %mul3A_890 = arith.constant 128 : i32
      %mul3A_891 = arith.muli %add3A_793, %mul3A_890 : i32
      %add3A_892 = arith.constant 64 : i32
      %add3A_893 = arith.addi %mul3A_891, %add3A_892 : i32
      %get3A_894 = arith.index_cast %add3A_893 : i32 to index
      %get3A_895 = tpu.vector_load %arg8[%get3A_894] {strides = array<i32>} : memref<10000xi32, #tpu.memory_space<vmem>>, vector<16xi32>,
      %mul3A_896 = arith.constant 3 : i32
      %mul3A_897 = vector.broadcast %mul3A_896 : i32 to vector<16xi32>
      %mul3A_898 = arith.muli %get3A_895, %mul3A_897 : vector<16xi32>
      %swap3A_899 = arith.index_cast %add3A_793 : i32 to index
      %swap3A_900 = arith.constant 64 : index
      %swap3A_901 = tpu.vector_load %arg12[%swap3A_899, %swap3A_900] {strides = array<i32>} : memref<80x128xi32, #tpu.memory_space<vmem>>, vector<16xi32>,
      tpu.vector_store %arg12[%swap3A_899, %swap3A_900], %mul3A_898 {strides = array<i32>} : memref<80x128xi32, #tpu.memory_space<vmem>>, vector<16xi32>,
      %add3A_902 = arith.constant 1 : i32
      %add3A_903 = vector.broadcast %add3A_902 : i32 to vector<16xi32>
      %add3A_904 = arith.addi %mul3A_898, %add3A_903 : vector<16xi32>
      %swap3A_905 = arith.index_cast %add3A_793 : i32 to index
      %swap3A_906 = arith.constant 64 : index
      %swap3A_907 = tpu.vector_load %arg13[%swap3A_905, %swap3A_906] {strides = array<i32>} : memref<80x128xi32, #tpu.memory_space<vmem>>, vector<16xi32>,
      tpu.vector_store %arg13[%swap3A_905, %swap3A_906], %add3A_904 {strides = array<i32>} : memref<80x128xi32, #tpu.memory_space<vmem>>, vector<16xi32>,
      %add3A_908 = arith.constant 2 : i32
      %add3A_909 = vector.broadcast %add3A_908 : i32 to vector<16xi32>
      %add3A_910 = arith.addi %mul3A_898, %add3A_909 : vector<16xi32>
      %swap3A_911 = arith.index_cast %add3A_793 : i32 to index
      %swap3A_912 = arith.constant 64 : index
      %swap3A_913 = tpu.vector_load %arg14[%swap3A_911, %swap3A_912] {strides = array<i32>} : memref<80x128xi32, #tpu.memory_space<vmem>>, vector<16xi32>,
      tpu.vector_store %arg14[%swap3A_911, %swap3A_912], %add3A_910 {strides = array<i32>} : memref<80x128xi32, #tpu.memory_space<vmem>>, vector<16xi32>,
      %mul3A_914 = arith.constant 128 : i32
      %mul3A_915 = arith.muli %add3A_793, %mul3A_914 : i32
      %add3A_916 = arith.constant 80 : i32
      %add3A_917 = arith.addi %mul3A_915, %add3A_916 : i32
      %get3A_918 = arith.index_cast %add3A_917 : i32 to index
      %get3A_919 = tpu.vector_load %arg8[%get3A_918] {strides = array<i32>} : memref<10000xi32, #tpu.memory_space<vmem>>, vector<16xi32>,
      %mul3A_920 = arith.constant 3 : i32
      %mul3A_921 = vector.broadcast %mul3A_920 : i32 to vector<16xi32>
      %mul3A_922 = arith.muli %get3A_919, %mul3A_921 : vector<16xi32>
      %swap3A_923 = arith.index_cast %add3A_793 : i32 to index
      %swap3A_924 = arith.constant 80 : index
      %swap3A_925 = tpu.vector_load %arg12[%swap3A_923, %swap3A_924] {strides = array<i32>} : memref<80x128xi32, #tpu.memory_space<vmem>>, vector<16xi32>,
      tpu.vector_store %arg12[%swap3A_923, %swap3A_924], %mul3A_922 {strides = array<i32>} : memref<80x128xi32, #tpu.memory_space<vmem>>, vector<16xi32>,
      %add3A_926 = arith.constant 1 : i32
      %add3A_927 = vector.broadcast %add3A_926 : i32 to vector<16xi32>
      %add3A_928 = arith.addi %mul3A_922, %add3A_927 : vector<16xi32>
      %swap3A_929 = arith.index_cast %add3A_793 : i32 to index
      %swap3A_930 = arith.constant 80 : index
      %swap3A_931 = tpu.vector_load %arg13[%swap3A_929, %swap3A_930] {strides = array<i32>} : memref<80x128xi32, #tpu.memory_space<vmem>>, vector<16xi32>,
      tpu.vector_store %arg13[%swap3A_929, %swap3A_930], %add3A_928 {strides = array<i32>} : memref<80x128xi32, #tpu.memory_space<vmem>>, vector<16xi32>,
      %add3A_932 = arith.constant 2 : i32
      %add3A_933 = vector.broadcast %add3A_932 : i32 to vector<16xi32>
      %add3A_934 = arith.addi %mul3A_922, %add3A_933 : vector<16xi32>
      %swap3A_935 = arith.index_cast %add3A_793 : i32 to index
      %swap3A_936 = arith.constant 80 : index
      %swap3A_937 = tpu.vector_load %arg14[%swap3A_935, %swap3A_936] {strides = array<i32>} : memref<80x128xi32, #tpu.memory_space<vmem>>, vector<16xi32>,
      tpu.vector_store %arg14[%swap3A_935, %swap3A_936], %add3A_934 {strides = array<i32>} : memref<80x128xi32, #tpu.memory_space<vmem>>, vector<16xi32>,
      %mul3A_938 = arith.constant 128 : i32
      %mul3A_939 = arith.muli %add3A_793, %mul3A_938 : i32
      %add3A_940 = arith.constant 96 : i32
      %add3A_941 = arith.addi %mul3A_939, %add3A_940 : i32
      %get3A_942 = arith.index_cast %add3A_941 : i32 to index
      %get3A_943 = tpu.vector_load %arg8[%get3A_942] {strides = array<i32>} : memref<10000xi32, #tpu.memory_space<vmem>>, vector<16xi32>,
      %mul3A_944 = arith.constant 3 : i32
      %mul3A_945 = vector.broadcast %mul3A_944 : i32 to vector<16xi32>
      %mul3A_946 = arith.muli %get3A_943, %mul3A_945 : vector<16xi32>
      %swap3A_947 = arith.index_cast %add3A_793 : i32 to index
      %swap3A_948 = arith.constant 96 : index
      %swap3A_949 = tpu.vector_load %arg12[%swap3A_947, %swap3A_948] {strides = array<i32>} : memref<80x128xi32, #tpu.memory_space<vmem>>, vector<16xi32>,
      tpu.vector_store %arg12[%swap3A_947, %swap3A_948], %mul3A_946 {strides = array<i32>} : memref<80x128xi32, #tpu.memory_space<vmem>>, vector<16xi32>,
      %add3A_950 = arith.constant 1 : i32
      %add3A_951 = vector.broadcast %add3A_950 : i32 to vector<16xi32>
      %add3A_952 = arith.addi %mul3A_946, %add3A_951 : vector<16xi32>
      %swap3A_953 = arith.index_cast %add3A_793 : i32 to index
      %swap3A_954 = arith.constant 96 : index
      %swap3A_955 = tpu.vector_load %arg13[%swap3A_953, %swap3A_954] {strides = array<i32>} : memref<80x128xi32, #tpu.memory_space<vmem>>, vector<16xi32>,
      tpu.vector_store %arg13[%swap3A_953, %swap3A_954], %add3A_952 {strides = array<i32>} : memref<80x128xi32, #tpu.memory_space<vmem>>, vector<16xi32>,
      %add3A_956 = arith.constant 2 : i32
      %add3A_957 = vector.broadcast %add3A_956 : i32 to vector<16xi32>
      %add3A_958 = arith.addi %mul3A_946, %add3A_957 : vector<16xi32>
      %swap3A_959 = arith.index_cast %add3A_793 : i32 to index
      %swap3A_960 = arith.constant 96 : index
      %swap3A_961 = tpu.vector_load %arg14[%swap3A_959, %swap3A_960] {strides = array<i32>} : memref<80x128xi32, #tpu.memory_space<vmem>>, vector<16xi32>,
      tpu.vector_store %arg14[%swap3A_959, %swap3A_960], %add3A_958 {strides = array<i32>} : memref<80x128xi32, #tpu.memory_space<vmem>>, vector<16xi32>,
      %mul3A_962 = arith.constant 128 : i32
      %mul3A_963 = arith.muli %add3A_793, %mul3A_962 : i32
      %add3A_964 = arith.constant 112 : i32
      %add3A_965 = arith.addi %mul3A_963, %add3A_964 : i32
      %get3A_966 = arith.index_cast %add3A_965 : i32 to index
      %get3A_967 = tpu.vector_load %arg8[%get3A_966] {strides = array<i32>} : memref<10000xi32, #tpu.memory_space<vmem>>, vector<16xi32>,
      %mul3A_968 = arith.constant 3 : i32
      %mul3A_969 = vector.broadcast %mul3A_968 : i32 to vector<16xi32>
      %mul3A_970 = arith.muli %get3A_967, %mul3A_969 : vector<16xi32>
      %swap3A_971 = arith.index_cast %add3A_793 : i32 to index
      %swap3A_972 = arith.constant 112 : index
      %swap3A_973 = tpu.vector_load %arg12[%swap3A_971, %swap3A_972] {strides = array<i32>} : memref<80x128xi32, #tpu.memory_space<vmem>>, vector<16xi32>,
      tpu.vector_store %arg12[%swap3A_971, %swap3A_972], %mul3A_970 {strides = array<i32>} : memref<80x128xi32, #tpu.memory_space<vmem>>, vector<16xi32>,
      %add3A_974 = arith.constant 1 : i32
      %add3A_975 = vector.broadcast %add3A_974 : i32 to vector<16xi32>
      %add3A_976 = arith.addi %mul3A_970, %add3A_975 : vector<16xi32>
      %swap3A_977 = arith.index_cast %add3A_793 : i32 to index
      %swap3A_978 = arith.constant 112 : index
      %swap3A_979 = tpu.vector_load %arg13[%swap3A_977, %swap3A_978] {strides = array<i32>} : memref<80x128xi32, #tpu.memory_space<vmem>>, vector<16xi32>,
      tpu.vector_store %arg13[%swap3A_977, %swap3A_978], %add3A_976 {strides = array<i32>} : memref<80x128xi32, #tpu.memory_space<vmem>>, vector<16xi32>,
      %add3A_980 = arith.constant 2 : i32
      %add3A_981 = vector.broadcast %add3A_980 : i32 to vector<16xi32>
      %add3A_982 = arith.addi %mul3A_970, %add3A_981 : vector<16xi32>
      %swap3A_983 = arith.index_cast %add3A_793 : i32 to index
      %swap3A_984 = arith.constant 112 : index
      %swap3A_985 = tpu.vector_load %arg14[%swap3A_983, %swap3A_984] {strides = array<i32>} : memref<80x128xi32, #tpu.memory_space<vmem>>, vector<16xi32>,
      tpu.vector_store %arg14[%swap3A_983, %swap3A_984], %add3A_982 {strides = array<i32>} : memref<80x128xi32, #tpu.memory_space<vmem>>, vector<16xi32>,
      %scan3A_986 = arith.constant 1 : i32
      %scan3A_987 = arith.addi %scan3A_789, %scan3A_986 : i32
      %mul3A_988 = arith.constant 1 : i32
      %mul3A_989 = arith.muli %scan3A_987, %mul3A_988 : i32
      %add3A_990 = arith.constant 0 : i32
      %add3A_991 = arith.addi %add3A_990, %mul3A_989 : i32
      %mul3A_992 = arith.constant 128 : i32
      %mul3A_993 = arith.muli %add3A_991, %mul3A_992 : i32
      %add3A_994 = arith.constant 0 : i32
      %add3A_995 = arith.addi %mul3A_993, %add3A_994 : i32
      %get3A_996 = arith.index_cast %add3A_995 : i32 to index
      %get3A_997 = tpu.vector_load %arg8[%get3A_996] {strides = array<i32>} : memref<10000xi32, #tpu.memory_space<vmem>>, vector<16xi32>,
      %mul3A_998 = arith.constant 3 : i32
      %mul3A_999 = vector.broadcast %mul3A_998 : i32 to vector<16xi32>
      %mul3A_1000 = arith.muli %get3A_997, %mul3A_999 : vector<16xi32>
      %swap3A_1001 = arith.index_cast %add3A_991 : i32 to index
      %swap3A_1002 = arith.constant 0 : index
      %swap3A_1003 = tpu.vector_load %arg12[%swap3A_1001, %swap3A_1002] {strides = array<i32>} : memref<80x128xi32, #tpu.memory_space<vmem>>, vector<16xi32>,
      tpu.vector_store %arg12[%swap3A_1001, %swap3A_1002], %mul3A_1000 {strides = array<i32>} : memref<80x128xi32, #tpu.memory_space<vmem>>, vector<16xi32>,
      %add3A_1004 = arith.constant 1 : i32
      %add3A_1005 = vector.broadcast %add3A_1004 : i32 to vector<16xi32>
      %add3A_1006 = arith.addi %mul3A_1000, %add3A_1005 : vector<16xi32>
      %swap3A_1007 = arith.index_cast %add3A_991 : i32 to index
      %swap3A_1008 = arith.constant 0 : index
      %swap3A_1009 = tpu.vector_load %arg13[%swap3A_1007, %swap3A_1008] {strides = array<i32>} : memref<80x128xi32, #tpu.memory_space<vmem>>, vector<16xi32>,
      tpu.vector_store %arg13[%swap3A_1007, %swap3A_1008], %add3A_1006 {strides = array<i32>} : memref<80x128xi32, #tpu.memory_space<vmem>>, vector<16xi32>,
      %add3A_1010 = arith.constant 2 : i32
      %add3A_1011 = vector.broadcast %add3A_1010 : i32 to vector<16xi32>
      %add3A_1012 = arith.addi %mul3A_1000, %add3A_1011 : vector<16xi32>
      %swap3A_1013 = arith.index_cast %add3A_991 : i32 to index
      %swap3A_1014 = arith.constant 0 : index
      %swap3A_1015 = tpu.vector_load %arg14[%swap3A_1013, %swap3A_1014] {strides = array<i32>} : memref<80x128xi32, #tpu.memory_space<vmem>>, vector<16xi32>,
      tpu.vector_store %arg14[%swap3A_1013, %swap3A_1014], %add3A_1012 {strides = array<i32>} : memref<80x128xi32, #tpu.memory_space<vmem>>, vector<16xi32>,
      %mul3A_1016 = arith.constant 128 : i32
      %mul3A_1017 = arith.muli %add3A_991, %mul3A_1016 : i32
      %add3A_1018 = arith.constant 16 : i32
      %add3A_1019 = arith.addi %mul3A_1017, %add3A_1018 : i32
      %get3A_1020 = arith.index_cast %add3A_1019 : i32 to index
      %get3A_1021 = tpu.vector_load %arg8[%get3A_1020] {strides = array<i32>} : memref<10000xi32, #tpu.memory_space<vmem>>, vector<16xi32>,
      %mul3A_1022 = arith.constant 3 : i32
      %mul3A_1023 = vector.broadcast %mul3A_1022 : i32 to vector<16xi32>
      %mul3A_1024 = arith.muli %get3A_1021, %mul3A_1023 : vector<16xi32>
      %swap3A_1025 = arith.index_cast %add3A_991 : i32 to index
      %swap3A_1026 = arith.constant 16 : index
      %swap3A_1027 = tpu.vector_load %arg12[%swap3A_1025, %swap3A_1026] {strides = array<i32>} : memref<80x128xi32, #tpu.memory_space<vmem>>, vector<16xi32>,
      tpu.vector_store %arg12[%swap3A_1025, %swap3A_1026], %mul3A_1024 {strides = array<i32>} : memref<80x128xi32, #tpu.memory_space<vmem>>, vector<16xi32>,
      %add3A_1028 = arith.constant 1 : i32
      %add3A_1029 = vector.broadcast %add3A_1028 : i32 to vector<16xi32>
      %add3A_1030 = arith.addi %mul3A_1024, %add3A_1029 : vector<16xi32>
      %swap3A_1031 = arith.index_cast %add3A_991 : i32 to index
      %swap3A_1032 = arith.constant 16 : index
      %swap3A_1033 = tpu.vector_load %arg13[%swap3A_1031, %swap3A_1032] {strides = array<i32>} : memref<80x128xi32, #tpu.memory_space<vmem>>, vector<16xi32>,
      tpu.vector_store %arg13[%swap3A_1031, %swap3A_1032], %add3A_1030 {strides = array<i32>} : memref<80x128xi32, #tpu.memory_space<vmem>>, vector<16xi32>,
      %add3A_1034 = arith.constant 2 : i32
      %add3A_1035 = vector.broadcast %add3A_1034 : i32 to vector<16xi32>
      %add3A_1036 = arith.addi %mul3A_1024, %add3A_1035 : vector<16xi32>
      %swap3A_1037 = arith.index_cast %add3A_991 : i32 to index
      %swap3A_1038 = arith.constant 16 : index
      %swap3A_1039 = tpu.vector_load %arg14[%swap3A_1037, %swap3A_1038] {strides = array<i32>} : memref<80x128xi32, #tpu.memory_space<vmem>>, vector<16xi32>,
      tpu.vector_store %arg14[%swap3A_1037, %swap3A_1038], %add3A_1036 {strides = array<i32>} : memref<80x128xi32, #tpu.memory_space<vmem>>, vector<16xi32>,
      %mul3A_1040 = arith.constant 128 : i32
      %mul3A_1041 = arith.muli %add3A_991, %mul3A_1040 : i32
      %add3A_1042 = arith.constant 32 : i32
      %add3A_1043 = arith.addi %mul3A_1041, %add3A_1042 : i32
      %get3A_1044 = arith.index_cast %add3A_1043 : i32 to index
      %get3A_1045 = tpu.vector_load %arg8[%get3A_1044] {strides = array<i32>} : memref<10000xi32, #tpu.memory_space<vmem>>, vector<16xi32>,
      %mul3A_1046 = arith.constant 3 : i32
      %mul3A_1047 = vector.broadcast %mul3A_1046 : i32 to vector<16xi32>
      %mul3A_1048 = arith.muli %get3A_1045, %mul3A_1047 : vector<16xi32>
      %swap3A_1049 = arith.index_cast %add3A_991 : i32 to index
      %swap3A_1050 = arith.constant 32 : index
      %swap3A_1051 = tpu.vector_load %arg12[%swap3A_1049, %swap3A_1050] {strides = array<i32>} : memref<80x128xi32, #tpu.memory_space<vmem>>, vector<16xi32>,
      tpu.vector_store %arg12[%swap3A_1049, %swap3A_1050], %mul3A_1048 {strides = array<i32>} : memref<80x128xi32, #tpu.memory_space<vmem>>, vector<16xi32>,
      %add3A_1052 = arith.constant 1 : i32
      %add3A_1053 = vector.broadcast %add3A_1052 : i32 to vector<16xi32>
      %add3A_1054 = arith.addi %mul3A_1048, %add3A_1053 : vector<16xi32>
      %swap3A_1055 = arith.index_cast %add3A_991 : i32 to index
      %swap3A_1056 = arith.constant 32 : index
      %swap3A_1057 = tpu.vector_load %arg13[%swap3A_1055, %swap3A_1056] {strides = array<i32>} : memref<80x128xi32, #tpu.memory_space<vmem>>, vector<16xi32>,
      tpu.vector_store %arg13[%swap3A_1055, %swap3A_1056], %add3A_1054 {strides = array<i32>} : memref<80x128xi32, #tpu.memory_space<vmem>>, vector<16xi32>,
      %add3A_1058 = arith.constant 2 : i32
      %add3A_1059 = vector.broadcast %add3A_1058 : i32 to vector<16xi32>
      %add3A_1060 = arith.addi %mul3A_1048, %add3A_1059 : vector<16xi32>
      %swap3A_1061 = arith.index_cast %add3A_991 : i32 to index
      %swap3A_1062 = arith.constant 32 : index
      %swap3A_1063 = tpu.vector_load %arg14[%swap3A_1061, %swap3A_1062] {strides = array<i32>} : memref<80x128xi32, #tpu.memory_space<vmem>>, vector<16xi32>,
      tpu.vector_store %arg14[%swap3A_1061, %swap3A_1062], %add3A_1060 {strides = array<i32>} : memref<80x128xi32, #tpu.memory_space<vmem>>, vector<16xi32>,
      %mul3A_1064 = arith.constant 128 : i32
      %mul3A_1065 = arith.muli %add3A_991, %mul3A_1064 : i32
      %add3A_1066 = arith.constant 48 : i32
      %add3A_1067 = arith.addi %mul3A_1065, %add3A_1066 : i32
      %get3A_1068 = arith.index_cast %add3A_1067 : i32 to index
      %get3A_1069 = tpu.vector_load %arg8[%get3A_1068] {strides = array<i32>} : memref<10000xi32, #tpu.memory_space<vmem>>, vector<16xi32>,
      %mul3A_1070 = arith.constant 3 : i32
      %mul3A_1071 = vector.broadcast %mul3A_1070 : i32 to vector<16xi32>
      %mul3A_1072 = arith.muli %get3A_1069, %mul3A_1071 : vector<16xi32>
      %swap3A_1073 = arith.index_cast %add3A_991 : i32 to index
      %swap3A_1074 = arith.constant 48 : index
      %swap3A_1075 = tpu.vector_load %arg12[%swap3A_1073, %swap3A_1074] {strides = array<i32>} : memref<80x128xi32, #tpu.memory_space<vmem>>, vector<16xi32>,
      tpu.vector_store %arg12[%swap3A_1073, %swap3A_1074], %mul3A_1072 {strides = array<i32>} : memref<80x128xi32, #tpu.memory_space<vmem>>, vector<16xi32>,
      %add3A_1076 = arith.constant 1 : i32
      %add3A_1077 = vector.broadcast %add3A_1076 : i32 to vector<16xi32>
      %add3A_1078 = arith.addi %mul3A_1072, %add3A_1077 : vector<16xi32>
      %swap3A_1079 = arith.index_cast %add3A_991 : i32 to index
      %swap3A_1080 = arith.constant 48 : index
      %swap3A_1081 = tpu.vector_load %arg13[%swap3A_1079, %swap3A_1080] {strides = array<i32>} : memref<80x128xi32, #tpu.memory_space<vmem>>, vector<16xi32>,
      tpu.vector_store %arg13[%swap3A_1079, %swap3A_1080], %add3A_1078 {strides = array<i32>} : memref<80x128xi32, #tpu.memory_space<vmem>>, vector<16xi32>,
      %add3A_1082 = arith.constant 2 : i32
      %add3A_1083 = vector.broadcast %add3A_1082 : i32 to vector<16xi32>
      %add3A_1084 = arith.addi %mul3A_1072, %add3A_1083 : vector<16xi32>
      %swap3A_1085 = arith.index_cast %add3A_991 : i32 to index
      %swap3A_1086 = arith.constant 48 : index
      %swap3A_1087 = tpu.vector_load %arg14[%swap3A_1085, %swap3A_1086] {strides = array<i32>} : memref<80x128xi32, #tpu.memory_space<vmem>>, vector<16xi32>,
      tpu.vector_store %arg14[%swap3A_1085, %swap3A_1086], %add3A_1084 {strides = array<i32>} : memref<80x128xi32, #tpu.memory_space<vmem>>, vector<16xi32>,
      %mul3A_1088 = arith.constant 128 : i32
      %mul3A_1089 = arith.muli %add3A_991, %mul3A_1088 : i32
      %add3A_1090 = arith.constant 64 : i32
      %add3A_1091 = arith.addi %mul3A_1089, %add3A_1090 : i32
      %get3A_1092 = arith.index_cast %add3A_1091 : i32 to index
      %get3A_1093 = tpu.vector_load %arg8[%get3A_1092] {strides = array<i32>} : memref<10000xi32, #tpu.memory_space<vmem>>, vector<16xi32>,
      %mul3A_1094 = arith.constant 3 : i32
      %mul3A_1095 = vector.broadcast %mul3A_1094 : i32 to vector<16xi32>
      %mul3A_1096 = arith.muli %get3A_1093, %mul3A_1095 : vector<16xi32>
      %swap3A_1097 = arith.index_cast %add3A_991 : i32 to index
      %swap3A_1098 = arith.constant 64 : index
      %swap3A_1099 = tpu.vector_load %arg12[%swap3A_1097, %swap3A_1098] {strides = array<i32>} : memref<80x128xi32, #tpu.memory_space<vmem>>, vector<16xi32>,
      tpu.vector_store %arg12[%swap3A_1097, %swap3A_1098], %mul3A_1096 {strides = array<i32>} : memref<80x128xi32, #tpu.memory_space<vmem>>, vector<16xi32>,
      %add3A_1100 = arith.constant 1 : i32
      %add3A_1101 = vector.broadcast %add3A_1100 : i32 to vector<16xi32>
      %add3A_1102 = arith.addi %mul3A_1096, %add3A_1101 : vector<16xi32>
      %swap3A_1103 = arith.index_cast %add3A_991 : i32 to index
      %swap3A_1104 = arith.constant 64 : index
      %swap3A_1105 = tpu.vector_load %arg13[%swap3A_1103, %swap3A_1104] {strides = array<i32>} : memref<80x128xi32, #tpu.memory_space<vmem>>, vector<16xi32>,
      tpu.vector_store %arg13[%swap3A_1103, %swap3A_1104], %add3A_1102 {strides = array<i32>} : memref<80x128xi32, #tpu.memory_space<vmem>>, vector<16xi32>,
      %add3A_1106 = arith.constant 2 : i32
      %add3A_1107 = vector.broadcast %add3A_1106 : i32 to vector<16xi32>
      %add3A_1108 = arith.addi %mul3A_1096, %add3A_1107 : vector<16xi32>
      %swap3A_1109 = arith.index_cast %add3A_991 : i32 to index
      %swap3A_1110 = arith.constant 64 : index
      %swap3A_1111 = tpu.vector_load %arg14[%swap3A_1109, %swap3A_1110] {strides = array<i32>} : memref<80x128xi32, #tpu.memory_space<vmem>>, vector<16xi32>,
      tpu.vector_store %arg14[%swap3A_1109, %swap3A_1110], %add3A_1108 {strides = array<i32>} : memref<80x128xi32, #tpu.memory_space<vmem>>, vector<16xi32>,
      %mul3A_1112 = arith.constant 128 : i32
      %mul3A_1113 = arith.muli %add3A_991, %mul3A_1112 : i32
      %add3A_1114 = arith.constant 80 : i32
      %add3A_1115 = arith.addi %mul3A_1113, %add3A_1114 : i32
      %get3A_1116 = arith.index_cast %add3A_1115 : i32 to index
      %get3A_1117 = tpu.vector_load %arg8[%get3A_1116] {strides = array<i32>} : memref<10000xi32, #tpu.memory_space<vmem>>, vector<16xi32>,
      %mul3A_1118 = arith.constant 3 : i32
      %mul3A_1119 = vector.broadcast %mul3A_1118 : i32 to vector<16xi32>
      %mul3A_1120 = arith.muli %get3A_1117, %mul3A_1119 : vector<16xi32>
      %swap3A_1121 = arith.index_cast %add3A_991 : i32 to index
      %swap3A_1122 = arith.constant 80 : index
      %swap3A_1123 = tpu.vector_load %arg12[%swap3A_1121, %swap3A_1122] {strides = array<i32>} : memref<80x128xi32, #tpu.memory_space<vmem>>, vector<16xi32>,
      tpu.vector_store %arg12[%swap3A_1121, %swap3A_1122], %mul3A_1120 {strides = array<i32>} : memref<80x128xi32, #tpu.memory_space<vmem>>, vector<16xi32>,
      %add3A_1124 = arith.constant 1 : i32
      %add3A_1125 = vector.broadcast %add3A_1124 : i32 to vector<16xi32>
      %add3A_1126 = arith.addi %mul3A_1120, %add3A_1125 : vector<16xi32>
      %swap3A_1127 = arith.index_cast %add3A_991 : i32 to index
      %swap3A_1128 = arith.constant 80 : index
      %swap3A_1129 = tpu.vector_load %arg13[%swap3A_1127, %swap3A_1128] {strides = array<i32>} : memref<80x128xi32, #tpu.memory_space<vmem>>, vector<16xi32>,
      tpu.vector_store %arg13[%swap3A_1127, %swap3A_1128], %add3A_1126 {strides = array<i32>} : memref<80x128xi32, #tpu.memory_space<vmem>>, vector<16xi32>,
      %add3A_1130 = arith.constant 2 : i32
      %add3A_1131 = vector.broadcast %add3A_1130 : i32 to vector<16xi32>
      %add3A_1132 = arith.addi %mul3A_1120, %add3A_1131 : vector<16xi32>
      %swap3A_1133 = arith.index_cast %add3A_991 : i32 to index
      %swap3A_1134 = arith.constant 80 : index
      %swap3A_1135 = tpu.vector_load %arg14[%swap3A_1133, %swap3A_1134] {strides = array<i32>} : memref<80x128xi32, #tpu.memory_space<vmem>>, vector<16xi32>,
      tpu.vector_store %arg14[%swap3A_1133, %swap3A_1134], %add3A_1132 {strides = array<i32>} : memref<80x128xi32, #tpu.memory_space<vmem>>, vector<16xi32>,
      %mul3A_1136 = arith.constant 128 : i32
      %mul3A_1137 = arith.muli %add3A_991, %mul3A_1136 : i32
      %add3A_1138 = arith.constant 96 : i32
      %add3A_1139 = arith.addi %mul3A_1137, %add3A_1138 : i32
      %get3A_1140 = arith.index_cast %add3A_1139 : i32 to index
      %get3A_1141 = tpu.vector_load %arg8[%get3A_1140] {strides = array<i32>} : memref<10000xi32, #tpu.memory_space<vmem>>, vector<16xi32>,
      %mul3A_1142 = arith.constant 3 : i32
      %mul3A_1143 = vector.broadcast %mul3A_1142 : i32 to vector<16xi32>
      %mul3A_1144 = arith.muli %get3A_1141, %mul3A_1143 : vector<16xi32>
      %swap3A_1145 = arith.index_cast %add3A_991 : i32 to index
      %swap3A_1146 = arith.constant 96 : index
      %swap3A_1147 = tpu.vector_load %arg12[%swap3A_1145, %swap3A_1146] {strides = array<i32>} : memref<80x128xi32, #tpu.memory_space<vmem>>, vector<16xi32>,
      tpu.vector_store %arg12[%swap3A_1145, %swap3A_1146], %mul3A_1144 {strides = array<i32>} : memref<80x128xi32, #tpu.memory_space<vmem>>, vector<16xi32>,
      %add3A_1148 = arith.constant 1 : i32
      %add3A_1149 = vector.broadcast %add3A_1148 : i32 to vector<16xi32>
      %add3A_1150 = arith.addi %mul3A_1144, %add3A_1149 : vector<16xi32>
      %swap3A_1151 = arith.index_cast %add3A_991 : i32 to index
      %swap3A_1152 = arith.constant 96 : index
      %swap3A_1153 = tpu.vector_load %arg13[%swap3A_1151, %swap3A_1152] {strides = array<i32>} : memref<80x128xi32, #tpu.memory_space<vmem>>, vector<16xi32>,
      tpu.vector_store %arg13[%swap3A_1151, %swap3A_1152], %add3A_1150 {strides = array<i32>} : memref<80x128xi32, #tpu.memory_space<vmem>>, vector<16xi32>,
      %add3A_1154 = arith.constant 2 : i32
      %add3A_1155 = vector.broadcast %add3A_1154 : i32 to vector<16xi32>
      %add3A_1156 = arith.addi %mul3A_1144, %add3A_1155 : vector<16xi32>
      %swap3A_1157 = arith.index_cast %add3A_991 : i32 to index
      %swap3A_1158 = arith.constant 96 : index
      %swap3A_1159 = tpu.vector_load %arg14[%swap3A_1157, %swap3A_1158] {strides = array<i32>} : memref<80x128xi32, #tpu.memory_space<vmem>>, vector<16xi32>,
      tpu.vector_store %arg14[%swap3A_1157, %swap3A_1158], %add3A_1156 {strides = array<i32>} : memref<80x128xi32, #tpu.memory_space<vmem>>, vector<16xi32>,
      %mul3A_1160 = arith.constant 128 : i32
      %mul3A_1161 = arith.muli %add3A_991, %mul3A_1160 : i32
      %add3A_1162 = arith.constant 112 : i32
      %add3A_1163 = arith.addi %mul3A_1161, %add3A_1162 : i32
      %get3A_1164 = arith.index_cast %add3A_1163 : i32 to index
      %get3A_1165 = tpu.vector_load %arg8[%get3A_1164] {strides = array<i32>} : memref<10000xi32, #tpu.memory_space<vmem>>, vector<16xi32>,
      %mul3A_1166 = arith.constant 3 : i32
      %mul3A_1167 = vector.broadcast %mul3A_1166 : i32 to vector<16xi32>
      %mul3A_1168 = arith.muli %get3A_1165, %mul3A_1167 : vector<16xi32>
      %swap3A_1169 = arith.index_cast %add3A_991 : i32 to index
      %swap3A_1170 = arith.constant 112 : index
      %swap3A_1171 = tpu.vector_load %arg12[%swap3A_1169, %swap3A_1170] {strides = array<i32>} : memref<80x128xi32, #tpu.memory_space<vmem>>, vector<16xi32>,
      tpu.vector_store %arg12[%swap3A_1169, %swap3A_1170], %mul3A_1168 {strides = array<i32>} : memref<80x128xi32, #tpu.memory_space<vmem>>, vector<16xi32>,
      %add3A_1172 = arith.constant 1 : i32
      %add3A_1173 = vector.broadcast %add3A_1172 : i32 to vector<16xi32>
      %add3A_1174 = arith.addi %mul3A_1168, %add3A_1173 : vector<16xi32>
      %swap3A_1175 = arith.index_cast %add3A_991 : i32 to index
      %swap3A_1176 = arith.constant 112 : index
      %swap3A_1177 = tpu.vector_load %arg13[%swap3A_1175, %swap3A_1176] {strides = array<i32>} : memref<80x128xi32, #tpu.memory_space<vmem>>, vector<16xi32>,
      tpu.vector_store %arg13[%swap3A_1175, %swap3A_1176], %add3A_1174 {strides = array<i32>} : memref<80x128xi32, #tpu.memory_space<vmem>>, vector<16xi32>,
      %add3A_1178 = arith.constant 2 : i32
      %add3A_1179 = vector.broadcast %add3A_1178 : i32 to vector<16xi32>
      %add3A_1180 = arith.addi %mul3A_1168, %add3A_1179 : vector<16xi32>
      %swap3A_1181 = arith.index_cast %add3A_991 : i32 to index
      %swap3A_1182 = arith.constant 112 : index
      %swap3A_1183 = tpu.vector_load %arg14[%swap3A_1181, %swap3A_1182] {strides = array<i32>} : memref<80x128xi32, #tpu.memory_space<vmem>>, vector<16xi32>,
      tpu.vector_store %arg14[%swap3A_1181, %swap3A_1182], %add3A_1180 {strides = array<i32>} : memref<80x128xi32, #tpu.memory_space<vmem>>, vector<16xi32>,
      %scan3A_1184 = arith.constant 2 : i32
      %scan3A_1185 = arith.addi %scan3A_789, %scan3A_1184 : i32
      %mul3A_1186 = arith.constant 1 : i32
      %mul3A_1187 = arith.muli %scan3A_1185, %mul3A_1186 : i32
      %add3A_1188 = arith.constant 0 : i32
      %add3A_1189 = arith.addi %add3A_1188, %mul3A_1187 : i32
      %mul3A_1190 = arith.constant 128 : i32
      %mul3A_1191 = arith.muli %add3A_1189, %mul3A_1190 : i32
      %add3A_1192 = arith.constant 0 : i32
      %add3A_1193 = arith.addi %mul3A_1191, %add3A_1192 : i32
      %get3A_1194 = arith.index_cast %add3A_1193 : i32 to index
      %get3A_1195 = tpu.vector_load %arg8[%get3A_1194] {strides = array<i32>} : memref<10000xi32, #tpu.memory_space<vmem>>, vector<16xi32>,
      %mul3A_1196 = arith.constant 3 : i32
      %mul3A_1197 = vector.broadcast %mul3A_1196 : i32 to vector<16xi32>
      %mul3A_1198 = arith.muli %get3A_1195, %mul3A_1197 : vector<16xi32>
      %swap3A_1199 = arith.index_cast %add3A_1189 : i32 to index
      %swap3A_1200 = arith.constant 0 : index
      %swap3A_1201 = tpu.vector_load %arg12[%swap3A_1199, %swap3A_1200] {strides = array<i32>} : memref<80x128xi32, #tpu.memory_space<vmem>>, vector<16xi32>,
      tpu.vector_store %arg12[%swap3A_1199, %swap3A_1200], %mul3A_1198 {strides = array<i32>} : memref<80x128xi32, #tpu.memory_space<vmem>>, vector<16xi32>,
      %add3A_1202 = arith.constant 1 : i32
      %add3A_1203 = vector.broadcast %add3A_1202 : i32 to vector<16xi32>
      %add3A_1204 = arith.addi %mul3A_1198, %add3A_1203 : vector<16xi32>
      %swap3A_1205 = arith.index_cast %add3A_1189 : i32 to index
      %swap3A_1206 = arith.constant 0 : index
      %swap3A_1207 = tpu.vector_load %arg13[%swap3A_1205, %swap3A_1206] {strides = array<i32>} : memref<80x128xi32, #tpu.memory_space<vmem>>, vector<16xi32>,
      tpu.vector_store %arg13[%swap3A_1205, %swap3A_1206], %add3A_1204 {strides = array<i32>} : memref<80x128xi32, #tpu.memory_space<vmem>>, vector<16xi32>,
      %add3A_1208 = arith.constant 2 : i32
      %add3A_1209 = vector.broadcast %add3A_1208 : i32 to vector<16xi32>
      %add3A_1210 = arith.addi %mul3A_1198, %add3A_1209 : vector<16xi32>
      %swap3A_1211 = arith.index_cast %add3A_1189 : i32 to index
      %swap3A_1212 = arith.constant 0 : index
      %swap3A_1213 = tpu.vector_load %arg14[%swap3A_1211, %swap3A_1212] {strides = array<i32>} : memref<80x128xi32, #tpu.memory_space<vmem>>, vector<16xi32>,
      tpu.vector_store %arg14[%swap3A_1211, %swap3A_1212], %add3A_1210 {strides = array<i32>} : memref<80x128xi32, #tpu.memory_space<vmem>>, vector<16xi32>,
      %mul3A_1214 = arith.constant 128 : i32
      %mul3A_1215 = arith.muli %add3A_1189, %mul3A_1214 : i32
      %add3A_1216 = arith.constant 16 : i32
      %add3A_1217 = arith.addi %mul3A_1215, %add3A_1216 : i32
      %get3A_1218 = arith.index_cast %add3A_1217 : i32 to index
      %get3A_1219 = tpu.vector_load %arg8[%get3A_1218] {strides = array<i32>} : memref<10000xi32, #tpu.memory_space<vmem>>, vector<16xi32>,
      %mul3A_1220 = arith.constant 3 : i32
      %mul3A_1221 = vector.broadcast %mul3A_1220 : i32 to vector<16xi32>
      %mul3A_1222 = arith.muli %get3A_1219, %mul3A_1221 : vector<16xi32>
      %swap3A_1223 = arith.index_cast %add3A_1189 : i32 to index
      %swap3A_1224 = arith.constant 16 : index
      %swap3A_1225 = tpu.vector_load %arg12[%swap3A_1223, %swap3A_1224] {strides = array<i32>} : memref<80x128xi32, #tpu.memory_space<vmem>>, vector<16xi32>,
      tpu.vector_store %arg12[%swap3A_1223, %swap3A_1224], %mul3A_1222 {strides = array<i32>} : memref<80x128xi32, #tpu.memory_space<vmem>>, vector<16xi32>,
      %add3A_1226 = arith.constant 1 : i32
      %add3A_1227 = vector.broadcast %add3A_1226 : i32 to vector<16xi32>
      %add3A_1228 = arith.addi %mul3A_1222, %add3A_1227 : vector<16xi32>
      %swap3A_1229 = arith.index_cast %add3A_1189 : i32 to index
      %swap3A_1230 = arith.constant 16 : index
      %swap3A_1231 = tpu.vector_load %arg13[%swap3A_1229, %swap3A_1230] {strides = array<i32>} : memref<80x128xi32, #tpu.memory_space<vmem>>, vector<16xi32>,
      tpu.vector_store %arg13[%swap3A_1229, %swap3A_1230], %add3A_1228 {strides = array<i32>} : memref<80x128xi32, #tpu.memory_space<vmem>>, vector<16xi32>,
      %add3A_1232 = arith.constant 2 : i32
      %add3A_1233 = vector.broadcast %add3A_1232 : i32 to vector<16xi32>
      %add3A_1234 = arith.addi %mul3A_1222, %add3A_1233 : vector<16xi32>
      %swap3A_1235 = arith.index_cast %add3A_1189 : i32 to index
      %swap3A_1236 = arith.constant 16 : index
      %swap3A_1237 = tpu.vector_load %arg14[%swap3A_1235, %swap3A_1236] {strides = array<i32>} : memref<80x128xi32, #tpu.memory_space<vmem>>, vector<16xi32>,
      tpu.vector_store %arg14[%swap3A_1235, %swap3A_1236], %add3A_1234 {strides = array<i32>} : memref<80x128xi32, #tpu.memory_space<vmem>>, vector<16xi32>,
      %mul3A_1238 = arith.constant 128 : i32
      %mul3A_1239 = arith.muli %add3A_1189, %mul3A_1238 : i32
      %add3A_1240 = arith.constant 32 : i32
      %add3A_1241 = arith.addi %mul3A_1239, %add3A_1240 : i32
      %get3A_1242 = arith.index_cast %add3A_1241 : i32 to index
      %get3A_1243 = tpu.vector_load %arg8[%get3A_1242] {strides = array<i32>} : memref<10000xi32, #tpu.memory_space<vmem>>, vector<16xi32>,
      %mul3A_1244 = arith.constant 3 : i32
      %mul3A_1245 = vector.broadcast %mul3A_1244 : i32 to vector<16xi32>
      %mul3A_1246 = arith.muli %get3A_1243, %mul3A_1245 : vector<16xi32>
      %swap3A_1247 = arith.index_cast %add3A_1189 : i32 to index
      %swap3A_1248 = arith.constant 32 : index
      %swap3A_1249 = tpu.vector_load %arg12[%swap3A_1247, %swap3A_1248] {strides = array<i32>} : memref<80x128xi32, #tpu.memory_space<vmem>>, vector<16xi32>,
      tpu.vector_store %arg12[%swap3A_1247, %swap3A_1248], %mul3A_1246 {strides = array<i32>} : memref<80x128xi32, #tpu.memory_space<vmem>>, vector<16xi32>,
      %add3A_1250 = arith.constant 1 : i32
      %add3A_1251 = vector.broadcast %add3A_1250 : i32 to vector<16xi32>
      %add3A_1252 = arith.addi %mul3A_1246, %add3A_1251 : vector<16xi32>
      %swap3A_1253 = arith.index_cast %add3A_1189 : i32 to index
      %swap3A_1254 = arith.constant 32 : index
      %swap3A_1255 = tpu.vector_load %arg13[%swap3A_1253, %swap3A_1254] {strides = array<i32>} : memref<80x128xi32, #tpu.memory_space<vmem>>, vector<16xi32>,
      tpu.vector_store %arg13[%swap3A_1253, %swap3A_1254], %add3A_1252 {strides = array<i32>} : memref<80x128xi32, #tpu.memory_space<vmem>>, vector<16xi32>,
      %add3A_1256 = arith.constant 2 : i32
      %add3A_1257 = vector.broadcast %add3A_1256 : i32 to vector<16xi32>
      %add3A_1258 = arith.addi %mul3A_1246, %add3A_1257 : vector<16xi32>
      %swap3A_1259 = arith.index_cast %add3A_1189 : i32 to index
      %swap3A_1260 = arith.constant 32 : index
      %swap3A_1261 = tpu.vector_load %arg14[%swap3A_1259, %swap3A_1260] {strides = array<i32>} : memref<80x128xi32, #tpu.memory_space<vmem>>, vector<16xi32>,
      tpu.vector_store %arg14[%swap3A_1259, %swap3A_1260], %add3A_1258 {strides = array<i32>} : memref<80x128xi32, #tpu.memory_space<vmem>>, vector<16xi32>,
      %mul3A_1262 = arith.constant 128 : i32
      %mul3A_1263 = arith.muli %add3A_1189, %mul3A_1262 : i32
      %add3A_1264 = arith.constant 48 : i32
      %add3A_1265 = arith.addi %mul3A_1263, %add3A_1264 : i32
      %get3A_1266 = arith.index_cast %add3A_1265 : i32 to index
      %get3A_1267 = tpu.vector_load %arg8[%get3A_1266] {strides = array<i32>} : memref<10000xi32, #tpu.memory_space<vmem>>, vector<16xi32>,
      %mul3A_1268 = arith.constant 3 : i32
      %mul3A_1269 = vector.broadcast %mul3A_1268 : i32 to vector<16xi32>
      %mul3A_1270 = arith.muli %get3A_1267, %mul3A_1269 : vector<16xi32>
      %swap3A_1271 = arith.index_cast %add3A_1189 : i32 to index
      %swap3A_1272 = arith.constant 48 : index
      %swap3A_1273 = tpu.vector_load %arg12[%swap3A_1271, %swap3A_1272] {strides = array<i32>} : memref<80x128xi32, #tpu.memory_space<vmem>>, vector<16xi32>,
      tpu.vector_store %arg12[%swap3A_1271, %swap3A_1272], %mul3A_1270 {strides = array<i32>} : memref<80x128xi32, #tpu.memory_space<vmem>>, vector<16xi32>,
      %add3A_1274 = arith.constant 1 : i32
      %add3A_1275 = vector.broadcast %add3A_1274 : i32 to vector<16xi32>
      %add3A_1276 = arith.addi %mul3A_1270, %add3A_1275 : vector<16xi32>
      %swap3A_1277 = arith.index_cast %add3A_1189 : i32 to index
      %swap3A_1278 = arith.constant 48 : index
      %swap3A_1279 = tpu.vector_load %arg13[%swap3A_1277, %swap3A_1278] {strides = array<i32>} : memref<80x128xi32, #tpu.memory_space<vmem>>, vector<16xi32>,
      tpu.vector_store %arg13[%swap3A_1277, %swap3A_1278], %add3A_1276 {strides = array<i32>} : memref<80x128xi32, #tpu.memory_space<vmem>>, vector<16xi32>,
      %add3A_1280 = arith.constant 2 : i32
      %add3A_1281 = vector.broadcast %add3A_1280 : i32 to vector<16xi32>
      %add3A_1282 = arith.addi %mul3A_1270, %add3A_1281 : vector<16xi32>
      %swap3A_1283 = arith.index_cast %add3A_1189 : i32 to index
      %swap3A_1284 = arith.constant 48 : index
      %swap3A_1285 = tpu.vector_load %arg14[%swap3A_1283, %swap3A_1284] {strides = array<i32>} : memref<80x128xi32, #tpu.memory_space<vmem>>, vector<16xi32>,
      tpu.vector_store %arg14[%swap3A_1283, %swap3A_1284], %add3A_1282 {strides = array<i32>} : memref<80x128xi32, #tpu.memory_space<vmem>>, vector<16xi32>,
      %mul3A_1286 = arith.constant 128 : i32
      %mul3A_1287 = arith.muli %add3A_1189, %mul3A_1286 : i32
      %add3A_1288 = arith.constant 64 : i32
      %add3A_1289 = arith.addi %mul3A_1287, %add3A_1288 : i32
      %get3A_1290 = arith.index_cast %add3A_1289 : i32 to index
      %get3A_1291 = tpu.vector_load %arg8[%get3A_1290] {strides = array<i32>} : memref<10000xi32, #tpu.memory_space<vmem>>, vector<16xi32>,
      %mul3A_1292 = arith.constant 3 : i32
      %mul3A_1293 = vector.broadcast %mul3A_1292 : i32 to vector<16xi32>
      %mul3A_1294 = arith.muli %get3A_1291, %mul3A_1293 : vector<16xi32>
      %swap3A_1295 = arith.index_cast %add3A_1189 : i32 to index
      %swap3A_1296 = arith.constant 64 : index
      %swap3A_1297 = tpu.vector_load %arg12[%swap3A_1295, %swap3A_1296] {strides = array<i32>} : memref<80x128xi32, #tpu.memory_space<vmem>>, vector<16xi32>,
      tpu.vector_store %arg12[%swap3A_1295, %swap3A_1296], %mul3A_1294 {strides = array<i32>} : memref<80x128xi32, #tpu.memory_space<vmem>>, vector<16xi32>,
      %add3A_1298 = arith.constant 1 : i32
      %add3A_1299 = vector.broadcast %add3A_1298 : i32 to vector<16xi32>
      %add3A_1300 = arith.addi %mul3A_1294, %add3A_1299 : vector<16xi32>
      %swap3A_1301 = arith.index_cast %add3A_1189 : i32 to index
      %swap3A_1302 = arith.constant 64 : index
      %swap3A_1303 = tpu.vector_load %arg13[%swap3A_1301, %swap3A_1302] {strides = array<i32>} : memref<80x128xi32, #tpu.memory_space<vmem>>, vector<16xi32>,
      tpu.vector_store %arg13[%swap3A_1301, %swap3A_1302], %add3A_1300 {strides = array<i32>} : memref<80x128xi32, #tpu.memory_space<vmem>>, vector<16xi32>,
      %add3A_1304 = arith.constant 2 : i32
      %add3A_1305 = vector.broadcast %add3A_1304 : i32 to vector<16xi32>
      %add3A_1306 = arith.addi %mul3A_1294, %add3A_1305 : vector<16xi32>
      %swap3A_1307 = arith.index_cast %add3A_1189 : i32 to index
      %swap3A_1308 = arith.constant 64 : index
      %swap3A_1309 = tpu.vector_load %arg14[%swap3A_1307, %swap3A_1308] {strides = array<i32>} : memref<80x128xi32, #tpu.memory_space<vmem>>, vector<16xi32>,
      tpu.vector_store %arg14[%swap3A_1307, %swap3A_1308], %add3A_1306 {strides = array<i32>} : memref<80x128xi32, #tpu.memory_space<vmem>>, vector<16xi32>,
      %mul3A_1310 = arith.constant 128 : i32
      %mul3A_1311 = arith.muli %add3A_1189, %mul3A_1310 : i32
      %add3A_1312 = arith.constant 80 : i32
      %add3A_1313 = arith.addi %mul3A_1311, %add3A_1312 : i32
      %get3A_1314 = arith.index_cast %add3A_1313 : i32 to index
      %get3A_1315 = tpu.vector_load %arg8[%get3A_1314] {strides = array<i32>} : memref<10000xi32, #tpu.memory_space<vmem>>, vector<16xi32>,
      %mul3A_1316 = arith.constant 3 : i32
      %mul3A_1317 = vector.broadcast %mul3A_1316 : i32 to vector<16xi32>
      %mul3A_1318 = arith.muli %get3A_1315, %mul3A_1317 : vector<16xi32>
      %swap3A_1319 = arith.index_cast %add3A_1189 : i32 to index
      %swap3A_1320 = arith.constant 80 : index
      %swap3A_1321 = tpu.vector_load %arg12[%swap3A_1319, %swap3A_1320] {strides = array<i32>} : memref<80x128xi32, #tpu.memory_space<vmem>>, vector<16xi32>,
      tpu.vector_store %arg12[%swap3A_1319, %swap3A_1320], %mul3A_1318 {strides = array<i32>} : memref<80x128xi32, #tpu.memory_space<vmem>>, vector<16xi32>,
      %add3A_1322 = arith.constant 1 : i32
      %add3A_1323 = vector.broadcast %add3A_1322 : i32 to vector<16xi32>
      %add3A_1324 = arith.addi %mul3A_1318, %add3A_1323 : vector<16xi32>
      %swap3A_1325 = arith.index_cast %add3A_1189 : i32 to index
      %swap3A_1326 = arith.constant 80 : index
      %swap3A_1327 = tpu.vector_load %arg13[%swap3A_1325, %swap3A_1326] {strides = array<i32>} : memref<80x128xi32, #tpu.memory_space<vmem>>, vector<16xi32>,
      tpu.vector_store %arg13[%swap3A_1325, %swap3A_1326], %add3A_1324 {strides = array<i32>} : memref<80x128xi32, #tpu.memory_space<vmem>>, vector<16xi32>,
      %add3A_1328 = arith.constant 2 : i32
      %add3A_1329 = vector.broadcast %add3A_1328 : i32 to vector<16xi32>
      %add3A_1330 = arith.addi %mul3A_1318, %add3A_1329 : vector<16xi32>
      %swap3A_1331 = arith.index_cast %add3A_1189 : i32 to index
      %swap3A_1332 = arith.constant 80 : index
      %swap3A_1333 = tpu.vector_load %arg14[%swap3A_1331, %swap3A_1332] {strides = array<i32>} : memref<80x128xi32, #tpu.memory_space<vmem>>, vector<16xi32>,
      tpu.vector_store %arg14[%swap3A_1331, %swap3A_1332], %add3A_1330 {strides = array<i32>} : memref<80x128xi32, #tpu.memory_space<vmem>>, vector<16xi32>,
      %mul3A_1334 = arith.constant 128 : i32
      %mul3A_1335 = arith.muli %add3A_1189, %mul3A_1334 : i32
      %add3A_1336 = arith.constant 96 : i32
      %add3A_1337 = arith.addi %mul3A_1335, %add3A_1336 : i32
      %get3A_1338 = arith.index_cast %add3A_1337 : i32 to index
      %get3A_1339 = tpu.vector_load %arg8[%get3A_1338] {strides = array<i32>} : memref<10000xi32, #tpu.memory_space<vmem>>, vector<16xi32>,
      %mul3A_1340 = arith.constant 3 : i32
      %mul3A_1341 = vector.broadcast %mul3A_1340 : i32 to vector<16xi32>
      %mul3A_1342 = arith.muli %get3A_1339, %mul3A_1341 : vector<16xi32>
      %swap3A_1343 = arith.index_cast %add3A_1189 : i32 to index
      %swap3A_1344 = arith.constant 96 : index
      %swap3A_1345 = tpu.vector_load %arg12[%swap3A_1343, %swap3A_1344] {strides = array<i32>} : memref<80x128xi32, #tpu.memory_space<vmem>>, vector<16xi32>,
      tpu.vector_store %arg12[%swap3A_1343, %swap3A_1344], %mul3A_1342 {strides = array<i32>} : memref<80x128xi32, #tpu.memory_space<vmem>>, vector<16xi32>,
      %add3A_1346 = arith.constant 1 : i32
      %add3A_1347 = vector.broadcast %add3A_1346 : i32 to vector<16xi32>
      %add3A_1348 = arith.addi %mul3A_1342, %add3A_1347 : vector<16xi32>
      %swap3A_1349 = arith.index_cast %add3A_1189 : i32 to index
      %swap3A_1350 = arith.constant 96 : index
      %swap3A_1351 = tpu.vector_load %arg13[%swap3A_1349, %swap3A_1350] {strides = array<i32>} : memref<80x128xi32, #tpu.memory_space<vmem>>, vector<16xi32>,
      tpu.vector_store %arg13[%swap3A_1349, %swap3A_1350], %add3A_1348 {strides = array<i32>} : memref<80x128xi32, #tpu.memory_space<vmem>>, vector<16xi32>,
      %add3A_1352 = arith.constant 2 : i32
      %add3A_1353 = vector.broadcast %add3A_1352 : i32 to vector<16xi32>
      %add3A_1354 = arith.addi %mul3A_1342, %add3A_1353 : vector<16xi32>
      %swap3A_1355 = arith.index_cast %add3A_1189 : i32 to index
      %swap3A_1356 = arith.constant 96 : index
      %swap3A_1357 = tpu.vector_load %arg14[%swap3A_1355, %swap3A_1356] {strides = array<i32>} : memref<80x128xi32, #tpu.memory_space<vmem>>, vector<16xi32>,
      tpu.vector_store %arg14[%swap3A_1355, %swap3A_1356], %add3A_1354 {strides = array<i32>} : memref<80x128xi32, #tpu.memory_space<vmem>>, vector<16xi32>,
      %mul3A_1358 = arith.constant 128 : i32
      %mul3A_1359 = arith.muli %add3A_1189, %mul3A_1358 : i32
      %add3A_1360 = arith.constant 112 : i32
      %add3A_1361 = arith.addi %mul3A_1359, %add3A_1360 : i32
      %get3A_1362 = arith.index_cast %add3A_1361 : i32 to index
      %get3A_1363 = tpu.vector_load %arg8[%get3A_1362] {strides = array<i32>} : memref<10000xi32, #tpu.memory_space<vmem>>, vector<16xi32>,
      %mul3A_1364 = arith.constant 3 : i32
      %mul3A_1365 = vector.broadcast %mul3A_1364 : i32 to vector<16xi32>
      %mul3A_1366 = arith.muli %get3A_1363, %mul3A_1365 : vector<16xi32>
      %swap3A_1367 = arith.index_cast %add3A_1189 : i32 to index
      %swap3A_1368 = arith.constant 112 : index
      %swap3A_1369 = tpu.vector_load %arg12[%swap3A_1367, %swap3A_1368] {strides = array<i32>} : memref<80x128xi32, #tpu.memory_space<vmem>>, vector<16xi32>,
      tpu.vector_store %arg12[%swap3A_1367, %swap3A_1368], %mul3A_1366 {strides = array<i32>} : memref<80x128xi32, #tpu.memory_space<vmem>>, vector<16xi32>,
      %add3A_1370 = arith.constant 1 : i32
      %add3A_1371 = vector.broadcast %add3A_1370 : i32 to vector<16xi32>
      %add3A_1372 = arith.addi %mul3A_1366, %add3A_1371 : vector<16xi32>
      %swap3A_1373 = arith.index_cast %add3A_1189 : i32 to index
      %swap3A_1374 = arith.constant 112 : index
      %swap3A_1375 = tpu.vector_load %arg13[%swap3A_1373, %swap3A_1374] {strides = array<i32>} : memref<80x128xi32, #tpu.memory_space<vmem>>, vector<16xi32>,
      tpu.vector_store %arg13[%swap3A_1373, %swap3A_1374], %add3A_1372 {strides = array<i32>} : memref<80x128xi32, #tpu.memory_space<vmem>>, vector<16xi32>,
      %add3A_1376 = arith.constant 2 : i32
      %add3A_1377 = vector.broadcast %add3A_1376 : i32 to vector<16xi32>
      %add3A_1378 = arith.addi %mul3A_1366, %add3A_1377 : vector<16xi32>
      %swap3A_1379 = arith.index_cast %add3A_1189 : i32 to index
      %swap3A_1380 = arith.constant 112 : index
      %swap3A_1381 = tpu.vector_load %arg14[%swap3A_1379, %swap3A_1380] {strides = array<i32>} : memref<80x128xi32, #tpu.memory_space<vmem>>, vector<16xi32>,
      tpu.vector_store %arg14[%swap3A_1379, %swap3A_1380], %add3A_1378 {strides = array<i32>} : memref<80x128xi32, #tpu.memory_space<vmem>>, vector<16xi32>,
      %scan3A_1382 = arith.constant 3 : i32
      %scan3A_1383 = arith.addi %scan3A_789, %scan3A_1382 : i32
      %mul3A_1384 = arith.constant 1 : i32
      %mul3A_1385 = arith.muli %scan3A_1383, %mul3A_1384 : i32
      %add3A_1386 = arith.constant 0 : i32
      %add3A_1387 = arith.addi %add3A_1386, %mul3A_1385 : i32
      %mul3A_1388 = arith.constant 128 : i32
      %mul3A_1389 = arith.muli %add3A_1387, %mul3A_1388 : i32
      %add3A_1390 = arith.constant 0 : i32
      %add3A_1391 = arith.addi %mul3A_1389, %add3A_1390 : i32
      %get3A_1392 = arith.index_cast %add3A_1391 : i32 to index
      %get3A_1393 = tpu.vector_load %arg8[%get3A_1392] {strides = array<i32>} : memref<10000xi32, #tpu.memory_space<vmem>>, vector<16xi32>,
      %mul3A_1394 = arith.constant 3 : i32
      %mul3A_1395 = vector.broadcast %mul3A_1394 : i32 to vector<16xi32>
      %mul3A_1396 = arith.muli %get3A_1393, %mul3A_1395 : vector<16xi32>
      %swap3A_1397 = arith.index_cast %add3A_1387 : i32 to index
      %swap3A_1398 = arith.constant 0 : index
      %swap3A_1399 = tpu.vector_load %arg12[%swap3A_1397, %swap3A_1398] {strides = array<i32>} : memref<80x128xi32, #tpu.memory_space<vmem>>, vector<16xi32>,
      tpu.vector_store %arg12[%swap3A_1397, %swap3A_1398], %mul3A_1396 {strides = array<i32>} : memref<80x128xi32, #tpu.memory_space<vmem>>, vector<16xi32>,
      %add3A_1400 = arith.constant 1 : i32
      %add3A_1401 = vector.broadcast %add3A_1400 : i32 to vector<16xi32>
      %add3A_1402 = arith.addi %mul3A_1396, %add3A_1401 : vector<16xi32>
      %swap3A_1403 = arith.index_cast %add3A_1387 : i32 to index
      %swap3A_1404 = arith.constant 0 : index
      %swap3A_1405 = tpu.vector_load %arg13[%swap3A_1403, %swap3A_1404] {strides = array<i32>} : memref<80x128xi32, #tpu.memory_space<vmem>>, vector<16xi32>,
      tpu.vector_store %arg13[%swap3A_1403, %swap3A_1404], %add3A_1402 {strides = array<i32>} : memref<80x128xi32, #tpu.memory_space<vmem>>, vector<16xi32>,
      %add3A_1406 = arith.constant 2 : i32
      %add3A_1407 = vector.broadcast %add3A_1406 : i32 to vector<16xi32>
      %add3A_1408 = arith.addi %mul3A_1396, %add3A_1407 : vector<16xi32>
      %swap3A_1409 = arith.index_cast %add3A_1387 : i32 to index
      %swap3A_1410 = arith.constant 0 : index
      %swap3A_1411 = tpu.vector_load %arg14[%swap3A_1409, %swap3A_1410] {strides = array<i32>} : memref<80x128xi32, #tpu.memory_space<vmem>>, vector<16xi32>,
      tpu.vector_store %arg14[%swap3A_1409, %swap3A_1410], %add3A_1408 {strides = array<i32>} : memref<80x128xi32, #tpu.memory_space<vmem>>, vector<16xi32>,
      %mul3A_1412 = arith.constant 128 : i32
      %mul3A_1413 = arith.muli %add3A_1387, %mul3A_1412 : i32
      %add3A_1414 = arith.constant 16 : i32
      %add3A_1415 = arith.addi %mul3A_1413, %add3A_1414 : i32
      %get3A_1416 = arith.index_cast %add3A_1415 : i32 to index
      %get3A_1417 = tpu.vector_load %arg8[%get3A_1416] {strides = array<i32>} : memref<10000xi32, #tpu.memory_space<vmem>>, vector<16xi32>,
      %mul3A_1418 = arith.constant 3 : i32
      %mul3A_1419 = vector.broadcast %mul3A_1418 : i32 to vector<16xi32>
      %mul3A_1420 = arith.muli %get3A_1417, %mul3A_1419 : vector<16xi32>
      %swap3A_1421 = arith.index_cast %add3A_1387 : i32 to index
      %swap3A_1422 = arith.constant 16 : index
      %swap3A_1423 = tpu.vector_load %arg12[%swap3A_1421, %swap3A_1422] {strides = array<i32>} : memref<80x128xi32, #tpu.memory_space<vmem>>, vector<16xi32>,
      tpu.vector_store %arg12[%swap3A_1421, %swap3A_1422], %mul3A_1420 {strides = array<i32>} : memref<80x128xi32, #tpu.memory_space<vmem>>, vector<16xi32>,
      %add3A_1424 = arith.constant 1 : i32
      %add3A_1425 = vector.broadcast %add3A_1424 : i32 to vector<16xi32>
      %add3A_1426 = arith.addi %mul3A_1420, %add3A_1425 : vector<16xi32>
      %swap3A_1427 = arith.index_cast %add3A_1387 : i32 to index
      %swap3A_1428 = arith.constant 16 : index
      %swap3A_1429 = tpu.vector_load %arg13[%swap3A_1427, %swap3A_1428] {strides = array<i32>} : memref<80x128xi32, #tpu.memory_space<vmem>>, vector<16xi32>,
      tpu.vector_store %arg13[%swap3A_1427, %swap3A_1428], %add3A_1426 {strides = array<i32>} : memref<80x128xi32, #tpu.memory_space<vmem>>, vector<16xi32>,
      %add3A_1430 = arith.constant 2 : i32
      %add3A_1431 = vector.broadcast %add3A_1430 : i32 to vector<16xi32>
      %add3A_1432 = arith.addi %mul3A_1420, %add3A_1431 : vector<16xi32>
      %swap3A_1433 = arith.index_cast %add3A_1387 : i32 to index
      %swap3A_1434 = arith.constant 16 : index
      %swap3A_1435 = tpu.vector_load %arg14[%swap3A_1433, %swap3A_1434] {strides = array<i32>} : memref<80x128xi32, #tpu.memory_space<vmem>>, vector<16xi32>,
      tpu.vector_store %arg14[%swap3A_1433, %swap3A_1434], %add3A_1432 {strides = array<i32>} : memref<80x128xi32, #tpu.memory_space<vmem>>, vector<16xi32>,
      %mul3A_1436 = arith.constant 128 : i32
      %mul3A_1437 = arith.muli %add3A_1387, %mul3A_1436 : i32
      %add3A_1438 = arith.constant 32 : i32
      %add3A_1439 = arith.addi %mul3A_1437, %add3A_1438 : i32
      %get3A_1440 = arith.index_cast %add3A_1439 : i32 to index
      %get3A_1441 = tpu.vector_load %arg8[%get3A_1440] {strides = array<i32>} : memref<10000xi32, #tpu.memory_space<vmem>>, vector<16xi32>,
      %mul3A_1442 = arith.constant 3 : i32
      %mul3A_1443 = vector.broadcast %mul3A_1442 : i32 to vector<16xi32>
      %mul3A_1444 = arith.muli %get3A_1441, %mul3A_1443 : vector<16xi32>
      %swap3A_1445 = arith.index_cast %add3A_1387 : i32 to index
      %swap3A_1446 = arith.constant 32 : index
      %swap3A_1447 = tpu.vector_load %arg12[%swap3A_1445, %swap3A_1446] {strides = array<i32>} : memref<80x128xi32, #tpu.memory_space<vmem>>, vector<16xi32>,
      tpu.vector_store %arg12[%swap3A_1445, %swap3A_1446], %mul3A_1444 {strides = array<i32>} : memref<80x128xi32, #tpu.memory_space<vmem>>, vector<16xi32>,
      %add3A_1448 = arith.constant 1 : i32
      %add3A_1449 = vector.broadcast %add3A_1448 : i32 to vector<16xi32>
      %add3A_1450 = arith.addi %mul3A_1444, %add3A_1449 : vector<16xi32>
      %swap3A_1451 = arith.index_cast %add3A_1387 : i32 to index
      %swap3A_1452 = arith.constant 32 : index
      %swap3A_1453 = tpu.vector_load %arg13[%swap3A_1451, %swap3A_1452] {strides = array<i32>} : memref<80x128xi32, #tpu.memory_space<vmem>>, vector<16xi32>,
      tpu.vector_store %arg13[%swap3A_1451, %swap3A_1452], %add3A_1450 {strides = array<i32>} : memref<80x128xi32, #tpu.memory_space<vmem>>, vector<16xi32>,
      %add3A_1454 = arith.constant 2 : i32
      %add3A_1455 = vector.broadcast %add3A_1454 : i32 to vector<16xi32>
      %add3A_1456 = arith.addi %mul3A_1444, %add3A_1455 : vector<16xi32>
      %swap3A_1457 = arith.index_cast %add3A_1387 : i32 to index
      %swap3A_1458 = arith.constant 32 : index
      %swap3A_1459 = tpu.vector_load %arg14[%swap3A_1457, %swap3A_1458] {strides = array<i32>} : memref<80x128xi32, #tpu.memory_space<vmem>>, vector<16xi32>,
      tpu.vector_store %arg14[%swap3A_1457, %swap3A_1458], %add3A_1456 {strides = array<i32>} : memref<80x128xi32, #tpu.memory_space<vmem>>, vector<16xi32>,
      %mul3A_1460 = arith.constant 128 : i32
      %mul3A_1461 = arith.muli %add3A_1387, %mul3A_1460 : i32
      %add3A_1462 = arith.constant 48 : i32
      %add3A_1463 = arith.addi %mul3A_1461, %add3A_1462 : i32
      %get3A_1464 = arith.index_cast %add3A_1463 : i32 to index
      %get3A_1465 = tpu.vector_load %arg8[%get3A_1464] {strides = array<i32>} : memref<10000xi32, #tpu.memory_space<vmem>>, vector<16xi32>,
      %mul3A_1466 = arith.constant 3 : i32
      %mul3A_1467 = vector.broadcast %mul3A_1466 : i32 to vector<16xi32>
      %mul3A_1468 = arith.muli %get3A_1465, %mul3A_1467 : vector<16xi32>
      %swap3A_1469 = arith.index_cast %add3A_1387 : i32 to index
      %swap3A_1470 = arith.constant 48 : index
      %swap3A_1471 = tpu.vector_load %arg12[%swap3A_1469, %swap3A_1470] {strides = array<i32>} : memref<80x128xi32, #tpu.memory_space<vmem>>, vector<16xi32>,
      tpu.vector_store %arg12[%swap3A_1469, %swap3A_1470], %mul3A_1468 {strides = array<i32>} : memref<80x128xi32, #tpu.memory_space<vmem>>, vector<16xi32>,
      %add3A_1472 = arith.constant 1 : i32
      %add3A_1473 = vector.broadcast %add3A_1472 : i32 to vector<16xi32>
      %add3A_1474 = arith.addi %mul3A_1468, %add3A_1473 : vector<16xi32>
      %swap3A_1475 = arith.index_cast %add3A_1387 : i32 to index
      %swap3A_1476 = arith.constant 48 : index
      %swap3A_1477 = tpu.vector_load %arg13[%swap3A_1475, %swap3A_1476] {strides = array<i32>} : memref<80x128xi32, #tpu.memory_space<vmem>>, vector<16xi32>,
      tpu.vector_store %arg13[%swap3A_1475, %swap3A_1476], %add3A_1474 {strides = array<i32>} : memref<80x128xi32, #tpu.memory_space<vmem>>, vector<16xi32>,
      %add3A_1478 = arith.constant 2 : i32
      %add3A_1479 = vector.broadcast %add3A_1478 : i32 to vector<16xi32>
      %add3A_1480 = arith.addi %mul3A_1468, %add3A_1479 : vector<16xi32>
      %swap3A_1481 = arith.index_cast %add3A_1387 : i32 to index
      %swap3A_1482 = arith.constant 48 : index
      %swap3A_1483 = tpu.vector_load %arg14[%swap3A_1481, %swap3A_1482] {strides = array<i32>} : memref<80x128xi32, #tpu.memory_space<vmem>>, vector<16xi32>,
      tpu.vector_store %arg14[%swap3A_1481, %swap3A_1482], %add3A_1480 {strides = array<i32>} : memref<80x128xi32, #tpu.memory_space<vmem>>, vector<16xi32>,
      %mul3A_1484 = arith.constant 128 : i32
      %mul3A_1485 = arith.muli %add3A_1387, %mul3A_1484 : i32
      %add3A_1486 = arith.constant 64 : i32
      %add3A_1487 = arith.addi %mul3A_1485, %add3A_1486 : i32
      %get3A_1488 = arith.index_cast %add3A_1487 : i32 to index
      %get3A_1489 = tpu.vector_load %arg8[%get3A_1488] {strides = array<i32>} : memref<10000xi32, #tpu.memory_space<vmem>>, vector<16xi32>,
      %mul3A_1490 = arith.constant 3 : i32
      %mul3A_1491 = vector.broadcast %mul3A_1490 : i32 to vector<16xi32>
      %mul3A_1492 = arith.muli %get3A_1489, %mul3A_1491 : vector<16xi32>
      %swap3A_1493 = arith.index_cast %add3A_1387 : i32 to index
      %swap3A_1494 = arith.constant 64 : index
      %swap3A_1495 = tpu.vector_load %arg12[%swap3A_1493, %swap3A_1494] {strides = array<i32>} : memref<80x128xi32, #tpu.memory_space<vmem>>, vector<16xi32>,
      tpu.vector_store %arg12[%swap3A_1493, %swap3A_1494], %mul3A_1492 {strides = array<i32>} : memref<80x128xi32, #tpu.memory_space<vmem>>, vector<16xi32>,
      %add3A_1496 = arith.constant 1 : i32
      %add3A_1497 = vector.broadcast %add3A_1496 : i32 to vector<16xi32>
      %add3A_1498 = arith.addi %mul3A_1492, %add3A_1497 : vector<16xi32>
      %swap3A_1499 = arith.index_cast %add3A_1387 : i32 to index
      %swap3A_1500 = arith.constant 64 : index
      %swap3A_1501 = tpu.vector_load %arg13[%swap3A_1499, %swap3A_1500] {strides = array<i32>} : memref<80x128xi32, #tpu.memory_space<vmem>>, vector<16xi32>,
      tpu.vector_store %arg13[%swap3A_1499, %swap3A_1500], %add3A_1498 {strides = array<i32>} : memref<80x128xi32, #tpu.memory_space<vmem>>, vector<16xi32>,
      %add3A_1502 = arith.constant 2 : i32
      %add3A_1503 = vector.broadcast %add3A_1502 : i32 to vector<16xi32>
      %add3A_1504 = arith.addi %mul3A_1492, %add3A_1503 : vector<16xi32>
      %swap3A_1505 = arith.index_cast %add3A_1387 : i32 to index
      %swap3A_1506 = arith.constant 64 : index
      %swap3A_1507 = tpu.vector_load %arg14[%swap3A_1505, %swap3A_1506] {strides = array<i32>} : memref<80x128xi32, #tpu.memory_space<vmem>>, vector<16xi32>,
      tpu.vector_store %arg14[%swap3A_1505, %swap3A_1506], %add3A_1504 {strides = array<i32>} : memref<80x128xi32, #tpu.memory_space<vmem>>, vector<16xi32>,
      %mul3A_1508 = arith.constant 128 : i32
      %mul3A_1509 = arith.muli %add3A_1387, %mul3A_1508 : i32
      %add3A_1510 = arith.constant 80 : i32
      %add3A_1511 = arith.addi %mul3A_1509, %add3A_1510 : i32
      %get3A_1512 = arith.index_cast %add3A_1511 : i32 to index
      %get3A_1513 = tpu.vector_load %arg8[%get3A_1512] {strides = array<i32>} : memref<10000xi32, #tpu.memory_space<vmem>>, vector<16xi32>,
      %mul3A_1514 = arith.constant 3 : i32
      %mul3A_1515 = vector.broadcast %mul3A_1514 : i32 to vector<16xi32>
      %mul3A_1516 = arith.muli %get3A_1513, %mul3A_1515 : vector<16xi32>
      %swap3A_1517 = arith.index_cast %add3A_1387 : i32 to index
      %swap3A_1518 = arith.constant 80 : index
      %swap3A_1519 = tpu.vector_load %arg12[%swap3A_1517, %swap3A_1518] {strides = array<i32>} : memref<80x128xi32, #tpu.memory_space<vmem>>, vector<16xi32>,
      tpu.vector_store %arg12[%swap3A_1517, %swap3A_1518], %mul3A_1516 {strides = array<i32>} : memref<80x128xi32, #tpu.memory_space<vmem>>, vector<16xi32>,
      %add3A_1520 = arith.constant 1 : i32
      %add3A_1521 = vector.broadcast %add3A_1520 : i32 to vector<16xi32>
      %add3A_1522 = arith.addi %mul3A_1516, %add3A_1521 : vector<16xi32>
      %swap3A_1523 = arith.index_cast %add3A_1387 : i32 to index
      %swap3A_1524 = arith.constant 80 : index
      %swap3A_1525 = tpu.vector_load %arg13[%swap3A_1523, %swap3A_1524] {strides = array<i32>} : memref<80x128xi32, #tpu.memory_space<vmem>>, vector<16xi32>,
      tpu.vector_store %arg13[%swap3A_1523, %swap3A_1524], %add3A_1522 {strides = array<i32>} : memref<80x128xi32, #tpu.memory_space<vmem>>, vector<16xi32>,
      %add3A_1526 = arith.constant 2 : i32
      %add3A_1527 = vector.broadcast %add3A_1526 : i32 to vector<16xi32>
      %add3A_1528 = arith.addi %mul3A_1516, %add3A_1527 : vector<16xi32>
      %swap3A_1529 = arith.index_cast %add3A_1387 : i32 to index
      %swap3A_1530 = arith.constant 80 : index
      %swap3A_1531 = tpu.vector_load %arg14[%swap3A_1529, %swap3A_1530] {strides = array<i32>} : memref<80x128xi32, #tpu.memory_space<vmem>>, vector<16xi32>,
      tpu.vector_store %arg14[%swap3A_1529, %swap3A_1530], %add3A_1528 {strides = array<i32>} : memref<80x128xi32, #tpu.memory_space<vmem>>, vector<16xi32>,
      %mul3A_1532 = arith.constant 128 : i32
      %mul3A_1533 = arith.muli %add3A_1387, %mul3A_1532 : i32
      %add3A_1534 = arith.constant 96 : i32
      %add3A_1535 = arith.addi %mul3A_1533, %add3A_1534 : i32
      %get3A_1536 = arith.index_cast %add3A_1535 : i32 to index
      %get3A_1537 = tpu.vector_load %arg8[%get3A_1536] {strides = array<i32>} : memref<10000xi32, #tpu.memory_space<vmem>>, vector<16xi32>,
      %mul3A_1538 = arith.constant 3 : i32
      %mul3A_1539 = vector.broadcast %mul3A_1538 : i32 to vector<16xi32>
      %mul3A_1540 = arith.muli %get3A_1537, %mul3A_1539 : vector<16xi32>
      %swap3A_1541 = arith.index_cast %add3A_1387 : i32 to index
      %swap3A_1542 = arith.constant 96 : index
      %swap3A_1543 = tpu.vector_load %arg12[%swap3A_1541, %swap3A_1542] {strides = array<i32>} : memref<80x128xi32, #tpu.memory_space<vmem>>, vector<16xi32>,
      tpu.vector_store %arg12[%swap3A_1541, %swap3A_1542], %mul3A_1540 {strides = array<i32>} : memref<80x128xi32, #tpu.memory_space<vmem>>, vector<16xi32>,
      %add3A_1544 = arith.constant 1 : i32
      %add3A_1545 = vector.broadcast %add3A_1544 : i32 to vector<16xi32>
      %add3A_1546 = arith.addi %mul3A_1540, %add3A_1545 : vector<16xi32>
      %swap3A_1547 = arith.index_cast %add3A_1387 : i32 to index
      %swap3A_1548 = arith.constant 96 : index
      %swap3A_1549 = tpu.vector_load %arg13[%swap3A_1547, %swap3A_1548] {strides = array<i32>} : memref<80x128xi32, #tpu.memory_space<vmem>>, vector<16xi32>,
      tpu.vector_store %arg13[%swap3A_1547, %swap3A_1548], %add3A_1546 {strides = array<i32>} : memref<80x128xi32, #tpu.memory_space<vmem>>, vector<16xi32>,
      %add3A_1550 = arith.constant 2 : i32
      %add3A_1551 = vector.broadcast %add3A_1550 : i32 to vector<16xi32>
      %add3A_1552 = arith.addi %mul3A_1540, %add3A_1551 : vector<16xi32>
      %swap3A_1553 = arith.index_cast %add3A_1387 : i32 to index
      %swap3A_1554 = arith.constant 96 : index
      %swap3A_1555 = tpu.vector_load %arg14[%swap3A_1553, %swap3A_1554] {strides = array<i32>} : memref<80x128xi32, #tpu.memory_space<vmem>>, vector<16xi32>,
      tpu.vector_store %arg14[%swap3A_1553, %swap3A_1554], %add3A_1552 {strides = array<i32>} : memref<80x128xi32, #tpu.memory_space<vmem>>, vector<16xi32>,
      %mul3A_1556 = arith.constant 128 : i32
      %mul3A_1557 = arith.muli %add3A_1387, %mul3A_1556 : i32
      %add3A_1558 = arith.constant 112 : i32
      %add3A_1559 = arith.addi %mul3A_1557, %add3A_1558 : i32
      %get3A_1560 = arith.index_cast %add3A_1559 : i32 to index
      %get3A_1561 = tpu.vector_load %arg8[%get3A_1560] {strides = array<i32>} : memref<10000xi32, #tpu.memory_space<vmem>>, vector<16xi32>,
      %mul3A_1562 = arith.constant 3 : i32
      %mul3A_1563 = vector.broadcast %mul3A_1562 : i32 to vector<16xi32>
      %mul3A_1564 = arith.muli %get3A_1561, %mul3A_1563 : vector<16xi32>
      %swap3A_1565 = arith.index_cast %add3A_1387 : i32 to index
      %swap3A_1566 = arith.constant 112 : index
      %swap3A_1567 = tpu.vector_load %arg12[%swap3A_1565, %swap3A_1566] {strides = array<i32>} : memref<80x128xi32, #tpu.memory_space<vmem>>, vector<16xi32>,
      tpu.vector_store %arg12[%swap3A_1565, %swap3A_1566], %mul3A_1564 {strides = array<i32>} : memref<80x128xi32, #tpu.memory_space<vmem>>, vector<16xi32>,
      %add3A_1568 = arith.constant 1 : i32
      %add3A_1569 = vector.broadcast %add3A_1568 : i32 to vector<16xi32>
      %add3A_1570 = arith.addi %mul3A_1564, %add3A_1569 : vector<16xi32>
      %swap3A_1571 = arith.index_cast %add3A_1387 : i32 to index
      %swap3A_1572 = arith.constant 112 : index
      %swap3A_1573 = tpu.vector_load %arg13[%swap3A_1571, %swap3A_1572] {strides = array<i32>} : memref<80x128xi32, #tpu.memory_space<vmem>>, vector<16xi32>,
      tpu.vector_store %arg13[%swap3A_1571, %swap3A_1572], %add3A_1570 {strides = array<i32>} : memref<80x128xi32, #tpu.memory_space<vmem>>, vector<16xi32>,
      %add3A_1574 = arith.constant 2 : i32
      %add3A_1575 = vector.broadcast %add3A_1574 : i32 to vector<16xi32>
      %add3A_1576 = arith.addi %mul3A_1564, %add3A_1575 : vector<16xi32>
      %swap3A_1577 = arith.index_cast %add3A_1387 : i32 to index
      %swap3A_1578 = arith.constant 112 : index
      %swap3A_1579 = tpu.vector_load %arg14[%swap3A_1577, %swap3A_1578] {strides = array<i32>} : memref<80x128xi32, #tpu.memory_space<vmem>>, vector<16xi32>,
      tpu.vector_store %arg14[%swap3A_1577, %swap3A_1578], %add3A_1576 {strides = array<i32>} : memref<80x128xi32, #tpu.memory_space<vmem>>, vector<16xi32>,
    }
    %scan3A_27 = arith.constant 76 : i32
    %scan3A_28 = arith.addi %scan3A, %scan3A_27 : i32
    %mul3A_29 = arith.constant 1 : i32
    %mul3A_30 = arith.muli %scan3A_28, %mul3A_29 : i32
    %add3A_31 = arith.constant 0 : i32
    %add3A_32 = arith.addi %add3A_31, %mul3A_30 : i32
    %mul3A_33 = arith.constant 128 : i32
    %mul3A_34 = arith.muli %add3A_32, %mul3A_33 : i32
    %add3A_35 = arith.constant 0 : i32
    %add3A_36 = arith.addi %mul3A_34, %add3A_35 : i32
    %get3A = arith.index_cast %add3A_36 : i32 to index
    %get3A_37 = tpu.vector_load %arg8[%get3A] {strides = array<i32>} : memref<10000xi32, #tpu.memory_space<vmem>>, vector<16xi32>,
    %mul3A_38 = arith.constant 3 : i32
    %mul3A_39 = vector.broadcast %mul3A_38 : i32 to vector<16xi32>
    %mul3A_40 = arith.muli %get3A_37, %mul3A_39 : vector<16xi32>
    %swap3A = arith.index_cast %add3A_32 : i32 to index
    %swap3A_41 = arith.constant 0 : index
    %swap3A_42 = tpu.vector_load %arg12[%swap3A, %swap3A_41] {strides = array<i32>} : memref<80x128xi32, #tpu.memory_space<vmem>>, vector<16xi32>,
    tpu.vector_store %arg12[%swap3A, %swap3A_41], %mul3A_40 {strides = array<i32>} : memref<80x128xi32, #tpu.memory_space<vmem>>, vector<16xi32>,
    %add3A_43 = arith.constant 1 : i32
    %add3A_44 = vector.broadcast %add3A_43 : i32 to vector<16xi32>
    %add3A_45 = arith.addi %mul3A_40, %add3A_44 : vector<16xi32>
    %swap3A_46 = arith.index_cast %add3A_32 : i32 to index
    %swap3A_47 = arith.constant 0 : index
    %swap3A_48 = tpu.vector_load %arg13[%swap3A_46, %swap3A_47] {strides = array<i32>} : memref<80x128xi32, #tpu.memory_space<vmem>>, vector<16xi32>,
    tpu.vector_store %arg13[%swap3A_46, %swap3A_47], %add3A_45 {strides = array<i32>} : memref<80x128xi32, #tpu.memory_space<vmem>>, vector<16xi32>,
    %add3A_49 = arith.constant 2 : i32
    %add3A_50 = vector.broadcast %add3A_49 : i32 to vector<16xi32>
    %add3A_51 = arith.addi %mul3A_40, %add3A_50 : vector<16xi32>
    %swap3A_52 = arith.index_cast %add3A_32 : i32 to index
    %swap3A_53 = arith.constant 0 : index
    %swap3A_54 = tpu.vector_load %arg14[%swap3A_52, %swap3A_53] {strides = array<i32>} : memref<80x128xi32, #tpu.memory_space<vmem>>, vector<16xi32>,
    tpu.vector_store %arg14[%swap3A_52, %swap3A_53], %add3A_51 {strides = array<i32>} : memref<80x128xi32, #tpu.memory_space<vmem>>, vector<16xi32>,
    %mul3A_55 = arith.constant 128 : i32
    %mul3A_56 = arith.muli %add3A_32, %mul3A_55 : i32
    %add3A_57 = arith.constant 16 : i32
    %add3A_58 = arith.addi %mul3A_56, %add3A_57 : i32
    %get3A_59 = arith.index_cast %add3A_58 : i32 to index
    %get3A_60 = tpu.vector_load %arg8[%get3A_59] {strides = array<i32>} : memref<10000xi32, #tpu.memory_space<vmem>>, vector<16xi32>,
    %mul3A_61 = arith.constant 3 : i32
    %mul3A_62 = vector.broadcast %mul3A_61 : i32 to vector<16xi32>
    %mul3A_63 = arith.muli %get3A_60, %mul3A_62 : vector<16xi32>
    %swap3A_64 = arith.index_cast %add3A_32 : i32 to index
    %swap3A_65 = arith.constant 16 : index
    %swap3A_66 = tpu.vector_load %arg12[%swap3A_64, %swap3A_65] {strides = array<i32>} : memref<80x128xi32, #tpu.memory_space<vmem>>, vector<16xi32>,
    tpu.vector_store %arg12[%swap3A_64, %swap3A_65], %mul3A_63 {strides = array<i32>} : memref<80x128xi32, #tpu.memory_space<vmem>>, vector<16xi32>,
    %add3A_67 = arith.constant 1 : i32
    %add3A_68 = vector.broadcast %add3A_67 : i32 to vector<16xi32>
    %add3A_69 = arith.addi %mul3A_63, %add3A_68 : vector<16xi32>
    %swap3A_70 = arith.index_cast %add3A_32 : i32 to index
    %swap3A_71 = arith.constant 16 : index
    %swap3A_72 = tpu.vector_load %arg13[%swap3A_70, %swap3A_71] {strides = array<i32>} : memref<80x128xi32, #tpu.memory_space<vmem>>, vector<16xi32>,
    tpu.vector_store %arg13[%swap3A_70, %swap3A_71], %add3A_69 {strides = array<i32>} : memref<80x128xi32, #tpu.memory_space<vmem>>, vector<16xi32>,
    %add3A_73 = arith.constant 2 : i32
    %add3A_74 = vector.broadcast %add3A_73 : i32 to vector<16xi32>
    %add3A_75 = arith.addi %mul3A_63, %add3A_74 : vector<16xi32>
    %swap3A_76 = arith.index_cast %add3A_32 : i32 to index
    %swap3A_77 = arith.constant 16 : index
    %swap3A_78 = tpu.vector_load %arg14[%swap3A_76, %swap3A_77] {strides = array<i32>} : memref<80x128xi32, #tpu.memory_space<vmem>>, vector<16xi32>,
    tpu.vector_store %arg14[%swap3A_76, %swap3A_77], %add3A_75 {strides = array<i32>} : memref<80x128xi32, #tpu.memory_space<vmem>>, vector<16xi32>,
    %mul3A_79 = arith.constant 128 : i32
    %mul3A_80 = arith.muli %add3A_32, %mul3A_79 : i32
    %add3A_81 = arith.constant 32 : i32
    %add3A_82 = arith.addi %mul3A_80, %add3A_81 : i32
    %get3A_83 = arith.index_cast %add3A_82 : i32 to index
    %get3A_84 = tpu.vector_load %arg8[%get3A_83] {strides = array<i32>} : memref<10000xi32, #tpu.memory_space<vmem>>, vector<16xi32>,
    %mul3A_85 = arith.constant 3 : i32
    %mul3A_86 = vector.broadcast %mul3A_85 : i32 to vector<16xi32>
    %mul3A_87 = arith.muli %get3A_84, %mul3A_86 : vector<16xi32>
    %swap3A_88 = arith.index_cast %add3A_32 : i32 to index
    %swap3A_89 = arith.constant 32 : index
    %swap3A_90 = tpu.vector_load %arg12[%swap3A_88, %swap3A_89] {strides = array<i32>} : memref<80x128xi32, #tpu.memory_space<vmem>>, vector<16xi32>,
    tpu.vector_store %arg12[%swap3A_88, %swap3A_89], %mul3A_87 {strides = array<i32>} : memref<80x128xi32, #tpu.memory_space<vmem>>, vector<16xi32>,
    %add3A_91 = arith.constant 1 : i32
    %add3A_92 = vector.broadcast %add3A_91 : i32 to vector<16xi32>
    %add3A_93 = arith.addi %mul3A_87, %add3A_92 : vector<16xi32>
    %swap3A_94 = arith.index_cast %add3A_32 : i32 to index
    %swap3A_95 = arith.constant 32 : index
    %swap3A_96 = tpu.vector_load %arg13[%swap3A_94, %swap3A_95] {strides = array<i32>} : memref<80x128xi32, #tpu.memory_space<vmem>>, vector<16xi32>,
    tpu.vector_store %arg13[%swap3A_94, %swap3A_95], %add3A_93 {strides = array<i32>} : memref<80x128xi32, #tpu.memory_space<vmem>>, vector<16xi32>,
    %add3A_97 = arith.constant 2 : i32
    %add3A_98 = vector.broadcast %add3A_97 : i32 to vector<16xi32>
    %add3A_99 = arith.addi %mul3A_87, %add3A_98 : vector<16xi32>
    %swap3A_100 = arith.index_cast %add3A_32 : i32 to index
    %swap3A_101 = arith.constant 32 : index
    %swap3A_102 = tpu.vector_load %arg14[%swap3A_100, %swap3A_101] {strides = array<i32>} : memref<80x128xi32, #tpu.memory_space<vmem>>, vector<16xi32>,
    tpu.vector_store %arg14[%swap3A_100, %swap3A_101], %add3A_99 {strides = array<i32>} : memref<80x128xi32, #tpu.memory_space<vmem>>, vector<16xi32>,
    %mul3A_103 = arith.constant 128 : i32
    %mul3A_104 = arith.muli %add3A_32, %mul3A_103 : i32
    %add3A_105 = arith.constant 48 : i32
    %add3A_106 = arith.addi %mul3A_104, %add3A_105 : i32
    %get3A_107 = arith.index_cast %add3A_106 : i32 to index
    %get3A_108 = tpu.vector_load %arg8[%get3A_107] {strides = array<i32>} : memref<10000xi32, #tpu.memory_space<vmem>>, vector<16xi32>,
    %mul3A_109 = arith.constant 3 : i32
    %mul3A_110 = vector.broadcast %mul3A_109 : i32 to vector<16xi32>
    %mul3A_111 = arith.muli %get3A_108, %mul3A_110 : vector<16xi32>
    %swap3A_112 = arith.index_cast %add3A_32 : i32 to index
    %swap3A_113 = arith.constant 48 : index
    %swap3A_114 = tpu.vector_load %arg12[%swap3A_112, %swap3A_113] {strides = array<i32>} : memref<80x128xi32, #tpu.memory_space<vmem>>, vector<16xi32>,
    tpu.vector_store %arg12[%swap3A_112, %swap3A_113], %mul3A_111 {strides = array<i32>} : memref<80x128xi32, #tpu.memory_space<vmem>>, vector<16xi32>,
    %add3A_115 = arith.constant 1 : i32
    %add3A_116 = vector.broadcast %add3A_115 : i32 to vector<16xi32>
    %add3A_117 = arith.addi %mul3A_111, %add3A_116 : vector<16xi32>
    %swap3A_118 = arith.index_cast %add3A_32 : i32 to index
    %swap3A_119 = arith.constant 48 : index
    %swap3A_120 = tpu.vector_load %arg13[%swap3A_118, %swap3A_119] {strides = array<i32>} : memref<80x128xi32, #tpu.memory_space<vmem>>, vector<16xi32>,
    tpu.vector_store %arg13[%swap3A_118, %swap3A_119], %add3A_117 {strides = array<i32>} : memref<80x128xi32, #tpu.memory_space<vmem>>, vector<16xi32>,
    %add3A_121 = arith.constant 2 : i32
    %add3A_122 = vector.broadcast %add3A_121 : i32 to vector<16xi32>
    %add3A_123 = arith.addi %mul3A_111, %add3A_122 : vector<16xi32>
    %swap3A_124 = arith.index_cast %add3A_32 : i32 to index
    %swap3A_125 = arith.constant 48 : index
    %swap3A_126 = tpu.vector_load %arg14[%swap3A_124, %swap3A_125] {strides = array<i32>} : memref<80x128xi32, #tpu.memory_space<vmem>>, vector<16xi32>,
    tpu.vector_store %arg14[%swap3A_124, %swap3A_125], %add3A_123 {strides = array<i32>} : memref<80x128xi32, #tpu.memory_space<vmem>>, vector<16xi32>,
    %mul3A_127 = arith.constant 128 : i32
    %mul3A_128 = arith.muli %add3A_32, %mul3A_127 : i32
    %add3A_129 = arith.constant 64 : i32
    %add3A_130 = arith.addi %mul3A_128, %add3A_129 : i32
    %get3A_131 = arith.index_cast %add3A_130 : i32 to index
    %get3A_132 = tpu.vector_load %arg8[%get3A_131] {strides = array<i32>} : memref<10000xi32, #tpu.memory_space<vmem>>, vector<16xi32>,
    %mul3A_133 = arith.constant 3 : i32
    %mul3A_134 = vector.broadcast %mul3A_133 : i32 to vector<16xi32>
    %mul3A_135 = arith.muli %get3A_132, %mul3A_134 : vector<16xi32>
    %swap3A_136 = arith.index_cast %add3A_32 : i32 to index
    %swap3A_137 = arith.constant 64 : index
    %swap3A_138 = tpu.vector_load %arg12[%swap3A_136, %swap3A_137] {strides = array<i32>} : memref<80x128xi32, #tpu.memory_space<vmem>>, vector<16xi32>,
    tpu.vector_store %arg12[%swap3A_136, %swap3A_137], %mul3A_135 {strides = array<i32>} : memref<80x128xi32, #tpu.memory_space<vmem>>, vector<16xi32>,
    %add3A_139 = arith.constant 1 : i32
    %add3A_140 = vector.broadcast %add3A_139 : i32 to vector<16xi32>
    %add3A_141 = arith.addi %mul3A_135, %add3A_140 : vector<16xi32>
    %swap3A_142 = arith.index_cast %add3A_32 : i32 to index
    %swap3A_143 = arith.constant 64 : index
    %swap3A_144 = tpu.vector_load %arg13[%swap3A_142, %swap3A_143] {strides = array<i32>} : memref<80x128xi32, #tpu.memory_space<vmem>>, vector<16xi32>,
    tpu.vector_store %arg13[%swap3A_142, %swap3A_143], %add3A_141 {strides = array<i32>} : memref<80x128xi32, #tpu.memory_space<vmem>>, vector<16xi32>,
    %add3A_145 = arith.constant 2 : i32
    %add3A_146 = vector.broadcast %add3A_145 : i32 to vector<16xi32>
    %add3A_147 = arith.addi %mul3A_135, %add3A_146 : vector<16xi32>
    %swap3A_148 = arith.index_cast %add3A_32 : i32 to index
    %swap3A_149 = arith.constant 64 : index
    %swap3A_150 = tpu.vector_load %arg14[%swap3A_148, %swap3A_149] {strides = array<i32>} : memref<80x128xi32, #tpu.memory_space<vmem>>, vector<16xi32>,
    tpu.vector_store %arg14[%swap3A_148, %swap3A_149], %add3A_147 {strides = array<i32>} : memref<80x128xi32, #tpu.memory_space<vmem>>, vector<16xi32>,
    %mul3A_151 = arith.constant 128 : i32
    %mul3A_152 = arith.muli %add3A_32, %mul3A_151 : i32
    %add3A_153 = arith.constant 80 : i32
    %add3A_154 = arith.addi %mul3A_152, %add3A_153 : i32
    %get3A_155 = arith.index_cast %add3A_154 : i32 to index
    %get3A_156 = tpu.vector_load %arg8[%get3A_155] {strides = array<i32>} : memref<10000xi32, #tpu.memory_space<vmem>>, vector<16xi32>,
    %mul3A_157 = arith.constant 3 : i32
    %mul3A_158 = vector.broadcast %mul3A_157 : i32 to vector<16xi32>
    %mul3A_159 = arith.muli %get3A_156, %mul3A_158 : vector<16xi32>
    %swap3A_160 = arith.index_cast %add3A_32 : i32 to index
    %swap3A_161 = arith.constant 80 : index
    %swap3A_162 = tpu.vector_load %arg12[%swap3A_160, %swap3A_161] {strides = array<i32>} : memref<80x128xi32, #tpu.memory_space<vmem>>, vector<16xi32>,
    tpu.vector_store %arg12[%swap3A_160, %swap3A_161], %mul3A_159 {strides = array<i32>} : memref<80x128xi32, #tpu.memory_space<vmem>>, vector<16xi32>,
    %add3A_163 = arith.constant 1 : i32
    %add3A_164 = vector.broadcast %add3A_163 : i32 to vector<16xi32>
    %add3A_165 = arith.addi %mul3A_159, %add3A_164 : vector<16xi32>
    %swap3A_166 = arith.index_cast %add3A_32 : i32 to index
    %swap3A_167 = arith.constant 80 : index
    %swap3A_168 = tpu.vector_load %arg13[%swap3A_166, %swap3A_167] {strides = array<i32>} : memref<80x128xi32, #tpu.memory_space<vmem>>, vector<16xi32>,
    tpu.vector_store %arg13[%swap3A_166, %swap3A_167], %add3A_165 {strides = array<i32>} : memref<80x128xi32, #tpu.memory_space<vmem>>, vector<16xi32>,
    %add3A_169 = arith.constant 2 : i32
    %add3A_170 = vector.broadcast %add3A_169 : i32 to vector<16xi32>
    %add3A_171 = arith.addi %mul3A_159, %add3A_170 : vector<16xi32>
    %swap3A_172 = arith.index_cast %add3A_32 : i32 to index
    %swap3A_173 = arith.constant 80 : index
    %swap3A_174 = tpu.vector_load %arg14[%swap3A_172, %swap3A_173] {strides = array<i32>} : memref<80x128xi32, #tpu.memory_space<vmem>>, vector<16xi32>,
    tpu.vector_store %arg14[%swap3A_172, %swap3A_173], %add3A_171 {strides = array<i32>} : memref<80x128xi32, #tpu.memory_space<vmem>>, vector<16xi32>,
    %mul3A_175 = arith.constant 128 : i32
    %mul3A_176 = arith.muli %add3A_32, %mul3A_175 : i32
    %add3A_177 = arith.constant 96 : i32
    %add3A_178 = arith.addi %mul3A_176, %add3A_177 : i32
    %get3A_179 = arith.index_cast %add3A_178 : i32 to index
    %get3A_180 = tpu.vector_load %arg8[%get3A_179] {strides = array<i32>} : memref<10000xi32, #tpu.memory_space<vmem>>, vector<16xi32>,
    %mul3A_181 = arith.constant 3 : i32
    %mul3A_182 = vector.broadcast %mul3A_181 : i32 to vector<16xi32>
    %mul3A_183 = arith.muli %get3A_180, %mul3A_182 : vector<16xi32>
    %swap3A_184 = arith.index_cast %add3A_32 : i32 to index
    %swap3A_185 = arith.constant 96 : index
    %swap3A_186 = tpu.vector_load %arg12[%swap3A_184, %swap3A_185] {strides = array<i32>} : memref<80x128xi32, #tpu.memory_space<vmem>>, vector<16xi32>,
    tpu.vector_store %arg12[%swap3A_184, %swap3A_185], %mul3A_183 {strides = array<i32>} : memref<80x128xi32, #tpu.memory_space<vmem>>, vector<16xi32>,
    %add3A_187 = arith.constant 1 : i32
    %add3A_188 = vector.broadcast %add3A_187 : i32 to vector<16xi32>
    %add3A_189 = arith.addi %mul3A_183, %add3A_188 : vector<16xi32>
    %swap3A_190 = arith.index_cast %add3A_32 : i32 to index
    %swap3A_191 = arith.constant 96 : index
    %swap3A_192 = tpu.vector_load %arg13[%swap3A_190, %swap3A_191] {strides = array<i32>} : memref<80x128xi32, #tpu.memory_space<vmem>>, vector<16xi32>,
    tpu.vector_store %arg13[%swap3A_190, %swap3A_191], %add3A_189 {strides = array<i32>} : memref<80x128xi32, #tpu.memory_space<vmem>>, vector<16xi32>,
    %add3A_193 = arith.constant 2 : i32
    %add3A_194 = vector.broadcast %add3A_193 : i32 to vector<16xi32>
    %add3A_195 = arith.addi %mul3A_183, %add3A_194 : vector<16xi32>
    %swap3A_196 = arith.index_cast %add3A_32 : i32 to index
    %swap3A_197 = arith.constant 96 : index
    %swap3A_198 = tpu.vector_load %arg14[%swap3A_196, %swap3A_197] {strides = array<i32>} : memref<80x128xi32, #tpu.memory_space<vmem>>, vector<16xi32>,
    tpu.vector_store %arg14[%swap3A_196, %swap3A_197], %add3A_195 {strides = array<i32>} : memref<80x128xi32, #tpu.memory_space<vmem>>, vector<16xi32>,
    %mul3A_199 = arith.constant 128 : i32
    %mul3A_200 = arith.muli %add3A_32, %mul3A_199 : i32
    %add3A_201 = arith.constant 112 : i32
    %add3A_202 = arith.addi %mul3A_200, %add3A_201 : i32
    %get3A_203 = arith.index_cast %add3A_202 : i32 to index
    %get3A_204 = tpu.vector_load %arg8[%get3A_203] {strides = array<i32>} : memref<10000xi32, #tpu.memory_space<vmem>>, vector<16xi32>,
    %mul3A_205 = arith.constant 3 : i32
    %mul3A_206 = vector.broadcast %mul3A_205 : i32 to vector<16xi32>
    %mul3A_207 = arith.muli %get3A_204, %mul3A_206 : vector<16xi32>
    %swap3A_208 = arith.index_cast %add3A_32 : i32 to index
    %swap3A_209 = arith.constant 112 : index
    %swap3A_210 = tpu.vector_load %arg12[%swap3A_208, %swap3A_209] {strides = array<i32>} : memref<80x128xi32, #tpu.memory_space<vmem>>, vector<16xi32>,
    tpu.vector_store %arg12[%swap3A_208, %swap3A_209], %mul3A_207 {strides = array<i32>} : memref<80x128xi32, #tpu.memory_space<vmem>>, vector<16xi32>,
    %add3A_211 = arith.constant 1 : i32
    %add3A_212 = vector.broadcast %add3A_211 : i32 to vector<16xi32>
    %add3A_213 = arith.addi %mul3A_207, %add3A_212 : vector<16xi32>
    %swap3A_214 = arith.index_cast %add3A_32 : i32 to index
    %swap3A_215 = arith.constant 112 : index
    %swap3A_216 = tpu.vector_load %arg13[%swap3A_214, %swap3A_215] {strides = array<i32>} : memref<80x128xi32, #tpu.memory_space<vmem>>, vector<16xi32>,
    tpu.vector_store %arg13[%swap3A_214, %swap3A_215], %add3A_213 {strides = array<i32>} : memref<80x128xi32, #tpu.memory_space<vmem>>, vector<16xi32>,
    %add3A_217 = arith.constant 2 : i32
    %add3A_218 = vector.broadcast %add3A_217 : i32 to vector<16xi32>
    %add3A_219 = arith.addi %mul3A_207, %add3A_218 : vector<16xi32>
    %swap3A_220 = arith.index_cast %add3A_32 : i32 to index
    %swap3A_221 = arith.constant 112 : index
    %swap3A_222 = tpu.vector_load %arg14[%swap3A_220, %swap3A_221] {strides = array<i32>} : memref<80x128xi32, #tpu.memory_space<vmem>>, vector<16xi32>,
    tpu.vector_store %arg14[%swap3A_220, %swap3A_221], %add3A_219 {strides = array<i32>} : memref<80x128xi32, #tpu.memory_space<vmem>>, vector<16xi32>,
    %scan3A_223 = arith.constant 77 : i32
    %scan3A_224 = arith.addi %scan3A, %scan3A_223 : i32
    %mul3A_225 = arith.constant 1 : i32
    %mul3A_226 = arith.muli %scan3A_224, %mul3A_225 : i32
    %add3A_227 = arith.constant 0 : i32
    %add3A_228 = arith.addi %add3A_227, %mul3A_226 : i32
    %mul3A_229 = arith.constant 128 : i32
    %mul3A_230 = arith.muli %add3A_228, %mul3A_229 : i32
    %add3A_231 = arith.constant 0 : i32
    %add3A_232 = arith.addi %mul3A_230, %add3A_231 : i32
    %get3A_233 = arith.index_cast %add3A_232 : i32 to index
    %get3A_234 = tpu.vector_load %arg8[%get3A_233] {strides = array<i32>} : memref<10000xi32, #tpu.memory_space<vmem>>, vector<16xi32>,
    %mul3A_235 = arith.constant 3 : i32
    %mul3A_236 = vector.broadcast %mul3A_235 : i32 to vector<16xi32>
    %mul3A_237 = arith.muli %get3A_234, %mul3A_236 : vector<16xi32>
    %swap3A_238 = arith.index_cast %add3A_228 : i32 to index
    %swap3A_239 = arith.constant 0 : index
    %swap3A_240 = tpu.vector_load %arg12[%swap3A_238, %swap3A_239] {strides = array<i32>} : memref<80x128xi32, #tpu.memory_space<vmem>>, vector<16xi32>,
    tpu.vector_store %arg12[%swap3A_238, %swap3A_239], %mul3A_237 {strides = array<i32>} : memref<80x128xi32, #tpu.memory_space<vmem>>, vector<16xi32>,
    %add3A_241 = arith.constant 1 : i32
    %add3A_242 = vector.broadcast %add3A_241 : i32 to vector<16xi32>
    %add3A_243 = arith.addi %mul3A_237, %add3A_242 : vector<16xi32>
    %swap3A_244 = arith.index_cast %add3A_228 : i32 to index
    %swap3A_245 = arith.constant 0 : index
    %swap3A_246 = tpu.vector_load %arg13[%swap3A_244, %swap3A_245] {strides = array<i32>} : memref<80x128xi32, #tpu.memory_space<vmem>>, vector<16xi32>,
    tpu.vector_store %arg13[%swap3A_244, %swap3A_245], %add3A_243 {strides = array<i32>} : memref<80x128xi32, #tpu.memory_space<vmem>>, vector<16xi32>,
    %add3A_247 = arith.constant 2 : i32
    %add3A_248 = vector.broadcast %add3A_247 : i32 to vector<16xi32>
    %add3A_249 = arith.addi %mul3A_237, %add3A_248 : vector<16xi32>
    %swap3A_250 = arith.index_cast %add3A_228 : i32 to index
    %swap3A_251 = arith.constant 0 : index
    %swap3A_252 = tpu.vector_load %arg14[%swap3A_250, %swap3A_251] {strides = array<i32>} : memref<80x128xi32, #tpu.memory_space<vmem>>, vector<16xi32>,
    tpu.vector_store %arg14[%swap3A_250, %swap3A_251], %add3A_249 {strides = array<i32>} : memref<80x128xi32, #tpu.memory_space<vmem>>, vector<16xi32>,
    %mul3A_253 = arith.constant 128 : i32
    %mul3A_254 = arith.muli %add3A_228, %mul3A_253 : i32
    %add3A_255 = arith.constant 16 : i32
    %add3A_256 = arith.addi %mul3A_254, %add3A_255 : i32
    %get3A_257 = arith.index_cast %add3A_256 : i32 to index
    %get3A_258 = tpu.vector_load %arg8[%get3A_257] {strides = array<i32>} : memref<10000xi32, #tpu.memory_space<vmem>>, vector<16xi32>,
    %mul3A_259 = arith.constant 3 : i32
    %mul3A_260 = vector.broadcast %mul3A_259 : i32 to vector<16xi32>
    %mul3A_261 = arith.muli %get3A_258, %mul3A_260 : vector<16xi32>
    %swap3A_262 = arith.index_cast %add3A_228 : i32 to index
    %swap3A_263 = arith.constant 16 : index
    %swap3A_264 = tpu.vector_load %arg12[%swap3A_262, %swap3A_263] {strides = array<i32>} : memref<80x128xi32, #tpu.memory_space<vmem>>, vector<16xi32>,
    tpu.vector_store %arg12[%swap3A_262, %swap3A_263], %mul3A_261 {strides = array<i32>} : memref<80x128xi32, #tpu.memory_space<vmem>>, vector<16xi32>,
    %add3A_265 = arith.constant 1 : i32
    %add3A_266 = vector.broadcast %add3A_265 : i32 to vector<16xi32>
    %add3A_267 = arith.addi %mul3A_261, %add3A_266 : vector<16xi32>
    %swap3A_268 = arith.index_cast %add3A_228 : i32 to index
    %swap3A_269 = arith.constant 16 : index
    %swap3A_270 = tpu.vector_load %arg13[%swap3A_268, %swap3A_269] {strides = array<i32>} : memref<80x128xi32, #tpu.memory_space<vmem>>, vector<16xi32>,
    tpu.vector_store %arg13[%swap3A_268, %swap3A_269], %add3A_267 {strides = array<i32>} : memref<80x128xi32, #tpu.memory_space<vmem>>, vector<16xi32>,
    %add3A_271 = arith.constant 2 : i32
    %add3A_272 = vector.broadcast %add3A_271 : i32 to vector<16xi32>
    %add3A_273 = arith.addi %mul3A_261, %add3A_272 : vector<16xi32>
    %swap3A_274 = arith.index_cast %add3A_228 : i32 to index
    %swap3A_275 = arith.constant 16 : index
    %swap3A_276 = tpu.vector_load %arg14[%swap3A_274, %swap3A_275] {strides = array<i32>} : memref<80x128xi32, #tpu.memory_space<vmem>>, vector<16xi32>,
    tpu.vector_store %arg14[%swap3A_274, %swap3A_275], %add3A_273 {strides = array<i32>} : memref<80x128xi32, #tpu.memory_space<vmem>>, vector<16xi32>,
    %mul3A_277 = arith.constant 128 : i32
    %mul3A_278 = arith.muli %add3A_228, %mul3A_277 : i32
    %add3A_279 = arith.constant 32 : i32
    %add3A_280 = arith.addi %mul3A_278, %add3A_279 : i32
    %get3A_281 = arith.index_cast %add3A_280 : i32 to index
    %get3A_282 = tpu.vector_load %arg8[%get3A_281] {strides = array<i32>} : memref<10000xi32, #tpu.memory_space<vmem>>, vector<16xi32>,
    %mul3A_283 = arith.constant 3 : i32
    %mul3A_284 = vector.broadcast %mul3A_283 : i32 to vector<16xi32>
    %mul3A_285 = arith.muli %get3A_282, %mul3A_284 : vector<16xi32>
    %swap3A_286 = arith.index_cast %add3A_228 : i32 to index
    %swap3A_287 = arith.constant 32 : index
    %swap3A_288 = tpu.vector_load %arg12[%swap3A_286, %swap3A_287] {strides = array<i32>} : memref<80x128xi32, #tpu.memory_space<vmem>>, vector<16xi32>,
    tpu.vector_store %arg12[%swap3A_286, %swap3A_287], %mul3A_285 {strides = array<i32>} : memref<80x128xi32, #tpu.memory_space<vmem>>, vector<16xi32>,
    %add3A_289 = arith.constant 1 : i32
    %add3A_290 = vector.broadcast %add3A_289 : i32 to vector<16xi32>
    %add3A_291 = arith.addi %mul3A_285, %add3A_290 : vector<16xi32>
    %swap3A_292 = arith.index_cast %add3A_228 : i32 to index
    %swap3A_293 = arith.constant 32 : index
    %swap3A_294 = tpu.vector_load %arg13[%swap3A_292, %swap3A_293] {strides = array<i32>} : memref<80x128xi32, #tpu.memory_space<vmem>>, vector<16xi32>,
    tpu.vector_store %arg13[%swap3A_292, %swap3A_293], %add3A_291 {strides = array<i32>} : memref<80x128xi32, #tpu.memory_space<vmem>>, vector<16xi32>,
    %add3A_295 = arith.constant 2 : i32
    %add3A_296 = vector.broadcast %add3A_295 : i32 to vector<16xi32>
    %add3A_297 = arith.addi %mul3A_285, %add3A_296 : vector<16xi32>
    %swap3A_298 = arith.index_cast %add3A_228 : i32 to index
    %swap3A_299 = arith.constant 32 : index
    %swap3A_300 = tpu.vector_load %arg14[%swap3A_298, %swap3A_299] {strides = array<i32>} : memref<80x128xi32, #tpu.memory_space<vmem>>, vector<16xi32>,
    tpu.vector_store %arg14[%swap3A_298, %swap3A_299], %add3A_297 {strides = array<i32>} : memref<80x128xi32, #tpu.memory_space<vmem>>, vector<16xi32>,
    %mul3A_301 = arith.constant 128 : i32
    %mul3A_302 = arith.muli %add3A_228, %mul3A_301 : i32
    %add3A_303 = arith.constant 48 : i32
    %add3A_304 = arith.addi %mul3A_302, %add3A_303 : i32
    %get3A_305 = arith.index_cast %add3A_304 : i32 to index
    %get3A_306 = tpu.vector_load %arg8[%get3A_305] {strides = array<i32>} : memref<10000xi32, #tpu.memory_space<vmem>>, vector<16xi32>,
    %mul3A_307 = arith.constant 3 : i32
    %mul3A_308 = vector.broadcast %mul3A_307 : i32 to vector<16xi32>
    %mul3A_309 = arith.muli %get3A_306, %mul3A_308 : vector<16xi32>
    %swap3A_310 = arith.index_cast %add3A_228 : i32 to index
    %swap3A_311 = arith.constant 48 : index
    %swap3A_312 = tpu.vector_load %arg12[%swap3A_310, %swap3A_311] {strides = array<i32>} : memref<80x128xi32, #tpu.memory_space<vmem>>, vector<16xi32>,
    tpu.vector_store %arg12[%swap3A_310, %swap3A_311], %mul3A_309 {strides = array<i32>} : memref<80x128xi32, #tpu.memory_space<vmem>>, vector<16xi32>,
    %add3A_313 = arith.constant 1 : i32
    %add3A_314 = vector.broadcast %add3A_313 : i32 to vector<16xi32>
    %add3A_315 = arith.addi %mul3A_309, %add3A_314 : vector<16xi32>
    %swap3A_316 = arith.index_cast %add3A_228 : i32 to index
    %swap3A_317 = arith.constant 48 : index
    %swap3A_318 = tpu.vector_load %arg13[%swap3A_316, %swap3A_317] {strides = array<i32>} : memref<80x128xi32, #tpu.memory_space<vmem>>, vector<16xi32>,
    tpu.vector_store %arg13[%swap3A_316, %swap3A_317], %add3A_315 {strides = array<i32>} : memref<80x128xi32, #tpu.memory_space<vmem>>, vector<16xi32>,
    %add3A_319 = arith.constant 2 : i32
    %add3A_320 = vector.broadcast %add3A_319 : i32 to vector<16xi32>
    %add3A_321 = arith.addi %mul3A_309, %add3A_320 : vector<16xi32>
    %swap3A_322 = arith.index_cast %add3A_228 : i32 to index
    %swap3A_323 = arith.constant 48 : index
    %swap3A_324 = tpu.vector_load %arg14[%swap3A_322, %swap3A_323] {strides = array<i32>} : memref<80x128xi32, #tpu.memory_space<vmem>>, vector<16xi32>,
    tpu.vector_store %arg14[%swap3A_322, %swap3A_323], %add3A_321 {strides = array<i32>} : memref<80x128xi32, #tpu.memory_space<vmem>>, vector<16xi32>,
    %mul3A_325 = arith.constant 128 : i32
    %mul3A_326 = arith.muli %add3A_228, %mul3A_325 : i32
    %add3A_327 = arith.constant 64 : i32
    %add3A_328 = arith.addi %mul3A_326, %add3A_327 : i32
    %get3A_329 = arith.index_cast %add3A_328 : i32 to index
    %get3A_330 = tpu.vector_load %arg8[%get3A_329] {strides = array<i32>} : memref<10000xi32, #tpu.memory_space<vmem>>, vector<16xi32>,
    %mul3A_331 = arith.constant 3 : i32
    %mul3A_332 = vector.broadcast %mul3A_331 : i32 to vector<16xi32>
    %mul3A_333 = arith.muli %get3A_330, %mul3A_332 : vector<16xi32>
    %swap3A_334 = arith.index_cast %add3A_228 : i32 to index
    %swap3A_335 = arith.constant 64 : index
    %swap3A_336 = tpu.vector_load %arg12[%swap3A_334, %swap3A_335] {strides = array<i32>} : memref<80x128xi32, #tpu.memory_space<vmem>>, vector<16xi32>,
    tpu.vector_store %arg12[%swap3A_334, %swap3A_335], %mul3A_333 {strides = array<i32>} : memref<80x128xi32, #tpu.memory_space<vmem>>, vector<16xi32>,
    %add3A_337 = arith.constant 1 : i32
    %add3A_338 = vector.broadcast %add3A_337 : i32 to vector<16xi32>
    %add3A_339 = arith.addi %mul3A_333, %add3A_338 : vector<16xi32>
    %swap3A_340 = arith.index_cast %add3A_228 : i32 to index
    %swap3A_341 = arith.constant 64 : index
    %swap3A_342 = tpu.vector_load %arg13[%swap3A_340, %swap3A_341] {strides = array<i32>} : memref<80x128xi32, #tpu.memory_space<vmem>>, vector<16xi32>,
    tpu.vector_store %arg13[%swap3A_340, %swap3A_341], %add3A_339 {strides = array<i32>} : memref<80x128xi32, #tpu.memory_space<vmem>>, vector<16xi32>,
    %add3A_343 = arith.constant 2 : i32
    %add3A_344 = vector.broadcast %add3A_343 : i32 to vector<16xi32>
    %add3A_345 = arith.addi %mul3A_333, %add3A_344 : vector<16xi32>
    %swap3A_346 = arith.index_cast %add3A_228 : i32 to index
    %swap3A_347 = arith.constant 64 : index
    %swap3A_348 = tpu.vector_load %arg14[%swap3A_346, %swap3A_347] {strides = array<i32>} : memref<80x128xi32, #tpu.memory_space<vmem>>, vector<16xi32>,
    tpu.vector_store %arg14[%swap3A_346, %swap3A_347], %add3A_345 {strides = array<i32>} : memref<80x128xi32, #tpu.memory_space<vmem>>, vector<16xi32>,
    %mul3A_349 = arith.constant 128 : i32
    %mul3A_350 = arith.muli %add3A_228, %mul3A_349 : i32
    %add3A_351 = arith.constant 80 : i32
    %add3A_352 = arith.addi %mul3A_350, %add3A_351 : i32
    %get3A_353 = arith.index_cast %add3A_352 : i32 to index
    %get3A_354 = tpu.vector_load %arg8[%get3A_353] {strides = array<i32>} : memref<10000xi32, #tpu.memory_space<vmem>>, vector<16xi32>,
    %mul3A_355 = arith.constant 3 : i32
    %mul3A_356 = vector.broadcast %mul3A_355 : i32 to vector<16xi32>
    %mul3A_357 = arith.muli %get3A_354, %mul3A_356 : vector<16xi32>
    %swap3A_358 = arith.index_cast %add3A_228 : i32 to index
    %swap3A_359 = arith.constant 80 : index
    %swap3A_360 = tpu.vector_load %arg12[%swap3A_358, %swap3A_359] {strides = array<i32>} : memref<80x128xi32, #tpu.memory_space<vmem>>, vector<16xi32>,
    tpu.vector_store %arg12[%swap3A_358, %swap3A_359], %mul3A_357 {strides = array<i32>} : memref<80x128xi32, #tpu.memory_space<vmem>>, vector<16xi32>,
    %add3A_361 = arith.constant 1 : i32
    %add3A_362 = vector.broadcast %add3A_361 : i32 to vector<16xi32>
    %add3A_363 = arith.addi %mul3A_357, %add3A_362 : vector<16xi32>
    %swap3A_364 = arith.index_cast %add3A_228 : i32 to index
    %swap3A_365 = arith.constant 80 : index
    %swap3A_366 = tpu.vector_load %arg13[%swap3A_364, %swap3A_365] {strides = array<i32>} : memref<80x128xi32, #tpu.memory_space<vmem>>, vector<16xi32>,
    tpu.vector_store %arg13[%swap3A_364, %swap3A_365], %add3A_363 {strides = array<i32>} : memref<80x128xi32, #tpu.memory_space<vmem>>, vector<16xi32>,
    %add3A_367 = arith.constant 2 : i32
    %add3A_368 = vector.broadcast %add3A_367 : i32 to vector<16xi32>
    %add3A_369 = arith.addi %mul3A_357, %add3A_368 : vector<16xi32>
    %swap3A_370 = arith.index_cast %add3A_228 : i32 to index
    %swap3A_371 = arith.constant 80 : index
    %swap3A_372 = tpu.vector_load %arg14[%swap3A_370, %swap3A_371] {strides = array<i32>} : memref<80x128xi32, #tpu.memory_space<vmem>>, vector<16xi32>,
    tpu.vector_store %arg14[%swap3A_370, %swap3A_371], %add3A_369 {strides = array<i32>} : memref<80x128xi32, #tpu.memory_space<vmem>>, vector<16xi32>,
    %mul3A_373 = arith.constant 128 : i32
    %mul3A_374 = arith.muli %add3A_228, %mul3A_373 : i32
    %add3A_375 = arith.constant 96 : i32
    %add3A_376 = arith.addi %mul3A_374, %add3A_375 : i32
    %get3A_377 = arith.index_cast %add3A_376 : i32 to index
    %get3A_378 = tpu.vector_load %arg8[%get3A_377] {strides = array<i32>} : memref<10000xi32, #tpu.memory_space<vmem>>, vector<16xi32>,
    %mul3A_379 = arith.constant 3 : i32
    %mul3A_380 = vector.broadcast %mul3A_379 : i32 to vector<16xi32>
    %mul3A_381 = arith.muli %get3A_378, %mul3A_380 : vector<16xi32>
    %swap3A_382 = arith.index_cast %add3A_228 : i32 to index
    %swap3A_383 = arith.constant 96 : index
    %swap3A_384 = tpu.vector_load %arg12[%swap3A_382, %swap3A_383] {strides = array<i32>} : memref<80x128xi32, #tpu.memory_space<vmem>>, vector<16xi32>,
    tpu.vector_store %arg12[%swap3A_382, %swap3A_383], %mul3A_381 {strides = array<i32>} : memref<80x128xi32, #tpu.memory_space<vmem>>, vector<16xi32>,
    %add3A_385 = arith.constant 1 : i32
    %add3A_386 = vector.broadcast %add3A_385 : i32 to vector<16xi32>
    %add3A_387 = arith.addi %mul3A_381, %add3A_386 : vector<16xi32>
    %swap3A_388 = arith.index_cast %add3A_228 : i32 to index
    %swap3A_389 = arith.constant 96 : index
    %swap3A_390 = tpu.vector_load %arg13[%swap3A_388, %swap3A_389] {strides = array<i32>} : memref<80x128xi32, #tpu.memory_space<vmem>>, vector<16xi32>,
    tpu.vector_store %arg13[%swap3A_388, %swap3A_389], %add3A_387 {strides = array<i32>} : memref<80x128xi32, #tpu.memory_space<vmem>>, vector<16xi32>,
    %add3A_391 = arith.constant 2 : i32
    %add3A_392 = vector.broadcast %add3A_391 : i32 to vector<16xi32>
    %add3A_393 = arith.addi %mul3A_381, %add3A_392 : vector<16xi32>
    %swap3A_394 = arith.index_cast %add3A_228 : i32 to index
    %swap3A_395 = arith.constant 96 : index
    %swap3A_396 = tpu.vector_load %arg14[%swap3A_394, %swap3A_395] {strides = array<i32>} : memref<80x128xi32, #tpu.memory_space<vmem>>, vector<16xi32>,
    tpu.vector_store %arg14[%swap3A_394, %swap3A_395], %add3A_393 {strides = array<i32>} : memref<80x128xi32, #tpu.memory_space<vmem>>, vector<16xi32>,
    %mul3A_397 = arith.constant 128 : i32
    %mul3A_398 = arith.muli %add3A_228, %mul3A_397 : i32
    %add3A_399 = arith.constant 112 : i32
    %add3A_400 = arith.addi %mul3A_398, %add3A_399 : i32
    %get3A_401 = arith.index_cast %add3A_400 : i32 to index
    %get3A_402 = tpu.vector_load %arg8[%get3A_401] {strides = array<i32>} : memref<10000xi32, #tpu.memory_space<vmem>>, vector<16xi32>,
    %mul3A_403 = arith.constant 3 : i32
    %mul3A_404 = vector.broadcast %mul3A_403 : i32 to vector<16xi32>
    %mul3A_405 = arith.muli %get3A_402, %mul3A_404 : vector<16xi32>
    %swap3A_406 = arith.index_cast %add3A_228 : i32 to index
    %swap3A_407 = arith.constant 112 : index
    %swap3A_408 = tpu.vector_load %arg12[%swap3A_406, %swap3A_407] {strides = array<i32>} : memref<80x128xi32, #tpu.memory_space<vmem>>, vector<16xi32>,
    tpu.vector_store %arg12[%swap3A_406, %swap3A_407], %mul3A_405 {strides = array<i32>} : memref<80x128xi32, #tpu.memory_space<vmem>>, vector<16xi32>,
    %add3A_409 = arith.constant 1 : i32
    %add3A_410 = vector.broadcast %add3A_409 : i32 to vector<16xi32>
    %add3A_411 = arith.addi %mul3A_405, %add3A_410 : vector<16xi32>
    %swap3A_412 = arith.index_cast %add3A_228 : i32 to index
    %swap3A_413 = arith.constant 112 : index
    %swap3A_414 = tpu.vector_load %arg13[%swap3A_412, %swap3A_413] {strides = array<i32>} : memref<80x128xi32, #tpu.memory_space<vmem>>, vector<16xi32>,
    tpu.vector_store %arg13[%swap3A_412, %swap3A_413], %add3A_411 {strides = array<i32>} : memref<80x128xi32, #tpu.memory_space<vmem>>, vector<16xi32>,
    %add3A_415 = arith.constant 2 : i32
    %add3A_416 = vector.broadcast %add3A_415 : i32 to vector<16xi32>
    %add3A_417 = arith.addi %mul3A_405, %add3A_416 : vector<16xi32>
    %swap3A_418 = arith.index_cast %add3A_228 : i32 to index
    %swap3A_419 = arith.constant 112 : index
    %swap3A_420 = tpu.vector_load %arg14[%swap3A_418, %swap3A_419] {strides = array<i32>} : memref<80x128xi32, #tpu.memory_space<vmem>>, vector<16xi32>,
    tpu.vector_store %arg14[%swap3A_418, %swap3A_419], %add3A_417 {strides = array<i32>} : memref<80x128xi32, #tpu.memory_space<vmem>>, vector<16xi32>,
    %scan3A_421 = arith.constant 78 : i32
    %get3A_422 = arith.constant 9984 : index
    %get3A_423 = tpu.vector_load %arg8[%get3A_422] {strides = array<i32>} : memref<10000xi32, #tpu.memory_space<vmem>>, vector<16xi32>,
    %mul3A_424 = arith.constant 3 : i32
    %mul3A_425 = vector.broadcast %mul3A_424 : i32 to vector<16xi32>
    %mul3A_426 = arith.muli %get3A_423, %mul3A_425 : vector<16xi32>
    %swap3A_427 = arith.constant 78 : i32
    %swap3A_428 = arith.index_cast %swap3A_427 : i32 to index
    %swap3A_429 = arith.constant 0 : index
    %swap3A_430 = tpu.vector_load %arg12[%swap3A_428, %swap3A_429] {strides = array<i32>} : memref<80x128xi32, #tpu.memory_space<vmem>>, vector<16xi32>,
    tpu.vector_store %arg12[%swap3A_428, %swap3A_429], %mul3A_426 {strides = array<i32>} : memref<80x128xi32, #tpu.memory_space<vmem>>, vector<16xi32>,
    %add3A_431 = arith.constant 1 : i32
    %add3A_432 = vector.broadcast %add3A_431 : i32 to vector<16xi32>
    %add3A_433 = arith.addi %mul3A_426, %add3A_432 : vector<16xi32>
    %swap3A_434 = arith.constant 78 : i32
    %swap3A_435 = arith.index_cast %swap3A_434 : i32 to index
    %swap3A_436 = arith.constant 0 : index
    %swap3A_437 = tpu.vector_load %arg13[%swap3A_435, %swap3A_436] {strides = array<i32>} : memref<80x128xi32, #tpu.memory_space<vmem>>, vector<16xi32>,
    tpu.vector_store %arg13[%swap3A_435, %swap3A_436], %add3A_433 {strides = array<i32>} : memref<80x128xi32, #tpu.memory_space<vmem>>, vector<16xi32>,
    %add3A_438 = arith.constant 2 : i32
    %add3A_439 = vector.broadcast %add3A_438 : i32 to vector<16xi32>
    %add3A_440 = arith.addi %mul3A_426, %add3A_439 : vector<16xi32>
    %swap3A_441 = arith.constant 78 : i32
    %swap3A_442 = arith.index_cast %swap3A_441 : i32 to index
    %swap3A_443 = arith.constant 0 : index
    %swap3A_444 = tpu.vector_load %arg14[%swap3A_442, %swap3A_443] {strides = array<i32>} : memref<80x128xi32, #tpu.memory_space<vmem>>, vector<16xi32>,
    tpu.vector_store %arg14[%swap3A_442, %swap3A_443], %add3A_440 {strides = array<i32>} : memref<80x128xi32, #tpu.memory_space<vmem>>, vector<16xi32>,
    %iota3A = tpu.iota {dimensions = array<i32: 0>} : vector<16xi32>
    %add3A_445 = arith.constant 30000 : i32
    %add3A_446 = vector.broadcast %add3A_445 : i32 to vector<16xi32>
    %add3A_447 = arith.addi %add3A_446, %iota3A : vector<16xi32>
    %swap3A_448 = arith.constant 78 : i32
    %swap3A_449 = arith.index_cast %swap3A_448 : i32 to index
    %swap3A_450 = arith.constant 16 : index
    %swap3A_451 = tpu.vector_load %arg12[%swap3A_449, %swap3A_450] {strides = array<i32>} : memref<80x128xi32, #tpu.memory_space<vmem>>, vector<16xi32>,
    tpu.vector_store %arg12[%swap3A_449, %swap3A_450], %add3A_447 {strides = array<i32>} : memref<80x128xi32, #tpu.memory_space<vmem>>, vector<16xi32>,
    %swap3A_452 = arith.constant 78 : i32
    %swap3A_453 = arith.index_cast %swap3A_452 : i32 to index
    %swap3A_454 = arith.constant 16 : index
    %swap3A_455 = tpu.vector_load %arg13[%swap3A_453, %swap3A_454] {strides = array<i32>} : memref<80x128xi32, #tpu.memory_space<vmem>>, vector<16xi32>,
    tpu.vector_store %arg13[%swap3A_453, %swap3A_454], %add3A_447 {strides = array<i32>} : memref<80x128xi32, #tpu.memory_space<vmem>>, vector<16xi32>,
    %swap3A_456 = arith.constant 78 : i32
    %swap3A_457 = arith.index_cast %swap3A_456 : i32 to index
    %swap3A_458 = arith.constant 16 : index
    %swap3A_459 = tpu.vector_load %arg14[%swap3A_457, %swap3A_458] {strides = array<i32>} : memref<80x128xi32, #tpu.memory_space<vmem>>, vector<16xi32>,
    tpu.vector_store %arg14[%swap3A_457, %swap3A_458], %add3A_447 {strides = array<i32>} : memref<80x128xi32, #tpu.memory_space<vmem>>, vector<16xi32>,
    %add3A_460 = arith.constant 30016 : i32
    %add3A_461 = vector.broadcast %add3A_460 : i32 to vector<16xi32>
    %add3A_462 = arith.addi %add3A_461, %iota3A : vector<16xi32>
    %swap3A_463 = arith.constant 78 : i32
    %swap3A_464 = arith.index_cast %swap3A_463 : i32 to index
    %swap3A_465 = arith.constant 32 : index
    %swap3A_466 = tpu.vector_load %arg12[%swap3A_464, %swap3A_465] {strides = array<i32>} : memref<80x128xi32, #tpu.memory_space<vmem>>, vector<16xi32>,
    tpu.vector_store %arg12[%swap3A_464, %swap3A_465], %add3A_462 {strides = array<i32>} : memref<80x128xi32, #tpu.memory_space<vmem>>, vector<16xi32>,
    %swap3A_467 = arith.constant 78 : i32
    %swap3A_468 = arith.index_cast %swap3A_467 : i32 to index
    %swap3A_469 = arith.constant 32 : index
    %swap3A_470 = tpu.vector_load %arg13[%swap3A_468, %swap3A_469] {strides = array<i32>} : memref<80x128xi32, #tpu.memory_space<vmem>>, vector<16xi32>,
    tpu.vector_store %arg13[%swap3A_468, %swap3A_469], %add3A_462 {strides = array<i32>} : memref<80x128xi32, #tpu.memory_space<vmem>>, vector<16xi32>,
    %swap3A_471 = arith.constant 78 : i32
    %swap3A_472 = arith.index_cast %swap3A_471 : i32 to index
    %swap3A_473 = arith.constant 32 : index
    %swap3A_474 = tpu.vector_load %arg14[%swap3A_472, %swap3A_473] {strides = array<i32>} : memref<80x128xi32, #tpu.memory_space<vmem>>, vector<16xi32>,
    tpu.vector_store %arg14[%swap3A_472, %swap3A_473], %add3A_462 {strides = array<i32>} : memref<80x128xi32, #tpu.memory_space<vmem>>, vector<16xi32>,
    %add3A_475 = arith.constant 30032 : i32
    %add3A_476 = vector.broadcast %add3A_475 : i32 to vector<16xi32>
    %add3A_477 = arith.addi %add3A_476, %iota3A : vector<16xi32>
    %swap3A_478 = arith.constant 78 : i32
    %swap3A_479 = arith.index_cast %swap3A_478 : i32 to index
    %swap3A_480 = arith.constant 48 : index
    %swap3A_481 = tpu.vector_load %arg12[%swap3A_479, %swap3A_480] {strides = array<i32>} : memref<80x128xi32, #tpu.memory_space<vmem>>, vector<16xi32>,
    tpu.vector_store %arg12[%swap3A_479, %swap3A_480], %add3A_477 {strides = array<i32>} : memref<80x128xi32, #tpu.memory_space<vmem>>, vector<16xi32>,
    %swap3A_482 = arith.constant 78 : i32
    %swap3A_483 = arith.index_cast %swap3A_482 : i32 to index
    %swap3A_484 = arith.constant 48 : index
    %swap3A_485 = tpu.vector_load %arg13[%swap3A_483, %swap3A_484] {strides = array<i32>} : memref<80x128xi32, #tpu.memory_space<vmem>>, vector<16xi32>,
    tpu.vector_store %arg13[%swap3A_483, %swap3A_484], %add3A_477 {strides = array<i32>} : memref<80x128xi32, #tpu.memory_space<vmem>>, vector<16xi32>,
    %swap3A_486 = arith.constant 78 : i32
    %swap3A_487 = arith.index_cast %swap3A_486 : i32 to index
    %swap3A_488 = arith.constant 48 : index
    %swap3A_489 = tpu.vector_load %arg14[%swap3A_487, %swap3A_488] {strides = array<i32>} : memref<80x128xi32, #tpu.memory_space<vmem>>, vector<16xi32>,
    tpu.vector_store %arg14[%swap3A_487, %swap3A_488], %add3A_477 {strides = array<i32>} : memref<80x128xi32, #tpu.memory_space<vmem>>, vector<16xi32>,
    %add3A_490 = arith.constant 30048 : i32
    %add3A_491 = vector.broadcast %add3A_490 : i32 to vector<16xi32>
    %add3A_492 = arith.addi %add3A_491, %iota3A : vector<16xi32>
    %swap3A_493 = arith.constant 78 : i32
    %swap3A_494 = arith.index_cast %swap3A_493 : i32 to index
    %swap3A_495 = arith.constant 64 : index
    %swap3A_496 = tpu.vector_load %arg12[%swap3A_494, %swap3A_495] {strides = array<i32>} : memref<80x128xi32, #tpu.memory_space<vmem>>, vector<16xi32>,
    tpu.vector_store %arg12[%swap3A_494, %swap3A_495], %add3A_492 {strides = array<i32>} : memref<80x128xi32, #tpu.memory_space<vmem>>, vector<16xi32>,
    %swap3A_497 = arith.constant 78 : i32
    %swap3A_498 = arith.index_cast %swap3A_497 : i32 to index
    %swap3A_499 = arith.constant 64 : index
    %swap3A_500 = tpu.vector_load %arg13[%swap3A_498, %swap3A_499] {strides = array<i32>} : memref<80x128xi32, #tpu.memory_space<vmem>>, vector<16xi32>,
    tpu.vector_store %arg13[%swap3A_498, %swap3A_499], %add3A_492 {strides = array<i32>} : memref<80x128xi32, #tpu.memory_space<vmem>>, vector<16xi32>,
    %swap3A_501 = arith.constant 78 : i32
    %swap3A_502 = arith.index_cast %swap3A_501 : i32 to index
    %swap3A_503 = arith.constant 64 : index
    %swap3A_504 = tpu.vector_load %arg14[%swap3A_502, %swap3A_503] {strides = array<i32>} : memref<80x128xi32, #tpu.memory_space<vmem>>, vector<16xi32>,
    tpu.vector_store %arg14[%swap3A_502, %swap3A_503], %add3A_492 {strides = array<i32>} : memref<80x128xi32, #tpu.memory_space<vmem>>, vector<16xi32>,
    %add3A_505 = arith.constant 30064 : i32
    %add3A_506 = vector.broadcast %add3A_505 : i32 to vector<16xi32>
    %add3A_507 = arith.addi %add3A_506, %iota3A : vector<16xi32>
    %swap3A_508 = arith.constant 78 : i32
    %swap3A_509 = arith.index_cast %swap3A_508 : i32 to index
    %swap3A_510 = arith.constant 80 : index
    %swap3A_511 = tpu.vector_load %arg12[%swap3A_509, %swap3A_510] {strides = array<i32>} : memref<80x128xi32, #tpu.memory_space<vmem>>, vector<16xi32>,
    tpu.vector_store %arg12[%swap3A_509, %swap3A_510], %add3A_507 {strides = array<i32>} : memref<80x128xi32, #tpu.memory_space<vmem>>, vector<16xi32>,
    %swap3A_512 = arith.constant 78 : i32
    %swap3A_513 = arith.index_cast %swap3A_512 : i32 to index
    %swap3A_514 = arith.constant 80 : index
    %swap3A_515 = tpu.vector_load %arg13[%swap3A_513, %swap3A_514] {strides = array<i32>} : memref<80x128xi32, #tpu.memory_space<vmem>>, vector<16xi32>,
    tpu.vector_store %arg13[%swap3A_513, %swap3A_514], %add3A_507 {strides = array<i32>} : memref<80x128xi32, #tpu.memory_space<vmem>>, vector<16xi32>,
    %swap3A_516 = arith.constant 78 : i32
    %swap3A_517 = arith.index_cast %swap3A_516 : i32 to index
    %swap3A_518 = arith.constant 80 : index
    %swap3A_519 = tpu.vector_load %arg14[%swap3A_517, %swap3A_518] {strides = array<i32>} : memref<80x128xi32, #tpu.memory_space<vmem>>, vector<16xi32>,
    tpu.vector_store %arg14[%swap3A_517, %swap3A_518], %add3A_507 {strides = array<i32>} : memref<80x128xi32, #tpu.memory_space<vmem>>, vector<16xi32>,
    %add3A_520 = arith.constant 30080 : i32
    %add3A_521 = vector.broadcast %add3A_520 : i32 to vector<16xi32>
    %add3A_522 = arith.addi %add3A_521, %iota3A : vector<16xi32>
    %swap3A_523 = arith.constant 78 : i32
    %swap3A_524 = arith.index_cast %swap3A_523 : i32 to index
    %swap3A_525 = arith.constant 96 : index
    %swap3A_526 = tpu.vector_load %arg12[%swap3A_524, %swap3A_525] {strides = array<i32>} : memref<80x128xi32, #tpu.memory_space<vmem>>, vector<16xi32>,
    tpu.vector_store %arg12[%swap3A_524, %swap3A_525], %add3A_522 {strides = array<i32>} : memref<80x128xi32, #tpu.memory_space<vmem>>, vector<16xi32>,
    %swap3A_527 = arith.constant 78 : i32
    %swap3A_528 = arith.index_cast %swap3A_527 : i32 to index
    %swap3A_529 = arith.constant 96 : index
    %swap3A_530 = tpu.vector_load %arg13[%swap3A_528, %swap3A_529] {strides = array<i32>} : memref<80x128xi32, #tpu.memory_space<vmem>>, vector<16xi32>,
    tpu.vector_store %arg13[%swap3A_528, %swap3A_529], %add3A_522 {strides = array<i32>} : memref<80x128xi32, #tpu.memory_space<vmem>>, vector<16xi32>,
    %swap3A_531 = arith.constant 78 : i32
    %swap3A_532 = arith.index_cast %swap3A_531 : i32 to index
    %swap3A_533 = arith.constant 96 : index
    %swap3A_534 = tpu.vector_load %arg14[%swap3A_532, %swap3A_533] {strides = array<i32>} : memref<80x128xi32, #tpu.memory_space<vmem>>, vector<16xi32>,
    tpu.vector_store %arg14[%swap3A_532, %swap3A_533], %add3A_522 {strides = array<i32>} : memref<80x128xi32, #tpu.memory_space<vmem>>, vector<16xi32>,
    %add3A_535 = arith.constant 30096 : i32
    %add3A_536 = vector.broadcast %add3A_535 : i32 to vector<16xi32>
    %add3A_537 = arith.addi %add3A_536, %iota3A : vector<16xi32>
    %swap3A_538 = arith.constant 78 : i32
    %swap3A_539 = arith.index_cast %swap3A_538 : i32 to index
    %swap3A_540 = arith.constant 112 : index
    %swap3A_541 = tpu.vector_load %arg12[%swap3A_539, %swap3A_540] {strides = array<i32>} : memref<80x128xi32, #tpu.memory_space<vmem>>, vector<16xi32>,
    tpu.vector_store %arg12[%swap3A_539, %swap3A_540], %add3A_537 {strides = array<i32>} : memref<80x128xi32, #tpu.memory_space<vmem>>, vector<16xi32>,
    %swap3A_542 = arith.constant 78 : i32
    %swap3A_543 = arith.index_cast %swap3A_542 : i32 to index
    %swap3A_544 = arith.constant 112 : index
    %swap3A_545 = tpu.vector_load %arg13[%swap3A_543, %swap3A_544] {strides = array<i32>} : memref<80x128xi32, #tpu.memory_space<vmem>>, vector<16xi32>,
    tpu.vector_store %arg13[%swap3A_543, %swap3A_544], %add3A_537 {strides = array<i32>} : memref<80x128xi32, #tpu.memory_space<vmem>>, vector<16xi32>,
    %swap3A_546 = arith.constant 78 : i32
    %swap3A_547 = arith.index_cast %swap3A_546 : i32 to index
    %swap3A_548 = arith.constant 112 : index
    %swap3A_549 = tpu.vector_load %arg14[%swap3A_547, %swap3A_548] {strides = array<i32>} : memref<80x128xi32, #tpu.memory_space<vmem>>, vector<16xi32>,
    tpu.vector_store %arg14[%swap3A_547, %swap3A_548], %add3A_537 {strides = array<i32>} : memref<80x128xi32, #tpu.memory_space<vmem>>, vector<16xi32>,
    %add3A_550 = arith.constant 30112 : i32
    %add3A_551 = vector.broadcast %add3A_550 : i32 to vector<16xi32>
    %add3A_552 = arith.addi %add3A_551, %iota3A : vector<16xi32>
    %swap3A_553 = arith.constant 79 : i32
    %swap3A_554 = arith.index_cast %swap3A_553 : i32 to index
    %swap3A_555 = arith.constant 0 : index
    %swap3A_556 = tpu.vector_load %arg12[%swap3A_554, %swap3A_555] {strides = array<i32>} : memref<80x128xi32, #tpu.memory_space<vmem>>, vector<16xi32>,
    tpu.vector_store %arg12[%swap3A_554, %swap3A_555], %add3A_552 {strides = array<i32>} : memref<80x128xi32, #tpu.memory_space<vmem>>, vector<16xi32>,
    %swap3A_557 = arith.constant 79 : i32
    %swap3A_558 = arith.index_cast %swap3A_557 : i32 to index
    %swap3A_559 = arith.constant 0 : index
    %swap3A_560 = tpu.vector_load %arg13[%swap3A_558, %swap3A_559] {strides = array<i32>} : memref<80x128xi32, #tpu.memory_space<vmem>>, vector<16xi32>,
    tpu.vector_store %arg13[%swap3A_558, %swap3A_559], %add3A_552 {strides = array<i32>} : memref<80x128xi32, #tpu.memory_space<vmem>>, vector<16xi32>,
    %swap3A_561 = arith.constant 79 : i32
    %swap3A_562 = arith.index_cast %swap3A_561 : i32 to index
    %swap3A_563 = arith.constant 0 : index
    %swap3A_564 = tpu.vector_load %arg14[%swap3A_562, %swap3A_563] {strides = array<i32>} : memref<80x128xi32, #tpu.memory_space<vmem>>, vector<16xi32>,
    tpu.vector_store %arg14[%swap3A_562, %swap3A_563], %add3A_552 {strides = array<i32>} : memref<80x128xi32, #tpu.memory_space<vmem>>, vector<16xi32>,
    %add3A_565 = arith.constant 30128 : i32
    %add3A_566 = vector.broadcast %add3A_565 : i32 to vector<16xi32>
    %add3A_567 = arith.addi %add3A_566, %iota3A : vector<16xi32>
    %swap3A_568 = arith.constant 79 : i32
    %swap3A_569 = arith.index_cast %swap3A_568 : i32 to index
    %swap3A_570 = arith.constant 16 : index
    %swap3A_571 = tpu.vector_load %arg12[%swap3A_569, %swap3A_570] {strides = array<i32>} : memref<80x128xi32, #tpu.memory_space<vmem>>, vector<16xi32>,
    tpu.vector_store %arg12[%swap3A_569, %swap3A_570], %add3A_567 {strides = array<i32>} : memref<80x128xi32, #tpu.memory_space<vmem>>, vector<16xi32>,
    %swap3A_572 = arith.constant 79 : i32
    %swap3A_573 = arith.index_cast %swap3A_572 : i32 to index
    %swap3A_574 = arith.constant 16 : index
    %swap3A_575 = tpu.vector_load %arg13[%swap3A_573, %swap3A_574] {strides = array<i32>} : memref<80x128xi32, #tpu.memory_space<vmem>>, vector<16xi32>,
    tpu.vector_store %arg13[%swap3A_573, %swap3A_574], %add3A_567 {strides = array<i32>} : memref<80x128xi32, #tpu.memory_space<vmem>>, vector<16xi32>,
    %swap3A_576 = arith.constant 79 : i32
    %swap3A_577 = arith.index_cast %swap3A_576 : i32 to index
    %swap3A_578 = arith.constant 16 : index
    %swap3A_579 = tpu.vector_load %arg14[%swap3A_577, %swap3A_578] {strides = array<i32>} : memref<80x128xi32, #tpu.memory_space<vmem>>, vector<16xi32>,
    tpu.vector_store %arg14[%swap3A_577, %swap3A_578], %add3A_567 {strides = array<i32>} : memref<80x128xi32, #tpu.memory_space<vmem>>, vector<16xi32>,
    %add3A_580 = arith.constant 30144 : i32
    %add3A_581 = vector.broadcast %add3A_580 : i32 to vector<16xi32>
    %add3A_582 = arith.addi %add3A_581, %iota3A : vector<16xi32>
    %swap3A_583 = arith.constant 79 : i32
    %swap3A_584 = arith.index_cast %swap3A_583 : i32 to index
    %swap3A_585 = arith.constant 32 : index
    %swap3A_586 = tpu.vector_load %arg12[%swap3A_584, %swap3A_585] {strides = array<i32>} : memref<80x128xi32, #tpu.memory_space<vmem>>, vector<16xi32>,
    tpu.vector_store %arg12[%swap3A_584, %swap3A_585], %add3A_582 {strides = array<i32>} : memref<80x128xi32, #tpu.memory_space<vmem>>, vector<16xi32>,
    %swap3A_587 = arith.constant 79 : i32
    %swap3A_588 = arith.index_cast %swap3A_587 : i32 to index
    %swap3A_589 = arith.constant 32 : index
    %swap3A_590 = tpu.vector_load %arg13[%swap3A_588, %swap3A_589] {strides = array<i32>} : memref<80x128xi32, #tpu.memory_space<vmem>>, vector<16xi32>,
    tpu.vector_store %arg13[%swap3A_588, %swap3A_589], %add3A_582 {strides = array<i32>} : memref<80x128xi32, #tpu.memory_space<vmem>>, vector<16xi32>,
    %swap3A_591 = arith.constant 79 : i32
    %swap3A_592 = arith.index_cast %swap3A_591 : i32 to index
    %swap3A_593 = arith.constant 32 : index
    %swap3A_594 = tpu.vector_load %arg14[%swap3A_592, %swap3A_593] {strides = array<i32>} : memref<80x128xi32, #tpu.memory_space<vmem>>, vector<16xi32>,
    tpu.vector_store %arg14[%swap3A_592, %swap3A_593], %add3A_582 {strides = array<i32>} : memref<80x128xi32, #tpu.memory_space<vmem>>, vector<16xi32>,
    %add3A_595 = arith.constant 30160 : i32
    %add3A_596 = vector.broadcast %add3A_595 : i32 to vector<16xi32>
    %add3A_597 = arith.addi %add3A_596, %iota3A : vector<16xi32>
    %swap3A_598 = arith.constant 79 : i32
    %swap3A_599 = arith.index_cast %swap3A_598 : i32 to index
    %swap3A_600 = arith.constant 48 : index
    %swap3A_601 = tpu.vector_load %arg12[%swap3A_599, %swap3A_600] {strides = array<i32>} : memref<80x128xi32, #tpu.memory_space<vmem>>, vector<16xi32>,
    tpu.vector_store %arg12[%swap3A_599, %swap3A_600], %add3A_597 {strides = array<i32>} : memref<80x128xi32, #tpu.memory_space<vmem>>, vector<16xi32>,
    %swap3A_602 = arith.constant 79 : i32
    %swap3A_603 = arith.index_cast %swap3A_602 : i32 to index
    %swap3A_604 = arith.constant 48 : index
    %swap3A_605 = tpu.vector_load %arg13[%swap3A_603, %swap3A_604] {strides = array<i32>} : memref<80x128xi32, #tpu.memory_space<vmem>>, vector<16xi32>,
    tpu.vector_store %arg13[%swap3A_603, %swap3A_604], %add3A_597 {strides = array<i32>} : memref<80x128xi32, #tpu.memory_space<vmem>>, vector<16xi32>,
    %swap3A_606 = arith.constant 79 : i32
    %swap3A_607 = arith.index_cast %swap3A_606 : i32 to index
    %swap3A_608 = arith.constant 48 : index
    %swap3A_609 = tpu.vector_load %arg14[%swap3A_607, %swap3A_608] {strides = array<i32>} : memref<80x128xi32, #tpu.memory_space<vmem>>, vector<16xi32>,
    tpu.vector_store %arg14[%swap3A_607, %swap3A_608], %add3A_597 {strides = array<i32>} : memref<80x128xi32, #tpu.memory_space<vmem>>, vector<16xi32>,
    %add3A_610 = arith.constant 30176 : i32
    %add3A_611 = vector.broadcast %add3A_610 : i32 to vector<16xi32>
    %add3A_612 = arith.addi %add3A_611, %iota3A : vector<16xi32>
    %swap3A_613 = arith.constant 79 : i32
    %swap3A_614 = arith.index_cast %swap3A_613 : i32 to index
    %swap3A_615 = arith.constant 64 : index
    %swap3A_616 = tpu.vector_load %arg12[%swap3A_614, %swap3A_615] {strides = array<i32>} : memref<80x128xi32, #tpu.memory_space<vmem>>, vector<16xi32>,
    tpu.vector_store %arg12[%swap3A_614, %swap3A_615], %add3A_612 {strides = array<i32>} : memref<80x128xi32, #tpu.memory_space<vmem>>, vector<16xi32>,
    %swap3A_617 = arith.constant 79 : i32
    %swap3A_618 = arith.index_cast %swap3A_617 : i32 to index
    %swap3A_619 = arith.constant 64 : index
    %swap3A_620 = tpu.vector_load %arg13[%swap3A_618, %swap3A_619] {strides = array<i32>} : memref<80x128xi32, #tpu.memory_space<vmem>>, vector<16xi32>,
    tpu.vector_store %arg13[%swap3A_618, %swap3A_619], %add3A_612 {strides = array<i32>} : memref<80x128xi32, #tpu.memory_space<vmem>>, vector<16xi32>,
    %swap3A_621 = arith.constant 79 : i32
    %swap3A_622 = arith.index_cast %swap3A_621 : i32 to index
    %swap3A_623 = arith.constant 64 : index
    %swap3A_624 = tpu.vector_load %arg14[%swap3A_622, %swap3A_623] {strides = array<i32>} : memref<80x128xi32, #tpu.memory_space<vmem>>, vector<16xi32>,
    tpu.vector_store %arg14[%swap3A_622, %swap3A_623], %add3A_612 {strides = array<i32>} : memref<80x128xi32, #tpu.memory_space<vmem>>, vector<16xi32>,
    %add3A_625 = arith.constant 30192 : i32
    %add3A_626 = vector.broadcast %add3A_625 : i32 to vector<16xi32>
    %add3A_627 = arith.addi %add3A_626, %iota3A : vector<16xi32>
    %swap3A_628 = arith.constant 79 : i32
    %swap3A_629 = arith.index_cast %swap3A_628 : i32 to index
    %swap3A_630 = arith.constant 80 : index
    %swap3A_631 = tpu.vector_load %arg12[%swap3A_629, %swap3A_630] {strides = array<i32>} : memref<80x128xi32, #tpu.memory_space<vmem>>, vector<16xi32>,
    tpu.vector_store %arg12[%swap3A_629, %swap3A_630], %add3A_627 {strides = array<i32>} : memref<80x128xi32, #tpu.memory_space<vmem>>, vector<16xi32>,
    %swap3A_632 = arith.constant 79 : i32
    %swap3A_633 = arith.index_cast %swap3A_632 : i32 to index
    %swap3A_634 = arith.constant 80 : index
    %swap3A_635 = tpu.vector_load %arg13[%swap3A_633, %swap3A_634] {strides = array<i32>} : memref<80x128xi32, #tpu.memory_space<vmem>>, vector<16xi32>,
    tpu.vector_store %arg13[%swap3A_633, %swap3A_634], %add3A_627 {strides = array<i32>} : memref<80x128xi32, #tpu.memory_space<vmem>>, vector<16xi32>,
    %swap3A_636 = arith.constant 79 : i32
    %swap3A_637 = arith.index_cast %swap3A_636 : i32 to index
    %swap3A_638 = arith.constant 80 : index
    %swap3A_639 = tpu.vector_load %arg14[%swap3A_637, %swap3A_638] {strides = array<i32>} : memref<80x128xi32, #tpu.memory_space<vmem>>, vector<16xi32>,
    tpu.vector_store %arg14[%swap3A_637, %swap3A_638], %add3A_627 {strides = array<i32>} : memref<80x128xi32, #tpu.memory_space<vmem>>, vector<16xi32>,
    %add3A_640 = arith.constant 30208 : i32
    %add3A_641 = vector.broadcast %add3A_640 : i32 to vector<16xi32>
    %add3A_642 = arith.addi %add3A_641, %iota3A : vector<16xi32>
    %swap3A_643 = arith.constant 79 : i32
    %swap3A_644 = arith.index_cast %swap3A_643 : i32 to index
    %swap3A_645 = arith.constant 96 : index
    %swap3A_646 = tpu.vector_load %arg12[%swap3A_644, %swap3A_645] {strides = array<i32>} : memref<80x128xi32, #tpu.memory_space<vmem>>, vector<16xi32>,
    tpu.vector_store %arg12[%swap3A_644, %swap3A_645], %add3A_642 {strides = array<i32>} : memref<80x128xi32, #tpu.memory_space<vmem>>, vector<16xi32>,
    %swap3A_647 = arith.constant 79 : i32
    %swap3A_648 = arith.index_cast %swap3A_647 : i32 to index
    %swap3A_649 = arith.constant 96 : index
    %swap3A_650 = tpu.vector_load %arg13[%swap3A_648, %swap3A_649] {strides = array<i32>} : memref<80x128xi32, #tpu.memory_space<vmem>>, vector<16xi32>,
    tpu.vector_store %arg13[%swap3A_648, %swap3A_649], %add3A_642 {strides = array<i32>} : memref<80x128xi32, #tpu.memory_space<vmem>>, vector<16xi32>,
    %swap3A_651 = arith.constant 79 : i32
    %swap3A_652 = arith.index_cast %swap3A_651 : i32 to index
    %swap3A_653 = arith.constant 96 : index
    %swap3A_654 = tpu.vector_load %arg14[%swap3A_652, %swap3A_653] {strides = array<i32>} : memref<80x128xi32, #tpu.memory_space<vmem>>, vector<16xi32>,
    tpu.vector_store %arg14[%swap3A_652, %swap3A_653], %add3A_642 {strides = array<i32>} : memref<80x128xi32, #tpu.memory_space<vmem>>, vector<16xi32>,
    %add3A_655 = arith.constant 30224 : i32
    %add3A_656 = vector.broadcast %add3A_655 : i32 to vector<16xi32>
    %add3A_657 = arith.addi %add3A_656, %iota3A : vector<16xi32>
    %swap3A_658 = arith.constant 79 : i32
    %swap3A_659 = arith.index_cast %swap3A_658 : i32 to index
    %swap3A_660 = arith.constant 112 : index
    %swap3A_661 = tpu.vector_load %arg12[%swap3A_659, %swap3A_660] {strides = array<i32>} : memref<80x128xi32, #tpu.memory_space<vmem>>, vector<16xi32>,
    tpu.vector_store %arg12[%swap3A_659, %swap3A_660], %add3A_657 {strides = array<i32>} : memref<80x128xi32, #tpu.memory_space<vmem>>, vector<16xi32>,
    %swap3A_662 = arith.constant 79 : i32
    %swap3A_663 = arith.index_cast %swap3A_662 : i32 to index
    %swap3A_664 = arith.constant 112 : index
    %swap3A_665 = tpu.vector_load %arg13[%swap3A_663, %swap3A_664] {strides = array<i32>} : memref<80x128xi32, #tpu.memory_space<vmem>>, vector<16xi32>,
    tpu.vector_store %arg13[%swap3A_663, %swap3A_664], %add3A_657 {strides = array<i32>} : memref<80x128xi32, #tpu.memory_space<vmem>>, vector<16xi32>,
    %swap3A_666 = arith.constant 79 : i32
    %swap3A_667 = arith.index_cast %swap3A_666 : i32 to index
    %swap3A_668 = arith.constant 112 : index
    %swap3A_669 = tpu.vector_load %arg14[%swap3A_667, %swap3A_668] {strides = array<i32>} : memref<80x128xi32, #tpu.memory_space<vmem>>, vector<16xi32>,
    tpu.vector_store %arg14[%swap3A_667, %swap3A_668], %add3A_657 {strides = array<i32>} : memref<80x128xi32, #tpu.memory_space<vmem>>, vector<16xi32>,
    %dma_wait3A = arith.constant 0 : i32
    %dma_wait3A_670 = tpu.memref_slice %arg9[%dma_wait3A] : memref<10240xf32, #tpu.memory_space<vmem>> -> memref<10000xf32, #tpu.memory_space<vmem>>
    %dma_wait3A_671 = tpu.memref_slice %arg3[%mul3A_2] : memref<320000xf32, #tpu.memory_space<hbm>> -> memref<10000xf32, #tpu.memory_space<hbm>>
    %dma_wait3A_672 = arith.constant 0 : i32
    %dma_wait3A_673 = tpu.memref_slice %arg9[%dma_wait3A_672] : memref<10240xf32, #tpu.memory_space<vmem>> -> memref<10000xf32, #tpu.memory_space<vmem>>
    %dma_wait3A_674 = tpu.memref_slice %arg3[%mul3A_2] : memref<320000xf32, #tpu.memory_space<hbm>> -> memref<10000xf32, #tpu.memory_space<hbm>>
    tpu.wait_dma2 semaphore(%arg17 : memref<!tpu.dma_semaphore, #tpu.memory_space<semaphore_mem>>) src(%dma_wait3A_674 : memref<10000xf32, #tpu.memory_space<hbm>>) dst(%dma_wait3A_673 : memref<10000xf32, #tpu.memory_space<vmem>>)
    %dma_wait3A_675 = arith.constant 0 : i32
    %dma_wait3A_676 = tpu.memref_slice %arg10[%dma_wait3A_675] : memref<10240xf32, #tpu.memory_space<vmem>> -> memref<10000xf32, #tpu.memory_space<vmem>>
    %dma_wait3A_677 = tpu.memref_slice %arg4[%mul3A_2] : memref<320000xf32, #tpu.memory_space<hbm>> -> memref<10000xf32, #tpu.memory_space<hbm>>
    %dma_wait3A_678 = arith.constant 0 : i32
    %dma_wait3A_679 = tpu.memref_slice %arg10[%dma_wait3A_678] : memref<10240xf32, #tpu.memory_space<vmem>> -> memref<10000xf32, #tpu.memory_space<vmem>>
    %dma_wait3A_680 = tpu.memref_slice %arg4[%mul3A_2] : memref<320000xf32, #tpu.memory_space<hbm>> -> memref<10000xf32, #tpu.memory_space<hbm>>
    tpu.wait_dma2 semaphore(%arg17 : memref<!tpu.dma_semaphore, #tpu.memory_space<semaphore_mem>>) src(%dma_wait3A_680 : memref<10000xf32, #tpu.memory_space<hbm>>) dst(%dma_wait3A_679 : memref<10000xf32, #tpu.memory_space<vmem>>)
    %dma_wait3A_681 = arith.constant 0 : i32
    %dma_wait3A_682 = tpu.memref_slice %arg11[%dma_wait3A_681] : memref<10240xf32, #tpu.memory_space<vmem>> -> memref<10000xf32, #tpu.memory_space<vmem>>
    %dma_wait3A_683 = tpu.memref_slice %arg5[%mul3A_2] : memref<320000xf32, #tpu.memory_space<hbm>> -> memref<10000xf32, #tpu.memory_space<hbm>>
    %dma_wait3A_684 = arith.constant 0 : i32
    %dma_wait3A_685 = tpu.memref_slice %arg11[%dma_wait3A_684] : memref<10240xf32, #tpu.memory_space<vmem>> -> memref<10000xf32, #tpu.memory_space<vmem>>
    %dma_wait3A_686 = tpu.memref_slice %arg5[%mul3A_2] : memref<320000xf32, #tpu.memory_space<hbm>> -> memref<10000xf32, #tpu.memory_space<hbm>>
    tpu.wait_dma2 semaphore(%arg17 : memref<!tpu.dma_semaphore, #tpu.memory_space<semaphore_mem>>) src(%dma_wait3A_686 : memref<10000xf32, #tpu.memory_space<hbm>>) dst(%dma_wait3A_685 : memref<10000xf32, #tpu.memory_space<vmem>>)
    %broadcast_in_dim3A = arith.constant 0.000000e+00 : f32
    %broadcast_in_dim3A_687 = vector.broadcast %broadcast_in_dim3A : f32 to vector<16xf32>
    %swap3A_688 = arith.constant 10000 : index
    %swap3A_689 = tpu.vector_load %arg9[%swap3A_688] {strides = array<i32>} : memref<10240xf32, #tpu.memory_space<vmem>>, vector<16xf32>,
    tpu.vector_store %arg9[%swap3A_688], %broadcast_in_dim3A_687 {strides = array<i32>} : memref<10240xf32, #tpu.memory_space<vmem>>, vector<16xf32>,
    %swap3A_690 = arith.constant 10000 : index
    %swap3A_691 = tpu.vector_load %arg10[%swap3A_690] {strides = array<i32>} : memref<10240xf32, #tpu.memory_space<vmem>>, vector<16xf32>,
    tpu.vector_store %arg10[%swap3A_690], %broadcast_in_dim3A_687 {strides = array<i32>} : memref<10240xf32, #tpu.memory_space<vmem>>, vector<16xf32>,
    %swap3A_692 = arith.constant 10000 : index
    %swap3A_693 = tpu.vector_load %arg11[%swap3A_692] {strides = array<i32>} : memref<10240xf32, #tpu.memory_space<vmem>>, vector<16xf32>,
    tpu.vector_store %arg11[%swap3A_692], %broadcast_in_dim3A_687 {strides = array<i32>} : memref<10240xf32, #tpu.memory_space<vmem>>, vector<16xf32>,
    %swap3A_694 = arith.constant 10016 : index
    %swap3A_695 = tpu.vector_load %arg9[%swap3A_694] {strides = array<i32>} : memref<10240xf32, #tpu.memory_space<vmem>>, vector<16xf32>,
    tpu.vector_store %arg9[%swap3A_694], %broadcast_in_dim3A_687 {strides = array<i32>} : memref<10240xf32, #tpu.memory_space<vmem>>, vector<16xf32>,
    %swap3A_696 = arith.constant 10016 : index
    %swap3A_697 = tpu.vector_load %arg10[%swap3A_696] {strides = array<i32>} : memref<10240xf32, #tpu.memory_space<vmem>>, vector<16xf32>,
    tpu.vector_store %arg10[%swap3A_696], %broadcast_in_dim3A_687 {strides = array<i32>} : memref<10240xf32, #tpu.memory_space<vmem>>, vector<16xf32>,
    %swap3A_698 = arith.constant 10016 : index
    %swap3A_699 = tpu.vector_load %arg11[%swap3A_698] {strides = array<i32>} : memref<10240xf32, #tpu.memory_space<vmem>>, vector<16xf32>,
    tpu.vector_store %arg11[%swap3A_698], %broadcast_in_dim3A_687 {strides = array<i32>} : memref<10240xf32, #tpu.memory_space<vmem>>, vector<16xf32>,
    %swap3A_700 = arith.constant 10032 : index
    %swap3A_701 = tpu.vector_load %arg9[%swap3A_700] {strides = array<i32>} : memref<10240xf32, #tpu.memory_space<vmem>>, vector<16xf32>,
    tpu.vector_store %arg9[%swap3A_700], %broadcast_in_dim3A_687 {strides = array<i32>} : memref<10240xf32, #tpu.memory_space<vmem>>, vector<16xf32>,
    %swap3A_702 = arith.constant 10032 : index
    %swap3A_703 = tpu.vector_load %arg10[%swap3A_702] {strides = array<i32>} : memref<10240xf32, #tpu.memory_space<vmem>>, vector<16xf32>,
    tpu.vector_store %arg10[%swap3A_702], %broadcast_in_dim3A_687 {strides = array<i32>} : memref<10240xf32, #tpu.memory_space<vmem>>, vector<16xf32>,
    %swap3A_704 = arith.constant 10032 : index
    %swap3A_705 = tpu.vector_load %arg11[%swap3A_704] {strides = array<i32>} : memref<10240xf32, #tpu.memory_space<vmem>>, vector<16xf32>,
    tpu.vector_store %arg11[%swap3A_704], %broadcast_in_dim3A_687 {strides = array<i32>} : memref<10240xf32, #tpu.memory_space<vmem>>, vector<16xf32>,
    %swap3A_706 = arith.constant 10048 : index
    %swap3A_707 = tpu.vector_load %arg9[%swap3A_706] {strides = array<i32>} : memref<10240xf32, #tpu.memory_space<vmem>>, vector<16xf32>,
    tpu.vector_store %arg9[%swap3A_706], %broadcast_in_dim3A_687 {strides = array<i32>} : memref<10240xf32, #tpu.memory_space<vmem>>, vector<16xf32>,
    %swap3A_708 = arith.constant 10048 : index
    %swap3A_709 = tpu.vector_load %arg10[%swap3A_708] {strides = array<i32>} : memref<10240xf32, #tpu.memory_space<vmem>>, vector<16xf32>,
    tpu.vector_store %arg10[%swap3A_708], %broadcast_in_dim3A_687 {strides = array<i32>} : memref<10240xf32, #tpu.memory_space<vmem>>, vector<16xf32>,
    %swap3A_710 = arith.constant 10048 : index
    %swap3A_711 = tpu.vector_load %arg11[%swap3A_710] {strides = array<i32>} : memref<10240xf32, #tpu.memory_space<vmem>>, vector<16xf32>,
    tpu.vector_store %arg11[%swap3A_710], %broadcast_in_dim3A_687 {strides = array<i32>} : memref<10240xf32, #tpu.memory_space<vmem>>, vector<16xf32>,
    %swap3A_712 = arith.constant 10064 : index
    %swap3A_713 = tpu.vector_load %arg9[%swap3A_712] {strides = array<i32>} : memref<10240xf32, #tpu.memory_space<vmem>>, vector<16xf32>,
    tpu.vector_store %arg9[%swap3A_712], %broadcast_in_dim3A_687 {strides = array<i32>} : memref<10240xf32, #tpu.memory_space<vmem>>, vector<16xf32>,
    %swap3A_714 = arith.constant 10064 : index
    %swap3A_715 = tpu.vector_load %arg10[%swap3A_714] {strides = array<i32>} : memref<10240xf32, #tpu.memory_space<vmem>>, vector<16xf32>,
    tpu.vector_store %arg10[%swap3A_714], %broadcast_in_dim3A_687 {strides = array<i32>} : memref<10240xf32, #tpu.memory_space<vmem>>, vector<16xf32>,
    %swap3A_716 = arith.constant 10064 : index
    %swap3A_717 = tpu.vector_load %arg11[%swap3A_716] {strides = array<i32>} : memref<10240xf32, #tpu.memory_space<vmem>>, vector<16xf32>,
    tpu.vector_store %arg11[%swap3A_716], %broadcast_in_dim3A_687 {strides = array<i32>} : memref<10240xf32, #tpu.memory_space<vmem>>, vector<16xf32>,
    %swap3A_718 = arith.constant 10080 : index
    %swap3A_719 = tpu.vector_load %arg9[%swap3A_718] {strides = array<i32>} : memref<10240xf32, #tpu.memory_space<vmem>>, vector<16xf32>,
    tpu.vector_store %arg9[%swap3A_718], %broadcast_in_dim3A_687 {strides = array<i32>} : memref<10240xf32, #tpu.memory_space<vmem>>, vector<16xf32>,
    %swap3A_720 = arith.constant 10080 : index
    %swap3A_721 = tpu.vector_load %arg10[%swap3A_720] {strides = array<i32>} : memref<10240xf32, #tpu.memory_space<vmem>>, vector<16xf32>,
    tpu.vector_store %arg10[%swap3A_720], %broadcast_in_dim3A_687 {strides = array<i32>} : memref<10240xf32, #tpu.memory_space<vmem>>, vector<16xf32>,
    %swap3A_722 = arith.constant 10080 : index
    %swap3A_723 = tpu.vector_load %arg11[%swap3A_722] {strides = array<i32>} : memref<10240xf32, #tpu.memory_space<vmem>>, vector<16xf32>,
    tpu.vector_store %arg11[%swap3A_722], %broadcast_in_dim3A_687 {strides = array<i32>} : memref<10240xf32, #tpu.memory_space<vmem>>, vector<16xf32>,
    %swap3A_724 = arith.constant 10096 : index
    %swap3A_725 = tpu.vector_load %arg9[%swap3A_724] {strides = array<i32>} : memref<10240xf32, #tpu.memory_space<vmem>>, vector<16xf32>,
    tpu.vector_store %arg9[%swap3A_724], %broadcast_in_dim3A_687 {strides = array<i32>} : memref<10240xf32, #tpu.memory_space<vmem>>, vector<16xf32>,
    %swap3A_726 = arith.constant 10096 : index
    %swap3A_727 = tpu.vector_load %arg10[%swap3A_726] {strides = array<i32>} : memref<10240xf32, #tpu.memory_space<vmem>>, vector<16xf32>,
    tpu.vector_store %arg10[%swap3A_726], %broadcast_in_dim3A_687 {strides = array<i32>} : memref<10240xf32, #tpu.memory_space<vmem>>, vector<16xf32>,
    %swap3A_728 = arith.constant 10096 : index
    %swap3A_729 = tpu.vector_load %arg11[%swap3A_728] {strides = array<i32>} : memref<10240xf32, #tpu.memory_space<vmem>>, vector<16xf32>,
    tpu.vector_store %arg11[%swap3A_728], %broadcast_in_dim3A_687 {strides = array<i32>} : memref<10240xf32, #tpu.memory_space<vmem>>, vector<16xf32>,
    %swap3A_730 = arith.constant 10112 : index
    %swap3A_731 = tpu.vector_load %arg9[%swap3A_730] {strides = array<i32>} : memref<10240xf32, #tpu.memory_space<vmem>>, vector<16xf32>,
    tpu.vector_store %arg9[%swap3A_730], %broadcast_in_dim3A_687 {strides = array<i32>} : memref<10240xf32, #tpu.memory_space<vmem>>, vector<16xf32>,
    %swap3A_732 = arith.constant 10112 : index
    %swap3A_733 = tpu.vector_load %arg10[%swap3A_732] {strides = array<i32>} : memref<10240xf32, #tpu.memory_space<vmem>>, vector<16xf32>,
    tpu.vector_store %arg10[%swap3A_732], %broadcast_in_dim3A_687 {strides = array<i32>} : memref<10240xf32, #tpu.memory_space<vmem>>, vector<16xf32>,
    %swap3A_734 = arith.constant 10112 : index
    %swap3A_735 = tpu.vector_load %arg11[%swap3A_734] {strides = array<i32>} : memref<10240xf32, #tpu.memory_space<vmem>>, vector<16xf32>,
    tpu.vector_store %arg11[%swap3A_734], %broadcast_in_dim3A_687 {strides = array<i32>} : memref<10240xf32, #tpu.memory_space<vmem>>, vector<16xf32>,
    %swap3A_736 = arith.constant 10128 : index
    %swap3A_737 = tpu.vector_load %arg9[%swap3A_736] {strides = array<i32>} : memref<10240xf32, #tpu.memory_space<vmem>>, vector<16xf32>,
    tpu.vector_store %arg9[%swap3A_736], %broadcast_in_dim3A_687 {strides = array<i32>} : memref<10240xf32, #tpu.memory_space<vmem>>, vector<16xf32>,
    %swap3A_738 = arith.constant 10128 : index
    %swap3A_739 = tpu.vector_load %arg10[%swap3A_738] {strides = array<i32>} : memref<10240xf32, #tpu.memory_space<vmem>>, vector<16xf32>,
    tpu.vector_store %arg10[%swap3A_738], %broadcast_in_dim3A_687 {strides = array<i32>} : memref<10240xf32, #tpu.memory_space<vmem>>, vector<16xf32>,
    %swap3A_740 = arith.constant 10128 : index
    %swap3A_741 = tpu.vector_load %arg11[%swap3A_740] {strides = array<i32>} : memref<10240xf32, #tpu.memory_space<vmem>>, vector<16xf32>,
    tpu.vector_store %arg11[%swap3A_740], %broadcast_in_dim3A_687 {strides = array<i32>} : memref<10240xf32, #tpu.memory_space<vmem>>, vector<16xf32>,
    %swap3A_742 = arith.constant 10144 : index
    %swap3A_743 = tpu.vector_load %arg9[%swap3A_742] {strides = array<i32>} : memref<10240xf32, #tpu.memory_space<vmem>>, vector<16xf32>,
    tpu.vector_store %arg9[%swap3A_742], %broadcast_in_dim3A_687 {strides = array<i32>} : memref<10240xf32, #tpu.memory_space<vmem>>, vector<16xf32>,
    %swap3A_744 = arith.constant 10144 : index
    %swap3A_745 = tpu.vector_load %arg10[%swap3A_744] {strides = array<i32>} : memref<10240xf32, #tpu.memory_space<vmem>>, vector<16xf32>,
    tpu.vector_store %arg10[%swap3A_744], %broadcast_in_dim3A_687 {strides = array<i32>} : memref<10240xf32, #tpu.memory_space<vmem>>, vector<16xf32>,
    %swap3A_746 = arith.constant 10144 : index
    %swap3A_747 = tpu.vector_load %arg11[%swap3A_746] {strides = array<i32>} : memref<10240xf32, #tpu.memory_space<vmem>>, vector<16xf32>,
    tpu.vector_store %arg11[%swap3A_746], %broadcast_in_dim3A_687 {strides = array<i32>} : memref<10240xf32, #tpu.memory_space<vmem>>, vector<16xf32>,
    %swap3A_748 = arith.constant 10160 : index
    %swap3A_749 = tpu.vector_load %arg9[%swap3A_748] {strides = array<i32>} : memref<10240xf32, #tpu.memory_space<vmem>>, vector<16xf32>,
    tpu.vector_store %arg9[%swap3A_748], %broadcast_in_dim3A_687 {strides = array<i32>} : memref<10240xf32, #tpu.memory_space<vmem>>, vector<16xf32>,
    %swap3A_750 = arith.constant 10160 : index
    %swap3A_751 = tpu.vector_load %arg10[%swap3A_750] {strides = array<i32>} : memref<10240xf32, #tpu.memory_space<vmem>>, vector<16xf32>,
    tpu.vector_store %arg10[%swap3A_750], %broadcast_in_dim3A_687 {strides = array<i32>} : memref<10240xf32, #tpu.memory_space<vmem>>, vector<16xf32>,
    %swap3A_752 = arith.constant 10160 : index
    %swap3A_753 = tpu.vector_load %arg11[%swap3A_752] {strides = array<i32>} : memref<10240xf32, #tpu.memory_space<vmem>>, vector<16xf32>,
    tpu.vector_store %arg11[%swap3A_752], %broadcast_in_dim3A_687 {strides = array<i32>} : memref<10240xf32, #tpu.memory_space<vmem>>, vector<16xf32>,
    %swap3A_754 = arith.constant 10176 : index
    %swap3A_755 = tpu.vector_load %arg9[%swap3A_754] {strides = array<i32>} : memref<10240xf32, #tpu.memory_space<vmem>>, vector<16xf32>,
    tpu.vector_store %arg9[%swap3A_754], %broadcast_in_dim3A_687 {strides = array<i32>} : memref<10240xf32, #tpu.memory_space<vmem>>, vector<16xf32>,
    %swap3A_756 = arith.constant 10176 : index
    %swap3A_757 = tpu.vector_load %arg10[%swap3A_756] {strides = array<i32>} : memref<10240xf32, #tpu.memory_space<vmem>>, vector<16xf32>,
    tpu.vector_store %arg10[%swap3A_756], %broadcast_in_dim3A_687 {strides = array<i32>} : memref<10240xf32, #tpu.memory_space<vmem>>, vector<16xf32>,
    %swap3A_758 = arith.constant 10176 : index
    %swap3A_759 = tpu.vector_load %arg11[%swap3A_758] {strides = array<i32>} : memref<10240xf32, #tpu.memory_space<vmem>>, vector<16xf32>,
    tpu.vector_store %arg11[%swap3A_758], %broadcast_in_dim3A_687 {strides = array<i32>} : memref<10240xf32, #tpu.memory_space<vmem>>, vector<16xf32>,
    %swap3A_760 = arith.constant 10192 : index
    %swap3A_761 = tpu.vector_load %arg9[%swap3A_760] {strides = array<i32>} : memref<10240xf32, #tpu.memory_space<vmem>>, vector<16xf32>,
    tpu.vector_store %arg9[%swap3A_760], %broadcast_in_dim3A_687 {strides = array<i32>} : memref<10240xf32, #tpu.memory_space<vmem>>, vector<16xf32>,
    %swap3A_762 = arith.constant 10192 : index
    %swap3A_763 = tpu.vector_load %arg10[%swap3A_762] {strides = array<i32>} : memref<10240xf32, #tpu.memory_space<vmem>>, vector<16xf32>,
    tpu.vector_store %arg10[%swap3A_762], %broadcast_in_dim3A_687 {strides = array<i32>} : memref<10240xf32, #tpu.memory_space<vmem>>, vector<16xf32>,
    %swap3A_764 = arith.constant 10192 : index
    %swap3A_765 = tpu.vector_load %arg11[%swap3A_764] {strides = array<i32>} : memref<10240xf32, #tpu.memory_space<vmem>>, vector<16xf32>,
    tpu.vector_store %arg11[%swap3A_764], %broadcast_in_dim3A_687 {strides = array<i32>} : memref<10240xf32, #tpu.memory_space<vmem>>, vector<16xf32>,
    %swap3A_766 = arith.constant 10208 : index
    %swap3A_767 = tpu.vector_load %arg9[%swap3A_766] {strides = array<i32>} : memref<10240xf32, #tpu.memory_space<vmem>>, vector<16xf32>,
    tpu.vector_store %arg9[%swap3A_766], %broadcast_in_dim3A_687 {strides = array<i32>} : memref<10240xf32, #tpu.memory_space<vmem>>, vector<16xf32>,
    %swap3A_768 = arith.constant 10208 : index
    %swap3A_769 = tpu.vector_load %arg10[%swap3A_768] {strides = array<i32>} : memref<10240xf32, #tpu.memory_space<vmem>>, vector<16xf32>,
    tpu.vector_store %arg10[%swap3A_768], %broadcast_in_dim3A_687 {strides = array<i32>} : memref<10240xf32, #tpu.memory_space<vmem>>, vector<16xf32>,
    %swap3A_770 = arith.constant 10208 : index
    %swap3A_771 = tpu.vector_load %arg11[%swap3A_770] {strides = array<i32>} : memref<10240xf32, #tpu.memory_space<vmem>>, vector<16xf32>,
    tpu.vector_store %arg11[%swap3A_770], %broadcast_in_dim3A_687 {strides = array<i32>} : memref<10240xf32, #tpu.memory_space<vmem>>, vector<16xf32>,
    %swap3A_772 = arith.constant 10224 : index
    %swap3A_773 = tpu.vector_load %arg9[%swap3A_772] {strides = array<i32>} : memref<10240xf32, #tpu.memory_space<vmem>>, vector<16xf32>,
    tpu.vector_store %arg9[%swap3A_772], %broadcast_in_dim3A_687 {strides = array<i32>} : memref<10240xf32, #tpu.memory_space<vmem>>, vector<16xf32>,
    %swap3A_774 = arith.constant 10224 : index
    %swap3A_775 = tpu.vector_load %arg10[%swap3A_774] {strides = array<i32>} : memref<10240xf32, #tpu.memory_space<vmem>>, vector<16xf32>,
    tpu.vector_store %arg10[%swap3A_774], %broadcast_in_dim3A_687 {strides = array<i32>} : memref<10240xf32, #tpu.memory_space<vmem>>, vector<16xf32>,
    %swap3A_776 = arith.constant 10224 : index
    %swap3A_777 = tpu.vector_load %arg11[%swap3A_776] {strides = array<i32>} : memref<10240xf32, #tpu.memory_space<vmem>>, vector<16xf32>,
    tpu.vector_store %arg11[%swap3A_776], %broadcast_in_dim3A_687 {strides = array<i32>} : memref<10240xf32, #tpu.memory_space<vmem>>, vector<16xf32>,
    %barrier3A = arith.constant 0 : index
    tpu.barrier barrier_id(%barrier3A)
    %scan3A_778 = arith.constant 0 : i32
    %scan3A_779 = arith.constant 10 : i32
    %scan3A_780 = arith.addi %scan3A_778, %scan3A_779 : i32
    %scan3A_781 = arith.constant 1 : i32
    scf.for %scan3A_789 = %scan3A_778 to %scan3A_780 step %scan3A_781  : i32 {
      %mul3A_790 = arith.constant 1 : i32
      %mul3A_791 = arith.muli %scan3A_789, %mul3A_790 : i32
      %add3A_792 = arith.constant 0 : i32
      %add3A_793 = arith.addi %add3A_792, %mul3A_791 : i32
      %mul3A_794 = arith.constant 8 : i32
      %mul3A_795 = arith.muli %add3A_793, %mul3A_794 : i32
      %add3A_796 = arith.constant 0 : i32
      %add3A_797 = arith.addi %mul3A_795, %add3A_796 : i32
      %mul3A_798 = arith.constant 128 : i32
      %mul3A_799 = arith.muli %add3A_797, %mul3A_798 : i32
      %dma_start3A_800 = tpu.memref_slice %arg9[%mul3A_799] : memref<10240xf32, #tpu.memory_space<vmem>> -> memref<128xf32, #tpu.memory_space<vmem>>
      %dma_start3A_801 = arith.constant 0 : i32
      %dma_start3A_802 = tpu.memref_slice %arg12[%add3A_797, %dma_start3A_801] : memref<80x128xi32, #tpu.memory_space<vmem>> -> memref<1x128xi32, #tpu.memory_space<vmem>>
      %dma_start3A_803 = tpu.memref_squeeze %dma_start3A_802 : memref<1x128xi32, #tpu.memory_space<vmem>> -> memref<128xi32, #tpu.memory_space<vmem>>
      %dma_start3A_804 = arith.constant 0 : i32
      %dma_start3A_805 = tpu.memref_slice %arg16[%dma_start3A_804] : memref<30336xf32, #tpu.memory_space<vmem_shared>> -> memref<30336xf32, #tpu.memory_space<vmem_shared>>
      tpu.enqueue_indirect_dma source(%dma_start3A_800 : memref<128xf32, #tpu.memory_space<vmem>>) target(%dma_start3A_805 : memref<30336xf32, #tpu.memory_space<vmem_shared>>) offsets(%dma_start3A_803 : memref<128xi32, #tpu.memory_space<vmem>>) semaphore(%arg17 : memref<!tpu.dma_semaphore, #tpu.memory_space<semaphore_mem>>) {add = true}
      %mul3A_806 = arith.constant 128 : i32
      %mul3A_807 = arith.muli %add3A_797, %mul3A_806 : i32
      %dma_start3A_808 = tpu.memref_slice %arg10[%mul3A_807] : memref<10240xf32, #tpu.memory_space<vmem>> -> memref<128xf32, #tpu.memory_space<vmem>>
      %dma_start3A_809 = arith.constant 0 : i32
      %dma_start3A_810 = tpu.memref_slice %arg13[%add3A_797, %dma_start3A_809] : memref<80x128xi32, #tpu.memory_space<vmem>> -> memref<1x128xi32, #tpu.memory_space<vmem>>
      %dma_start3A_811 = tpu.memref_squeeze %dma_start3A_810 : memref<1x128xi32, #tpu.memory_space<vmem>> -> memref<128xi32, #tpu.memory_space<vmem>>
      %dma_start3A_812 = arith.constant 0 : i32
      %dma_start3A_813 = tpu.memref_slice %arg16[%dma_start3A_812] : memref<30336xf32, #tpu.memory_space<vmem_shared>> -> memref<30336xf32, #tpu.memory_space<vmem_shared>>
      tpu.enqueue_indirect_dma source(%dma_start3A_808 : memref<128xf32, #tpu.memory_space<vmem>>) target(%dma_start3A_813 : memref<30336xf32, #tpu.memory_space<vmem_shared>>) offsets(%dma_start3A_811 : memref<128xi32, #tpu.memory_space<vmem>>) semaphore(%arg17 : memref<!tpu.dma_semaphore, #tpu.memory_space<semaphore_mem>>) {add = true}
      %mul3A_814 = arith.constant 128 : i32
      %mul3A_815 = arith.muli %add3A_797, %mul3A_814 : i32
      %dma_start3A_816 = tpu.memref_slice %arg11[%mul3A_815] : memref<10240xf32, #tpu.memory_space<vmem>> -> memref<128xf32, #tpu.memory_space<vmem>>
      %dma_start3A_817 = arith.constant 0 : i32
      %dma_start3A_818 = tpu.memref_slice %arg14[%add3A_797, %dma_start3A_817] : memref<80x128xi32, #tpu.memory_space<vmem>> -> memref<1x128xi32, #tpu.memory_space<vmem>>
      %dma_start3A_819 = tpu.memref_squeeze %dma_start3A_818 : memref<1x128xi32, #tpu.memory_space<vmem>> -> memref<128xi32, #tpu.memory_space<vmem>>
      %dma_start3A_820 = arith.constant 0 : i32
      %dma_start3A_821 = tpu.memref_slice %arg16[%dma_start3A_820] : memref<30336xf32, #tpu.memory_space<vmem_shared>> -> memref<30336xf32, #tpu.memory_space<vmem_shared>>
      tpu.enqueue_indirect_dma source(%dma_start3A_816 : memref<128xf32, #tpu.memory_space<vmem>>) target(%dma_start3A_821 : memref<30336xf32, #tpu.memory_space<vmem_shared>>) offsets(%dma_start3A_819 : memref<128xi32, #tpu.memory_space<vmem>>) semaphore(%arg17 : memref<!tpu.dma_semaphore, #tpu.memory_space<semaphore_mem>>) {add = true}
      %mul3A_822 = arith.constant 8 : i32
      %mul3A_823 = arith.muli %add3A_793, %mul3A_822 : i32
      %add3A_824 = arith.constant 1 : i32
      %add3A_825 = arith.addi %mul3A_823, %add3A_824 : i32
      %mul3A_826 = arith.constant 128 : i32
      %mul3A_827 = arith.muli %add3A_825, %mul3A_826 : i32
      %dma_start3A_828 = tpu.memref_slice %arg9[%mul3A_827] : memref<10240xf32, #tpu.memory_space<vmem>> -> memref<128xf32, #tpu.memory_space<vmem>>
      %dma_start3A_829 = arith.constant 0 : i32
      %dma_start3A_830 = tpu.memref_slice %arg12[%add3A_825, %dma_start3A_829] : memref<80x128xi32, #tpu.memory_space<vmem>> -> memref<1x128xi32, #tpu.memory_space<vmem>>
      %dma_start3A_831 = tpu.memref_squeeze %dma_start3A_830 : memref<1x128xi32, #tpu.memory_space<vmem>> -> memref<128xi32, #tpu.memory_space<vmem>>
      %dma_start3A_832 = arith.constant 0 : i32
      %dma_start3A_833 = tpu.memref_slice %arg16[%dma_start3A_832] : memref<30336xf32, #tpu.memory_space<vmem_shared>> -> memref<30336xf32, #tpu.memory_space<vmem_shared>>
      tpu.enqueue_indirect_dma source(%dma_start3A_828 : memref<128xf32, #tpu.memory_space<vmem>>) target(%dma_start3A_833 : memref<30336xf32, #tpu.memory_space<vmem_shared>>) offsets(%dma_start3A_831 : memref<128xi32, #tpu.memory_space<vmem>>) semaphore(%arg17 : memref<!tpu.dma_semaphore, #tpu.memory_space<semaphore_mem>>) {add = true}
      %mul3A_834 = arith.constant 128 : i32
      %mul3A_835 = arith.muli %add3A_825, %mul3A_834 : i32
      %dma_start3A_836 = tpu.memref_slice %arg10[%mul3A_835] : memref<10240xf32, #tpu.memory_space<vmem>> -> memref<128xf32, #tpu.memory_space<vmem>>
      %dma_start3A_837 = arith.constant 0 : i32
      %dma_start3A_838 = tpu.memref_slice %arg13[%add3A_825, %dma_start3A_837] : memref<80x128xi32, #tpu.memory_space<vmem>> -> memref<1x128xi32, #tpu.memory_space<vmem>>
      %dma_start3A_839 = tpu.memref_squeeze %dma_start3A_838 : memref<1x128xi32, #tpu.memory_space<vmem>> -> memref<128xi32, #tpu.memory_space<vmem>>
      %dma_start3A_840 = arith.constant 0 : i32
      %dma_start3A_841 = tpu.memref_slice %arg16[%dma_start3A_840] : memref<30336xf32, #tpu.memory_space<vmem_shared>> -> memref<30336xf32, #tpu.memory_space<vmem_shared>>
      tpu.enqueue_indirect_dma source(%dma_start3A_836 : memref<128xf32, #tpu.memory_space<vmem>>) target(%dma_start3A_841 : memref<30336xf32, #tpu.memory_space<vmem_shared>>) offsets(%dma_start3A_839 : memref<128xi32, #tpu.memory_space<vmem>>) semaphore(%arg17 : memref<!tpu.dma_semaphore, #tpu.memory_space<semaphore_mem>>) {add = true}
      %mul3A_842 = arith.constant 128 : i32
      %mul3A_843 = arith.muli %add3A_825, %mul3A_842 : i32
      %dma_start3A_844 = tpu.memref_slice %arg11[%mul3A_843] : memref<10240xf32, #tpu.memory_space<vmem>> -> memref<128xf32, #tpu.memory_space<vmem>>
      %dma_start3A_845 = arith.constant 0 : i32
      %dma_start3A_846 = tpu.memref_slice %arg14[%add3A_825, %dma_start3A_845] : memref<80x128xi32, #tpu.memory_space<vmem>> -> memref<1x128xi32, #tpu.memory_space<vmem>>
      %dma_start3A_847 = tpu.memref_squeeze %dma_start3A_846 : memref<1x128xi32, #tpu.memory_space<vmem>> -> memref<128xi32, #tpu.memory_space<vmem>>
      %dma_start3A_848 = arith.constant 0 : i32
      %dma_start3A_849 = tpu.memref_slice %arg16[%dma_start3A_848] : memref<30336xf32, #tpu.memory_space<vmem_shared>> -> memref<30336xf32, #tpu.memory_space<vmem_shared>>
      tpu.enqueue_indirect_dma source(%dma_start3A_844 : memref<128xf32, #tpu.memory_space<vmem>>) target(%dma_start3A_849 : memref<30336xf32, #tpu.memory_space<vmem_shared>>) offsets(%dma_start3A_847 : memref<128xi32, #tpu.memory_space<vmem>>) semaphore(%arg17 : memref<!tpu.dma_semaphore, #tpu.memory_space<semaphore_mem>>) {add = true}
      %mul3A_850 = arith.constant 8 : i32
      %mul3A_851 = arith.muli %add3A_793, %mul3A_850 : i32
      %add3A_852 = arith.constant 2 : i32
      %add3A_853 = arith.addi %mul3A_851, %add3A_852 : i32
      %mul3A_854 = arith.constant 128 : i32
      %mul3A_855 = arith.muli %add3A_853, %mul3A_854 : i32
      %dma_start3A_856 = tpu.memref_slice %arg9[%mul3A_855] : memref<10240xf32, #tpu.memory_space<vmem>> -> memref<128xf32, #tpu.memory_space<vmem>>
      %dma_start3A_857 = arith.constant 0 : i32
      %dma_start3A_858 = tpu.memref_slice %arg12[%add3A_853, %dma_start3A_857] : memref<80x128xi32, #tpu.memory_space<vmem>> -> memref<1x128xi32, #tpu.memory_space<vmem>>
      %dma_start3A_859 = tpu.memref_squeeze %dma_start3A_858 : memref<1x128xi32, #tpu.memory_space<vmem>> -> memref<128xi32, #tpu.memory_space<vmem>>
      %dma_start3A_860 = arith.constant 0 : i32
      %dma_start3A_861 = tpu.memref_slice %arg16[%dma_start3A_860] : memref<30336xf32, #tpu.memory_space<vmem_shared>> -> memref<30336xf32, #tpu.memory_space<vmem_shared>>
      tpu.enqueue_indirect_dma source(%dma_start3A_856 : memref<128xf32, #tpu.memory_space<vmem>>) target(%dma_start3A_861 : memref<30336xf32, #tpu.memory_space<vmem_shared>>) offsets(%dma_start3A_859 : memref<128xi32, #tpu.memory_space<vmem>>) semaphore(%arg17 : memref<!tpu.dma_semaphore, #tpu.memory_space<semaphore_mem>>) {add = true}
      %mul3A_862 = arith.constant 128 : i32
      %mul3A_863 = arith.muli %add3A_853, %mul3A_862 : i32
      %dma_start3A_864 = tpu.memref_slice %arg10[%mul3A_863] : memref<10240xf32, #tpu.memory_space<vmem>> -> memref<128xf32, #tpu.memory_space<vmem>>
      %dma_start3A_865 = arith.constant 0 : i32
      %dma_start3A_866 = tpu.memref_slice %arg13[%add3A_853, %dma_start3A_865] : memref<80x128xi32, #tpu.memory_space<vmem>> -> memref<1x128xi32, #tpu.memory_space<vmem>>
      %dma_start3A_867 = tpu.memref_squeeze %dma_start3A_866 : memref<1x128xi32, #tpu.memory_space<vmem>> -> memref<128xi32, #tpu.memory_space<vmem>>
      %dma_start3A_868 = arith.constant 0 : i32
      %dma_start3A_869 = tpu.memref_slice %arg16[%dma_start3A_868] : memref<30336xf32, #tpu.memory_space<vmem_shared>> -> memref<30336xf32, #tpu.memory_space<vmem_shared>>
      tpu.enqueue_indirect_dma source(%dma_start3A_864 : memref<128xf32, #tpu.memory_space<vmem>>) target(%dma_start3A_869 : memref<30336xf32, #tpu.memory_space<vmem_shared>>) offsets(%dma_start3A_867 : memref<128xi32, #tpu.memory_space<vmem>>) semaphore(%arg17 : memref<!tpu.dma_semaphore, #tpu.memory_space<semaphore_mem>>) {add = true}
      %mul3A_870 = arith.constant 128 : i32
      %mul3A_871 = arith.muli %add3A_853, %mul3A_870 : i32
      %dma_start3A_872 = tpu.memref_slice %arg11[%mul3A_871] : memref<10240xf32, #tpu.memory_space<vmem>> -> memref<128xf32, #tpu.memory_space<vmem>>
      %dma_start3A_873 = arith.constant 0 : i32
      %dma_start3A_874 = tpu.memref_slice %arg14[%add3A_853, %dma_start3A_873] : memref<80x128xi32, #tpu.memory_space<vmem>> -> memref<1x128xi32, #tpu.memory_space<vmem>>
      %dma_start3A_875 = tpu.memref_squeeze %dma_start3A_874 : memref<1x128xi32, #tpu.memory_space<vmem>> -> memref<128xi32, #tpu.memory_space<vmem>>
      %dma_start3A_876 = arith.constant 0 : i32
      %dma_start3A_877 = tpu.memref_slice %arg16[%dma_start3A_876] : memref<30336xf32, #tpu.memory_space<vmem_shared>> -> memref<30336xf32, #tpu.memory_space<vmem_shared>>
      tpu.enqueue_indirect_dma source(%dma_start3A_872 : memref<128xf32, #tpu.memory_space<vmem>>) target(%dma_start3A_877 : memref<30336xf32, #tpu.memory_space<vmem_shared>>) offsets(%dma_start3A_875 : memref<128xi32, #tpu.memory_space<vmem>>) semaphore(%arg17 : memref<!tpu.dma_semaphore, #tpu.memory_space<semaphore_mem>>) {add = true}
      %mul3A_878 = arith.constant 8 : i32
      %mul3A_879 = arith.muli %add3A_793, %mul3A_878 : i32
      %add3A_880 = arith.constant 3 : i32
      %add3A_881 = arith.addi %mul3A_879, %add3A_880 : i32
      %mul3A_882 = arith.constant 128 : i32
      %mul3A_883 = arith.muli %add3A_881, %mul3A_882 : i32
      %dma_start3A_884 = tpu.memref_slice %arg9[%mul3A_883] : memref<10240xf32, #tpu.memory_space<vmem>> -> memref<128xf32, #tpu.memory_space<vmem>>
      %dma_start3A_885 = arith.constant 0 : i32
      %dma_start3A_886 = tpu.memref_slice %arg12[%add3A_881, %dma_start3A_885] : memref<80x128xi32, #tpu.memory_space<vmem>> -> memref<1x128xi32, #tpu.memory_space<vmem>>
      %dma_start3A_887 = tpu.memref_squeeze %dma_start3A_886 : memref<1x128xi32, #tpu.memory_space<vmem>> -> memref<128xi32, #tpu.memory_space<vmem>>
      %dma_start3A_888 = arith.constant 0 : i32
      %dma_start3A_889 = tpu.memref_slice %arg16[%dma_start3A_888] : memref<30336xf32, #tpu.memory_space<vmem_shared>> -> memref<30336xf32, #tpu.memory_space<vmem_shared>>
      tpu.enqueue_indirect_dma source(%dma_start3A_884 : memref<128xf32, #tpu.memory_space<vmem>>) target(%dma_start3A_889 : memref<30336xf32, #tpu.memory_space<vmem_shared>>) offsets(%dma_start3A_887 : memref<128xi32, #tpu.memory_space<vmem>>) semaphore(%arg17 : memref<!tpu.dma_semaphore, #tpu.memory_space<semaphore_mem>>) {add = true}
      %mul3A_890 = arith.constant 128 : i32
      %mul3A_891 = arith.muli %add3A_881, %mul3A_890 : i32
      %dma_start3A_892 = tpu.memref_slice %arg10[%mul3A_891] : memref<10240xf32, #tpu.memory_space<vmem>> -> memref<128xf32, #tpu.memory_space<vmem>>
      %dma_start3A_893 = arith.constant 0 : i32
      %dma_start3A_894 = tpu.memref_slice %arg13[%add3A_881, %dma_start3A_893] : memref<80x128xi32, #tpu.memory_space<vmem>> -> memref<1x128xi32, #tpu.memory_space<vmem>>
      %dma_start3A_895 = tpu.memref_squeeze %dma_start3A_894 : memref<1x128xi32, #tpu.memory_space<vmem>> -> memref<128xi32, #tpu.memory_space<vmem>>
      %dma_start3A_896 = arith.constant 0 : i32
      %dma_start3A_897 = tpu.memref_slice %arg16[%dma_start3A_896] : memref<30336xf32, #tpu.memory_space<vmem_shared>> -> memref<30336xf32, #tpu.memory_space<vmem_shared>>
      tpu.enqueue_indirect_dma source(%dma_start3A_892 : memref<128xf32, #tpu.memory_space<vmem>>) target(%dma_start3A_897 : memref<30336xf32, #tpu.memory_space<vmem_shared>>) offsets(%dma_start3A_895 : memref<128xi32, #tpu.memory_space<vmem>>) semaphore(%arg17 : memref<!tpu.dma_semaphore, #tpu.memory_space<semaphore_mem>>) {add = true}
      %mul3A_898 = arith.constant 128 : i32
      %mul3A_899 = arith.muli %add3A_881, %mul3A_898 : i32
      %dma_start3A_900 = tpu.memref_slice %arg11[%mul3A_899] : memref<10240xf32, #tpu.memory_space<vmem>> -> memref<128xf32, #tpu.memory_space<vmem>>
      %dma_start3A_901 = arith.constant 0 : i32
      %dma_start3A_902 = tpu.memref_slice %arg14[%add3A_881, %dma_start3A_901] : memref<80x128xi32, #tpu.memory_space<vmem>> -> memref<1x128xi32, #tpu.memory_space<vmem>>
      %dma_start3A_903 = tpu.memref_squeeze %dma_start3A_902 : memref<1x128xi32, #tpu.memory_space<vmem>> -> memref<128xi32, #tpu.memory_space<vmem>>
      %dma_start3A_904 = arith.constant 0 : i32
      %dma_start3A_905 = tpu.memref_slice %arg16[%dma_start3A_904] : memref<30336xf32, #tpu.memory_space<vmem_shared>> -> memref<30336xf32, #tpu.memory_space<vmem_shared>>
      tpu.enqueue_indirect_dma source(%dma_start3A_900 : memref<128xf32, #tpu.memory_space<vmem>>) target(%dma_start3A_905 : memref<30336xf32, #tpu.memory_space<vmem_shared>>) offsets(%dma_start3A_903 : memref<128xi32, #tpu.memory_space<vmem>>) semaphore(%arg17 : memref<!tpu.dma_semaphore, #tpu.memory_space<semaphore_mem>>) {add = true}
      %mul3A_906 = arith.constant 8 : i32
      %mul3A_907 = arith.muli %add3A_793, %mul3A_906 : i32
      %add3A_908 = arith.constant 4 : i32
      %add3A_909 = arith.addi %mul3A_907, %add3A_908 : i32
      %mul3A_910 = arith.constant 128 : i32
      %mul3A_911 = arith.muli %add3A_909, %mul3A_910 : i32
      %dma_start3A_912 = tpu.memref_slice %arg9[%mul3A_911] : memref<10240xf32, #tpu.memory_space<vmem>> -> memref<128xf32, #tpu.memory_space<vmem>>
      %dma_start3A_913 = arith.constant 0 : i32
      %dma_start3A_914 = tpu.memref_slice %arg12[%add3A_909, %dma_start3A_913] : memref<80x128xi32, #tpu.memory_space<vmem>> -> memref<1x128xi32, #tpu.memory_space<vmem>>
      %dma_start3A_915 = tpu.memref_squeeze %dma_start3A_914 : memref<1x128xi32, #tpu.memory_space<vmem>> -> memref<128xi32, #tpu.memory_space<vmem>>
      %dma_start3A_916 = arith.constant 0 : i32
      %dma_start3A_917 = tpu.memref_slice %arg16[%dma_start3A_916] : memref<30336xf32, #tpu.memory_space<vmem_shared>> -> memref<30336xf32, #tpu.memory_space<vmem_shared>>
      tpu.enqueue_indirect_dma source(%dma_start3A_912 : memref<128xf32, #tpu.memory_space<vmem>>) target(%dma_start3A_917 : memref<30336xf32, #tpu.memory_space<vmem_shared>>) offsets(%dma_start3A_915 : memref<128xi32, #tpu.memory_space<vmem>>) semaphore(%arg17 : memref<!tpu.dma_semaphore, #tpu.memory_space<semaphore_mem>>) {add = true}
      %mul3A_918 = arith.constant 128 : i32
      %mul3A_919 = arith.muli %add3A_909, %mul3A_918 : i32
      %dma_start3A_920 = tpu.memref_slice %arg10[%mul3A_919] : memref<10240xf32, #tpu.memory_space<vmem>> -> memref<128xf32, #tpu.memory_space<vmem>>
      %dma_start3A_921 = arith.constant 0 : i32
      %dma_start3A_922 = tpu.memref_slice %arg13[%add3A_909, %dma_start3A_921] : memref<80x128xi32, #tpu.memory_space<vmem>> -> memref<1x128xi32, #tpu.memory_space<vmem>>
      %dma_start3A_923 = tpu.memref_squeeze %dma_start3A_922 : memref<1x128xi32, #tpu.memory_space<vmem>> -> memref<128xi32, #tpu.memory_space<vmem>>
      %dma_start3A_924 = arith.constant 0 : i32
      %dma_start3A_925 = tpu.memref_slice %arg16[%dma_start3A_924] : memref<30336xf32, #tpu.memory_space<vmem_shared>> -> memref<30336xf32, #tpu.memory_space<vmem_shared>>
      tpu.enqueue_indirect_dma source(%dma_start3A_920 : memref<128xf32, #tpu.memory_space<vmem>>) target(%dma_start3A_925 : memref<30336xf32, #tpu.memory_space<vmem_shared>>) offsets(%dma_start3A_923 : memref<128xi32, #tpu.memory_space<vmem>>) semaphore(%arg17 : memref<!tpu.dma_semaphore, #tpu.memory_space<semaphore_mem>>) {add = true}
      %mul3A_926 = arith.constant 128 : i32
      %mul3A_927 = arith.muli %add3A_909, %mul3A_926 : i32
      %dma_start3A_928 = tpu.memref_slice %arg11[%mul3A_927] : memref<10240xf32, #tpu.memory_space<vmem>> -> memref<128xf32, #tpu.memory_space<vmem>>
      %dma_start3A_929 = arith.constant 0 : i32
      %dma_start3A_930 = tpu.memref_slice %arg14[%add3A_909, %dma_start3A_929] : memref<80x128xi32, #tpu.memory_space<vmem>> -> memref<1x128xi32, #tpu.memory_space<vmem>>
      %dma_start3A_931 = tpu.memref_squeeze %dma_start3A_930 : memref<1x128xi32, #tpu.memory_space<vmem>> -> memref<128xi32, #tpu.memory_space<vmem>>
      %dma_start3A_932 = arith.constant 0 : i32
      %dma_start3A_933 = tpu.memref_slice %arg16[%dma_start3A_932] : memref<30336xf32, #tpu.memory_space<vmem_shared>> -> memref<30336xf32, #tpu.memory_space<vmem_shared>>
      tpu.enqueue_indirect_dma source(%dma_start3A_928 : memref<128xf32, #tpu.memory_space<vmem>>) target(%dma_start3A_933 : memref<30336xf32, #tpu.memory_space<vmem_shared>>) offsets(%dma_start3A_931 : memref<128xi32, #tpu.memory_space<vmem>>) semaphore(%arg17 : memref<!tpu.dma_semaphore, #tpu.memory_space<semaphore_mem>>) {add = true}
      %mul3A_934 = arith.constant 8 : i32
      %mul3A_935 = arith.muli %add3A_793, %mul3A_934 : i32
      %add3A_936 = arith.constant 5 : i32
      %add3A_937 = arith.addi %mul3A_935, %add3A_936 : i32
      %mul3A_938 = arith.constant 128 : i32
      %mul3A_939 = arith.muli %add3A_937, %mul3A_938 : i32
      %dma_start3A_940 = tpu.memref_slice %arg9[%mul3A_939] : memref<10240xf32, #tpu.memory_space<vmem>> -> memref<128xf32, #tpu.memory_space<vmem>>
      %dma_start3A_941 = arith.constant 0 : i32
      %dma_start3A_942 = tpu.memref_slice %arg12[%add3A_937, %dma_start3A_941] : memref<80x128xi32, #tpu.memory_space<vmem>> -> memref<1x128xi32, #tpu.memory_space<vmem>>
      %dma_start3A_943 = tpu.memref_squeeze %dma_start3A_942 : memref<1x128xi32, #tpu.memory_space<vmem>> -> memref<128xi32, #tpu.memory_space<vmem>>
      %dma_start3A_944 = arith.constant 0 : i32
      %dma_start3A_945 = tpu.memref_slice %arg16[%dma_start3A_944] : memref<30336xf32, #tpu.memory_space<vmem_shared>> -> memref<30336xf32, #tpu.memory_space<vmem_shared>>
      tpu.enqueue_indirect_dma source(%dma_start3A_940 : memref<128xf32, #tpu.memory_space<vmem>>) target(%dma_start3A_945 : memref<30336xf32, #tpu.memory_space<vmem_shared>>) offsets(%dma_start3A_943 : memref<128xi32, #tpu.memory_space<vmem>>) semaphore(%arg17 : memref<!tpu.dma_semaphore, #tpu.memory_space<semaphore_mem>>) {add = true}
      %mul3A_946 = arith.constant 128 : i32
      %mul3A_947 = arith.muli %add3A_937, %mul3A_946 : i32
      %dma_start3A_948 = tpu.memref_slice %arg10[%mul3A_947] : memref<10240xf32, #tpu.memory_space<vmem>> -> memref<128xf32, #tpu.memory_space<vmem>>
      %dma_start3A_949 = arith.constant 0 : i32
      %dma_start3A_950 = tpu.memref_slice %arg13[%add3A_937, %dma_start3A_949] : memref<80x128xi32, #tpu.memory_space<vmem>> -> memref<1x128xi32, #tpu.memory_space<vmem>>
      %dma_start3A_951 = tpu.memref_squeeze %dma_start3A_950 : memref<1x128xi32, #tpu.memory_space<vmem>> -> memref<128xi32, #tpu.memory_space<vmem>>
      %dma_start3A_952 = arith.constant 0 : i32
      %dma_start3A_953 = tpu.memref_slice %arg16[%dma_start3A_952] : memref<30336xf32, #tpu.memory_space<vmem_shared>> -> memref<30336xf32, #tpu.memory_space<vmem_shared>>
      tpu.enqueue_indirect_dma source(%dma_start3A_948 : memref<128xf32, #tpu.memory_space<vmem>>) target(%dma_start3A_953 : memref<30336xf32, #tpu.memory_space<vmem_shared>>) offsets(%dma_start3A_951 : memref<128xi32, #tpu.memory_space<vmem>>) semaphore(%arg17 : memref<!tpu.dma_semaphore, #tpu.memory_space<semaphore_mem>>) {add = true}
      %mul3A_954 = arith.constant 128 : i32
      %mul3A_955 = arith.muli %add3A_937, %mul3A_954 : i32
      %dma_start3A_956 = tpu.memref_slice %arg11[%mul3A_955] : memref<10240xf32, #tpu.memory_space<vmem>> -> memref<128xf32, #tpu.memory_space<vmem>>
      %dma_start3A_957 = arith.constant 0 : i32
      %dma_start3A_958 = tpu.memref_slice %arg14[%add3A_937, %dma_start3A_957] : memref<80x128xi32, #tpu.memory_space<vmem>> -> memref<1x128xi32, #tpu.memory_space<vmem>>
      %dma_start3A_959 = tpu.memref_squeeze %dma_start3A_958 : memref<1x128xi32, #tpu.memory_space<vmem>> -> memref<128xi32, #tpu.memory_space<vmem>>
      %dma_start3A_960 = arith.constant 0 : i32
      %dma_start3A_961 = tpu.memref_slice %arg16[%dma_start3A_960] : memref<30336xf32, #tpu.memory_space<vmem_shared>> -> memref<30336xf32, #tpu.memory_space<vmem_shared>>
      tpu.enqueue_indirect_dma source(%dma_start3A_956 : memref<128xf32, #tpu.memory_space<vmem>>) target(%dma_start3A_961 : memref<30336xf32, #tpu.memory_space<vmem_shared>>) offsets(%dma_start3A_959 : memref<128xi32, #tpu.memory_space<vmem>>) semaphore(%arg17 : memref<!tpu.dma_semaphore, #tpu.memory_space<semaphore_mem>>) {add = true}
      %mul3A_962 = arith.constant 8 : i32
      %mul3A_963 = arith.muli %add3A_793, %mul3A_962 : i32
      %add3A_964 = arith.constant 6 : i32
      %add3A_965 = arith.addi %mul3A_963, %add3A_964 : i32
      %mul3A_966 = arith.constant 128 : i32
      %mul3A_967 = arith.muli %add3A_965, %mul3A_966 : i32
      %dma_start3A_968 = tpu.memref_slice %arg9[%mul3A_967] : memref<10240xf32, #tpu.memory_space<vmem>> -> memref<128xf32, #tpu.memory_space<vmem>>
      %dma_start3A_969 = arith.constant 0 : i32
      %dma_start3A_970 = tpu.memref_slice %arg12[%add3A_965, %dma_start3A_969] : memref<80x128xi32, #tpu.memory_space<vmem>> -> memref<1x128xi32, #tpu.memory_space<vmem>>
      %dma_start3A_971 = tpu.memref_squeeze %dma_start3A_970 : memref<1x128xi32, #tpu.memory_space<vmem>> -> memref<128xi32, #tpu.memory_space<vmem>>
      %dma_start3A_972 = arith.constant 0 : i32
      %dma_start3A_973 = tpu.memref_slice %arg16[%dma_start3A_972] : memref<30336xf32, #tpu.memory_space<vmem_shared>> -> memref<30336xf32, #tpu.memory_space<vmem_shared>>
      tpu.enqueue_indirect_dma source(%dma_start3A_968 : memref<128xf32, #tpu.memory_space<vmem>>) target(%dma_start3A_973 : memref<30336xf32, #tpu.memory_space<vmem_shared>>) offsets(%dma_start3A_971 : memref<128xi32, #tpu.memory_space<vmem>>) semaphore(%arg17 : memref<!tpu.dma_semaphore, #tpu.memory_space<semaphore_mem>>) {add = true}
      %mul3A_974 = arith.constant 128 : i32
      %mul3A_975 = arith.muli %add3A_965, %mul3A_974 : i32
      %dma_start3A_976 = tpu.memref_slice %arg10[%mul3A_975] : memref<10240xf32, #tpu.memory_space<vmem>> -> memref<128xf32, #tpu.memory_space<vmem>>
      %dma_start3A_977 = arith.constant 0 : i32
      %dma_start3A_978 = tpu.memref_slice %arg13[%add3A_965, %dma_start3A_977] : memref<80x128xi32, #tpu.memory_space<vmem>> -> memref<1x128xi32, #tpu.memory_space<vmem>>
      %dma_start3A_979 = tpu.memref_squeeze %dma_start3A_978 : memref<1x128xi32, #tpu.memory_space<vmem>> -> memref<128xi32, #tpu.memory_space<vmem>>
      %dma_start3A_980 = arith.constant 0 : i32
      %dma_start3A_981 = tpu.memref_slice %arg16[%dma_start3A_980] : memref<30336xf32, #tpu.memory_space<vmem_shared>> -> memref<30336xf32, #tpu.memory_space<vmem_shared>>
      tpu.enqueue_indirect_dma source(%dma_start3A_976 : memref<128xf32, #tpu.memory_space<vmem>>) target(%dma_start3A_981 : memref<30336xf32, #tpu.memory_space<vmem_shared>>) offsets(%dma_start3A_979 : memref<128xi32, #tpu.memory_space<vmem>>) semaphore(%arg17 : memref<!tpu.dma_semaphore, #tpu.memory_space<semaphore_mem>>) {add = true}
      %mul3A_982 = arith.constant 128 : i32
      %mul3A_983 = arith.muli %add3A_965, %mul3A_982 : i32
      %dma_start3A_984 = tpu.memref_slice %arg11[%mul3A_983] : memref<10240xf32, #tpu.memory_space<vmem>> -> memref<128xf32, #tpu.memory_space<vmem>>
      %dma_start3A_985 = arith.constant 0 : i32
      %dma_start3A_986 = tpu.memref_slice %arg14[%add3A_965, %dma_start3A_985] : memref<80x128xi32, #tpu.memory_space<vmem>> -> memref<1x128xi32, #tpu.memory_space<vmem>>
      %dma_start3A_987 = tpu.memref_squeeze %dma_start3A_986 : memref<1x128xi32, #tpu.memory_space<vmem>> -> memref<128xi32, #tpu.memory_space<vmem>>
      %dma_start3A_988 = arith.constant 0 : i32
      %dma_start3A_989 = tpu.memref_slice %arg16[%dma_start3A_988] : memref<30336xf32, #tpu.memory_space<vmem_shared>> -> memref<30336xf32, #tpu.memory_space<vmem_shared>>
      tpu.enqueue_indirect_dma source(%dma_start3A_984 : memref<128xf32, #tpu.memory_space<vmem>>) target(%dma_start3A_989 : memref<30336xf32, #tpu.memory_space<vmem_shared>>) offsets(%dma_start3A_987 : memref<128xi32, #tpu.memory_space<vmem>>) semaphore(%arg17 : memref<!tpu.dma_semaphore, #tpu.memory_space<semaphore_mem>>) {add = true}
      %mul3A_990 = arith.constant 8 : i32
      %mul3A_991 = arith.muli %add3A_793, %mul3A_990 : i32
      %add3A_992 = arith.constant 7 : i32
      %add3A_993 = arith.addi %mul3A_991, %add3A_992 : i32
      %mul3A_994 = arith.constant 128 : i32
      %mul3A_995 = arith.muli %add3A_993, %mul3A_994 : i32
      %dma_start3A_996 = tpu.memref_slice %arg9[%mul3A_995] : memref<10240xf32, #tpu.memory_space<vmem>> -> memref<128xf32, #tpu.memory_space<vmem>>
      %dma_start3A_997 = arith.constant 0 : i32
      %dma_start3A_998 = tpu.memref_slice %arg12[%add3A_993, %dma_start3A_997] : memref<80x128xi32, #tpu.memory_space<vmem>> -> memref<1x128xi32, #tpu.memory_space<vmem>>
      %dma_start3A_999 = tpu.memref_squeeze %dma_start3A_998 : memref<1x128xi32, #tpu.memory_space<vmem>> -> memref<128xi32, #tpu.memory_space<vmem>>
      %dma_start3A_1000 = arith.constant 0 : i32
      %dma_start3A_1001 = tpu.memref_slice %arg16[%dma_start3A_1000] : memref<30336xf32, #tpu.memory_space<vmem_shared>> -> memref<30336xf32, #tpu.memory_space<vmem_shared>>
      tpu.enqueue_indirect_dma source(%dma_start3A_996 : memref<128xf32, #tpu.memory_space<vmem>>) target(%dma_start3A_1001 : memref<30336xf32, #tpu.memory_space<vmem_shared>>) offsets(%dma_start3A_999 : memref<128xi32, #tpu.memory_space<vmem>>) semaphore(%arg17 : memref<!tpu.dma_semaphore, #tpu.memory_space<semaphore_mem>>) {add = true}
      %mul3A_1002 = arith.constant 128 : i32
      %mul3A_1003 = arith.muli %add3A_993, %mul3A_1002 : i32
      %dma_start3A_1004 = tpu.memref_slice %arg10[%mul3A_1003] : memref<10240xf32, #tpu.memory_space<vmem>> -> memref<128xf32, #tpu.memory_space<vmem>>
      %dma_start3A_1005 = arith.constant 0 : i32
      %dma_start3A_1006 = tpu.memref_slice %arg13[%add3A_993, %dma_start3A_1005] : memref<80x128xi32, #tpu.memory_space<vmem>> -> memref<1x128xi32, #tpu.memory_space<vmem>>
      %dma_start3A_1007 = tpu.memref_squeeze %dma_start3A_1006 : memref<1x128xi32, #tpu.memory_space<vmem>> -> memref<128xi32, #tpu.memory_space<vmem>>
      %dma_start3A_1008 = arith.constant 0 : i32
      %dma_start3A_1009 = tpu.memref_slice %arg16[%dma_start3A_1008] : memref<30336xf32, #tpu.memory_space<vmem_shared>> -> memref<30336xf32, #tpu.memory_space<vmem_shared>>
      tpu.enqueue_indirect_dma source(%dma_start3A_1004 : memref<128xf32, #tpu.memory_space<vmem>>) target(%dma_start3A_1009 : memref<30336xf32, #tpu.memory_space<vmem_shared>>) offsets(%dma_start3A_1007 : memref<128xi32, #tpu.memory_space<vmem>>) semaphore(%arg17 : memref<!tpu.dma_semaphore, #tpu.memory_space<semaphore_mem>>) {add = true}
      %mul3A_1010 = arith.constant 128 : i32
      %mul3A_1011 = arith.muli %add3A_993, %mul3A_1010 : i32
      %dma_start3A_1012 = tpu.memref_slice %arg11[%mul3A_1011] : memref<10240xf32, #tpu.memory_space<vmem>> -> memref<128xf32, #tpu.memory_space<vmem>>
      %dma_start3A_1013 = arith.constant 0 : i32
      %dma_start3A_1014 = tpu.memref_slice %arg14[%add3A_993, %dma_start3A_1013] : memref<80x128xi32, #tpu.memory_space<vmem>> -> memref<1x128xi32, #tpu.memory_space<vmem>>
      %dma_start3A_1015 = tpu.memref_squeeze %dma_start3A_1014 : memref<1x128xi32, #tpu.memory_space<vmem>> -> memref<128xi32, #tpu.memory_space<vmem>>
      %dma_start3A_1016 = arith.constant 0 : i32
      %dma_start3A_1017 = tpu.memref_slice %arg16[%dma_start3A_1016] : memref<30336xf32, #tpu.memory_space<vmem_shared>> -> memref<30336xf32, #tpu.memory_space<vmem_shared>>
      tpu.enqueue_indirect_dma source(%dma_start3A_1012 : memref<128xf32, #tpu.memory_space<vmem>>) target(%dma_start3A_1017 : memref<30336xf32, #tpu.memory_space<vmem_shared>>) offsets(%dma_start3A_1015 : memref<128xi32, #tpu.memory_space<vmem>>) semaphore(%arg17 : memref<!tpu.dma_semaphore, #tpu.memory_space<semaphore_mem>>) {add = true}
      %dma_wait3A_1018 = tpu.memref_slice %arg9[%mul3A_799] : memref<10240xf32, #tpu.memory_space<vmem>> -> memref<128xf32, #tpu.memory_space<vmem>>
      %dma_wait3A_1019 = arith.constant 0 : i32
      %dma_wait3A_1020 = tpu.memref_slice %arg12[%add3A_797, %dma_wait3A_1019] : memref<80x128xi32, #tpu.memory_space<vmem>> -> memref<1x128xi32, #tpu.memory_space<vmem>>
      %dma_wait3A_1021 = tpu.memref_squeeze %dma_wait3A_1020 : memref<1x128xi32, #tpu.memory_space<vmem>> -> memref<128xi32, #tpu.memory_space<vmem>>
      %dma_wait3A_1022 = arith.constant 0 : i32
      %dma_wait3A_1023 = tpu.memref_slice %arg16[%dma_wait3A_1022] : memref<30336xf32, #tpu.memory_space<vmem_shared>> -> memref<30336xf32, #tpu.memory_space<vmem_shared>>
      tpu.wait_indirect_dma semaphore(%arg17 : memref<!tpu.dma_semaphore, #tpu.memory_space<semaphore_mem>>) src(%dma_wait3A_1018 : memref<128xf32, #tpu.memory_space<vmem>>) dst(%dma_wait3A_1023 : memref<30336xf32, #tpu.memory_space<vmem_shared>>)
      %dma_wait3A_1024 = tpu.memref_slice %arg10[%mul3A_807] : memref<10240xf32, #tpu.memory_space<vmem>> -> memref<128xf32, #tpu.memory_space<vmem>>
      %dma_wait3A_1025 = arith.constant 0 : i32
      %dma_wait3A_1026 = tpu.memref_slice %arg13[%add3A_797, %dma_wait3A_1025] : memref<80x128xi32, #tpu.memory_space<vmem>> -> memref<1x128xi32, #tpu.memory_space<vmem>>
      %dma_wait3A_1027 = tpu.memref_squeeze %dma_wait3A_1026 : memref<1x128xi32, #tpu.memory_space<vmem>> -> memref<128xi32, #tpu.memory_space<vmem>>
      %dma_wait3A_1028 = arith.constant 0 : i32
      %dma_wait3A_1029 = tpu.memref_slice %arg16[%dma_wait3A_1028] : memref<30336xf32, #tpu.memory_space<vmem_shared>> -> memref<30336xf32, #tpu.memory_space<vmem_shared>>
      tpu.wait_indirect_dma semaphore(%arg17 : memref<!tpu.dma_semaphore, #tpu.memory_space<semaphore_mem>>) src(%dma_wait3A_1024 : memref<128xf32, #tpu.memory_space<vmem>>) dst(%dma_wait3A_1029 : memref<30336xf32, #tpu.memory_space<vmem_shared>>)
      %dma_wait3A_1030 = tpu.memref_slice %arg11[%mul3A_815] : memref<10240xf32, #tpu.memory_space<vmem>> -> memref<128xf32, #tpu.memory_space<vmem>>
      %dma_wait3A_1031 = arith.constant 0 : i32
      %dma_wait3A_1032 = tpu.memref_slice %arg14[%add3A_797, %dma_wait3A_1031] : memref<80x128xi32, #tpu.memory_space<vmem>> -> memref<1x128xi32, #tpu.memory_space<vmem>>
      %dma_wait3A_1033 = tpu.memref_squeeze %dma_wait3A_1032 : memref<1x128xi32, #tpu.memory_space<vmem>> -> memref<128xi32, #tpu.memory_space<vmem>>
      %dma_wait3A_1034 = arith.constant 0 : i32
      %dma_wait3A_1035 = tpu.memref_slice %arg16[%dma_wait3A_1034] : memref<30336xf32, #tpu.memory_space<vmem_shared>> -> memref<30336xf32, #tpu.memory_space<vmem_shared>>
      tpu.wait_indirect_dma semaphore(%arg17 : memref<!tpu.dma_semaphore, #tpu.memory_space<semaphore_mem>>) src(%dma_wait3A_1030 : memref<128xf32, #tpu.memory_space<vmem>>) dst(%dma_wait3A_1035 : memref<30336xf32, #tpu.memory_space<vmem_shared>>)
      %dma_wait3A_1036 = tpu.memref_slice %arg9[%mul3A_827] : memref<10240xf32, #tpu.memory_space<vmem>> -> memref<128xf32, #tpu.memory_space<vmem>>
      %dma_wait3A_1037 = arith.constant 0 : i32
      %dma_wait3A_1038 = tpu.memref_slice %arg12[%add3A_825, %dma_wait3A_1037] : memref<80x128xi32, #tpu.memory_space<vmem>> -> memref<1x128xi32, #tpu.memory_space<vmem>>
      %dma_wait3A_1039 = tpu.memref_squeeze %dma_wait3A_1038 : memref<1x128xi32, #tpu.memory_space<vmem>> -> memref<128xi32, #tpu.memory_space<vmem>>
      %dma_wait3A_1040 = arith.constant 0 : i32
      %dma_wait3A_1041 = tpu.memref_slice %arg16[%dma_wait3A_1040] : memref<30336xf32, #tpu.memory_space<vmem_shared>> -> memref<30336xf32, #tpu.memory_space<vmem_shared>>
      tpu.wait_indirect_dma semaphore(%arg17 : memref<!tpu.dma_semaphore, #tpu.memory_space<semaphore_mem>>) src(%dma_wait3A_1036 : memref<128xf32, #tpu.memory_space<vmem>>) dst(%dma_wait3A_1041 : memref<30336xf32, #tpu.memory_space<vmem_shared>>)
      %dma_wait3A_1042 = tpu.memref_slice %arg10[%mul3A_835] : memref<10240xf32, #tpu.memory_space<vmem>> -> memref<128xf32, #tpu.memory_space<vmem>>
      %dma_wait3A_1043 = arith.constant 0 : i32
      %dma_wait3A_1044 = tpu.memref_slice %arg13[%add3A_825, %dma_wait3A_1043] : memref<80x128xi32, #tpu.memory_space<vmem>> -> memref<1x128xi32, #tpu.memory_space<vmem>>
      %dma_wait3A_1045 = tpu.memref_squeeze %dma_wait3A_1044 : memref<1x128xi32, #tpu.memory_space<vmem>> -> memref<128xi32, #tpu.memory_space<vmem>>
      %dma_wait3A_1046 = arith.constant 0 : i32
      %dma_wait3A_1047 = tpu.memref_slice %arg16[%dma_wait3A_1046] : memref<30336xf32, #tpu.memory_space<vmem_shared>> -> memref<30336xf32, #tpu.memory_space<vmem_shared>>
      tpu.wait_indirect_dma semaphore(%arg17 : memref<!tpu.dma_semaphore, #tpu.memory_space<semaphore_mem>>) src(%dma_wait3A_1042 : memref<128xf32, #tpu.memory_space<vmem>>) dst(%dma_wait3A_1047 : memref<30336xf32, #tpu.memory_space<vmem_shared>>)
      %dma_wait3A_1048 = tpu.memref_slice %arg11[%mul3A_843] : memref<10240xf32, #tpu.memory_space<vmem>> -> memref<128xf32, #tpu.memory_space<vmem>>
      %dma_wait3A_1049 = arith.constant 0 : i32
      %dma_wait3A_1050 = tpu.memref_slice %arg14[%add3A_825, %dma_wait3A_1049] : memref<80x128xi32, #tpu.memory_space<vmem>> -> memref<1x128xi32, #tpu.memory_space<vmem>>
      %dma_wait3A_1051 = tpu.memref_squeeze %dma_wait3A_1050 : memref<1x128xi32, #tpu.memory_space<vmem>> -> memref<128xi32, #tpu.memory_space<vmem>>
      %dma_wait3A_1052 = arith.constant 0 : i32
      %dma_wait3A_1053 = tpu.memref_slice %arg16[%dma_wait3A_1052] : memref<30336xf32, #tpu.memory_space<vmem_shared>> -> memref<30336xf32, #tpu.memory_space<vmem_shared>>
      tpu.wait_indirect_dma semaphore(%arg17 : memref<!tpu.dma_semaphore, #tpu.memory_space<semaphore_mem>>) src(%dma_wait3A_1048 : memref<128xf32, #tpu.memory_space<vmem>>) dst(%dma_wait3A_1053 : memref<30336xf32, #tpu.memory_space<vmem_shared>>)
      %dma_wait3A_1054 = tpu.memref_slice %arg9[%mul3A_855] : memref<10240xf32, #tpu.memory_space<vmem>> -> memref<128xf32, #tpu.memory_space<vmem>>
      %dma_wait3A_1055 = arith.constant 0 : i32
      %dma_wait3A_1056 = tpu.memref_slice %arg12[%add3A_853, %dma_wait3A_1055] : memref<80x128xi32, #tpu.memory_space<vmem>> -> memref<1x128xi32, #tpu.memory_space<vmem>>
      %dma_wait3A_1057 = tpu.memref_squeeze %dma_wait3A_1056 : memref<1x128xi32, #tpu.memory_space<vmem>> -> memref<128xi32, #tpu.memory_space<vmem>>
      %dma_wait3A_1058 = arith.constant 0 : i32
      %dma_wait3A_1059 = tpu.memref_slice %arg16[%dma_wait3A_1058] : memref<30336xf32, #tpu.memory_space<vmem_shared>> -> memref<30336xf32, #tpu.memory_space<vmem_shared>>
      tpu.wait_indirect_dma semaphore(%arg17 : memref<!tpu.dma_semaphore, #tpu.memory_space<semaphore_mem>>) src(%dma_wait3A_1054 : memref<128xf32, #tpu.memory_space<vmem>>) dst(%dma_wait3A_1059 : memref<30336xf32, #tpu.memory_space<vmem_shared>>)
      %dma_wait3A_1060 = tpu.memref_slice %arg10[%mul3A_863] : memref<10240xf32, #tpu.memory_space<vmem>> -> memref<128xf32, #tpu.memory_space<vmem>>
      %dma_wait3A_1061 = arith.constant 0 : i32
      %dma_wait3A_1062 = tpu.memref_slice %arg13[%add3A_853, %dma_wait3A_1061] : memref<80x128xi32, #tpu.memory_space<vmem>> -> memref<1x128xi32, #tpu.memory_space<vmem>>
      %dma_wait3A_1063 = tpu.memref_squeeze %dma_wait3A_1062 : memref<1x128xi32, #tpu.memory_space<vmem>> -> memref<128xi32, #tpu.memory_space<vmem>>
      %dma_wait3A_1064 = arith.constant 0 : i32
      %dma_wait3A_1065 = tpu.memref_slice %arg16[%dma_wait3A_1064] : memref<30336xf32, #tpu.memory_space<vmem_shared>> -> memref<30336xf32, #tpu.memory_space<vmem_shared>>
      tpu.wait_indirect_dma semaphore(%arg17 : memref<!tpu.dma_semaphore, #tpu.memory_space<semaphore_mem>>) src(%dma_wait3A_1060 : memref<128xf32, #tpu.memory_space<vmem>>) dst(%dma_wait3A_1065 : memref<30336xf32, #tpu.memory_space<vmem_shared>>)
      %dma_wait3A_1066 = tpu.memref_slice %arg11[%mul3A_871] : memref<10240xf32, #tpu.memory_space<vmem>> -> memref<128xf32, #tpu.memory_space<vmem>>
      %dma_wait3A_1067 = arith.constant 0 : i32
      %dma_wait3A_1068 = tpu.memref_slice %arg14[%add3A_853, %dma_wait3A_1067] : memref<80x128xi32, #tpu.memory_space<vmem>> -> memref<1x128xi32, #tpu.memory_space<vmem>>
      %dma_wait3A_1069 = tpu.memref_squeeze %dma_wait3A_1068 : memref<1x128xi32, #tpu.memory_space<vmem>> -> memref<128xi32, #tpu.memory_space<vmem>>
      %dma_wait3A_1070 = arith.constant 0 : i32
      %dma_wait3A_1071 = tpu.memref_slice %arg16[%dma_wait3A_1070] : memref<30336xf32, #tpu.memory_space<vmem_shared>> -> memref<30336xf32, #tpu.memory_space<vmem_shared>>
      tpu.wait_indirect_dma semaphore(%arg17 : memref<!tpu.dma_semaphore, #tpu.memory_space<semaphore_mem>>) src(%dma_wait3A_1066 : memref<128xf32, #tpu.memory_space<vmem>>) dst(%dma_wait3A_1071 : memref<30336xf32, #tpu.memory_space<vmem_shared>>)
      %dma_wait3A_1072 = tpu.memref_slice %arg9[%mul3A_883] : memref<10240xf32, #tpu.memory_space<vmem>> -> memref<128xf32, #tpu.memory_space<vmem>>
      %dma_wait3A_1073 = arith.constant 0 : i32
      %dma_wait3A_1074 = tpu.memref_slice %arg12[%add3A_881, %dma_wait3A_1073] : memref<80x128xi32, #tpu.memory_space<vmem>> -> memref<1x128xi32, #tpu.memory_space<vmem>>
      %dma_wait3A_1075 = tpu.memref_squeeze %dma_wait3A_1074 : memref<1x128xi32, #tpu.memory_space<vmem>> -> memref<128xi32, #tpu.memory_space<vmem>>
      %dma_wait3A_1076 = arith.constant 0 : i32
      %dma_wait3A_1077 = tpu.memref_slice %arg16[%dma_wait3A_1076] : memref<30336xf32, #tpu.memory_space<vmem_shared>> -> memref<30336xf32, #tpu.memory_space<vmem_shared>>
      tpu.wait_indirect_dma semaphore(%arg17 : memref<!tpu.dma_semaphore, #tpu.memory_space<semaphore_mem>>) src(%dma_wait3A_1072 : memref<128xf32, #tpu.memory_space<vmem>>) dst(%dma_wait3A_1077 : memref<30336xf32, #tpu.memory_space<vmem_shared>>)
      %dma_wait3A_1078 = tpu.memref_slice %arg10[%mul3A_891] : memref<10240xf32, #tpu.memory_space<vmem>> -> memref<128xf32, #tpu.memory_space<vmem>>
      %dma_wait3A_1079 = arith.constant 0 : i32
      %dma_wait3A_1080 = tpu.memref_slice %arg13[%add3A_881, %dma_wait3A_1079] : memref<80x128xi32, #tpu.memory_space<vmem>> -> memref<1x128xi32, #tpu.memory_space<vmem>>
      %dma_wait3A_1081 = tpu.memref_squeeze %dma_wait3A_1080 : memref<1x128xi32, #tpu.memory_space<vmem>> -> memref<128xi32, #tpu.memory_space<vmem>>
      %dma_wait3A_1082 = arith.constant 0 : i32
      %dma_wait3A_1083 = tpu.memref_slice %arg16[%dma_wait3A_1082] : memref<30336xf32, #tpu.memory_space<vmem_shared>> -> memref<30336xf32, #tpu.memory_space<vmem_shared>>
      tpu.wait_indirect_dma semaphore(%arg17 : memref<!tpu.dma_semaphore, #tpu.memory_space<semaphore_mem>>) src(%dma_wait3A_1078 : memref<128xf32, #tpu.memory_space<vmem>>) dst(%dma_wait3A_1083 : memref<30336xf32, #tpu.memory_space<vmem_shared>>)
      %dma_wait3A_1084 = tpu.memref_slice %arg11[%mul3A_899] : memref<10240xf32, #tpu.memory_space<vmem>> -> memref<128xf32, #tpu.memory_space<vmem>>
      %dma_wait3A_1085 = arith.constant 0 : i32
      %dma_wait3A_1086 = tpu.memref_slice %arg14[%add3A_881, %dma_wait3A_1085] : memref<80x128xi32, #tpu.memory_space<vmem>> -> memref<1x128xi32, #tpu.memory_space<vmem>>
      %dma_wait3A_1087 = tpu.memref_squeeze %dma_wait3A_1086 : memref<1x128xi32, #tpu.memory_space<vmem>> -> memref<128xi32, #tpu.memory_space<vmem>>
      %dma_wait3A_1088 = arith.constant 0 : i32
      %dma_wait3A_1089 = tpu.memref_slice %arg16[%dma_wait3A_1088] : memref<30336xf32, #tpu.memory_space<vmem_shared>> -> memref<30336xf32, #tpu.memory_space<vmem_shared>>
      tpu.wait_indirect_dma semaphore(%arg17 : memref<!tpu.dma_semaphore, #tpu.memory_space<semaphore_mem>>) src(%dma_wait3A_1084 : memref<128xf32, #tpu.memory_space<vmem>>) dst(%dma_wait3A_1089 : memref<30336xf32, #tpu.memory_space<vmem_shared>>)
      %dma_wait3A_1090 = tpu.memref_slice %arg9[%mul3A_911] : memref<10240xf32, #tpu.memory_space<vmem>> -> memref<128xf32, #tpu.memory_space<vmem>>
      %dma_wait3A_1091 = arith.constant 0 : i32
      %dma_wait3A_1092 = tpu.memref_slice %arg12[%add3A_909, %dma_wait3A_1091] : memref<80x128xi32, #tpu.memory_space<vmem>> -> memref<1x128xi32, #tpu.memory_space<vmem>>
      %dma_wait3A_1093 = tpu.memref_squeeze %dma_wait3A_1092 : memref<1x128xi32, #tpu.memory_space<vmem>> -> memref<128xi32, #tpu.memory_space<vmem>>
      %dma_wait3A_1094 = arith.constant 0 : i32
      %dma_wait3A_1095 = tpu.memref_slice %arg16[%dma_wait3A_1094] : memref<30336xf32, #tpu.memory_space<vmem_shared>> -> memref<30336xf32, #tpu.memory_space<vmem_shared>>
      tpu.wait_indirect_dma semaphore(%arg17 : memref<!tpu.dma_semaphore, #tpu.memory_space<semaphore_mem>>) src(%dma_wait3A_1090 : memref<128xf32, #tpu.memory_space<vmem>>) dst(%dma_wait3A_1095 : memref<30336xf32, #tpu.memory_space<vmem_shared>>)
      %dma_wait3A_1096 = tpu.memref_slice %arg10[%mul3A_919] : memref<10240xf32, #tpu.memory_space<vmem>> -> memref<128xf32, #tpu.memory_space<vmem>>
      %dma_wait3A_1097 = arith.constant 0 : i32
      %dma_wait3A_1098 = tpu.memref_slice %arg13[%add3A_909, %dma_wait3A_1097] : memref<80x128xi32, #tpu.memory_space<vmem>> -> memref<1x128xi32, #tpu.memory_space<vmem>>
      %dma_wait3A_1099 = tpu.memref_squeeze %dma_wait3A_1098 : memref<1x128xi32, #tpu.memory_space<vmem>> -> memref<128xi32, #tpu.memory_space<vmem>>
      %dma_wait3A_1100 = arith.constant 0 : i32
      %dma_wait3A_1101 = tpu.memref_slice %arg16[%dma_wait3A_1100] : memref<30336xf32, #tpu.memory_space<vmem_shared>> -> memref<30336xf32, #tpu.memory_space<vmem_shared>>
      tpu.wait_indirect_dma semaphore(%arg17 : memref<!tpu.dma_semaphore, #tpu.memory_space<semaphore_mem>>) src(%dma_wait3A_1096 : memref<128xf32, #tpu.memory_space<vmem>>) dst(%dma_wait3A_1101 : memref<30336xf32, #tpu.memory_space<vmem_shared>>)
      %dma_wait3A_1102 = tpu.memref_slice %arg11[%mul3A_927] : memref<10240xf32, #tpu.memory_space<vmem>> -> memref<128xf32, #tpu.memory_space<vmem>>
      %dma_wait3A_1103 = arith.constant 0 : i32
      %dma_wait3A_1104 = tpu.memref_slice %arg14[%add3A_909, %dma_wait3A_1103] : memref<80x128xi32, #tpu.memory_space<vmem>> -> memref<1x128xi32, #tpu.memory_space<vmem>>
      %dma_wait3A_1105 = tpu.memref_squeeze %dma_wait3A_1104 : memref<1x128xi32, #tpu.memory_space<vmem>> -> memref<128xi32, #tpu.memory_space<vmem>>
      %dma_wait3A_1106 = arith.constant 0 : i32
      %dma_wait3A_1107 = tpu.memref_slice %arg16[%dma_wait3A_1106] : memref<30336xf32, #tpu.memory_space<vmem_shared>> -> memref<30336xf32, #tpu.memory_space<vmem_shared>>
      tpu.wait_indirect_dma semaphore(%arg17 : memref<!tpu.dma_semaphore, #tpu.memory_space<semaphore_mem>>) src(%dma_wait3A_1102 : memref<128xf32, #tpu.memory_space<vmem>>) dst(%dma_wait3A_1107 : memref<30336xf32, #tpu.memory_space<vmem_shared>>)
      %dma_wait3A_1108 = tpu.memref_slice %arg9[%mul3A_939] : memref<10240xf32, #tpu.memory_space<vmem>> -> memref<128xf32, #tpu.memory_space<vmem>>
      %dma_wait3A_1109 = arith.constant 0 : i32
      %dma_wait3A_1110 = tpu.memref_slice %arg12[%add3A_937, %dma_wait3A_1109] : memref<80x128xi32, #tpu.memory_space<vmem>> -> memref<1x128xi32, #tpu.memory_space<vmem>>
      %dma_wait3A_1111 = tpu.memref_squeeze %dma_wait3A_1110 : memref<1x128xi32, #tpu.memory_space<vmem>> -> memref<128xi32, #tpu.memory_space<vmem>>
      %dma_wait3A_1112 = arith.constant 0 : i32
      %dma_wait3A_1113 = tpu.memref_slice %arg16[%dma_wait3A_1112] : memref<30336xf32, #tpu.memory_space<vmem_shared>> -> memref<30336xf32, #tpu.memory_space<vmem_shared>>
      tpu.wait_indirect_dma semaphore(%arg17 : memref<!tpu.dma_semaphore, #tpu.memory_space<semaphore_mem>>) src(%dma_wait3A_1108 : memref<128xf32, #tpu.memory_space<vmem>>) dst(%dma_wait3A_1113 : memref<30336xf32, #tpu.memory_space<vmem_shared>>)
      %dma_wait3A_1114 = tpu.memref_slice %arg10[%mul3A_947] : memref<10240xf32, #tpu.memory_space<vmem>> -> memref<128xf32, #tpu.memory_space<vmem>>
      %dma_wait3A_1115 = arith.constant 0 : i32
      %dma_wait3A_1116 = tpu.memref_slice %arg13[%add3A_937, %dma_wait3A_1115] : memref<80x128xi32, #tpu.memory_space<vmem>> -> memref<1x128xi32, #tpu.memory_space<vmem>>
      %dma_wait3A_1117 = tpu.memref_squeeze %dma_wait3A_1116 : memref<1x128xi32, #tpu.memory_space<vmem>> -> memref<128xi32, #tpu.memory_space<vmem>>
      %dma_wait3A_1118 = arith.constant 0 : i32
      %dma_wait3A_1119 = tpu.memref_slice %arg16[%dma_wait3A_1118] : memref<30336xf32, #tpu.memory_space<vmem_shared>> -> memref<30336xf32, #tpu.memory_space<vmem_shared>>
      tpu.wait_indirect_dma semaphore(%arg17 : memref<!tpu.dma_semaphore, #tpu.memory_space<semaphore_mem>>) src(%dma_wait3A_1114 : memref<128xf32, #tpu.memory_space<vmem>>) dst(%dma_wait3A_1119 : memref<30336xf32, #tpu.memory_space<vmem_shared>>)
      %dma_wait3A_1120 = tpu.memref_slice %arg11[%mul3A_955] : memref<10240xf32, #tpu.memory_space<vmem>> -> memref<128xf32, #tpu.memory_space<vmem>>
      %dma_wait3A_1121 = arith.constant 0 : i32
      %dma_wait3A_1122 = tpu.memref_slice %arg14[%add3A_937, %dma_wait3A_1121] : memref<80x128xi32, #tpu.memory_space<vmem>> -> memref<1x128xi32, #tpu.memory_space<vmem>>
      %dma_wait3A_1123 = tpu.memref_squeeze %dma_wait3A_1122 : memref<1x128xi32, #tpu.memory_space<vmem>> -> memref<128xi32, #tpu.memory_space<vmem>>
      %dma_wait3A_1124 = arith.constant 0 : i32
      %dma_wait3A_1125 = tpu.memref_slice %arg16[%dma_wait3A_1124] : memref<30336xf32, #tpu.memory_space<vmem_shared>> -> memref<30336xf32, #tpu.memory_space<vmem_shared>>
      tpu.wait_indirect_dma semaphore(%arg17 : memref<!tpu.dma_semaphore, #tpu.memory_space<semaphore_mem>>) src(%dma_wait3A_1120 : memref<128xf32, #tpu.memory_space<vmem>>) dst(%dma_wait3A_1125 : memref<30336xf32, #tpu.memory_space<vmem_shared>>)
      %dma_wait3A_1126 = tpu.memref_slice %arg9[%mul3A_967] : memref<10240xf32, #tpu.memory_space<vmem>> -> memref<128xf32, #tpu.memory_space<vmem>>
      %dma_wait3A_1127 = arith.constant 0 : i32
      %dma_wait3A_1128 = tpu.memref_slice %arg12[%add3A_965, %dma_wait3A_1127] : memref<80x128xi32, #tpu.memory_space<vmem>> -> memref<1x128xi32, #tpu.memory_space<vmem>>
      %dma_wait3A_1129 = tpu.memref_squeeze %dma_wait3A_1128 : memref<1x128xi32, #tpu.memory_space<vmem>> -> memref<128xi32, #tpu.memory_space<vmem>>
      %dma_wait3A_1130 = arith.constant 0 : i32
      %dma_wait3A_1131 = tpu.memref_slice %arg16[%dma_wait3A_1130] : memref<30336xf32, #tpu.memory_space<vmem_shared>> -> memref<30336xf32, #tpu.memory_space<vmem_shared>>
      tpu.wait_indirect_dma semaphore(%arg17 : memref<!tpu.dma_semaphore, #tpu.memory_space<semaphore_mem>>) src(%dma_wait3A_1126 : memref<128xf32, #tpu.memory_space<vmem>>) dst(%dma_wait3A_1131 : memref<30336xf32, #tpu.memory_space<vmem_shared>>)
      %dma_wait3A_1132 = tpu.memref_slice %arg10[%mul3A_975] : memref<10240xf32, #tpu.memory_space<vmem>> -> memref<128xf32, #tpu.memory_space<vmem>>
      %dma_wait3A_1133 = arith.constant 0 : i32
      %dma_wait3A_1134 = tpu.memref_slice %arg13[%add3A_965, %dma_wait3A_1133] : memref<80x128xi32, #tpu.memory_space<vmem>> -> memref<1x128xi32, #tpu.memory_space<vmem>>
      %dma_wait3A_1135 = tpu.memref_squeeze %dma_wait3A_1134 : memref<1x128xi32, #tpu.memory_space<vmem>> -> memref<128xi32, #tpu.memory_space<vmem>>
      %dma_wait3A_1136 = arith.constant 0 : i32
      %dma_wait3A_1137 = tpu.memref_slice %arg16[%dma_wait3A_1136] : memref<30336xf32, #tpu.memory_space<vmem_shared>> -> memref<30336xf32, #tpu.memory_space<vmem_shared>>
      tpu.wait_indirect_dma semaphore(%arg17 : memref<!tpu.dma_semaphore, #tpu.memory_space<semaphore_mem>>) src(%dma_wait3A_1132 : memref<128xf32, #tpu.memory_space<vmem>>) dst(%dma_wait3A_1137 : memref<30336xf32, #tpu.memory_space<vmem_shared>>)
      %dma_wait3A_1138 = tpu.memref_slice %arg11[%mul3A_983] : memref<10240xf32, #tpu.memory_space<vmem>> -> memref<128xf32, #tpu.memory_space<vmem>>
      %dma_wait3A_1139 = arith.constant 0 : i32
      %dma_wait3A_1140 = tpu.memref_slice %arg14[%add3A_965, %dma_wait3A_1139] : memref<80x128xi32, #tpu.memory_space<vmem>> -> memref<1x128xi32, #tpu.memory_space<vmem>>
      %dma_wait3A_1141 = tpu.memref_squeeze %dma_wait3A_1140 : memref<1x128xi32, #tpu.memory_space<vmem>> -> memref<128xi32, #tpu.memory_space<vmem>>
      %dma_wait3A_1142 = arith.constant 0 : i32
      %dma_wait3A_1143 = tpu.memref_slice %arg16[%dma_wait3A_1142] : memref<30336xf32, #tpu.memory_space<vmem_shared>> -> memref<30336xf32, #tpu.memory_space<vmem_shared>>
      tpu.wait_indirect_dma semaphore(%arg17 : memref<!tpu.dma_semaphore, #tpu.memory_space<semaphore_mem>>) src(%dma_wait3A_1138 : memref<128xf32, #tpu.memory_space<vmem>>) dst(%dma_wait3A_1143 : memref<30336xf32, #tpu.memory_space<vmem_shared>>)
      %dma_wait3A_1144 = tpu.memref_slice %arg9[%mul3A_995] : memref<10240xf32, #tpu.memory_space<vmem>> -> memref<128xf32, #tpu.memory_space<vmem>>
      %dma_wait3A_1145 = arith.constant 0 : i32
      %dma_wait3A_1146 = tpu.memref_slice %arg12[%add3A_993, %dma_wait3A_1145] : memref<80x128xi32, #tpu.memory_space<vmem>> -> memref<1x128xi32, #tpu.memory_space<vmem>>
      %dma_wait3A_1147 = tpu.memref_squeeze %dma_wait3A_1146 : memref<1x128xi32, #tpu.memory_space<vmem>> -> memref<128xi32, #tpu.memory_space<vmem>>
      %dma_wait3A_1148 = arith.constant 0 : i32
      %dma_wait3A_1149 = tpu.memref_slice %arg16[%dma_wait3A_1148] : memref<30336xf32, #tpu.memory_space<vmem_shared>> -> memref<30336xf32, #tpu.memory_space<vmem_shared>>
      tpu.wait_indirect_dma semaphore(%arg17 : memref<!tpu.dma_semaphore, #tpu.memory_space<semaphore_mem>>) src(%dma_wait3A_1144 : memref<128xf32, #tpu.memory_space<vmem>>) dst(%dma_wait3A_1149 : memref<30336xf32, #tpu.memory_space<vmem_shared>>)
      %dma_wait3A_1150 = tpu.memref_slice %arg10[%mul3A_1003] : memref<10240xf32, #tpu.memory_space<vmem>> -> memref<128xf32, #tpu.memory_space<vmem>>
      %dma_wait3A_1151 = arith.constant 0 : i32
      %dma_wait3A_1152 = tpu.memref_slice %arg13[%add3A_993, %dma_wait3A_1151] : memref<80x128xi32, #tpu.memory_space<vmem>> -> memref<1x128xi32, #tpu.memory_space<vmem>>
      %dma_wait3A_1153 = tpu.memref_squeeze %dma_wait3A_1152 : memref<1x128xi32, #tpu.memory_space<vmem>> -> memref<128xi32, #tpu.memory_space<vmem>>
      %dma_wait3A_1154 = arith.constant 0 : i32
      %dma_wait3A_1155 = tpu.memref_slice %arg16[%dma_wait3A_1154] : memref<30336xf32, #tpu.memory_space<vmem_shared>> -> memref<30336xf32, #tpu.memory_space<vmem_shared>>
      tpu.wait_indirect_dma semaphore(%arg17 : memref<!tpu.dma_semaphore, #tpu.memory_space<semaphore_mem>>) src(%dma_wait3A_1150 : memref<128xf32, #tpu.memory_space<vmem>>) dst(%dma_wait3A_1155 : memref<30336xf32, #tpu.memory_space<vmem_shared>>)
      %dma_wait3A_1156 = tpu.memref_slice %arg11[%mul3A_1011] : memref<10240xf32, #tpu.memory_space<vmem>> -> memref<128xf32, #tpu.memory_space<vmem>>
      %dma_wait3A_1157 = arith.constant 0 : i32
      %dma_wait3A_1158 = tpu.memref_slice %arg14[%add3A_993, %dma_wait3A_1157] : memref<80x128xi32, #tpu.memory_space<vmem>> -> memref<1x128xi32, #tpu.memory_space<vmem>>
      %dma_wait3A_1159 = tpu.memref_squeeze %dma_wait3A_1158 : memref<1x128xi32, #tpu.memory_space<vmem>> -> memref<128xi32, #tpu.memory_space<vmem>>
      %dma_wait3A_1160 = arith.constant 0 : i32
      %dma_wait3A_1161 = tpu.memref_slice %arg16[%dma_wait3A_1160] : memref<30336xf32, #tpu.memory_space<vmem_shared>> -> memref<30336xf32, #tpu.memory_space<vmem_shared>>
      tpu.wait_indirect_dma semaphore(%arg17 : memref<!tpu.dma_semaphore, #tpu.memory_space<semaphore_mem>>) src(%dma_wait3A_1156 : memref<128xf32, #tpu.memory_space<vmem>>) dst(%dma_wait3A_1161 : memref<30336xf32, #tpu.memory_space<vmem_shared>>)
    }
    %scan3A_782 = arith.constant 10 : i32
    %barrier3A_783 = arith.constant 0 : index
    tpu.barrier barrier_id(%barrier3A_783)
    %eq3A_784 = arith.constant 0 : i32
    %eq3A_785 = arith.cmpi eq, %arg1, %eq3A_784 : i32
    %convert_element_type3A_786 = arith.extui %eq3A_785 : i1 to i32
    %cond3A_787 = arith.constant 0 : i32
    %cond3A_788 = arith.cmpi ne, %convert_element_type3A_786, %cond3A_787 : i32
    scf.if %cond3A_788 {
      "tpu.region"() ({
        %run_scoped3A = tpu.sem_alloc : memref<!tpu.dma_semaphore, #tpu.memory_space<semaphore_mem>>
        tpu.enqueue_dma source(%arg16 : memref<30336xf32, #tpu.memory_space<vmem_shared>>) target(%arg15 : memref<30336xf32, #tpu.memory_space<vmem>>) target_semaphore(%run_scoped3A : memref<!tpu.dma_semaphore, #tpu.memory_space<semaphore_mem>>)
        tpu.wait_dma2 semaphore(%run_scoped3A : memref<!tpu.dma_semaphore, #tpu.memory_space<semaphore_mem>>) src(%arg16 : memref<30336xf32, #tpu.memory_space<vmem_shared>>) dst(%arg15 : memref<30336xf32, #tpu.memory_space<vmem>>)
        tpu.yield
      }) : () -> ()
      %mul3A_789 = arith.constant 30336 : i32
      %mul3A_790 = arith.muli %arg0, %mul3A_789 : i32
      "tpu.region"() ({
        %run_scoped3A = tpu.sem_alloc : memref<!tpu.dma_semaphore, #tpu.memory_space<semaphore_mem>>
        %dma_start3A_791 = tpu.memref_slice %arg7[%mul3A_790] : memref<60672xf32, #tpu.memory_space<hbm>> -> memref<30336xf32, #tpu.memory_space<hbm>>
        %dma_start3A_792 = tpu.memref_slice %arg7[%mul3A_790] : memref<60672xf32, #tpu.memory_space<hbm>> -> memref<30336xf32, #tpu.memory_space<hbm>>
        tpu.enqueue_dma source(%arg15 : memref<30336xf32, #tpu.memory_space<vmem>>) target(%dma_start3A_792 : memref<30336xf32, #tpu.memory_space<hbm>>) target_semaphore(%run_scoped3A : memref<!tpu.dma_semaphore, #tpu.memory_space<semaphore_mem>>)
        %dma_wait3A_793 = tpu.memref_slice %arg7[%mul3A_790] : memref<60672xf32, #tpu.memory_space<hbm>> -> memref<30336xf32, #tpu.memory_space<hbm>>
        %dma_wait3A_794 = tpu.memref_slice %arg7[%mul3A_790] : memref<60672xf32, #tpu.memory_space<hbm>> -> memref<30336xf32, #tpu.memory_space<hbm>>
        tpu.wait_dma2 semaphore(%run_scoped3A : memref<!tpu.dma_semaphore, #tpu.memory_space<semaphore_mem>>) src(%arg15 : memref<30336xf32, #tpu.memory_space<vmem>>) dst(%dma_wait3A_794 : memref<30336xf32, #tpu.memory_space<hbm>>)
        tpu.yield
      }) : () -> ()
    } else {
    }
    return
  }
}

module attributes {stable_mosaic.version = 14 : i64} {
  func.func @_edge_body(%arg0: i32, %arg1: memref<1x6400xf32, #tpu.memory_space<vmem>>, %arg2: memref<1x6400xf32, #tpu.memory_space<vmem>>, %arg3: memref<1x6400xi32, #tpu.memory_space<vmem>>, %arg4: memref<128x128xf32, #tpu.memory_space<vmem>>, %arg5: memref<128x128xf32, #tpu.memory_space<vmem>>, %arg6: memref<128x1xf32, #tpu.memory_space<vmem>>, %arg7: memref<128x32xbf16, #tpu.memory_space<vmem>>, %arg8: memref<128x1xf32, #tpu.memory_space<vmem>>, %arg9: memref<16x1xf32, #tpu.memory_space<vmem>>, %arg10: memref<1x1xf32, #tpu.memory_space<vmem>>, %arg11: memref<3x128xf32, #tpu.memory_space<vmem>>, %arg12: memref<3x6400xf32, #tpu.memory_space<vmem>>, %arg13: memref<256x128xbf16, #tpu.memory_space<vmem>>) attributes {dimension_semantics = [#tpu.dimension_semantics<arbitrary>], iteration_bounds = array<i64: 50>, scalar_prefetch = 0 : i64, scratch_operands = 1 : i64, tpu.core_type = #tpu.core_type<tc>, window_params = [{transform_indices = @transform_0, window_bounds = array<i64: 1, 6400>}, {transform_indices = @transform_1, window_bounds = array<i64: 1, 6400>}, {transform_indices = @transform_2, window_bounds = array<i64: 1, 6400>}, {pipeline_mode = #tpu.pipeline_mode<synchronous>, transform_indices = @transform_3, window_bounds = array<i64: 128, 128>}, {pipeline_mode = #tpu.pipeline_mode<synchronous>, transform_indices = @transform_4, window_bounds = array<i64: 128, 128>}, {pipeline_mode = #tpu.pipeline_mode<synchronous>, transform_indices = @transform_5, window_bounds = array<i64: 128, 1>}, {pipeline_mode = #tpu.pipeline_mode<synchronous>, transform_indices = @transform_6, window_bounds = array<i64: 128, 32>}, {pipeline_mode = #tpu.pipeline_mode<synchronous>, transform_indices = @transform_7, window_bounds = array<i64: 128, 1>}, {pipeline_mode = #tpu.pipeline_mode<synchronous>, transform_indices = @transform_8, window_bounds = array<i64: 16, 1>}, {pipeline_mode = #tpu.pipeline_mode<synchronous>, transform_indices = @transform_9, window_bounds = array<i64: 1, 1>}, {pipeline_mode = #tpu.pipeline_mode<synchronous>, transform_indices = @transform_10, window_bounds = array<i64: 3, 128>}, {transform_indices = @transform_11, window_bounds = array<i64: 3, 6400>}]} {
    %eq3A = arith.constant 0 : i32
    %eq3A_0 = arith.cmpi eq, %arg0, %eq3A : i32
    %convert_element_type3A = arith.extui %eq3A_0 : i1 to i32
    %cond3A = arith.constant 0 : i32
    %cond3A_1 = arith.cmpi ne, %convert_element_type3A, %cond3A : i32
    scf.if %cond3A_1 {
      %get3A_79 = arith.constant 0 : index
      %get3A_80 = arith.constant 0 : index
      %get3A_81 = vector.load %arg4[%get3A_79, %get3A_80] : memref<128x128xf32, #tpu.memory_space<vmem>>, vector<128x128xf32>
      %get3A_82 = arith.constant 0 : index
      %get3A_83 = arith.constant 0 : index
      %get3A_84 = vector.load %arg5[%get3A_82, %get3A_83] : memref<128x128xf32, #tpu.memory_space<vmem>>, vector<128x128xf32>
      %dot_general3A_85 = arith.constant dense<0.000000e+00> : vector<128x128xf32>
      %dot_general3A_86 = tpu.matmul %get3A_81, %get3A_84, %dot_general3A_85 {dimension_numbers = #tpu.dot_dimension_numbers<[1], [0], [0], [1], [0, 0, 1, 1], [], []>, transpose_lhs_hint = false} : vector<128x128xf32>, vector<128x128xf32>, vector<128x128xf32> -> vector<128x128xf32>
      %get3A_87 = arith.constant 0 : index
      %get3A_88 = arith.constant 0 : index
      %get3A_89 = vector.load %arg6[%get3A_87, %get3A_88] : memref<128x1xf32, #tpu.memory_space<vmem>>, vector<128x1xf32>
      %add3A_90 = vector.broadcast %get3A_89 : vector<128x1xf32> to vector<128x128xf32>
      %add3A_91 = arith.addf %dot_general3A_86, %add3A_90 : vector<128x128xf32>
      %mul3A_92 = arith.constant 5.000000e-01 : f32
      %mul3A_93 = vector.broadcast %mul3A_92 : f32 to vector<128x128xf32>
      %mul3A_94 = arith.mulf %mul3A_93, %add3A_91 : vector<128x128xf32>
      %mul3A_95 = arith.constant 5.000000e-01 : f32
      %mul3A_96 = vector.broadcast %mul3A_95 : f32 to vector<128x128xf32>
      %mul3A_97 = arith.mulf %mul3A_96, %add3A_91 : vector<128x128xf32>
      %mul3A_98 = arith.constant 5.000000e-01 : f32
      %mul3A_99 = vector.broadcast %mul3A_98 : f32 to vector<128x128xf32>
      %mul3A_100 = arith.mulf %mul3A_99, %add3A_91 : vector<128x128xf32>
      %tanh3A_101 = math.tanh %mul3A_100 : vector<128x128xf32>
      %mul3A_102 = arith.mulf %mul3A_97, %tanh3A_101 : vector<128x128xf32>
      %add3A_103 = arith.addf %mul3A_94, %mul3A_102 : vector<128x128xf32>
      %convert_element_type3A_104 = arith.truncf %add3A_103 : vector<128x128xf32> to vector<128x128xbf16>
      %convert_element_type3A_105 = arith.extf %convert_element_type3A_104 : vector<128x128xbf16> to vector<128x128xf32>
      %sub3A_106 = arith.subf %add3A_103, %convert_element_type3A_105 : vector<128x128xf32>
      %convert_element_type3A_107 = arith.truncf %sub3A_106 : vector<128x128xf32> to vector<128x128xbf16>
      %swap3A_108 = arith.constant 0 : index
      %swap3A_109 = arith.constant 0 : index
      %swap3A_110 = vector.load %arg13[%swap3A_108, %swap3A_109] : memref<256x128xbf16, #tpu.memory_space<vmem>>, vector<128x128xbf16>
      tpu.vector_store %arg13[%swap3A_108, %swap3A_109], %convert_element_type3A_104 {strides = array<i32>} : memref<256x128xbf16, #tpu.memory_space<vmem>>, vector<128x128xbf16>,
      %swap3A_111 = arith.constant 128 : index
      %swap3A_112 = arith.constant 0 : index
      %swap3A_113 = vector.load %arg13[%swap3A_111, %swap3A_112] : memref<256x128xbf16, #tpu.memory_space<vmem>>, vector<128x128xbf16>
      tpu.vector_store %arg13[%swap3A_111, %swap3A_112], %convert_element_type3A_107 {strides = array<i32>} : memref<256x128xbf16, #tpu.memory_space<vmem>>, vector<128x128xbf16>,
    } else {
    }
    %get3A = arith.constant 0 : index
    %get3A_2 = arith.constant 0 : index
    %get3A_3 = vector.load %arg1[%get3A, %get3A_2] : memref<1x6400xf32, #tpu.memory_space<vmem>>, vector<1x6400xf32>
    %get3A_4 = vector.shape_cast %get3A_3 : vector<1x6400xf32> to vector<6400xf32>
    %get3A_5 = arith.constant 0 : index
    %get3A_6 = arith.constant 0 : index
    %get3A_7 = vector.load %arg2[%get3A_5, %get3A_6] : memref<1x6400xf32, #tpu.memory_space<vmem>>, vector<1x6400xf32>
    %get3A_8 = vector.shape_cast %get3A_7 : vector<1x6400xf32> to vector<6400xf32>
    %get3A_9 = arith.constant 0 : index
    %get3A_10 = arith.constant 0 : index
    %get3A_11 = vector.load %arg3[%get3A_9, %get3A_10] : memref<1x6400xi32, #tpu.memory_space<vmem>>, vector<1x6400xi32>
    %get3A_12 = vector.shape_cast %get3A_11 : vector<1x6400xi32> to vector<6400xi32>
    %add3A = arith.constant 9.99999996E-13 : f32
    %add3A_13 = vector.broadcast %add3A : f32 to vector<6400xf32>
    %add3A_14 = arith.addf %get3A_4, %add3A_13 : vector<6400xf32>
    %rsqrt3A = math.rsqrt %add3A_14 : vector<6400xf32>
    %mul3A = arith.mulf %add3A_14, %rsqrt3A : vector<6400xf32>
    %get3A_15 = arith.constant 0 : index
    %get3A_16 = arith.constant 0 : index
    %get3A_17 = vector.load %arg10[%get3A_15, %get3A_16] : memref<1x1xf32, #tpu.memory_space<vmem>>, vector<1x1xf32>
    %get3A_18 = vector.extract %get3A_17[0, 0] : f32 from vector<1x1xf32>
    %mul3A_19 = arith.mulf %get3A_8, %rsqrt3A : vector<6400xf32>
    %add3A_20 = vector.broadcast %get3A_18 : f32 to vector<6400xf32>
    %add3A_21 = arith.addf %add3A_20, %mul3A_19 : vector<6400xf32>
    %get3A_22 = arith.constant 0 : index
    %get3A_23 = arith.constant 0 : index
    %get3A_24 = vector.load %arg9[%get3A_22, %get3A_23] : memref<16x1xf32, #tpu.memory_space<vmem>>, vector<16x1xf32>
    %broadcast_in_dim3A = vector.shape_cast %mul3A : vector<6400xf32> to vector<1x6400xf32>
    %sub3A = vector.broadcast %get3A_24 : vector<16x1xf32> to vector<16x6400xf32>
    %sub3A_25 = vector.broadcast %broadcast_in_dim3A : vector<1x6400xf32> to vector<16x6400xf32>
    %sub3A_26 = arith.subf %sub3A, %sub3A_25 : vector<16x6400xf32>
    %mul3A_27 = arith.constant -2.000000e+00 : f32
    %mul3A_28 = vector.broadcast %mul3A_27 : f32 to vector<16x6400xf32>
    %mul3A_29 = arith.mulf %mul3A_28, %sub3A_26 : vector<16x6400xf32>
    %mul3A_30 = arith.mulf %mul3A_29, %sub3A_26 : vector<16x6400xf32>
    %exp3A = math.exp %mul3A_30 : vector<16x6400xf32>
    %convert_element_type3A_31 = arith.truncf %exp3A : vector<16x6400xf32> to vector<16x6400xbf16>
    %convert_element_type3A_32 = arith.extf %convert_element_type3A_31 : vector<16x6400xbf16> to vector<16x6400xf32>
    %sub3A_33 = arith.subf %exp3A, %convert_element_type3A_32 : vector<16x6400xf32>
    %convert_element_type3A_34 = arith.truncf %sub3A_33 : vector<16x6400xf32> to vector<16x6400xbf16>
    %concatenate3A = tpu.concatenate %convert_element_type3A_31, %convert_element_type3A_34 in 0 : vector<16x6400xbf16>, vector<16x6400xbf16> -> vector<32x6400xbf16>
    %get3A_35 = arith.constant 0 : index
    %get3A_36 = arith.constant 0 : index
    %get3A_37 = vector.load %arg7[%get3A_35, %get3A_36] : memref<128x32xbf16, #tpu.memory_space<vmem>>, vector<128x32xbf16>
    %dot_general3A = arith.constant dense<0.000000e+00> : vector<128x6400xf32>
    %dot_general3A_38 = tpu.matmul %get3A_37, %concatenate3A, %dot_general3A {dimension_numbers = #tpu.dot_dimension_numbers<[1], [0], [0], [1], [0, 0, 1, 1], [], []>, transpose_lhs_hint = false} : vector<128x32xbf16>, vector<32x6400xbf16>, vector<128x6400xf32> -> vector<128x6400xf32>
    %get3A_39 = arith.constant 0 : index
    %get3A_40 = arith.constant 0 : index
    %get3A_41 = vector.load %arg8[%get3A_39, %get3A_40] : memref<128x1xf32, #tpu.memory_space<vmem>>, vector<128x1xf32>
    %add3A_42 = vector.broadcast %get3A_41 : vector<128x1xf32> to vector<128x6400xf32>
    %add3A_43 = arith.addf %dot_general3A_38, %add3A_42 : vector<128x6400xf32>
    %mul3A_44 = arith.constant 5.000000e-01 : f32
    %mul3A_45 = vector.broadcast %mul3A_44 : f32 to vector<128x6400xf32>
    %mul3A_46 = arith.mulf %mul3A_45, %add3A_43 : vector<128x6400xf32>
    %mul3A_47 = arith.constant 5.000000e-01 : f32
    %mul3A_48 = vector.broadcast %mul3A_47 : f32 to vector<128x6400xf32>
    %mul3A_49 = arith.mulf %mul3A_48, %add3A_43 : vector<128x6400xf32>
    %mul3A_50 = arith.constant 5.000000e-01 : f32
    %mul3A_51 = vector.broadcast %mul3A_50 : f32 to vector<128x6400xf32>
    %mul3A_52 = arith.mulf %mul3A_51, %add3A_43 : vector<128x6400xf32>
    %tanh3A = math.tanh %mul3A_52 : vector<128x6400xf32>
    %mul3A_53 = arith.mulf %mul3A_49, %tanh3A : vector<128x6400xf32>
    %add3A_54 = arith.addf %mul3A_46, %mul3A_53 : vector<128x6400xf32>
    %iota3A = tpu.iota {dimensions = array<i32: 0>} : vector<128x6400xi32>
    %broadcast_in_dim3A_55 = vector.shape_cast %get3A_12 : vector<6400xi32> to vector<1x6400xi32>
    %eq3A_56 = vector.broadcast %broadcast_in_dim3A_55 : vector<1x6400xi32> to vector<128x6400xi32>
    %eq3A_57 = arith.cmpi eq, %iota3A, %eq3A_56 : vector<128x6400xi32>
    %convert_element_type3A_58 = arith.extui %eq3A_57 : vector<128x6400xi1> to vector<128x6400xi32>
    %convert_element_type3A_59 = arith.sitofp %convert_element_type3A_58 : vector<128x6400xi32> to vector<128x6400xf32>
    %convert_element_type3A_60 = arith.truncf %convert_element_type3A_59 : vector<128x6400xf32> to vector<128x6400xbf16>
    %get3A_61 = arith.constant 0 : index
    %get3A_62 = arith.constant 0 : index
    %get3A_63 = vector.load %arg13[%get3A_61, %get3A_62] : memref<256x128xbf16, #tpu.memory_space<vmem>>, vector<256x128xbf16>
    %dot_general3A_64 = arith.constant dense<0.000000e+00> : vector<256x6400xf32>
    %dot_general3A_65 = tpu.matmul %get3A_63, %convert_element_type3A_60, %dot_general3A_64 {dimension_numbers = #tpu.dot_dimension_numbers<[1], [0], [0], [1], [0, 0, 1, 1], [], []>, transpose_lhs_hint = false} : vector<256x128xbf16>, vector<128x6400xbf16>, vector<256x6400xf32> -> vector<256x6400xf32>
    %slice3A = vector.extract_strided_slice %dot_general3A_65 {offsets = [0, 0], sizes = [128, 6400], strides = [1, 1]} : vector<256x6400xf32> to vector<128x6400xf32>
    %slice3A_66 = vector.extract_strided_slice %dot_general3A_65 {offsets = [128, 0], sizes = [128, 6400], strides = [1, 1]} : vector<256x6400xf32> to vector<128x6400xf32>
    %add3A_67 = arith.addf %slice3A, %slice3A_66 : vector<128x6400xf32>
    %mul3A_68 = arith.mulf %add3A_67, %add3A_54 : vector<128x6400xf32>
    %broadcast_in_dim3A_69 = vector.shape_cast %add3A_21 : vector<6400xf32> to vector<1x6400xf32>
    %mul3A_70 = vector.broadcast %broadcast_in_dim3A_69 : vector<1x6400xf32> to vector<128x6400xf32>
    %mul3A_71 = arith.mulf %mul3A_68, %mul3A_70 : vector<128x6400xf32>
    %get3A_72 = arith.constant 0 : index
    %get3A_73 = arith.constant 0 : index
    %get3A_74 = vector.load %arg11[%get3A_72, %get3A_73] : memref<3x128xf32, #tpu.memory_space<vmem>>, vector<3x128xf32>
    %dot_general3A_75 = arith.constant dense<0.000000e+00> : vector<3x6400xf32>
    %dot_general3A_76 = tpu.matmul %get3A_74, %mul3A_71, %dot_general3A_75 {dimension_numbers = #tpu.dot_dimension_numbers<[1], [0], [0], [1], [0, 0, 1, 1], [], []>, transpose_lhs_hint = false} : vector<3x128xf32>, vector<128x6400xf32>, vector<3x6400xf32> -> vector<3x6400xf32>
    %swap3A = arith.constant 0 : index
    %swap3A_77 = arith.constant 0 : index
    %swap3A_78 = vector.load %arg12[%swap3A, %swap3A_77] : memref<3x6400xf32, #tpu.memory_space<vmem>>, vector<3x6400xf32>
    tpu.vector_store %arg12[%swap3A, %swap3A_77], %dot_general3A_76 {strides = array<i32>} : memref<3x6400xf32, #tpu.memory_space<vmem>>, vector<3x6400xf32>,
    return
  }
  func.func @transform_0(%arg0: i32) -> (i32, i32) {
    %c0_i32 = arith.constant 0 : i32
    %c0_i32_0 = arith.constant 0 : i32
    return %c0_i32, %arg0 : i32, i32
  }
  func.func @transform_1(%arg0: i32) -> (i32, i32) {
    %c0_i32 = arith.constant 0 : i32
    %c0_i32_0 = arith.constant 0 : i32
    return %c0_i32, %arg0 : i32, i32
  }
  func.func @transform_2(%arg0: i32) -> (i32, i32) {
    %c0_i32 = arith.constant 0 : i32
    %c0_i32_0 = arith.constant 0 : i32
    return %c0_i32, %arg0 : i32, i32
  }
  func.func @transform_3(%arg0: i32) -> (i32, i32) {
    %c0_i32 = arith.constant 0 : i32
    %c0_i32_0 = arith.constant 0 : i32
    %c0_i32_1 = arith.constant 0 : i32
    return %c0_i32, %c0_i32_0 : i32, i32
  }
  func.func @transform_4(%arg0: i32) -> (i32, i32) {
    %c0_i32 = arith.constant 0 : i32
    %c0_i32_0 = arith.constant 0 : i32
    %c0_i32_1 = arith.constant 0 : i32
    return %c0_i32, %c0_i32_0 : i32, i32
  }
  func.func @transform_5(%arg0: i32) -> (i32, i32) {
    %c0_i32 = arith.constant 0 : i32
    %c0_i32_0 = arith.constant 0 : i32
    %c0_i32_1 = arith.constant 0 : i32
    return %c0_i32, %c0_i32_0 : i32, i32
  }
  func.func @transform_6(%arg0: i32) -> (i32, i32) {
    %c0_i32 = arith.constant 0 : i32
    %c0_i32_0 = arith.constant 0 : i32
    %c0_i32_1 = arith.constant 0 : i32
    return %c0_i32, %c0_i32_0 : i32, i32
  }
  func.func @transform_7(%arg0: i32) -> (i32, i32) {
    %c0_i32 = arith.constant 0 : i32
    %c0_i32_0 = arith.constant 0 : i32
    %c0_i32_1 = arith.constant 0 : i32
    return %c0_i32, %c0_i32_0 : i32, i32
  }
  func.func @transform_8(%arg0: i32) -> (i32, i32) {
    %c0_i32 = arith.constant 0 : i32
    %c0_i32_0 = arith.constant 0 : i32
    %c0_i32_1 = arith.constant 0 : i32
    return %c0_i32, %c0_i32_0 : i32, i32
  }
  func.func @transform_9(%arg0: i32) -> (i32, i32) {
    %c0_i32 = arith.constant 0 : i32
    %c0_i32_0 = arith.constant 0 : i32
    %c0_i32_1 = arith.constant 0 : i32
    return %c0_i32, %c0_i32_0 : i32, i32
  }
  func.func @transform_10(%arg0: i32) -> (i32, i32) {
    %c0_i32 = arith.constant 0 : i32
    %c0_i32_0 = arith.constant 0 : i32
    %c0_i32_1 = arith.constant 0 : i32
    return %c0_i32, %c0_i32_0 : i32, i32
  }
  func.func @transform_11(%arg0: i32) -> (i32, i32) {
    %c0_i32 = arith.constant 0 : i32
    %c0_i32_0 = arith.constant 0 : i32
    return %c0_i32, %arg0 : i32, i32
  }
}

module attributes {stable_mosaic.version = 14 : i64} {
  func.func @_fin_body(%arg0: i32, %arg1: memref<2x2000x3xf32, #tpu.memory_space<vmem>>, %arg2: memref<1x1x2000xi32, #tpu.memory_space<vmem>>, %arg3: memref<128x128xf32, #tpu.memory_space<vmem>>, %arg4: memref<128x128xf32, #tpu.memory_space<vmem>>, %arg5: memref<128x3xf32, #tpu.memory_space<vmem>>, %arg6: memref<3xf32, #tpu.memory_space<vmem>>, %arg7: memref<2000x3xf32, #tpu.memory_space<vmem>>, %arg8: memref<128x3xf32, #tpu.memory_space<vmem>>) attributes {dimension_semantics = [#tpu.dimension_semantics<arbitrary>], iteration_bounds = array<i64: 5>, scalar_prefetch = 0 : i64, scratch_operands = 1 : i64, tpu.core_type = #tpu.core_type<tc>, window_params = [{transform_indices = @transform_0, window_bounds = array<i64: 2, 2000, 3>}, {transform_indices = @transform_1, window_bounds = array<i64: 1, 1, 2000>}, {pipeline_mode = #tpu.pipeline_mode<synchronous>, transform_indices = @transform_2, window_bounds = array<i64: 128, 128>}, {pipeline_mode = #tpu.pipeline_mode<synchronous>, transform_indices = @transform_3, window_bounds = array<i64: 128, 128>}, {pipeline_mode = #tpu.pipeline_mode<synchronous>, transform_indices = @transform_4, window_bounds = array<i64: 128, 3>}, {pipeline_mode = #tpu.pipeline_mode<synchronous>, transform_indices = @transform_5, window_bounds = array<i64: 3>}, {transform_indices = @transform_6, window_bounds = array<i64: 2000, 3>}]} {
    %eq3A = arith.constant 0 : i32
    %eq3A_0 = arith.cmpi eq, %arg0, %eq3A : i32
    %convert_element_type3A = arith.extui %eq3A_0 : i1 to i32
    %cond3A = arith.constant 0 : i32
    %cond3A_1 = arith.cmpi ne, %convert_element_type3A, %cond3A : i32
    scf.if %cond3A_1 {
      %get3A_32 = arith.constant 0 : index
      %get3A_33 = arith.constant 0 : index
      %get3A_34 = vector.load %arg4[%get3A_32, %get3A_33] : memref<128x128xf32, #tpu.memory_space<vmem>>, vector<128x128xf32>
      %get3A_35 = arith.constant 0 : index
      %get3A_36 = arith.constant 0 : index
      %get3A_37 = vector.load %arg5[%get3A_35, %get3A_36] : memref<128x3xf32, #tpu.memory_space<vmem>>, vector<128x3xf32>
      %dot_general3A_38 = arith.constant dense<0.000000e+00> : vector<128x3xf32>
      %dot_general3A_39 = tpu.matmul %get3A_34, %get3A_37, %dot_general3A_38 {dimension_numbers = #tpu.dot_dimension_numbers<[1], [0], [0], [1], [0, 0, 1, 1], [], []>, transpose_lhs_hint = false} : vector<128x128xf32>, vector<128x3xf32>, vector<128x3xf32> -> vector<128x3xf32>
      %get3A_40 = arith.constant 0 : index
      %get3A_41 = arith.constant 0 : index
      %get3A_42 = vector.load %arg3[%get3A_40, %get3A_41] : memref<128x128xf32, #tpu.memory_space<vmem>>, vector<128x128xf32>
      %dot_general3A_43 = arith.constant dense<0.000000e+00> : vector<128x3xf32>
      %dot_general3A_44 = tpu.matmul %get3A_42, %dot_general3A_39, %dot_general3A_43 {dimension_numbers = #tpu.dot_dimension_numbers<[1], [0], [0], [1], [0, 0, 1, 1], [], []>, transpose_lhs_hint = false} : vector<128x128xf32>, vector<128x3xf32>, vector<128x3xf32> -> vector<128x3xf32>
      %swap3A_45 = arith.constant 0 : index
      %swap3A_46 = arith.constant 0 : index
      %swap3A_47 = vector.load %arg8[%swap3A_45, %swap3A_46] : memref<128x3xf32, #tpu.memory_space<vmem>>, vector<128x3xf32>
      tpu.vector_store %arg8[%swap3A_45, %swap3A_46], %dot_general3A_44 {strides = array<i32>} : memref<128x3xf32, #tpu.memory_space<vmem>>, vector<128x3xf32>,
    } else {
    }
    %get3A = arith.constant 0 : index
    %get3A_2 = arith.constant 0 : index
    %get3A_3 = arith.constant 0 : index
    %get3A_4 = vector.load %arg2[%get3A, %get3A_2, %get3A_3] : memref<1x1x2000xi32, #tpu.memory_space<vmem>>, vector<1x1x2000xi32>
    %get3A_5 = vector.shape_cast %get3A_4 : vector<1x1x2000xi32> to vector<2000xi32>
    %iota3A = tpu.iota {dimensions = array<i32: 1>} : vector<2000x128xi32>
    %broadcast_in_dim3A = vector.shape_cast %get3A_5 : vector<2000xi32> to vector<2000x1xi32>
    %eq3A_6 = vector.broadcast %broadcast_in_dim3A : vector<2000x1xi32> to vector<2000x128xi32>
    %eq3A_7 = arith.cmpi eq, %iota3A, %eq3A_6 : vector<2000x128xi32>
    %convert_element_type3A_8 = arith.extui %eq3A_7 : vector<2000x128xi1> to vector<2000x128xi32>
    %convert_element_type3A_9 = arith.sitofp %convert_element_type3A_8 : vector<2000x128xi32> to vector<2000x128xf32>
    %get3A_10 = arith.constant 0 : index
    %get3A_11 = arith.constant 0 : index
    %get3A_12 = vector.load %arg8[%get3A_10, %get3A_11] : memref<128x3xf32, #tpu.memory_space<vmem>>, vector<128x3xf32>
    %dot_general3A = arith.constant dense<0.000000e+00> : vector<2000x3xf32>
    %dot_general3A_13 = tpu.matmul %convert_element_type3A_9, %get3A_12, %dot_general3A {dimension_numbers = #tpu.dot_dimension_numbers<[1], [0], [0], [1], [0, 0, 1, 1], [], []>, transpose_lhs_hint = false} : vector<2000x128xf32>, vector<128x3xf32>, vector<2000x3xf32> -> vector<2000x3xf32>
    %get3A_14 = arith.constant 0 : index
    %get3A_15 = arith.constant 0 : index
    %get3A_16 = arith.constant 0 : index
    %get3A_17 = vector.load %arg1[%get3A_14, %get3A_15, %get3A_16] : memref<2x2000x3xf32, #tpu.memory_space<vmem>>, vector<1x2000x3xf32>
    %get3A_18 = vector.shape_cast %get3A_17 : vector<1x2000x3xf32> to vector<2000x3xf32>
    %get3A_19 = arith.constant 1 : index
    %get3A_20 = arith.constant 0 : index
    %get3A_21 = arith.constant 0 : index
    %get3A_22 = vector.load %arg1[%get3A_19, %get3A_20, %get3A_21] : memref<2x2000x3xf32, #tpu.memory_space<vmem>>, vector<1x2000x3xf32>
    %get3A_23 = vector.shape_cast %get3A_22 : vector<1x2000x3xf32> to vector<2000x3xf32>
    %add3A = arith.addf %get3A_18, %get3A_23 : vector<2000x3xf32>
    %add3A_24 = arith.addf %add3A, %dot_general3A_13 : vector<2000x3xf32>
    %get3A_25 = arith.constant 0 : index
    %get3A_26 = vector.load %arg6[%get3A_25] : memref<3xf32, #tpu.memory_space<vmem>>, vector<3xf32>
    %broadcast_in_dim3A_27 = vector.shape_cast %get3A_26 : vector<3xf32> to vector<1x3xf32>
    %add3A_28 = vector.broadcast %broadcast_in_dim3A_27 : vector<1x3xf32> to vector<2000x3xf32>
    %add3A_29 = arith.addf %add3A_24, %add3A_28 : vector<2000x3xf32>
    %swap3A = arith.constant 0 : index
    %swap3A_30 = arith.constant 0 : index
    %swap3A_31 = vector.load %arg7[%swap3A, %swap3A_30] : memref<2000x3xf32, #tpu.memory_space<vmem>>, vector<2000x3xf32>
    tpu.vector_store %arg7[%swap3A, %swap3A_30], %add3A_29 {strides = array<i32>} : memref<2000x3xf32, #tpu.memory_space<vmem>>, vector<2000x3xf32>,
    return
  }
  func.func @transform_0(%arg0: i32) -> (i32, i32, i32) {
    %c0_i32 = arith.constant 0 : i32
    %c0_i32_0 = arith.constant 0 : i32
    %c0_i32_1 = arith.constant 0 : i32
    return %c0_i32, %arg0, %c0_i32_0 : i32, i32, i32
  }
  func.func @transform_1(%arg0: i32) -> (i32, i32, i32) {
    %c0_i32 = arith.constant 0 : i32
    %c0_i32_0 = arith.constant 0 : i32
    %c0_i32_1 = arith.constant 0 : i32
    return %arg0, %c0_i32, %c0_i32_0 : i32, i32, i32
  }
  func.func @transform_2(%arg0: i32) -> (i32, i32) {
    %c0_i32 = arith.constant 0 : i32
    %c0_i32_0 = arith.constant 0 : i32
    %c0_i32_1 = arith.constant 0 : i32
    return %c0_i32, %c0_i32_0 : i32, i32
  }
  func.func @transform_3(%arg0: i32) -> (i32, i32) {
    %c0_i32 = arith.constant 0 : i32
    %c0_i32_0 = arith.constant 0 : i32
    %c0_i32_1 = arith.constant 0 : i32
    return %c0_i32, %c0_i32_0 : i32, i32
  }
  func.func @transform_4(%arg0: i32) -> (i32, i32) {
    %c0_i32 = arith.constant 0 : i32
    %c0_i32_0 = arith.constant 0 : i32
    %c0_i32_1 = arith.constant 0 : i32
    return %c0_i32, %c0_i32_0 : i32, i32
  }
  func.func @transform_5(%arg0: i32) -> i32 {
    %c0_i32 = arith.constant 0 : i32
    %c0_i32_0 = arith.constant 0 : i32
    return %c0_i32 : i32
  }
  func.func @transform_6(%arg0: i32) -> (i32, i32) {
    %c0_i32 = arith.constant 0 : i32
    %c0_i32_0 = arith.constant 0 : i32
    return %arg0, %c0_i32 : i32, i32
  }
}

</mosaic_0001>

<sc_bundles>
// kernel: kernel.6.cloned.1.call-start
scs
__scs_entry_jumppad:
0x0: {  	(pc) =	sbr.rel $0x88, $3  }
0x1: {  	(tag) =	ssettag $0x0;
	lr =	simm.s32 $0x1  }
0x2: {  	[smem:$0x3F93] =	sst lr;
	_ =	strace $0xD0000000  }
0x3: {  	_ = 	snop  }
0x4: {  	_ = 	snop  }
0x5: {  	_ = 	snop  }
0x6: {  	_ = 	snop  }
0x7: {  	_ = 	snop  }
__scs_overlays_trampoline_lowered:
0x8: {  	[smem:$0x3FA2] =	sst s0  }
0x9: {  	[smem:$0x3FA3] =	sst s1  }
0xa: {  	[smem:$0x3FA4] =	sst s2  }
0xb: {  	[smem:$0x3FA5] =	sst s3  }
0xc: {  	[smem:$0x3FA6] =	sst s4  }
0xd: {  	[smem:$0x3FA7] =	sst s5  }
0xe: {  	[smem:$0x3FA8] =	sst s6  }
0xf: {  	[smem:$0x3FA9] =	sst s7  }
0x10: {  	[smem:$0x3FAA] =	sst s8  }
0x11: {  	[smem:$0x3FAB] =	sst s9;
	s0 =	simm.s32 @!p0 $0x0  }
0x12: {  	s1 =	sld [smem:$0x3F91];
	s0 =	simm.s32 @p0 $0x1  }
0x13: {  	[smem:$0x3FAC] =	sst s0;
	s0 =	simm.s32 @!p1 $0x0  }
0x14: {  	s2 =	sld [smem:$0x3F90];
	s0 =	simm.s32 @p1 $0x1  }
0x15: {  	[smem:$0x3FAD] =	sst s0;
	s0 =	simm.s32 @!p2 $0x0  }
0x16: {  	s3 =	sld [smem:$0x3FDB];
	s0 =	simm.s32 @p2 $0x1  }
0x17: {  	s4 =	simm.s32 $0x1BF5;
	[smem:$0x3FAF] =	sst s0  }
0x18: {  	s0 =	sld [smem:$0x3F92];
	_ =	swait.ge [sflag:s4], $0x0  }
0x19: {  	s7 =	sld [smem:$0x3F93]  }
0x1a: {  	s8 =	sadd.s32 $0xFFFFE003, lr  }
0x1b: {  	s9 =	sadd.s32 $0xFFFFFEF7, lr;
	s5 =	simm.s32 $0xFFFFFFFF;
	p2 =	slt.u32 s8, $0xFFFFF086  }
0x1c: {  	p1 =	slt.u32 s9, $0xF7A;
	s5 =	simm.s32 @!p2 $0x0  }
0x1d: {  	s5 =	simm.s32 @p1 $0x1;
	p0 =	seq.s32 s7, s2  }
0x1e: {  	s7 =	smul.u32 @!p0 $0xF7A, s2;
	p2 =	seq.s32 @!p0 s5, $0x0  }
0x1f: {  	s9 =	smul.u32 $0xF7A, s1;
	s8 =	simm.s32 @!p0 $0x1BF5;
	p2 =	por !p2, p0  }
0x20: {  	[sflag:s8] =	ssyncset.s32 @!p0 $0xFFFFF086;
	s6 =	sadd.s32 @!p0 s3, s7;
	s7 =	simm.s32 @!p0 $0x108  }
0x21: {  	s3 =	sadd.s32 s3, s9;
	s6 =	sadd.s32 @!p0 $0x88, s6;
	s7 =	simm.s32 @p2 $0x1082  }
0x22: {  	[simem:s7], [sflag:s8] =	dma.local @!p0 [hbm:s6], $0xF7A  }
0x23: {  	s9 =	sor.u32 $0xD0000000, s2;
	s6 =	simm.s32 $0x108;
	_ =	swait.ge @!p0 [sflag:s8], $0x0  }
0x24: {  	s3 =	sadd.s32 $0x88, s3;
	s6 =	simm.s32 @!p1 $0x1082;
	[sflag:s4] =	ssyncset.s32 $0xFFFFF086  }
0x25: {  	[simem:s6], [sflag:s4] =	dma.local [hbm:s3], $0xF7A  }
0x26: {  	[smem:$0x3F93] =	sst s1;
	(tag) =	ssettag s2;
	_ =	strace s9  }
0x27: {  	s1 =	sld [smem:$0x3FA3]  }
0x28: {  	s2 =	sld [smem:$0x3FA4]  }
0x29: {  	s4 =	sld [smem:$0x3FA6]  }
0x2a: {  	p0 =	seq.s32 s5, $0x0;
	s5 =	sld [smem:$0x3FA7]  }
0x2b: {  	s6 =	sld [smem:$0x3FA8]  }
0x2c: {  	s7 =	sld [smem:$0x3FA9]  }
0x2d: {  	s3 =	simm.s32 $0x108;
	s8 =	sld [smem:$0x3FAA]  }
0x2e: {  	s3 =	simm.s32 @!p0 $0x1082;
	s9 =	sld [smem:$0x3FAB]  }
0x2f: {  	lr =	sadd.s32 s0, s3;
	s0 =	sld [smem:$0x3FA2]  }
0x30: {  	s3 =	sld [smem:$0x3FA5]  }
0x31: {  	[smem:$0x3FAE] =	sst s10  }
0x32: {  	s10 =	sld [smem:$0x3FAC];
	_ =	sdelay $0x3  }
0x33: {  	p0 =	seq.s32 s10, $0x1;
	s10 =	sld [smem:$0x3FAE];
	_ =	sdelay $0x3  }
0x34: {  	[smem:$0x3FAE] =	sst s10  }
0x35: {  	s10 =	sld [smem:$0x3FAD];
	_ =	sdelay $0x3  }
0x36: {  	p1 =	seq.s32 s10, $0x1;
	s10 =	sld [smem:$0x3FAE];
	_ =	sdelay $0x3  }
0x37: {  	[smem:$0x3FAE] =	sst s10  }
0x38: {  	s10 =	sld [smem:$0x3FAF]  }
0x39: {  	_ = 	snop;
	(pc) =	sbr.ind lr, $3  }
0x3a: {  	_ = 	snop  }
0x3b: {  	_ = 	snop  }
0x3c: {  	p2 =	seq.s32 s10, $0x1;
	s10 =	sld [smem:$0x3FAE]  }
0x3d: {  	_ =	shalt  }
0x3e: {  	_ =	shalt  }
0x3f: {  	_ =	shalt  }
0x40: {  	_ =	shalt  }
0x41: {  	_ =	shalt  }
0x42: {  	_ =	shalt  }
0x43: {  	_ =	shalt  }
0x44: {  	_ =	shalt  }
0x45: {  	_ =	shalt  }
0x46: {  	_ =	shalt  }
0x47: {  	_ =	shalt  }
0x48: {  	_ =	shalt  }
0x49: {  	_ =	shalt  }
0x4a: {  	_ =	shalt  }
0x4b: {  	_ =	shalt  }
0x4c: {  	_ =	shalt  }
0x4d: {  	_ =	shalt  }
0x4e: {  	_ =	shalt  }
0x4f: {  	_ =	shalt  }
0x50: {  	_ =	shalt  }
0x51: {  	_ =	shalt  }
0x52: {  	_ =	shalt  }
0x53: {  	_ =	shalt  }
0x54: {  	_ =	shalt  }
0x55: {  	_ =	shalt  }
0x56: {  	_ =	shalt  }
0x57: {  	_ =	shalt  }
0x58: {  	_ =	shalt  }
0x59: {  	_ =	shalt  }
0x5a: {  	_ =	shalt  }
0x5b: {  	_ =	shalt  }
0x5c: {  	_ =	shalt  }
0x5d: {  	_ =	shalt  }
0x5e: {  	_ =	shalt  }
0x5f: {  	_ =	shalt  }
0x60: {  	_ =	shalt  }
0x61: {  	_ =	shalt  }
0x62: {  	_ =	shalt  }
0x63: {  	_ =	shalt  }
0x64: {  	_ =	shalt  }
0x65: {  	_ =	shalt  }
0x66: {  	_ =	shalt  }
0x67: {  	_ =	shalt  }
0x68: {  	_ =	shalt  }
0x69: {  	_ =	shalt  }
0x6a: {  	_ =	shalt  }
0x6b: {  	_ =	shalt  }
0x6c: {  	_ =	shalt  }
0x6d: {  	_ =	shalt  }
0x6e: {  	_ =	shalt  }
0x6f: {  	_ =	shalt  }
0x70: {  	_ =	shalt  }
0x71: {  	_ =	shalt  }
0x72: {  	_ =	shalt  }
0x73: {  	_ =	shalt  }
0x74: {  	_ =	shalt  }
0x75: {  	_ =	shalt  }
0x76: {  	_ =	shalt  }
0x77: {  	_ =	shalt  }
0x78: {  	_ =	shalt  }
0x79: {  	_ =	shalt  }
0x7a: {  	_ =	shalt  }
0x7b: {  	_ =	shalt  }
0x7c: {  	_ =	shalt  }
0x7d: {  	_ =	shalt  }
0x7e: {  	_ =	shalt  }
0x7f: {  	_ =	shalt  }
0x80: {  	_ =	shalt  }
0x81: {  	_ =	shalt  }
0x82: {  	_ =	shalt  }
0x83: {  	_ =	shalt  }
0x84: {  	_ =	shalt  }
0x85: {  	_ =	shalt  }
0x86: {  	_ =	shalt  }
0x87: {  	_ =	shalt  }
.Lfunc_end0:
.L_simem_size_0:
called_computation_lowered:
.L_overlay_start_0:
0x88: {  	s2 =	sld [smem:$0x3FD9]  }
0x89: {  	s3 =	sld [smem:$0x3FFE];
	_ =	sdelay $0x1  }
0x8a: {  	s1 =	srdreg.scid  }
0x8b: {  	s0 =	sand.u32 $0x1, s1  }
0x8c: {  	s17 =	sshll.u32 s0, $0xA;
	s2 =	sadd.s32 s3, s2  }
0x8d: {  	s2 =	sadd.s32 s2, s17  }
0x8e: {  	[smem:$0x3FBA] =	sst s2  }
0x8f: {  	_ = 	snop  }
0x90: {  	s2 =	sld [smem:$0x3FC9]  }
0x91: {  	s18 =	sld [smem:$0x3FD0];
	(tm) =	ssettm $0x1  }
0x92: {  	s4 =	sld [smem:$0x3FFB];
	_ =	sdelay $0x3  }
0x93: {  	_ =	strace s4  }
0x94: {  	s4 =	sld [smem:$0x3FFC];
	_ =	sdelay $0x3  }
0x95: {  	_ =	strace s4  }
0x96: {  	s4 =	sld [smem:$0x3FFD];
	_ =	sdelay $0x3  }
0x97: {  	_ =	strace s4  }
0x98: {  	_ =	strace $0x8FFFFFFF  }
0x99: {  	s19 =	sld [smem:$0x3FDB];
	_ =	sdelay $0x1  }
0x9a: {  	s5 =	simm.s32 $_scs_section_size  }
0x9b: {  	s6 =	simm.s32 $_size__tile_overlayer_lowered;
	s7 =	simm.s32 $_tile_overlayer_lowered  }
0x9c: {  	s22 =	simm.s32 $0x1BFF;
	s21 =	sshll.u32 s7, $0x1;
	s4 =	sadd.s32 s5, s19  }
0x9d: {  	s8 =	simm.s32 $0x0;
	s20 =	sshll.u32 s6, $0x1;
	s6 =	sadd.s32 s21, s4  }
0x9e: {  	[timem:s8], [sflag:s22] =	dma.local [hbm:s6], s20  }
0x9f: {  	_ =	swait.ge [sflag:s22], s20  }
0xa0: {  	s5 =	ssub.s32 $0x0, s20;
	[sflag:s22] =	ssyncset.done $0x0  }
0xa1: {  	[sflag:s22] =	ssyncadd.s32 s5;
	_ =	sdelay $0x1  }
0xa2: {  	s23 =	simm.s32 $0x1B8B  }
0xa3: {  	_ =	swait.ge [sflag:s23], $0x1  }
0xa4: {  	[sflag:s23] =	ssyncset.done $0x0  }
0xa5: {  	s25 =	simm.s32 $0x1B8E;
	s24 =	sld [smem:$0x3FFE];
	[sflag:s23] =	ssyncadd.s32 $0xFFFFFFFF  }
0xa6: {  	s26 =	simm.s32 $execute0_lowered;
	[smem:$0x3FD2] =	sst s25  }
0xa7: {  	s6 =	sshll.u32 s26, $0x1;
	_ =	strace $0x80000046;
	[dreg:$0x1] =	wrdreg $0xFFFFFFFF  }
0xa8: {  	s28 =	simm.s32 $_size_execute0_lowered;
	s4 =	sadd.s32 s4, s6;
	[dreg:$0x0] =	wrdreg $0x0  }
0xa9: {  	s6 =	sshll.u32 s28, $0x1;
	[dreg:$0x2] =	wrdreg s4  }
0xaa: {  	[dreg:$0x3] =	wrdreg s6  }
0xab: {  	[dreg:$0x4] =	wrdreg $0xC0  }
0xac: {  	_ =	task [dreg:s8], $0x5FFFF  }
0xad: {  	[dreg:$0x1] =	wrdreg $0xFFFFFFFF  }
0xae: {  	[dreg:$0x0] =	wrdreg $0x60  }
0xaf: {  	[dreg:$0x2] =	wrdreg s24  }
0xb0: {  	[dreg:$0x3] =	wrdreg s18  }
0xb1: {  	[dreg:$0x4] =	wrdreg s2  }
0xb2: {  	[dreg:$0x5] =	wrdreg $0x9  }
0xb3: {  	_ =	task.clear_ibuf [dreg:s8], $0x6FFFF;
	_ =	strace $0x90000046  }
0xb4: {  	s29 =	simm.s32 $0x9;
	_ =	strace $0x80000048  }
0xb5: {  	_ =	swait.ge [sflag:s29], $0x1  }
0xb6: {  	[sflag:s29] =	ssyncadd.s32 $0xFFFFFFFF  }
0xb7: {  	_ =	strace $0x90000048  }
0xb8: {  	_ =	sfence  }
0xb9: {  	s30 =	sld [smem:$0x0];
	_ =	sdelay $0x2  }
0xba: {  	s31 =	sshll.u32 s1, $0xD;
	s1 =	sshrl.u32 s1, $0x2  }
0xbb: {  	s3 =	sand.u32 $0x4000, s31;
	s1 =	sadd.s32 s1, s30  }
0xbc: {  	s0 =	sor.u32 s3, s0;
	s1 =	sshll.u32 s1, $0x11  }
0xbd: {  	s0 =	sor.u32 s1, s0  }
0xbe: {  	s0 =	sadd.s32 $0x8F2B, s0  }
0xbf: {  	[sflag:s0] =	ssyncadd.remote.s32 $0x1  }
0xc0: {  	_ =	sfence.sel $0xFFFF  }
0xc1: {  	[dreg:$0x0] =	wrdreg $0xFFFFFFFF;
	(pc) =	sbr.abs _section_cstart, $3  }
0xc2: {  	[dreg:$0x1] =	wrdreg $0xFFFFFFFF  }
0xc3: {  	_ =	task.clear_ibuf [dreg:s8], $0x2FFFF;
	_ =	strace $0x9FFFFFFF  }
0xc4: {  	(tm) =	ssettm $0x7FFFFFFF  }
0xc5: {  	_ =	shalt  }
tec
execute0_lowered:
.L_overlay_start_1:
0x0: {  	(tag) =	ssettag $0x1  }
0x1: {  	s2 =	rddreg [dreg:$0x0]  }
0x2: {  	s0 =	srdreg.scid;
	s1 =	stileid.u32  }
0x3: {  	s5 =	simm.s32 $0x0;
	s17 =	simm.s32 $0x2780;
	s18 =	simm.s32 $0x4F00  }
0x4: {  	s19 =	simm.s32 $0x7680;
	s24 =	simm.s32 $0x13C00;
	s25 =	simm.s32 $0x1DA00  }
0x5: {  	s28 =	simm.s32 $0x16380;
	s0 =	sand.u32 $0x1, s0;
	s1 =	sshll.u32 s1, $0x1  }
0x6: {  	s29 =	simm.s32 $0x18B00;
	s30 =	simm.s32 $0x1B280;
	s1 =	sor.u32 s0, s1  }
0x7: {  	s31 =	simm.s32 $0x0;
	[smem:$0x7FF] =	sst s5;
	s1 =	smul.u32 $0x2710, s1  }
0x8: {  	s6 =	sadd.s32 $0x600, s2;
	s7 =	sadd.s32 $0x32000, s2;
	s0 =	ssub.s32 $0x2, s0  }
0x9: {  	_ =	strace $0x80000047;
	s26 =	sshrl.u32 s0, $0x1;
	s1 =	sshrl.u32 s1, $0x3  }
0xa: {  	s0 =	ssub.s32 s0, s26;
	s26 =	simm.s32 $0x1;
	s1 =	sadd.s32 s1, s2  }
0xb: {  	s16 =	smax.u32 s0, $0x1;
	s8 =	sadd.s32 $0xC00, s1;
	s9 =	sadd.s32 $0xA840, s1  }
0xc: {  	s10 =	sadd.s32 $0x28200, s1;
	s11 =	sadd.s32 $0x1E400, s1;
	s12 =	sadd.s32 $0x14600, s1  }
0xd: {  	v0 =	vimm.s32 $0x1;
	v1 =	vimm.s32 $0x2;
	v2 =	vimm.s32 $0x3;
	s13 =	sadd.s32 $0x32200, s1;
	s14 =	sadd.s32 $0x3C000, s1;
	s15 =	sadd.s32 $0x45E00, s1  }
.LBB2_1:
0xe: {  	[tilespmem:s5], [sflag:$0x1] =	stream.linear.gather [hbm4b:s6+s5], $0x2780, $0x38;
	[tilespmem:$0x1DA80] =	vst v63  }
0xf: {  	s0 =	rddreg [dreg:$0x0]  }
0x10: {  	[tilespmem:s17], [sflag:$0x1] =	stream.linear.gather [hbm4b:s0+s5], $0x2780, $0x38;
	[tilespmem:$0x1DA80] =	vst v63  }
0x11: {  	s3 =	rddreg [dreg:$0x1]  }
0x12: {  	[tilespmem:s18], [sflag:$0x1] =	stream.linear.gather [hbm4b:s3+s5], $0x2780, $0x38;
	[tilespmem:$0x1DA80] =	vst v63  }
0x13: {  	s4 =	rddreg [dreg:$0x2]  }
0x14: {  	[tilespmem:s19], [sflag:$0x1] =	stream.linear.gather [hbm4b:s4+s5], $0x2780, $0x38;
	[tilespmem:$0x1DA80] =	vst v63  }
0x15: {  	s20 =	simm.s32 $0x9E00  }
0x16: {  	[tilespmem:s20], [sflag:$0x1] =	stream.linear.gather [hbm4b:s8+s5], $0x2710, $0x38;
	[tilespmem:$0x1DA80] =	vst v63  }
0x17: {  	s21 =	simm.s32 $0xC580  }
0x18: {  	[tilespmem:s21], [sflag:$0x1] =	stream.linear.gather [hbm4b:s9+s5], $0x2710, $0x38;
	[tilespmem:$0x1DA80] =	vst v63  }
0x19: {  	s22 =	simm.s32 $0xED00  }
0x1a: {  	[tilespmem:s22], [sflag:$0x1] =	stream.linear.gather [hbm4b:s10+s5], $0x2710, $0x38;
	[tilespmem:$0x1DA80] =	vst v63  }
0x1b: {  	s23 =	simm.s32 $0x11480  }
0x1c: {  	[tilespmem:s23], [sflag:$0x1] =	stream.linear.gather [hbm4b:s11+s5], $0x2710, $0x38;
	[tilespmem:$0x1DA80] =	vst v63  }
0x1d: {  	_ = 	snop  }
0x1e: {  	[tilespmem:s24], [sflag:$0x1] =	stream.linear.gather [hbm4b:s12+s5], $0x2710, $0x38;
	[tilespmem:$0x1DA80] =	vst v63  }
0x1f: {  	_ = 	snop  }
0x20: {  	[tilespmem:s25], [sflag:$0x1] =	stream.linear.gather [hbm4b:s7+s5], $0x80, $0x38;
	[tilespmem:$0x1DA80] =	vst v63  }
0x21: {  	_ =	swait.ge [sflag:s26], $0x2780  }
0x22: {  	[sflag:s26] =	ssyncset.done $0x0  }
0x23: {  	[sflag:s26] =	ssyncadd.s32 $0xFFFFD880  }
0x24: {  	_ =	swait.ge [sflag:s26], $0x2780  }
0x25: {  	[sflag:s26] =	ssyncset.done $0x0  }
0x26: {  	[sflag:s26] =	ssyncadd.s32 $0xFFFFD880  }
0x27: {  	_ =	swait.ge [sflag:s26], $0x2780  }
0x28: {  	[sflag:s26] =	ssyncset.done $0x0  }
0x29: {  	[sflag:s26] =	ssyncadd.s32 $0xFFFFD880  }
0x2a: {  	_ =	swait.ge [sflag:s26], $0x2780  }
0x2b: {  	[sflag:s26] =	ssyncset.done $0x0  }
0x2c: {  	[sflag:s26] =	ssyncadd.s32 $0xFFFFD880  }
0x2d: {  	_ =	swait.ge [sflag:s26], $0x2710  }
0x2e: {  	[sflag:s26] =	ssyncset.done $0x0  }
0x2f: {  	[sflag:s26] =	ssyncadd.s32 $0xFFFFD8F0  }
0x30: {  	_ =	swait.ge [sflag:s26], $0x2710  }
0x31: {  	[sflag:s26] =	ssyncset.done $0x0  }
0x32: {  	[sflag:s26] =	ssyncadd.s32 $0xFFFFD8F0  }
0x33: {  	_ =	swait.ge [sflag:s26], $0x2710  }
0x34: {  	[sflag:s26] =	ssyncset.done $0x0  }
0x35: {  	[sflag:s26] =	ssyncadd.s32 $0xFFFFD8F0  }
0x36: {  	_ =	swait.ge [sflag:s26], $0x2710  }
0x37: {  	[sflag:s26] =	ssyncset.done $0x0  }
0x38: {  	[sflag:s26] =	ssyncadd.s32 $0xFFFFD8F0  }
0x39: {  	_ =	swait.ge [sflag:s26], $0x2710  }
0x3a: {  	[sflag:s26] =	ssyncset.done $0x0  }
0x3b: {  	[sflag:s26] =	ssyncadd.s32 $0xFFFFD8F0  }
0x3c: {  	_ =	swait.ge [sflag:s26], $0x80  }
0x3d: {  	[sflag:s26] =	ssyncset.done $0x0  }
0x3e: {  	[sflag:s26] =	ssyncadd.s32 $0xFFFFFF80  }
0x3f: {  	s2 =	simm.s32 $0xFFFFFFFC;
	s1 =	simm.s32 $0x13C20;
	s0 =	simm.s32 $0x1B2A0;
	v3 =	vld.idx.msk [tilespmem:v0+s25+$0x0], $0xffff  }
0x40: {  	s3 =	simm.s32 $0x18B20;
	s4 =	simm.s32 $0x163A0;
	s20 =	simm.s32 $0x114A0;
	v5 =	vld.idx.msk [tilespmem:v1+s25+$0x0], $0xffff  }
0x41: {  	s21 =	simm.s32 $0xED20;
	s22 =	simm.s32 $0xC5A0;
	s23 =	simm.s32 $0x9E20;
	v4 =	vld.idx.msk [tilespmem:v2+s25+$0x0], $0xffff  }
.LBB2_2:
0x42: {  	v6 =	vld [tilespmem:s22+$0xFFFFFFE0]  }
0x43: {  	v7 =	vld [tilespmem:s23+$0xFFFFFFE0];
	_ =	sdelay $0x5  }
0x44: {  	v10 =	vld [tilespmem:s21+$0xFFFFFFE0]  }
0x45: {  	v8 =	vld.idx.msk [tilespmem:v6+s5+$0x0], $0xffff  }
0x46: {  	v9 =	vld.idx.msk [tilespmem:v7+s5+$0x0], $0xffff  }
0x47: {  	v11 =	vld.idx.msk [tilespmem:v6+s17+$0x0], $0xffff  }
0x48: {  	v12 =	vld.idx.msk [tilespmem:v7+s17+$0x0], $0xffff  }
0x49: {  	v6 =	vld.idx.msk [tilespmem:v6+s18+$0x0], $0xffff  }
0x4a: {  	v14 =	vld.idx.msk [tilespmem:v7+s18+$0x0], $0xffff  }
0x4b: {  	v13 =	vld [tilespmem:s20+$0xFFFFFFE0];
	_ =	sdelay $0x1  }
0x4c: {  	v30 =	vld [tilespmem:s1+$0xFFFFFFE0]  }
0x4d: {  	v8 =	vsub.f32 v8, v9;
	v11 =	vsub.f32 v11, v12  }
0x4e: {  	v6 =	vsub.f32 v6, v14  }
0x4f: {  	v8 =	vadd.f32 v10, v8;
	v31 =	vadd.f32 v13, v11;
	_ =	sdelay $0x1  }
0x50: {  	v6 =	vadd.f32 v30, v6;
	v32 =	vmul.f32 v8, v8;
	v11 =	vmul.f32 v31, v31  }
0x51: {  	v8 =	vmul.f32 v8, v3;
	v10 =	vmul.f32 v31, v5  }
0x52: {  	v33 =	vmul.f32 v6, v6;
	v9 =	vadd.f32 v11, v32  }
0x53: {  	v7 =	vld.idx.msk [tilespmem:v7+s19+$0x0], $0xffff;
	v6 =	vmul.f32 v6, v4;
	v8 =	vadd.f32 v10, v8  }
0x54: {  	v9 =	vadd.f32 v33, v9  }
0x55: {  	v6 =	vadd.f32 v6, v8  }
0x56: {  	[tilespmem:s4+$0xFFFFFFE0] =	vst v9  }
0x57: {  	[tilespmem:s3+$0xFFFFFFE0] =	vst v6  }
0x58: {  	[tilespmem:s0+$0xFFFFFFE0] =	vst v7  }
0x59: {  	v6 =	vld [tilespmem:s22+$0xFFFFFFF0]  }
0x5a: {  	v7 =	vld [tilespmem:s23+$0xFFFFFFF0];
	_ =	sdelay $0x5  }
0x5b: {  	v35 =	vld [tilespmem:s21+$0xFFFFFFF0]  }
0x5c: {  	v34 =	vld.idx.msk [tilespmem:v6+s5+$0x0], $0xffff  }
0x5d: {  	v9 =	vld.idx.msk [tilespmem:v7+s5+$0x0], $0xffff  }
0x5e: {  	v36 =	vld.idx.msk [tilespmem:v6+s17+$0x0], $0xffff  }
0x5f: {  	v37 =	vld.idx.msk [tilespmem:v7+s17+$0x0], $0xffff  }
0x60: {  	v6 =	vld.idx.msk [tilespmem:v6+s18+$0x0], $0xffff  }
0x61: {  	v39 =	vld.idx.msk [tilespmem:v7+s18+$0x0], $0xffff  }
0x62: {  	v38 =	vld [tilespmem:s20+$0xFFFFFFF0];
	_ =	sdelay $0x1  }
0x63: {  	v40 =	vld [tilespmem:s1+$0xFFFFFFF0]  }
0x64: {  	v8 =	vsub.f32 v34, v9;
	v11 =	vsub.f32 v36, v37  }
0x65: {  	v6 =	vsub.f32 v6, v39  }
0x66: {  	v8 =	vadd.f32 v35, v8;
	v41 =	vadd.f32 v38, v11;
	_ =	sdelay $0x1  }
0x67: {  	v6 =	vadd.f32 v40, v6;
	v42 =	vmul.f32 v8, v8;
	v11 =	vmul.f32 v41, v41  }
0x68: {  	v8 =	vmul.f32 v8, v3;
	v10 =	vmul.f32 v41, v5  }
0x69: {  	v43 =	vmul.f32 v6, v6;
	v9 =	vadd.f32 v11, v42  }
0x6a: {  	v7 =	vld.idx.msk [tilespmem:v7+s19+$0x0], $0xffff;
	v6 =	vmul.f32 v6, v4;
	v8 =	vadd.f32 v10, v8  }
0x6b: {  	v9 =	vadd.f32 v43, v9  }
0x6c: {  	v6 =	vadd.f32 v6, v8  }
0x6d: {  	[tilespmem:s4+$0xFFFFFFF0] =	vst v9  }
0x6e: {  	[tilespmem:s3+$0xFFFFFFF0] =	vst v6  }
0x6f: {  	[tilespmem:s0+$0xFFFFFFF0] =	vst v7  }
0x70: {  	v6 =	vld [tilespmem:s22+$0x0]  }
0x71: {  	v7 =	vld [tilespmem:s23+$0x0];
	_ =	sdelay $0x5  }
0x72: {  	v45 =	vld [tilespmem:s21+$0x0]  }
0x73: {  	v44 =	vld.idx.msk [tilespmem:v6+s5+$0x0], $0xffff  }
0x74: {  	v9 =	vld.idx.msk [tilespmem:v7+s5+$0x0], $0xffff  }
0x75: {  	v46 =	vld.idx.msk [tilespmem:v6+s17+$0x0], $0xffff  }
0x76: {  	v47 =	vld.idx.msk [tilespmem:v7+s17+$0x0], $0xffff  }
0x77: {  	v6 =	vld.idx.msk [tilespmem:v6+s18+$0x0], $0xffff  }
0x78: {  	v49 =	vld.idx.msk [tilespmem:v7+s18+$0x0], $0xffff  }
0x79: {  	v48 =	vld [tilespmem:s20+$0x0];
	_ =	sdelay $0x1  }
0x7a: {  	v50 =	vld [tilespmem:s1+$0x0]  }
0x7b: {  	v8 =	vsub.f32 v44, v9;
	v11 =	vsub.f32 v46, v47  }
0x7c: {  	v6 =	vsub.f32 v6, v49  }
0x7d: {  	v8 =	vadd.f32 v45, v8;
	v51 =	vadd.f32 v48, v11;
	_ =	sdelay $0x1  }
0x7e: {  	v6 =	vadd.f32 v50, v6;
	v52 =	vmul.f32 v8, v8;
	v11 =	vmul.f32 v51, v51  }
0x7f: {  	v8 =	vmul.f32 v8, v3;
	v10 =	vmul.f32 v51, v5  }
0x80: {  	v53 =	vmul.f32 v6, v6;
	v9 =	vadd.f32 v11, v52  }
0x81: {  	v7 =	vld.idx.msk [tilespmem:v7+s19+$0x0], $0xffff;
	v6 =	vmul.f32 v6, v4;
	v8 =	vadd.f32 v10, v8  }
0x82: {  	v9 =	vadd.f32 v53, v9  }
0x83: {  	v6 =	vadd.f32 v6, v8  }
0x84: {  	[tilespmem:s4+$0x0] =	vst v9  }
0x85: {  	[tilespmem:s3+$0x0] =	vst v6  }
0x86: {  	[tilespmem:s0+$0x0] =	vst v7  }
0x87: {  	v6 =	vld [tilespmem:s22+$0x10]  }
0x88: {  	v7 =	vld [tilespmem:s23+$0x10];
	_ =	sdelay $0x5  }
0x89: {  	v55 =	vld [tilespmem:s21+$0x10]  }
0x8a: {  	v54 =	vld.idx.msk [tilespmem:v6+s5+$0x0], $0xffff  }
0x8b: {  	v9 =	vld.idx.msk [tilespmem:v7+s5+$0x0], $0xffff  }
0x8c: {  	v56 =	vld.idx.msk [tilespmem:v6+s17+$0x0], $0xffff  }
0x8d: {  	v57 =	vld.idx.msk [tilespmem:v7+s17+$0x0], $0xffff  }
0x8e: {  	v6 =	vld.idx.msk [tilespmem:v6+s18+$0x0], $0xffff  }
0x8f: {  	v59 =	vld.idx.msk [tilespmem:v7+s18+$0x0], $0xffff  }
0x90: {  	v58 =	vld [tilespmem:s20+$0x10];
	_ =	sdelay $0x1  }
0x91: {  	v60 =	vld [tilespmem:s1+$0x10]  }
0x92: {  	v8 =	vsub.f32 v54, v9;
	v11 =	vsub.f32 v56, v57  }
0x93: {  	v6 =	vsub.f32 v6, v59  }
0x94: {  	v8 =	vadd.f32 v55, v8;
	v61 =	vadd.f32 v58, v11;
	_ =	sdelay $0x1  }
0x95: {  	v6 =	vadd.f32 v60, v6;
	v62 =	vmul.f32 v8, v8;
	v11 =	vmul.f32 v61, v61  }
0x96: {  	v8 =	vmul.f32 v8, v3;
	v10 =	vmul.f32 v61, v5  }
0x97: {  	s2 =	sadd.s32 $0x4, s2;
	v63 =	vmul.f32 v6, v6;
	v9 =	vadd.f32 v11, v62  }
0x98: {  	p0 =	slt.u32 s2, $0x26C;
	v7 =	vld.idx.msk [tilespmem:v7+s19+$0x0], $0xffff;
	v6 =	vmul.f32 v6, v4;
	v8 =	vadd.f32 v10, v8  }
.Ltmp0:
0x99: {  	v9 =	vadd.f32 v63, v9;
	(pc) =	sbr.rel @p0 .LBB2_2-.Ltmp0, $4  }
0x9a: {  	v6 =	vadd.f32 v6, v8  }
0x9b: {  	s1 =	sadd.s32 $0x40, s1;
	s20 =	sadd.s32 $0x40, s20;
	[tilespmem:s4+$0x10] =	vst v9  }
0x9c: {  	s21 =	sadd.s32 $0x40, s21;
	s22 =	sadd.s32 $0x40, s22;
	s23 =	sadd.s32 $0x40, s23;
	[tilespmem:s3+$0x10] =	vst v6  }
0x9d: {  	s4 =	sadd.s32 $0x40, s4;
	s3 =	sadd.s32 $0x40, s3;
	[tilespmem:s0+$0x10] =	vst v7;
	s0 =	sadd.s32 $0x40, s0  }
0x9e: {  	v6 =	vld [tilespmem:$0xEC80]  }
0x9f: {  	v7 =	vld [tilespmem:$0xC500];
	_ =	sdelay $0x5  }
0xa0: {  	v10 =	vld [tilespmem:$0x11400]  }
0xa1: {  	v8 =	vld.idx.msk [tilespmem:v6+s5+$0x0], $0xffff  }
0xa2: {  	v9 =	vld.idx.msk [tilespmem:v7+s5+$0x0], $0xffff  }
0xa3: {  	v11 =	vld.idx.msk [tilespmem:v6+s17+$0x0], $0xffff  }
0xa4: {  	v12 =	vld.idx.msk [tilespmem:v7+s17+$0x0], $0xffff  }
0xa5: {  	v6 =	vld.idx.msk [tilespmem:v6+s18+$0x0], $0xffff  }
0xa6: {  	v14 =	vld.idx.msk [tilespmem:v7+s18+$0x0], $0xffff  }
0xa7: {  	v13 =	vld [tilespmem:$0x13B80];
	_ =	sdelay $0x1  }
0xa8: {  	v58 =	vld [tilespmem:$0x16300]  }
0xa9: {  	v8 =	vsub.f32 v8, v9;
	v11 =	vsub.f32 v11, v12  }
0xaa: {  	v6 =	vsub.f32 v6, v14  }
0xab: {  	v8 =	vadd.f32 v10, v8;
	v59 =	vadd.f32 v13, v11;
	_ =	sdelay $0x1  }
0xac: {  	v7 =	vld.idx.msk [tilespmem:v7+s19+$0x0], $0xffff;
	v6 =	vadd.f32 v58, v6;
	v60 =	vmul.f32 v8, v8;
	v11 =	vmul.f32 v59, v59  }
0xad: {  	v3 =	vmul.f32 v8, v3;
	v5 =	vmul.f32 v59, v5  }
0xae: {  	v62 =	vmul.f32 v6, v6;
	v61 =	vadd.f32 v11, v60  }
0xaf: {  	v4 =	vmul.f32 v6, v4;
	v3 =	vadd.f32 v5, v3  }
0xb0: {  	v63 =	vadd.f32 v62, v61  }
0xb1: {  	[tilespmem:$0x1D980] =	vst v7;
	v3 =	vadd.f32 v4, v3  }
0xb2: {  	[tilespmem:$0x18A80] =	vst v63  }
0xb3: {  	[tilespmem:$0x1B200] =	vst v3  }
0xb4: {  	[hbm4b:s13+s5] =	stream.linear.scatter [tilespmem:s28], [sflag:$0x1], $0x2710, $0x38;
	[tilespmem:$0x1DA80] =	vst v63  }
0xb5: {  	_ = 	snop  }
0xb6: {  	[hbm4b:s14+s5] =	stream.linear.scatter [tilespmem:s29], [sflag:$0x1], $0x2710, $0x38;
	[tilespmem:$0x1DA80] =	vst v63  }
0xb7: {  	_ = 	snop  }
0xb8: {  	[hbm4b:s15+s5] =	stream.linear.scatter [tilespmem:s30], [sflag:$0x1], $0x2710, $0x38;
	[tilespmem:$0x1DA80] =	vst v63  }
0xb9: {  	_ =	swait.ge [sflag:s26], $0x2710  }
0xba: {  	[sflag:s26] =	ssyncset.done $0x0  }
0xbb: {  	s31 =	sadd.s32 $0x1, s31;
	[sflag:s26] =	ssyncadd.s32 $0xFFFFD8F0  }
0xbc: {  	p0 =	sne.s32 s31, s16;
	_ =	swait.ge [sflag:s26], $0x2710  }
.Ltmp1:
0xbd: {  	[sflag:s26] =	ssyncset.done $0x0;
	(pc) =	sbr.rel @p0 .LBB2_1-.Ltmp1, $4  }
0xbe: {  	[sflag:s26] =	ssyncadd.s32 $0xFFFFD8F0  }
0xbf: {  	_ =	swait.ge [sflag:s26], $0x2710  }
0xc0: {  	[sflag:s26] =	ssyncset.done $0x0  }
0xc1: {  	[sflag:s26] =	ssyncadd.s32 $0xFFFFD8F0  }
0xc2: {  	_ =	sfence.sel $0x180000  }
0xc3: {  	[bflag:$0x0] =	sbarrier.arrive $0xFFFF  }
0xc4: {  	_ =	strace $0x90000047  }
0xc5: {  	s0 =	stileid.u32;
	[bflag:$0x2] =	sbarrier.arrive $0xFFFF  }
0xc6: {  	p0 =	sne.s32 s0, $0x0;
	s0 =	rddreg [dreg:$0x3]  }
0xc7: {  	s0 =	sadd.s32 @!p0 $0x100000, s0  }
0xc8: {  	[sflag:s0] =	ssyncadd.tile.s32 @!p0 $0x1;
	_ =	shalt  }
.Lfunc_end2:
_tile_overlayer_lowered:
.L_overlay_start_2:
0xc9: {  	(tag) =	ssettag $0x2  }
0xca: {  	s0 =	rddreg [dreg:$0x0];
	s2 =	stileid.u32  }
0xcb: {  	s1 =	rddreg [dreg:$0x1];
	p0 =	sne.s32 s2, $0x0  }
0xcc: {  	s3 =	rddreg [dreg:$0x2];
	[bflag:$0x3] =	sbarrier.arrive $0xFFFF;
	s2 =	simm.s32 @!p0 $0x1C02  }
0xcd: {  	[timem:s3], [sflag:s2] =	dma.local @!p0 [hbm:s0], s1  }
0xce: {  	s0 =	simm.s32 @!p0 $0x2  }
0xcf: {  	_ =	swait.ge @!p0 [sflag:s0], s1  }
0xd0: {  	s1 =	ssub.s32 @!p0 $0x0, s1;
	[sflag:s0] =	ssyncset.done @!p0 $0x0  }
0xd1: {  	[sflag:s0] =	ssyncadd.s32 @!p0 s1  }
0xd2: {  	[bflag:$0x3] =	sbarrier.arrive $0xFFFF  }
0xd3: {  	_ =	shalt  }

// kernel: kernel.9.cloned.1.call-start
scs
__scs_entry_jumppad:
0x0: {  	(pc) =	sbr.rel $0x88, $3  }
0x1: {  	(tag) =	ssettag $0x0;
	lr =	simm.s32 $0x1  }
0x2: {  	[smem:$0x3F93] =	sst lr;
	_ =	strace $0xD0000000  }
0x3: {  	_ = 	snop  }
0x4: {  	_ = 	snop  }
0x5: {  	_ = 	snop  }
0x6: {  	_ = 	snop  }
0x7: {  	_ = 	snop  }
__scs_overlays_trampoline_lowered:
0x8: {  	[smem:$0x3FA2] =	sst s0  }
0x9: {  	[smem:$0x3FA3] =	sst s1  }
0xa: {  	[smem:$0x3FA4] =	sst s2  }
0xb: {  	[smem:$0x3FA5] =	sst s3  }
0xc: {  	[smem:$0x3FA6] =	sst s4  }
0xd: {  	[smem:$0x3FA7] =	sst s5  }
0xe: {  	[smem:$0x3FA8] =	sst s6  }
0xf: {  	[smem:$0x3FA9] =	sst s7  }
0x10: {  	[smem:$0x3FAA] =	sst s8  }
0x11: {  	[smem:$0x3FAB] =	sst s9;
	s0 =	simm.s32 @!p0 $0x0  }
0x12: {  	s1 =	sld [smem:$0x3F91];
	s0 =	simm.s32 @p0 $0x1  }
0x13: {  	[smem:$0x3FAC] =	sst s0;
	s0 =	simm.s32 @!p1 $0x0  }
0x14: {  	s2 =	sld [smem:$0x3F90];
	s0 =	simm.s32 @p1 $0x1  }
0x15: {  	[smem:$0x3FAD] =	sst s0;
	s0 =	simm.s32 @!p2 $0x0  }
0x16: {  	s3 =	sld [smem:$0x3FDB];
	s0 =	simm.s32 @p2 $0x1  }
0x17: {  	s4 =	simm.s32 $0x1BF5;
	[smem:$0x3FAF] =	sst s0  }
0x18: {  	s0 =	sld [smem:$0x3F92];
	_ =	swait.ge [sflag:s4], $0x0  }
0x19: {  	s7 =	sld [smem:$0x3F93]  }
0x1a: {  	s8 =	sadd.s32 $0xFFFFE003, lr  }
0x1b: {  	s9 =	sadd.s32 $0xFFFFFEF7, lr;
	s5 =	simm.s32 $0xFFFFFFFF;
	p2 =	slt.u32 s8, $0xFFFFF086  }
0x1c: {  	p1 =	slt.u32 s9, $0xF7A;
	s5 =	simm.s32 @!p2 $0x0  }
0x1d: {  	s5 =	simm.s32 @p1 $0x1;
	p0 =	seq.s32 s7, s2  }
0x1e: {  	s7 =	smul.u32 @!p0 $0xF7A, s2;
	p2 =	seq.s32 @!p0 s5, $0x0  }
0x1f: {  	s9 =	smul.u32 $0xF7A, s1;
	s8 =	simm.s32 @!p0 $0x1BF5;
	p2 =	por !p2, p0  }
0x20: {  	[sflag:s8] =	ssyncset.s32 @!p0 $0xFFFFF086;
	s6 =	sadd.s32 @!p0 s3, s7;
	s7 =	simm.s32 @!p0 $0x108  }
0x21: {  	s3 =	sadd.s32 s3, s9;
	s6 =	sadd.s32 @!p0 $0x88, s6;
	s7 =	simm.s32 @p2 $0x1082  }
0x22: {  	[simem:s7], [sflag:s8] =	dma.local @!p0 [hbm:s6], $0xF7A  }
0x23: {  	s9 =	sor.u32 $0xD0000000, s2;
	s6 =	simm.s32 $0x108;
	_ =	swait.ge @!p0 [sflag:s8], $0x0  }
0x24: {  	s3 =	sadd.s32 $0x88, s3;
	s6 =	simm.s32 @!p1 $0x1082;
	[sflag:s4] =	ssyncset.s32 $0xFFFFF086  }
0x25: {  	[simem:s6], [sflag:s4] =	dma.local [hbm:s3], $0xF7A  }
0x26: {  	[smem:$0x3F93] =	sst s1;
	(tag) =	ssettag s2;
	_ =	strace s9  }
0x27: {  	s1 =	sld [smem:$0x3FA3]  }
0x28: {  	s2 =	sld [smem:$0x3FA4]  }
0x29: {  	s4 =	sld [smem:$0x3FA6]  }
0x2a: {  	p0 =	seq.s32 s5, $0x0;
	s5 =	sld [smem:$0x3FA7]  }
0x2b: {  	s6 =	sld [smem:$0x3FA8]  }
0x2c: {  	s7 =	sld [smem:$0x3FA9]  }
0x2d: {  	s3 =	simm.s32 $0x108;
	s8 =	sld [smem:$0x3FAA]  }
0x2e: {  	s3 =	simm.s32 @!p0 $0x1082;
	s9 =	sld [smem:$0x3FAB]  }
0x2f: {  	lr =	sadd.s32 s0, s3;
	s0 =	sld [smem:$0x3FA2]  }
0x30: {  	s3 =	sld [smem:$0x3FA5]  }
0x31: {  	[smem:$0x3FAE] =	sst s10  }
0x32: {  	s10 =	sld [smem:$0x3FAC];
	_ =	sdelay $0x3  }
0x33: {  	p0 =	seq.s32 s10, $0x1;
	s10 =	sld [smem:$0x3FAE];
	_ =	sdelay $0x3  }
0x34: {  	[smem:$0x3FAE] =	sst s10  }
0x35: {  	s10 =	sld [smem:$0x3FAD];
	_ =	sdelay $0x3  }
0x36: {  	p1 =	seq.s32 s10, $0x1;
	s10 =	sld [smem:$0x3FAE];
	_ =	sdelay $0x3  }
0x37: {  	[smem:$0x3FAE] =	sst s10  }
0x38: {  	s10 =	sld [smem:$0x3FAF]  }
0x39: {  	_ = 	snop;
	(pc) =	sbr.ind lr, $3  }
0x3a: {  	_ = 	snop  }
0x3b: {  	_ = 	snop  }
0x3c: {  	p2 =	seq.s32 s10, $0x1;
	s10 =	sld [smem:$0x3FAE]  }
0x3d: {  	_ =	shalt  }
0x3e: {  	_ =	shalt  }
0x3f: {  	_ =	shalt  }
0x40: {  	_ =	shalt  }
0x41: {  	_ =	shalt  }
0x42: {  	_ =	shalt  }
0x43: {  	_ =	shalt  }
0x44: {  	_ =	shalt  }
0x45: {  	_ =	shalt  }
0x46: {  	_ =	shalt  }
0x47: {  	_ =	shalt  }
0x48: {  	_ =	shalt  }
0x49: {  	_ =	shalt  }
0x4a: {  	_ =	shalt  }
0x4b: {  	_ =	shalt  }
0x4c: {  	_ =	shalt  }
0x4d: {  	_ =	shalt  }
0x4e: {  	_ =	shalt  }
0x4f: {  	_ =	shalt  }
0x50: {  	_ =	shalt  }
0x51: {  	_ =	shalt  }
0x52: {  	_ =	shalt  }
0x53: {  	_ =	shalt  }
0x54: {  	_ =	shalt  }
0x55: {  	_ =	shalt  }
0x56: {  	_ =	shalt  }
0x57: {  	_ =	shalt  }
0x58: {  	_ =	shalt  }
0x59: {  	_ =	shalt  }
0x5a: {  	_ =	shalt  }
0x5b: {  	_ =	shalt  }
0x5c: {  	_ =	shalt  }
0x5d: {  	_ =	shalt  }
0x5e: {  	_ =	shalt  }
0x5f: {  	_ =	shalt  }
0x60: {  	_ =	shalt  }
0x61: {  	_ =	shalt  }
0x62: {  	_ =	shalt  }
0x63: {  	_ =	shalt  }
0x64: {  	_ =	shalt  }
0x65: {  	_ =	shalt  }
0x66: {  	_ =	shalt  }
0x67: {  	_ =	shalt  }
0x68: {  	_ =	shalt  }
0x69: {  	_ =	shalt  }
0x6a: {  	_ =	shalt  }
0x6b: {  	_ =	shalt  }
0x6c: {  	_ =	shalt  }
0x6d: {  	_ =	shalt  }
0x6e: {  	_ =	shalt  }
0x6f: {  	_ =	shalt  }
0x70: {  	_ =	shalt  }
0x71: {  	_ =	shalt  }
0x72: {  	_ =	shalt  }
0x73: {  	_ =	shalt  }
0x74: {  	_ =	shalt  }
0x75: {  	_ =	shalt  }
0x76: {  	_ =	shalt  }
0x77: {  	_ =	shalt  }
0x78: {  	_ =	shalt  }
0x79: {  	_ =	shalt  }
0x7a: {  	_ =	shalt  }
0x7b: {  	_ =	shalt  }
0x7c: {  	_ =	shalt  }
0x7d: {  	_ =	shalt  }
0x7e: {  	_ =	shalt  }
0x7f: {  	_ =	shalt  }
0x80: {  	_ =	shalt  }
0x81: {  	_ =	shalt  }
0x82: {  	_ =	shalt  }
0x83: {  	_ =	shalt  }
0x84: {  	_ =	shalt  }
0x85: {  	_ =	shalt  }
0x86: {  	_ =	shalt  }
0x87: {  	_ =	shalt  }
.Lfunc_end0:
.L_simem_size_0:
called_computation.1_lowered:
.L_overlay_start_0:
0x88: {  	s2 =	sld [smem:$0x3FD9]  }
0x89: {  	s3 =	sld [smem:$0x3FFE];
	_ =	sdelay $0x1  }
0x8a: {  	s1 =	srdreg.scid  }
0x8b: {  	s0 =	sand.u32 $0x1, s1  }
0x8c: {  	s17 =	sshll.u32 s0, $0xA;
	s2 =	sadd.s32 s3, s2  }
0x8d: {  	s2 =	sadd.s32 s2, s17  }
0x8e: {  	[smem:$0x3FBA] =	sst s2  }
0x8f: {  	_ = 	snop  }
0x90: {  	s2 =	sld [smem:$0x3FD0];
	(tm) =	ssettm $0x1  }
0x91: {  	s18 =	sld [smem:$0x3FFB];
	_ =	sdelay $0x3  }
0x92: {  	_ =	strace s18  }
0x93: {  	s3 =	sld [smem:$0x3FFC];
	_ =	sdelay $0x3  }
0x94: {  	_ =	strace s3  }
0x95: {  	s3 =	sld [smem:$0x3FFD];
	_ =	sdelay $0x3  }
0x96: {  	_ =	strace s3  }
0x97: {  	_ =	strace $0x8FFFFFFF  }
0x98: {  	s19 =	sld [smem:$0x3FDB];
	_ =	sdelay $0x1  }
0x99: {  	s4 =	simm.s32 $_scs_section_size  }
0x9a: {  	s5 =	simm.s32 $_size__tile_overlayer_lowered;
	s6 =	simm.s32 $_tile_overlayer_lowered  }
0x9b: {  	s22 =	simm.s32 $0x1BFF;
	s21 =	sshll.u32 s6, $0x1;
	s3 =	sadd.s32 s4, s19  }
0x9c: {  	s7 =	simm.s32 $0x0;
	s20 =	sshll.u32 s5, $0x1;
	s5 =	sadd.s32 s21, s3  }
0x9d: {  	[timem:s7], [sflag:s22] =	dma.local [hbm:s5], s20  }
0x9e: {  	_ =	swait.ge [sflag:s22], s20  }
0x9f: {  	s4 =	ssub.s32 $0x0, s20;
	[sflag:s22] =	ssyncset.done $0x0  }
0xa0: {  	[sflag:s22] =	ssyncadd.s32 s4;
	_ =	sdelay $0x1  }
0xa1: {  	s23 =	simm.s32 $0x1B8B  }
0xa2: {  	_ =	swait.ge [sflag:s23], $0x1  }
0xa3: {  	[sflag:s23] =	ssyncset.done $0x0  }
0xa4: {  	s25 =	simm.s32 $0x1B8E;
	s24 =	sld [smem:$0x3FFE];
	[sflag:s23] =	ssyncadd.s32 $0xFFFFFFFF  }
0xa5: {  	s26 =	simm.s32 $execute0_lowered;
	[smem:$0x3FD2] =	sst s25  }
0xa6: {  	s5 =	sshll.u32 s26, $0x1;
	_ =	strace $0x80000049;
	[dreg:$0x1] =	wrdreg $0xFFFFFFFF  }
0xa7: {  	s28 =	simm.s32 $_size_execute0_lowered;
	s3 =	sadd.s32 s3, s5;
	[dreg:$0x0] =	wrdreg $0x0  }
0xa8: {  	s5 =	sshll.u32 s28, $0x1;
	[dreg:$0x2] =	wrdreg s3  }
0xa9: {  	[dreg:$0x3] =	wrdreg s5  }
0xaa: {  	[dreg:$0x4] =	wrdreg $0xC0  }
0xab: {  	_ =	task [dreg:s7], $0x5FFFF  }
0xac: {  	[dreg:$0x1] =	wrdreg $0xFFFFFFFF  }
0xad: {  	[dreg:$0x0] =	wrdreg $0x60  }
0xae: {  	[dreg:$0x2] =	wrdreg s24  }
0xaf: {  	[dreg:$0x3] =	wrdreg s2  }
0xb0: {  	[dreg:$0x4] =	wrdreg $0x18E000  }
0xb1: {  	[dreg:$0x5] =	wrdreg $0x9  }
0xb2: {  	_ =	task.clear_ibuf [dreg:s7], $0x6FFFF;
	_ =	strace $0x90000049  }
0xb3: {  	s29 =	simm.s32 $0x9;
	_ =	strace $0x8000004B  }
0xb4: {  	_ =	swait.ge [sflag:s29], $0x1  }
0xb5: {  	[sflag:s29] =	ssyncadd.s32 $0xFFFFFFFF  }
0xb6: {  	_ =	strace $0x9000004B  }
0xb7: {  	_ =	sfence  }
0xb8: {  	s30 =	sld [smem:$0x0];
	_ =	sdelay $0x2  }
0xb9: {  	s31 =	sshll.u32 s1, $0xD;
	s1 =	sshrl.u32 s1, $0x2  }
0xba: {  	s3 =	sand.u32 $0x4000, s31;
	s1 =	sadd.s32 s1, s30  }
0xbb: {  	s0 =	sor.u32 s3, s0;
	s1 =	sshll.u32 s1, $0x11  }
0xbc: {  	s0 =	sor.u32 s1, s0  }
0xbd: {  	s0 =	sadd.s32 $0x8F2B, s0  }
0xbe: {  	[sflag:s0] =	ssyncadd.remote.s32 $0x1  }
0xbf: {  	_ =	sfence.sel $0xFFFF  }
0xc0: {  	[dreg:$0x0] =	wrdreg $0xFFFFFFFF;
	(pc) =	sbr.abs _section_cstart, $3  }
0xc1: {  	[dreg:$0x1] =	wrdreg $0xFFFFFFFF  }
0xc2: {  	_ =	task.clear_ibuf [dreg:s7], $0x2FFFF;
	_ =	strace $0x9FFFFFFF  }
0xc3: {  	(tm) =	ssettm $0x7FFFFFFF  }
tec
execute0_lowered:
.L_overlay_start_1:
0x0: {  	(tag) =	ssettag $0x1  }
0x1: {  	s4 =	rddreg [dreg:$0x0];
	s0 =	srdreg.scid  }
0x2: {  	s10 =	stileid.u32;
	s1 =	rddreg [dreg:$0x1]  }
0x3: {  	s2 =	rddreg [dreg:$0x2];
	s3 =	simm.s32 $0x0;
	s12 =	simm.s32 $0x4F80  }
0x4: {  	s13 =	simm.s32 $0x7780;
	s5 =	sand.u32 $0x1, s0;
	s30 =	sshll.u32 s10, $0x1  }
0x5: {  	s14 =	simm.s32 $0x1;
	s15 =	simm.s32 $0x80;
	s6 =	sor.u32 s5, s30  }
0x6: {  	s16 =	simm.s32 $0x0;
	s0 =	rddreg [dreg:$0x3];
	s6 =	smul.u32 $0x2710, s6  }
0x7: {  	v14 =	vlaneseq.u32;
	v15 =	vimm.f32 $0.0e+00;
	[smem:$0x7FF] =	sst s3;
	p0 =	sne.s32 s10, $0x0;
	s10 =	simm.s32 $0x2  }
0x8: {  	v0 =	vor.u32 $0x7530, v14;
	v1 =	vor.u32 $0x7540, v14;
	v2 =	vor.u32 $0x7550, v14;
	s7 =	smul.u32 $0xED0, s5;
	s5 =	ssub.s32 $0x2, s5;
	s6 =	sshrl.u32 s6, $0x3  }
0x9: {  	v3 =	vor.u32 $0x7560, v14;
	v4 =	vor.u32 $0x7570, v14;
	v5 =	vor.u32 $0x7580, v14;
	_ =	strace $0x8000004A;
	s31 =	sshrl.u32 s5, $0x1;
	s8 =	sadd.s32 s6, s4  }
0xa: {  	v6 =	vor.u32 $0x7590, v14;
	v7 =	vor.u32 $0x75A0, v14;
	v8 =	vor.u32 $0x75B0, v14;
	s9 =	sadd.s32 s7, s4;
	s11 =	ssub.s32 s5, s31;
	s4 =	sadd.s32 $0xA840, s8  }
0xb: {  	v9 =	vor.u32 $0x75C0, v14;
	v10 =	vor.u32 $0x75D0, v14;
	v11 =	vor.u32 $0x75E0, v14;
	s5 =	sadd.s32 $0x28200, s8;
	s6 =	sadd.s32 $0x1E400, s8;
	s7 =	sadd.s32 $0x14600, s8  }
0xc: {  	v12 =	vor.u32 $0x75F0, v14;
	v13 =	vor.u32 $0x7600, v14;
	v14 =	vor.u32 $0x7610, v14;
	s8 =	sadd.s32 $0x32000, s9;
	s9 =	smax.u32 s11, $0x1;
	s11 =	simm.s32 $0x2780  }
.LBB2_1:
0xd: {  	[tilespmem:s3], [sflag:$0x2] =	stream.linear.gather [hbm4b:s4+s3], $0x2710, $0x38;
	[tilespmem:$0x19568] =	vst v63  }
0xe: {  	_ =	swait.ge [sflag:s10], $0x2710  }
0xf: {  	[sflag:s10] =	ssyncset.done $0x0  }
0x10: {  	[sflag:s10] =	ssyncadd.s32 $0xFFFFD8F0  }
0x11: {  	[tilespmem:s11], [sflag:$0x1] =	stream.linear.gather [hbm4b:s5+s3], $0x2710, $0x38;
	[tilespmem:$0x19568] =	vst v63  }
0x12: {  	_ = 	snop  }
0x13: {  	[tilespmem:s12], [sflag:$0x1] =	stream.linear.gather [hbm4b:s6+s3], $0x2710, $0x38;
	[tilespmem:$0x19568] =	vst v63  }
0x14: {  	_ = 	snop  }
0x15: {  	[tilespmem:s13], [sflag:$0x1] =	stream.linear.gather [hbm4b:s7+s3], $0x2710, $0x38;
	[tilespmem:$0x19568] =	vst v63  }
0x16: {  	s17 =	simm.s32 @!p0 $0x0;
	s18 =	simm.s32 @!p0 $0x11780  }
0x17: {  	[tilespmem:s18], [sflag:$0x2] =	stream.linear.gather @!p0 [hbm4b:s1+s17], $0x7680, $0x38;
	[tilespmem:$0x19568] =	vst v63  }
0x18: {  	s17 =	simm.s32 @!p0 $0x2  }
0x19: {  	_ =	swait.ge @!p0 [sflag:s17], $0x7680  }
0x1a: {  	[sflag:s17] =	ssyncset.done @!p0 $0x0  }
0x1b: {  	[sflag:s17] =	ssyncadd.s32 @!p0 $0xFFFF8980  }
0x1c: {  	[spmem:s2] =	stream.linear.scatter @!p0 [tilespmem:s18], [sflag:$0x2], $0x7680, $0x38;
	[tilespmem:$0x19568] =	vst v63  }
0x1d: {  	_ =	swait.ge @!p0 [sflag:s17], $0x7680  }
0x1e: {  	[sflag:s17] =	ssyncset.done @!p0 $0x0  }
0x1f: {  	s20 =	simm.s32 $0x100;
	[sflag:s17] =	ssyncadd.s32 @!p0 $0xFFFF8980  }
0x20: {  	v16 =	vld [tilespmem:s20+$0xFFFFFF00];
	_ =	sdelay $0x4  }
0x21: {  	v16 =	vmul.u32 $0x3, v16  }
0x22: {  	s17 =	simm.s32 $0xA080  }
0x23: {  	s18 =	simm.s32 $0xC880;
	[tilespmem:s17+$0xFFFFFF00] =	vst v16;
	v17 =	vadd.s32 $0x1, v16  }
0x24: {  	s19 =	simm.s32 $0xF080;
	v16 =	vadd.s32 $0x2, v16;
	[tilespmem:s18+$0xFFFFFF00] =	vst v17  }
0x25: {  	[tilespmem:s19+$0xFFFFFF00] =	vst v16  }
0x26: {  	v16 =	vld [tilespmem:s20+$0xFFFFFF10];
	_ =	sdelay $0x4  }
0x27: {  	v16 =	vmul.u32 $0x3, v16;
	_ =	sdelay $0x1  }
0x28: {  	[tilespmem:s17+$0xFFFFFF10] =	vst v16;
	v17 =	vadd.s32 $0x1, v16  }
0x29: {  	v16 =	vadd.s32 $0x2, v16;
	[tilespmem:s18+$0xFFFFFF10] =	vst v17  }
0x2a: {  	[tilespmem:s19+$0xFFFFFF10] =	vst v16  }
0x2b: {  	v16 =	vld [tilespmem:s20+$0xFFFFFF20];
	_ =	sdelay $0x4  }
0x2c: {  	v16 =	vmul.u32 $0x3, v16;
	_ =	sdelay $0x1  }
0x2d: {  	[tilespmem:s17+$0xFFFFFF20] =	vst v16;
	v17 =	vadd.s32 $0x1, v16  }
0x2e: {  	v16 =	vadd.s32 $0x2, v16;
	[tilespmem:s18+$0xFFFFFF20] =	vst v17  }
0x2f: {  	[tilespmem:s19+$0xFFFFFF20] =	vst v16  }
0x30: {  	v16 =	vld [tilespmem:s20+$0xFFFFFF30];
	_ =	sdelay $0x4  }
0x31: {  	v16 =	vmul.u32 $0x3, v16;
	_ =	sdelay $0x1  }
0x32: {  	[tilespmem:s17+$0xFFFFFF30] =	vst v16;
	v17 =	vadd.s32 $0x1, v16  }
0x33: {  	v16 =	vadd.s32 $0x2, v16;
	[tilespmem:s18+$0xFFFFFF30] =	vst v17  }
0x34: {  	[tilespmem:s19+$0xFFFFFF30] =	vst v16  }
0x35: {  	v16 =	vld [tilespmem:s20+$0xFFFFFF40];
	_ =	sdelay $0x4  }
0x36: {  	v16 =	vmul.u32 $0x3, v16;
	_ =	sdelay $0x1  }
0x37: {  	[tilespmem:s17+$0xFFFFFF40] =	vst v16;
	v17 =	vadd.s32 $0x1, v16  }
0x38: {  	v16 =	vadd.s32 $0x2, v16;
	[tilespmem:s18+$0xFFFFFF40] =	vst v17  }
0x39: {  	[tilespmem:s19+$0xFFFFFF40] =	vst v16  }
0x3a: {  	v16 =	vld [tilespmem:s20+$0xFFFFFF50];
	_ =	sdelay $0x4  }
0x3b: {  	v16 =	vmul.u32 $0x3, v16;
	_ =	sdelay $0x1  }
0x3c: {  	[tilespmem:s17+$0xFFFFFF50] =	vst v16;
	v17 =	vadd.s32 $0x1, v16  }
0x3d: {  	v16 =	vadd.s32 $0x2, v16;
	[tilespmem:s18+$0xFFFFFF50] =	vst v17  }
0x3e: {  	[tilespmem:s19+$0xFFFFFF50] =	vst v16  }
0x3f: {  	v16 =	vld [tilespmem:s20+$0xFFFFFF60];
	_ =	sdelay $0x4  }
0x40: {  	v16 =	vmul.u32 $0x3, v16;
	_ =	sdelay $0x1  }
0x41: {  	[tilespmem:s17+$0xFFFFFF60] =	vst v16;
	v17 =	vadd.s32 $0x1, v16  }
0x42: {  	v16 =	vadd.s32 $0x2, v16;
	[tilespmem:s18+$0xFFFFFF60] =	vst v17  }
0x43: {  	[tilespmem:s19+$0xFFFFFF60] =	vst v16  }
0x44: {  	v16 =	vld [tilespmem:s20+$0xFFFFFF70];
	_ =	sdelay $0x4  }
0x45: {  	v16 =	vmul.u32 $0x3, v16;
	_ =	sdelay $0x1  }
0x46: {  	[tilespmem:s17+$0xFFFFFF70] =	vst v16;
	v17 =	vadd.s32 $0x1, v16  }
0x47: {  	v16 =	vadd.s32 $0x2, v16;
	[tilespmem:s18+$0xFFFFFF70] =	vst v17  }
0x48: {  	[tilespmem:s19+$0xFFFFFF70] =	vst v16  }
0x49: {  	v16 =	vld [tilespmem:s20+$0xFFFFFF80];
	_ =	sdelay $0x4  }
0x4a: {  	v16 =	vmul.u32 $0x3, v16;
	_ =	sdelay $0x1  }
0x4b: {  	[tilespmem:s17+$0xFFFFFF80] =	vst v16;
	v17 =	vadd.s32 $0x1, v16  }
0x4c: {  	v16 =	vadd.s32 $0x2, v16;
	[tilespmem:s18+$0xFFFFFF80] =	vst v17  }
0x4d: {  	[tilespmem:s19+$0xFFFFFF80] =	vst v16  }
0x4e: {  	v16 =	vld [tilespmem:s20+$0xFFFFFF90];
	_ =	sdelay $0x4  }
0x4f: {  	v16 =	vmul.u32 $0x3, v16;
	_ =	sdelay $0x1  }
0x50: {  	[tilespmem:s17+$0xFFFFFF90] =	vst v16;
	v17 =	vadd.s32 $0x1, v16  }
0x51: {  	v16 =	vadd.s32 $0x2, v16;
	[tilespmem:s18+$0xFFFFFF90] =	vst v17  }
0x52: {  	[tilespmem:s19+$0xFFFFFF90] =	vst v16  }
0x53: {  	v16 =	vld [tilespmem:s20+$0xFFFFFFA0];
	_ =	sdelay $0x4  }
0x54: {  	v16 =	vmul.u32 $0x3, v16;
	_ =	sdelay $0x1  }
0x55: {  	[tilespmem:s17+$0xFFFFFFA0] =	vst v16;
	v17 =	vadd.s32 $0x1, v16  }
0x56: {  	v16 =	vadd.s32 $0x2, v16;
	[tilespmem:s18+$0xFFFFFFA0] =	vst v17  }
0x57: {  	[tilespmem:s19+$0xFFFFFFA0] =	vst v16  }
0x58: {  	v16 =	vld [tilespmem:s20+$0xFFFFFFB0];
	_ =	sdelay $0x4  }
0x59: {  	v16 =	vmul.u32 $0x3, v16;
	_ =	sdelay $0x1  }
0x5a: {  	[tilespmem:s17+$0xFFFFFFB0] =	vst v16;
	v17 =	vadd.s32 $0x1, v16  }
0x5b: {  	v16 =	vadd.s32 $0x2, v16;
	[tilespmem:s18+$0xFFFFFFB0] =	vst v17  }
0x5c: {  	[tilespmem:s19+$0xFFFFFFB0] =	vst v16  }
0x5d: {  	v16 =	vld [tilespmem:s20+$0xFFFFFFC0];
	_ =	sdelay $0x4  }
0x5e: {  	v16 =	vmul.u32 $0x3, v16;
	_ =	sdelay $0x1  }
0x5f: {  	[tilespmem:s17+$0xFFFFFFC0] =	vst v16;
	v17 =	vadd.s32 $0x1, v16  }
0x60: {  	v16 =	vadd.s32 $0x2, v16;
	[tilespmem:s18+$0xFFFFFFC0] =	vst v17  }
0x61: {  	[tilespmem:s19+$0xFFFFFFC0] =	vst v16  }
0x62: {  	v16 =	vld [tilespmem:s20+$0xFFFFFFD0];
	_ =	sdelay $0x4  }
0x63: {  	v16 =	vmul.u32 $0x3, v16;
	_ =	sdelay $0x1  }
0x64: {  	[tilespmem:s17+$0xFFFFFFD0] =	vst v16;
	v17 =	vadd.s32 $0x1, v16  }
0x65: {  	v16 =	vadd.s32 $0x2, v16;
	[tilespmem:s18+$0xFFFFFFD0] =	vst v17  }
0x66: {  	[tilespmem:s19+$0xFFFFFFD0] =	vst v16  }
0x67: {  	v16 =	vld [tilespmem:s20+$0xFFFFFFE0];
	_ =	sdelay $0x4  }
0x68: {  	v16 =	vmul.u32 $0x3, v16;
	_ =	sdelay $0x1  }
0x69: {  	[tilespmem:s17+$0xFFFFFFE0] =	vst v16;
	v17 =	vadd.s32 $0x1, v16  }
0x6a: {  	v16 =	vadd.s32 $0x2, v16;
	[tilespmem:s18+$0xFFFFFFE0] =	vst v17  }
0x6b: {  	[tilespmem:s19+$0xFFFFFFE0] =	vst v16  }
0x6c: {  	v16 =	vld [tilespmem:s20+$0xFFFFFFF0];
	_ =	sdelay $0x4  }
0x6d: {  	v16 =	vmul.u32 $0x3, v16;
	_ =	sdelay $0x1  }
0x6e: {  	[tilespmem:s17+$0xFFFFFFF0] =	vst v16;
	v17 =	vadd.s32 $0x1, v16  }
0x6f: {  	v16 =	vadd.s32 $0x2, v16;
	[tilespmem:s18+$0xFFFFFFF0] =	vst v17  }
0x70: {  	[tilespmem:s19+$0xFFFFFFF0] =	vst v16  }
0x71: {  	v16 =	vld [tilespmem:s20+$0x0];
	_ =	sdelay $0x4  }
0x72: {  	v16 =	vmul.u32 $0x3, v16;
	_ =	sdelay $0x1  }
0x73: {  	[tilespmem:s17+$0x0] =	vst v16;
	v17 =	vadd.s32 $0x1, v16  }
0x74: {  	v16 =	vadd.s32 $0x2, v16;
	[tilespmem:s18+$0x0] =	vst v17  }
0x75: {  	[tilespmem:s19+$0x0] =	vst v16  }
0x76: {  	v16 =	vld [tilespmem:s20+$0x10];
	_ =	sdelay $0x4  }
0x77: {  	v16 =	vmul.u32 $0x3, v16;
	_ =	sdelay $0x1  }
0x78: {  	[tilespmem:s17+$0x10] =	vst v16;
	v17 =	vadd.s32 $0x1, v16  }
0x79: {  	v16 =	vadd.s32 $0x2, v16;
	[tilespmem:s18+$0x10] =	vst v17  }
0x7a: {  	[tilespmem:s19+$0x10] =	vst v16  }
0x7b: {  	v16 =	vld [tilespmem:s20+$0x20];
	_ =	sdelay $0x4  }
0x7c: {  	v16 =	vmul.u32 $0x3, v16;
	_ =	sdelay $0x1  }
0x7d: {  	[tilespmem:s17+$0x20] =	vst v16;
	v17 =	vadd.s32 $0x1, v16  }
0x7e: {  	v16 =	vadd.s32 $0x2, v16;
	[tilespmem:s18+$0x20] =	vst v17  }
0x7f: {  	[tilespmem:s19+$0x20] =	vst v16  }
0x80: {  	v16 =	vld [tilespmem:s20+$0x30];
	_ =	sdelay $0x4  }
0x81: {  	v16 =	vmul.u32 $0x3, v16;
	_ =	sdelay $0x1  }
0x82: {  	[tilespmem:s17+$0x30] =	vst v16;
	v17 =	vadd.s32 $0x1, v16  }
0x83: {  	v16 =	vadd.s32 $0x2, v16;
	[tilespmem:s18+$0x30] =	vst v17  }
0x84: {  	[tilespmem:s19+$0x30] =	vst v16  }
0x85: {  	v16 =	vld [tilespmem:s20+$0x40];
	_ =	sdelay $0x4  }
0x86: {  	v16 =	vmul.u32 $0x3, v16;
	_ =	sdelay $0x1  }
0x87: {  	[tilespmem:s17+$0x40] =	vst v16;
	v17 =	vadd.s32 $0x1, v16  }
0x88: {  	v16 =	vadd.s32 $0x2, v16;
	[tilespmem:s18+$0x40] =	vst v17  }
0x89: {  	[tilespmem:s19+$0x40] =	vst v16  }
0x8a: {  	v16 =	vld [tilespmem:s20+$0x50];
	_ =	sdelay $0x4  }
0x8b: {  	v16 =	vmul.u32 $0x3, v16;
	_ =	sdelay $0x1  }
0x8c: {  	[tilespmem:s17+$0x50] =	vst v16;
	v17 =	vadd.s32 $0x1, v16  }
0x8d: {  	v16 =	vadd.s32 $0x2, v16;
	[tilespmem:s18+$0x50] =	vst v17  }
0x8e: {  	[tilespmem:s19+$0x50] =	vst v16  }
0x8f: {  	v16 =	vld [tilespmem:s20+$0x60];
	_ =	sdelay $0x4  }
0x90: {  	v16 =	vmul.u32 $0x3, v16;
	_ =	sdelay $0x1  }
0x91: {  	[tilespmem:s17+$0x60] =	vst v16;
	v17 =	vadd.s32 $0x1, v16  }
0x92: {  	v16 =	vadd.s32 $0x2, v16;
	[tilespmem:s18+$0x60] =	vst v17  }
0x93: {  	[tilespmem:s19+$0x60] =	vst v16  }
0x94: {  	v16 =	vld [tilespmem:s20+$0x70];
	_ =	sdelay $0x4  }
0x95: {  	v16 =	vmul.u32 $0x3, v16;
	_ =	sdelay $0x1  }
0x96: {  	[tilespmem:s17+$0x70] =	vst v16;
	v17 =	vadd.s32 $0x1, v16  }
0x97: {  	v16 =	vadd.s32 $0x2, v16;
	[tilespmem:s18+$0x70] =	vst v17  }
0x98: {  	[tilespmem:s19+$0x70] =	vst v16  }
0x99: {  	v16 =	vld [tilespmem:s20+$0x80];
	_ =	sdelay $0x4  }
0x9a: {  	v16 =	vmul.u32 $0x3, v16;
	_ =	sdelay $0x1  }
0x9b: {  	[tilespmem:s17+$0x80] =	vst v16;
	v17 =	vadd.s32 $0x1, v16  }
0x9c: {  	v16 =	vadd.s32 $0x2, v16;
	[tilespmem:s18+$0x80] =	vst v17  }
0x9d: {  	[tilespmem:s19+$0x80] =	vst v16  }
0x9e: {  	v16 =	vld [tilespmem:s20+$0x90];
	_ =	sdelay $0x4  }
0x9f: {  	v16 =	vmul.u32 $0x3, v16;
	_ =	sdelay $0x1  }
0xa0: {  	[tilespmem:s17+$0x90] =	vst v16;
	v17 =	vadd.s32 $0x1, v16  }
0xa1: {  	v16 =	vadd.s32 $0x2, v16;
	[tilespmem:s18+$0x90] =	vst v17  }
0xa2: {  	[tilespmem:s19+$0x90] =	vst v16  }
0xa3: {  	v16 =	vld [tilespmem:s20+$0xA0];
	_ =	sdelay $0x4  }
0xa4: {  	v16 =	vmul.u32 $0x3, v16;
	_ =	sdelay $0x1  }
0xa5: {  	[tilespmem:s17+$0xA0] =	vst v16;
	v17 =	vadd.s32 $0x1, v16  }
0xa6: {  	v16 =	vadd.s32 $0x2, v16;
	[tilespmem:s18+$0xA0] =	vst v17  }
0xa7: {  	[tilespmem:s19+$0xA0] =	vst v16  }
0xa8: {  	v16 =	vld [tilespmem:s20+$0xB0];
	_ =	sdelay $0x4  }
0xa9: {  	v16 =	vmul.u32 $0x3, v16;
	_ =	sdelay $0x1  }
0xaa: {  	[tilespmem:s17+$0xB0] =	vst v16;
	v17 =	vadd.s32 $0x1, v16  }
0xab: {  	v16 =	vadd.s32 $0x2, v16;
	[tilespmem:s18+$0xB0] =	vst v17  }
0xac: {  	[tilespmem:s19+$0xB0] =	vst v16  }
0xad: {  	v16 =	vld [tilespmem:s20+$0xC0];
	_ =	sdelay $0x4  }
0xae: {  	v16 =	vmul.u32 $0x3, v16;
	_ =	sdelay $0x1  }
0xaf: {  	[tilespmem:s17+$0xC0] =	vst v16;
	v17 =	vadd.s32 $0x1, v16  }
0xb0: {  	v16 =	vadd.s32 $0x2, v16;
	[tilespmem:s18+$0xC0] =	vst v17  }
0xb1: {  	[tilespmem:s19+$0xC0] =	vst v16  }
0xb2: {  	v16 =	vld [tilespmem:s20+$0xD0];
	_ =	sdelay $0x4  }
0xb3: {  	v16 =	vmul.u32 $0x3, v16;
	_ =	sdelay $0x1  }
0xb4: {  	[tilespmem:s17+$0xD0] =	vst v16;
	v17 =	vadd.s32 $0x1, v16  }
0xb5: {  	v16 =	vadd.s32 $0x2, v16;
	[tilespmem:s18+$0xD0] =	vst v17  }
0xb6: {  	[tilespmem:s19+$0xD0] =	vst v16  }
0xb7: {  	v16 =	vld [tilespmem:s20+$0xE0];
	_ =	sdelay $0x4  }
0xb8: {  	v16 =	vmul.u32 $0x3, v16;
	_ =	sdelay $0x1  }
0xb9: {  	[tilespmem:s17+$0xE0] =	vst v16;
	v17 =	vadd.s32 $0x1, v16  }
0xba: {  	v16 =	vadd.s32 $0x2, v16;
	[tilespmem:s18+$0xE0] =	vst v17  }
0xbb: {  	[tilespmem:s19+$0xE0] =	vst v16  }
0xbc: {  	v16 =	vld [tilespmem:s20+$0xF0];
	_ =	sdelay $0x4  }
0xbd: {  	v16 =	vmul.u32 $0x3, v16;
	_ =	sdelay $0x1  }
0xbe: {  	[tilespmem:s17+$0xF0] =	vst v16;
	v17 =	vadd.s32 $0x1, v16  }
0xbf: {  	s21 =	simm.s32 $0xF280;
	s22 =	simm.s32 $0x300;
	s20 =	simm.s32 $0x0;
	v16 =	vadd.s32 $0x2, v16;
	[tilespmem:s18+$0xF0] =	vst v17  }
.LBB2_2:
0xc0: {  	s20 =	sadd.s32 $0x4, s20;
	[tilespmem:s19+$0xF0] =	vst v16;
	s17 =	sadd.s32 $0x200, s17;
	s18 =	sadd.s32 $0x200, s18  }
0xc1: {  	s19 =	smov.u32 s21;
	v16 =	vld [tilespmem:s22+$0xFFFFFF00];
	p1 =	slt.u32 s20, $0x48;
	_ =	sdelay $0x4  }
0xc2: {  	v16 =	vmul.u32 $0x3, v16;
	_ =	sdelay $0x1  }
0xc3: {  	[tilespmem:s17+$0xFFFFFF00] =	vst v16;
	v17 =	vadd.s32 $0x1, v16  }
0xc4: {  	v16 =	vadd.s32 $0x2, v16;
	[tilespmem:s18+$0xFFFFFF00] =	vst v17  }
0xc5: {  	[tilespmem:s21+$0xFFFFFF00] =	vst v16  }
0xc6: {  	v16 =	vld [tilespmem:s22+$0xFFFFFF10];
	_ =	sdelay $0x4  }
0xc7: {  	v16 =	vmul.u32 $0x3, v16;
	_ =	sdelay $0x1  }
0xc8: {  	[tilespmem:s17+$0xFFFFFF10] =	vst v16;
	v17 =	vadd.s32 $0x1, v16  }
0xc9: {  	v16 =	vadd.s32 $0x2, v16;
	[tilespmem:s18+$0xFFFFFF10] =	vst v17  }
0xca: {  	[tilespmem:s21+$0xFFFFFF10] =	vst v16  }
0xcb: {  	v16 =	vld [tilespmem:s22+$0xFFFFFF20];
	_ =	sdelay $0x4  }
0xcc: {  	v16 =	vmul.u32 $0x3, v16;
	_ =	sdelay $0x1  }
0xcd: {  	[tilespmem:s17+$0xFFFFFF20] =	vst v16;
	v17 =	vadd.s32 $0x1, v16  }
0xce: {  	v16 =	vadd.s32 $0x2, v16;
	[tilespmem:s18+$0xFFFFFF20] =	vst v17  }
0xcf: {  	[tilespmem:s21+$0xFFFFFF20] =	vst v16  }
0xd0: {  	v16 =	vld [tilespmem:s22+$0xFFFFFF30];
	_ =	sdelay $0x4  }
0xd1: {  	v16 =	vmul.u32 $0x3, v16;
	_ =	sdelay $0x1  }
0xd2: {  	[tilespmem:s17+$0xFFFFFF30] =	vst v16;
	v17 =	vadd.s32 $0x1, v16  }
0xd3: {  	v16 =	vadd.s32 $0x2, v16;
	[tilespmem:s18+$0xFFFFFF30] =	vst v17  }
0xd4: {  	[tilespmem:s21+$0xFFFFFF30] =	vst v16  }
0xd5: {  	v16 =	vld [tilespmem:s22+$0xFFFFFF40];
	_ =	sdelay $0x4  }
0xd6: {  	v16 =	vmul.u32 $0x3, v16;
	_ =	sdelay $0x1  }
0xd7: {  	[tilespmem:s17+$0xFFFFFF40] =	vst v16;
	v17 =	vadd.s32 $0x1, v16  }
0xd8: {  	v16 =	vadd.s32 $0x2, v16;
	[tilespmem:s18+$0xFFFFFF40] =	vst v17  }
0xd9: {  	[tilespmem:s21+$0xFFFFFF40] =	vst v16  }
0xda: {  	v16 =	vld [tilespmem:s22+$0xFFFFFF50];
	_ =	sdelay $0x4  }
0xdb: {  	v16 =	vmul.u32 $0x3, v16;
	_ =	sdelay $0x1  }
0xdc: {  	[tilespmem:s17+$0xFFFFFF50] =	vst v16;
	v17 =	vadd.s32 $0x1, v16  }
0xdd: {  	v16 =	vadd.s32 $0x2, v16;
	[tilespmem:s18+$0xFFFFFF50] =	vst v17  }
0xde: {  	[tilespmem:s21+$0xFFFFFF50] =	vst v16  }
0xdf: {  	v16 =	vld [tilespmem:s22+$0xFFFFFF60];
	_ =	sdelay $0x4  }
0xe0: {  	v16 =	vmul.u32 $0x3, v16;
	_ =	sdelay $0x1  }
0xe1: {  	[tilespmem:s17+$0xFFFFFF60] =	vst v16;
	v17 =	vadd.s32 $0x1, v16  }
0xe2: {  	v16 =	vadd.s32 $0x2, v16;
	[tilespmem:s18+$0xFFFFFF60] =	vst v17  }
0xe3: {  	[tilespmem:s21+$0xFFFFFF60] =	vst v16  }
0xe4: {  	v16 =	vld [tilespmem:s22+$0xFFFFFF70];
	_ =	sdelay $0x4  }
0xe5: {  	v16 =	vmul.u32 $0x3, v16;
	_ =	sdelay $0x1  }
0xe6: {  	[tilespmem:s17+$0xFFFFFF70] =	vst v16;
	v17 =	vadd.s32 $0x1, v16  }
0xe7: {  	v16 =	vadd.s32 $0x2, v16;
	[tilespmem:s18+$0xFFFFFF70] =	vst v17  }
0xe8: {  	[tilespmem:s21+$0xFFFFFF70] =	vst v16  }
0xe9: {  	v16 =	vld [tilespmem:s22+$0xFFFFFF80];
	_ =	sdelay $0x4  }
0xea: {  	v16 =	vmul.u32 $0x3, v16;
	_ =	sdelay $0x1  }
0xeb: {  	[tilespmem:s17+$0xFFFFFF80] =	vst v16;
	v17 =	vadd.s32 $0x1, v16  }
0xec: {  	v16 =	vadd.s32 $0x2, v16;
	[tilespmem:s18+$0xFFFFFF80] =	vst v17  }
0xed: {  	[tilespmem:s21+$0xFFFFFF80] =	vst v16  }
0xee: {  	v16 =	vld [tilespmem:s22+$0xFFFFFF90];
	_ =	sdelay $0x4  }
0xef: {  	v16 =	vmul.u32 $0x3, v16;
	_ =	sdelay $0x1  }
0xf0: {  	[tilespmem:s17+$0xFFFFFF90] =	vst v16;
	v17 =	vadd.s32 $0x1, v16  }
0xf1: {  	v16 =	vadd.s32 $0x2, v16;
	[tilespmem:s18+$0xFFFFFF90] =	vst v17  }
0xf2: {  	[tilespmem:s21+$0xFFFFFF90] =	vst v16  }
0xf3: {  	v16 =	vld [tilespmem:s22+$0xFFFFFFA0];
	_ =	sdelay $0x4  }
0xf4: {  	v16 =	vmul.u32 $0x3, v16;
	_ =	sdelay $0x1  }
0xf5: {  	[tilespmem:s17+$0xFFFFFFA0] =	vst v16;
	v17 =	vadd.s32 $0x1, v16  }
0xf6: {  	v16 =	vadd.s32 $0x2, v16;
	[tilespmem:s18+$0xFFFFFFA0] =	vst v17  }
0xf7: {  	[tilespmem:s21+$0xFFFFFFA0] =	vst v16  }
0xf8: {  	v16 =	vld [tilespmem:s22+$0xFFFFFFB0];
	_ =	sdelay $0x4  }
0xf9: {  	v16 =	vmul.u32 $0x3, v16;
	_ =	sdelay $0x1  }
0xfa: {  	[tilespmem:s17+$0xFFFFFFB0] =	vst v16;
	v17 =	vadd.s32 $0x1, v16  }
0xfb: {  	v16 =	vadd.s32 $0x2, v16;
	[tilespmem:s18+$0xFFFFFFB0] =	vst v17  }
0xfc: {  	[tilespmem:s21+$0xFFFFFFB0] =	vst v16  }
0xfd: {  	v16 =	vld [tilespmem:s22+$0xFFFFFFC0];
	_ =	sdelay $0x4  }
0xfe: {  	v16 =	vmul.u32 $0x3, v16;
	_ =	sdelay $0x1  }
0xff: {  	[tilespmem:s17+$0xFFFFFFC0] =	vst v16;
	v17 =	vadd.s32 $0x1, v16  }
0x100: {  	v16 =	vadd.s32 $0x2, v16;
	[tilespmem:s18+$0xFFFFFFC0] =	vst v17  }
0x101: {  	[tilespmem:s21+$0xFFFFFFC0] =	vst v16  }
0x102: {  	v16 =	vld [tilespmem:s22+$0xFFFFFFD0];
	_ =	sdelay $0x4  }
0x103: {  	v16 =	vmul.u32 $0x3, v16;
	_ =	sdelay $0x1  }
0x104: {  	[tilespmem:s17+$0xFFFFFFD0] =	vst v16;
	v17 =	vadd.s32 $0x1, v16  }
0x105: {  	v16 =	vadd.s32 $0x2, v16;
	[tilespmem:s18+$0xFFFFFFD0] =	vst v17  }
0x106: {  	[tilespmem:s21+$0xFFFFFFD0] =	vst v16  }
0x107: {  	v16 =	vld [tilespmem:s22+$0xFFFFFFE0];
	_ =	sdelay $0x4  }
0x108: {  	v16 =	vmul.u32 $0x3, v16;
	_ =	sdelay $0x1  }
0x109: {  	[tilespmem:s17+$0xFFFFFFE0] =	vst v16;
	v17 =	vadd.s32 $0x1, v16  }
0x10a: {  	v16 =	vadd.s32 $0x2, v16;
	[tilespmem:s18+$0xFFFFFFE0] =	vst v17  }
0x10b: {  	[tilespmem:s21+$0xFFFFFFE0] =	vst v16  }
0x10c: {  	v16 =	vld [tilespmem:s22+$0xFFFFFFF0];
	_ =	sdelay $0x4  }
0x10d: {  	v16 =	vmul.u32 $0x3, v16;
	_ =	sdelay $0x1  }
0x10e: {  	[tilespmem:s17+$0xFFFFFFF0] =	vst v16;
	v17 =	vadd.s32 $0x1, v16  }
0x10f: {  	v16 =	vadd.s32 $0x2, v16;
	[tilespmem:s18+$0xFFFFFFF0] =	vst v17  }
0x110: {  	[tilespmem:s21+$0xFFFFFFF0] =	vst v16  }
0x111: {  	v16 =	vld [tilespmem:s22+$0x0];
	_ =	sdelay $0x4  }
0x112: {  	v16 =	vmul.u32 $0x3, v16;
	_ =	sdelay $0x1  }
0x113: {  	[tilespmem:s17+$0x0] =	vst v16;
	v17 =	vadd.s32 $0x1, v16  }
0x114: {  	v16 =	vadd.s32 $0x2, v16;
	[tilespmem:s18+$0x0] =	vst v17  }
0x115: {  	[tilespmem:s21+$0x0] =	vst v16  }
0x116: {  	v16 =	vld [tilespmem:s22+$0x10];
	_ =	sdelay $0x4  }
0x117: {  	v16 =	vmul.u32 $0x3, v16;
	_ =	sdelay $0x1  }
0x118: {  	[tilespmem:s17+$0x10] =	vst v16;
	v17 =	vadd.s32 $0x1, v16  }
0x119: {  	v16 =	vadd.s32 $0x2, v16;
	[tilespmem:s18+$0x10] =	vst v17  }
0x11a: {  	[tilespmem:s21+$0x10] =	vst v16  }
0x11b: {  	v16 =	vld [tilespmem:s22+$0x20];
	_ =	sdelay $0x4  }
0x11c: {  	v16 =	vmul.u32 $0x3, v16;
	_ =	sdelay $0x1  }
0x11d: {  	[tilespmem:s17+$0x20] =	vst v16;
	v17 =	vadd.s32 $0x1, v16  }
0x11e: {  	v16 =	vadd.s32 $0x2, v16;
	[tilespmem:s18+$0x20] =	vst v17  }
0x11f: {  	[tilespmem:s21+$0x20] =	vst v16  }
0x120: {  	v16 =	vld [tilespmem:s22+$0x30];
	_ =	sdelay $0x4  }
0x121: {  	v16 =	vmul.u32 $0x3, v16;
	_ =	sdelay $0x1  }
0x122: {  	[tilespmem:s17+$0x30] =	vst v16;
	v17 =	vadd.s32 $0x1, v16  }
0x123: {  	v16 =	vadd.s32 $0x2, v16;
	[tilespmem:s18+$0x30] =	vst v17  }
0x124: {  	[tilespmem:s21+$0x30] =	vst v16  }
0x125: {  	v16 =	vld [tilespmem:s22+$0x40];
	_ =	sdelay $0x4  }
0x126: {  	v16 =	vmul.u32 $0x3, v16;
	_ =	sdelay $0x1  }
0x127: {  	[tilespmem:s17+$0x40] =	vst v16;
	v17 =	vadd.s32 $0x1, v16  }
0x128: {  	v16 =	vadd.s32 $0x2, v16;
	[tilespmem:s18+$0x40] =	vst v17  }
0x129: {  	[tilespmem:s21+$0x40] =	vst v16  }
0x12a: {  	v16 =	vld [tilespmem:s22+$0x50];
	_ =	sdelay $0x4  }
0x12b: {  	v16 =	vmul.u32 $0x3, v16;
	_ =	sdelay $0x1  }
0x12c: {  	[tilespmem:s17+$0x50] =	vst v16;
	v17 =	vadd.s32 $0x1, v16  }
0x12d: {  	v16 =	vadd.s32 $0x2, v16;
	[tilespmem:s18+$0x50] =	vst v17  }
0x12e: {  	[tilespmem:s21+$0x50] =	vst v16  }
0x12f: {  	v16 =	vld [tilespmem:s22+$0x60];
	_ =	sdelay $0x4  }
0x130: {  	v16 =	vmul.u32 $0x3, v16;
	_ =	sdelay $0x1  }
0x131: {  	[tilespmem:s17+$0x60] =	vst v16;
	v17 =	vadd.s32 $0x1, v16  }
0x132: {  	v16 =	vadd.s32 $0x2, v16;
	[tilespmem:s18+$0x60] =	vst v17  }
0x133: {  	[tilespmem:s21+$0x60] =	vst v16  }
0x134: {  	v16 =	vld [tilespmem:s22+$0x70];
	_ =	sdelay $0x4  }
0x135: {  	v16 =	vmul.u32 $0x3, v16;
	_ =	sdelay $0x1  }
0x136: {  	[tilespmem:s17+$0x70] =	vst v16;
	v17 =	vadd.s32 $0x1, v16  }
0x137: {  	v16 =	vadd.s32 $0x2, v16;
	[tilespmem:s18+$0x70] =	vst v17  }
0x138: {  	[tilespmem:s21+$0x70] =	vst v16  }
0x139: {  	v16 =	vld [tilespmem:s22+$0x80];
	_ =	sdelay $0x4  }
0x13a: {  	v16 =	vmul.u32 $0x3, v16;
	_ =	sdelay $0x1  }
0x13b: {  	[tilespmem:s17+$0x80] =	vst v16;
	v17 =	vadd.s32 $0x1, v16  }
0x13c: {  	v16 =	vadd.s32 $0x2, v16;
	[tilespmem:s18+$0x80] =	vst v17  }
0x13d: {  	[tilespmem:s21+$0x80] =	vst v16  }
0x13e: {  	v16 =	vld [tilespmem:s22+$0x90];
	_ =	sdelay $0x4  }
0x13f: {  	v16 =	vmul.u32 $0x3, v16;
	_ =	sdelay $0x1  }
0x140: {  	[tilespmem:s17+$0x90] =	vst v16;
	v17 =	vadd.s32 $0x1, v16  }
0x141: {  	v16 =	vadd.s32 $0x2, v16;
	[tilespmem:s18+$0x90] =	vst v17  }
0x142: {  	[tilespmem:s21+$0x90] =	vst v16  }
0x143: {  	v16 =	vld [tilespmem:s22+$0xA0];
	_ =	sdelay $0x4  }
0x144: {  	v16 =	vmul.u32 $0x3, v16;
	_ =	sdelay $0x1  }
0x145: {  	[tilespmem:s17+$0xA0] =	vst v16;
	v17 =	vadd.s32 $0x1, v16  }
0x146: {  	v16 =	vadd.s32 $0x2, v16;
	[tilespmem:s18+$0xA0] =	vst v17  }
0x147: {  	[tilespmem:s21+$0xA0] =	vst v16  }
0x148: {  	v16 =	vld [tilespmem:s22+$0xB0];
	_ =	sdelay $0x4  }
0x149: {  	v16 =	vmul.u32 $0x3, v16;
	_ =	sdelay $0x1  }
0x14a: {  	[tilespmem:s17+$0xB0] =	vst v16;
	v17 =	vadd.s32 $0x1, v16  }
0x14b: {  	v16 =	vadd.s32 $0x2, v16;
	[tilespmem:s18+$0xB0] =	vst v17  }
0x14c: {  	[tilespmem:s21+$0xB0] =	vst v16  }
0x14d: {  	v16 =	vld [tilespmem:s22+$0xC0];
	_ =	sdelay $0x4  }
0x14e: {  	v16 =	vmul.u32 $0x3, v16;
	_ =	sdelay $0x1  }
0x14f: {  	[tilespmem:s17+$0xC0] =	vst v16;
	v17 =	vadd.s32 $0x1, v16  }
0x150: {  	v16 =	vadd.s32 $0x2, v16;
	[tilespmem:s18+$0xC0] =	vst v17  }
0x151: {  	[tilespmem:s21+$0xC0] =	vst v16  }
0x152: {  	v16 =	vld [tilespmem:s22+$0xD0];
	_ =	sdelay $0x4  }
0x153: {  	v16 =	vmul.u32 $0x3, v16;
	_ =	sdelay $0x1  }
0x154: {  	[tilespmem:s17+$0xD0] =	vst v16;
	v17 =	vadd.s32 $0x1, v16  }
0x155: {  	v16 =	vadd.s32 $0x2, v16;
	[tilespmem:s18+$0xD0] =	vst v17  }
0x156: {  	[tilespmem:s21+$0xD0] =	vst v16  }
0x157: {  	v16 =	vld [tilespmem:s22+$0xE0];
	_ =	sdelay $0x4  }
0x158: {  	v16 =	vmul.u32 $0x3, v16;
	_ =	sdelay $0x1  }
0x159: {  	[tilespmem:s17+$0xE0] =	vst v16;
	v17 =	vadd.s32 $0x1, v16  }
0x15a: {  	v16 =	vadd.s32 $0x2, v16;
	[tilespmem:s18+$0xE0] =	vst v17  }
0x15b: {  	[tilespmem:s21+$0xE0] =	vst v16  }
0x15c: {  	v16 =	vld [tilespmem:s22+$0xF0];
	_ =	sdelay $0x3  }
.Ltmp0:
0x15d: {  	(pc) =	sbr.rel @p1 .LBB2_2-.Ltmp0, $3  }
0x15e: {  	v16 =	vmul.u32 $0x3, v16;
	_ =	sdelay $0x1  }
0x15f: {  	[tilespmem:s17+$0xF0] =	vst v16;
	v17 =	vadd.s32 $0x1, v16  }
0x160: {  	s21 =	sadd.s32 $0x200, s21;
	s22 =	sadd.s32 $0x200, s22;
	v16 =	vadd.s32 $0x2, v16;
	[tilespmem:s18+$0xF0] =	vst v17  }
0x161: {  	[tilespmem:s19+$0xF0] =	vst v16  }
0x162: {  	[tilespmem:$0xC690] =	vst v0  }
0x163: {  	[tilespmem:$0xEE90] =	vst v0  }
0x164: {  	[tilespmem:$0x11690] =	vst v0  }
0x165: {  	[tilespmem:$0xC6A0] =	vst v1  }
0x166: {  	[tilespmem:$0xEEA0] =	vst v1  }
0x167: {  	[tilespmem:$0x116A0] =	vst v1  }
0x168: {  	[tilespmem:$0xC6B0] =	vst v2  }
0x169: {  	[tilespmem:$0xEEB0] =	vst v2  }
0x16a: {  	[tilespmem:$0x116B0] =	vst v2  }
0x16b: {  	[tilespmem:$0xC6C0] =	vst v3  }
0x16c: {  	[tilespmem:$0xEEC0] =	vst v3  }
0x16d: {  	[tilespmem:$0x116C0] =	vst v3  }
0x16e: {  	[tilespmem:$0xC6D0] =	vst v4  }
0x16f: {  	[tilespmem:$0xEED0] =	vst v4  }
0x170: {  	[tilespmem:$0x116D0] =	vst v4  }
0x171: {  	[tilespmem:$0xC6E0] =	vst v5  }
0x172: {  	[tilespmem:$0xEEE0] =	vst v5  }
0x173: {  	[tilespmem:$0x116E0] =	vst v5  }
0x174: {  	[tilespmem:$0xC6F0] =	vst v6  }
0x175: {  	[tilespmem:$0xEEF0] =	vst v6  }
0x176: {  	[tilespmem:$0x116F0] =	vst v6  }
0x177: {  	[tilespmem:$0xC700] =	vst v7  }
0x178: {  	[tilespmem:$0xEF00] =	vst v7  }
0x179: {  	[tilespmem:$0x11700] =	vst v7  }
0x17a: {  	[tilespmem:$0xC710] =	vst v8  }
0x17b: {  	[tilespmem:$0xEF10] =	vst v8  }
0x17c: {  	[tilespmem:$0x11710] =	vst v8  }
0x17d: {  	[tilespmem:$0xC720] =	vst v9  }
0x17e: {  	[tilespmem:$0xEF20] =	vst v9  }
0x17f: {  	[tilespmem:$0x11720] =	vst v9  }
0x180: {  	[tilespmem:$0xC730] =	vst v10  }
0x181: {  	[tilespmem:$0xEF30] =	vst v10  }
0x182: {  	[tilespmem:$0x11730] =	vst v10  }
0x183: {  	[tilespmem:$0xC740] =	vst v11  }
0x184: {  	[tilespmem:$0xEF40] =	vst v11  }
0x185: {  	[tilespmem:$0x11740] =	vst v11  }
0x186: {  	[tilespmem:$0xC750] =	vst v12  }
0x187: {  	[tilespmem:$0xEF50] =	vst v12  }
0x188: {  	v16 =	vld [tilespmem:$0x2600];
	[tilespmem:$0x11750] =	vst v12  }
0x189: {  	v17 =	vld [tilespmem:$0x2610];
	[tilespmem:$0xC760] =	vst v13  }
0x18a: {  	v18 =	vld [tilespmem:$0x2620];
	[tilespmem:$0xEF60] =	vst v13  }
0x18b: {  	[tilespmem:$0x11760] =	vst v13  }
0x18c: {  	[tilespmem:$0xC770] =	vst v14  }
0x18d: {  	[tilespmem:$0xEF70] =	vst v14;
	v16 =	vmul.u32 $0x3, v16  }
0x18e: {  	[tilespmem:$0x11770] =	vst v14;
	v17 =	vmul.u32 $0x3, v17  }
0x18f: {  	v18 =	vmul.u32 $0x3, v18;
	[tilespmem:$0xC580] =	vst v16  }
0x190: {  	[tilespmem:$0xC590] =	vst v17  }
0x191: {  	v47 =	vld [tilespmem:$0x2650];
	v19 =	vadd.s32 $0x1, v16;
	[tilespmem:$0xC5A0] =	vst v18  }
0x192: {  	v59 =	vld [tilespmem:$0x26E0];
	v16 =	vadd.s32 $0x2, v16;
	[tilespmem:$0xED80] =	vst v19  }
0x193: {  	v45 =	vadd.s32 $0x1, v17;
	v17 =	vadd.s32 $0x2, v17;
	[tilespmem:$0x11580] =	vst v16;
	v16 =	vld [tilespmem:$0x2630]  }
0x194: {  	[tilespmem:$0x11590] =	vst v17;
	v17 =	vld [tilespmem:$0x2640]  }
0x195: {  	v46 =	vadd.s32 $0x1, v18;
	v18 =	vadd.s32 $0x2, v18;
	[tilespmem:$0xED90] =	vst v45  }
0x196: {  	[tilespmem:$0x115A0] =	vst v18;
	v18 =	vmul.u32 $0x3, v47  }
0x197: {  	[tilespmem:$0xEDA0] =	vst v46;
	v19 =	vmul.u32 $0x3, v59  }
0x198: {  	[tilespmem:$0xC5D0] =	vst v18;
	v16 =	vmul.u32 $0x3, v16  }
0x199: {  	[tilespmem:$0xC660] =	vst v19;
	v17 =	vmul.u32 $0x3, v17  }
0x19a: {  	v51 =	vld [tilespmem:$0x2680];
	[tilespmem:$0xC5B0] =	vst v16  }
0x19b: {  	v48 =	vadd.s32 $0x1, v16;
	v16 =	vadd.s32 $0x2, v16;
	[tilespmem:$0xC5C0] =	vst v17  }
0x19c: {  	v49 =	vadd.s32 $0x1, v17;
	v17 =	vadd.s32 $0x2, v17;
	[tilespmem:$0x115B0] =	vst v16;
	v16 =	vld [tilespmem:$0x2660]  }
0x19d: {  	v50 =	vadd.s32 $0x1, v18;
	[tilespmem:$0x115C0] =	vst v17;
	v17 =	vld [tilespmem:$0x2670]  }
0x19e: {  	v18 =	vadd.s32 $0x2, v18;
	[tilespmem:$0xEDD0] =	vst v50  }
0x19f: {  	v62 =	vadd.s32 $0x2, v19;
	[tilespmem:$0x115D0] =	vst v18;
	v18 =	vmul.u32 $0x3, v51  }
0x1a0: {  	[tilespmem:$0x11660] =	vst v62  }
0x1a1: {  	[tilespmem:$0xC600] =	vst v18;
	v54 =	vadd.s32 $0x1, v18;
	v16 =	vmul.u32 $0x3, v16  }
0x1a2: {  	[tilespmem:$0xEE00] =	vst v54;
	v17 =	vmul.u32 $0x3, v17  }
0x1a3: {  	v55 =	vld [tilespmem:$0x26B0];
	[tilespmem:$0xC5E0] =	vst v16  }
0x1a4: {  	v52 =	vadd.s32 $0x1, v16;
	v16 =	vadd.s32 $0x2, v16;
	[tilespmem:$0xC5F0] =	vst v17  }
0x1a5: {  	v53 =	vadd.s32 $0x1, v17;
	v17 =	vadd.s32 $0x2, v17;
	[tilespmem:$0x115E0] =	vst v16;
	v16 =	vld [tilespmem:$0x2690]  }
0x1a6: {  	v18 =	vadd.s32 $0x2, v18;
	[tilespmem:$0x115F0] =	vst v17;
	v17 =	vld [tilespmem:$0x26A0]  }
0x1a7: {  	[tilespmem:$0x11600] =	vst v18  }
0x1a8: {  	v18 =	vmul.u32 $0x3, v55;
	[tilespmem:$0xEDB0] =	vst v48  }
0x1a9: {  	[tilespmem:$0xEDC0] =	vst v49  }
0x1aa: {  	[tilespmem:$0xC630] =	vst v18;
	v58 =	vadd.s32 $0x1, v18;
	v16 =	vmul.u32 $0x3, v16  }
0x1ab: {  	[tilespmem:$0xEE30] =	vst v58;
	v17 =	vmul.u32 $0x3, v17  }
0x1ac: {  	[tilespmem:$0xC610] =	vst v16  }
0x1ad: {  	v56 =	vadd.s32 $0x1, v16;
	v16 =	vadd.s32 $0x2, v16;
	[tilespmem:$0xC620] =	vst v17  }
0x1ae: {  	v57 =	vadd.s32 $0x1, v17;
	v17 =	vadd.s32 $0x2, v17;
	[tilespmem:$0x11610] =	vst v16;
	v16 =	vld [tilespmem:$0x26C0]  }
0x1af: {  	v18 =	vadd.s32 $0x2, v18;
	[tilespmem:$0x11620] =	vst v17;
	v17 =	vld [tilespmem:$0x26D0]  }
0x1b0: {  	[tilespmem:$0x11630] =	vst v18  }
0x1b1: {  	[tilespmem:$0xEDE0] =	vst v52  }
0x1b2: {  	[tilespmem:$0xEDF0] =	vst v53  }
0x1b3: {  	[tilespmem:$0xEE10] =	vst v56;
	v16 =	vmul.u32 $0x3, v16  }
0x1b4: {  	[tilespmem:$0xEE20] =	vst v57;
	v17 =	vmul.u32 $0x3, v17  }
0x1b5: {  	v61 =	vld [tilespmem:$0x26F0];
	[tilespmem:$0xC640] =	vst v16  }
0x1b6: {  	v60 =	vadd.s32 $0x1, v16;
	v16 =	vadd.s32 $0x2, v16;
	[tilespmem:$0xC650] =	vst v17  }
0x1b7: {  	[tilespmem:$0x11640] =	vst v16;
	v16 =	vadd.s32 $0x1, v17  }
0x1b8: {  	[tilespmem:$0xEE50] =	vst v16;
	v16 =	vadd.s32 $0x2, v17;
	v17 =	vld [tilespmem:$0x2700]  }
0x1b9: {  	[tilespmem:$0x11650] =	vst v16;
	v16 =	vadd.s32 $0x1, v19  }
0x1ba: {  	[tilespmem:$0xEE60] =	vst v16;
	v16 =	vmul.u32 $0x3, v61  }
0x1bb: {  	[tilespmem:$0xEE40] =	vst v60  }
0x1bc: {  	v63 =	vadd.s32 $0x1, v16;
	[tilespmem:$0xC670] =	vst v16  }
0x1bd: {  	v16 =	vadd.s32 $0x2, v16;
	[tilespmem:$0xEE70] =	vst v63;
	v17 =	vmul.u32 $0x3, v17  }
0x1be: {  	[tilespmem:$0x11670] =	vst v16  }
0x1bf: {  	[tilespmem:$0xC680] =	vst v17;
	v16 =	vadd.s32 $0x1, v17  }
0x1c0: {  	[tilespmem:$0xEE80] =	vst v16;
	v16 =	vadd.s32 $0x2, v17  }
0x1c1: {  	[tilespmem:$0x11680] =	vst v16  }
0x1c2: {  	_ =	swait.ge [sflag:s14], $0x2710  }
0x1c3: {  	[sflag:s14] =	ssyncset.done $0x0  }
0x1c4: {  	[sflag:s14] =	ssyncadd.s32 $0xFFFFD8F0  }
0x1c5: {  	_ =	swait.ge [sflag:s14], $0x2710  }
0x1c6: {  	[sflag:s14] =	ssyncset.done $0x0  }
0x1c7: {  	[sflag:s14] =	ssyncadd.s32 $0xFFFFD8F0  }
0x1c8: {  	_ =	swait.ge [sflag:s14], $0x2710  }
0x1c9: {  	[sflag:s14] =	ssyncset.done $0x0  }
0x1ca: {  	[sflag:s14] =	ssyncadd.s32 $0xFFFFD8F0  }
0x1cb: {  	[tilespmem:$0x4E90] =	vst v15  }
0x1cc: {  	[tilespmem:$0x7690] =	vst v15  }
0x1cd: {  	[tilespmem:$0x9E90] =	vst v15  }
0x1ce: {  	[tilespmem:$0x4EA0] =	vst v15  }
0x1cf: {  	[tilespmem:$0x76A0] =	vst v15  }
0x1d0: {  	[tilespmem:$0x9EA0] =	vst v15  }
0x1d1: {  	[tilespmem:$0x4EB0] =	vst v15  }
0x1d2: {  	[tilespmem:$0x76B0] =	vst v15  }
0x1d3: {  	[tilespmem:$0x9EB0] =	vst v15  }
0x1d4: {  	[tilespmem:$0x4EC0] =	vst v15  }
0x1d5: {  	[tilespmem:$0x76C0] =	vst v15  }
0x1d6: {  	[tilespmem:$0x9EC0] =	vst v15  }
0x1d7: {  	[tilespmem:$0x4ED0] =	vst v15  }
0x1d8: {  	[tilespmem:$0x76D0] =	vst v15  }
0x1d9: {  	[tilespmem:$0x9ED0] =	vst v15  }
0x1da: {  	[tilespmem:$0x4EE0] =	vst v15  }
0x1db: {  	[tilespmem:$0x76E0] =	vst v15  }
0x1dc: {  	[tilespmem:$0x9EE0] =	vst v15  }
0x1dd: {  	[tilespmem:$0x4EF0] =	vst v15  }
0x1de: {  	[tilespmem:$0x76F0] =	vst v15  }
0x1df: {  	[tilespmem:$0x9EF0] =	vst v15  }
0x1e0: {  	[tilespmem:$0x4F00] =	vst v15  }
0x1e1: {  	[tilespmem:$0x7700] =	vst v15  }
0x1e2: {  	[tilespmem:$0x9F00] =	vst v15  }
0x1e3: {  	[tilespmem:$0x4F10] =	vst v15  }
0x1e4: {  	[tilespmem:$0x7710] =	vst v15  }
0x1e5: {  	[tilespmem:$0x9F10] =	vst v15  }
0x1e6: {  	[tilespmem:$0x4F20] =	vst v15  }
0x1e7: {  	[tilespmem:$0x7720] =	vst v15  }
0x1e8: {  	[tilespmem:$0x9F20] =	vst v15  }
0x1e9: {  	[tilespmem:$0x4F30] =	vst v15  }
0x1ea: {  	[tilespmem:$0x7730] =	vst v15  }
0x1eb: {  	[tilespmem:$0x9F30] =	vst v15  }
0x1ec: {  	[tilespmem:$0x4F40] =	vst v15  }
0x1ed: {  	[tilespmem:$0x7740] =	vst v15  }
0x1ee: {  	[tilespmem:$0x9F40] =	vst v15  }
0x1ef: {  	[tilespmem:$0x4F50] =	vst v15  }
0x1f0: {  	[tilespmem:$0x7750] =	vst v15  }
0x1f1: {  	[tilespmem:$0x9F50] =	vst v15  }
0x1f2: {  	[tilespmem:$0x4F60] =	vst v15  }
0x1f3: {  	[tilespmem:$0x7760] =	vst v15  }
0x1f4: {  	[tilespmem:$0x9F60] =	vst v15  }
0x1f5: {  	[tilespmem:$0x4F70] =	vst v15  }
0x1f6: {  	[tilespmem:$0x7770] =	vst v15  }
0x1f7: {  	[tilespmem:$0x9F70] =	vst v15  }
0x1f8: {  	s17 =	simm.s32 $0x2780;
	s18 =	simm.s32 $0x9F80;
	[bflag:$0x0] =	sbarrier.arrive $0xFFFF  }
0x1f9: {  	[spmem:s2] =	stream.indirect.scatter.add.f32 [tilespmem:s17], [sflag:$0x1], $0x1, s18, s15, $0xb8;
	[tilespmem:$0x19568] =	vst v63  }
0x1fa: {  	s21 =	simm.s32 $0x4F80;
	s22 =	simm.s32 $0xC780  }
0x1fb: {  	[spmem:s2] =	stream.indirect.scatter.add.f32 [tilespmem:s21], [sflag:$0x1], $0x1, s22, s15, $0xb8;
	[tilespmem:$0x19568] =	vst v63  }
0x1fc: {  	s23 =	simm.s32 $0x7780;
	s24 =	simm.s32 $0xEF80  }
0x1fd: {  	[spmem:s2] =	stream.indirect.scatter.add.f32 [tilespmem:s23], [sflag:$0x1], $0x1, s24, s15, $0xb8;
	[tilespmem:$0x19568] =	vst v63  }
0x1fe: {  	s25 =	simm.s32 $0x2800;
	s26 =	simm.s32 $0xA000  }
0x1ff: {  	[spmem:s2] =	stream.indirect.scatter.add.f32 [tilespmem:s25], [sflag:$0x1], $0x1, s26, s15, $0xb8;
	[tilespmem:$0x19568] =	vst v63  }
0x200: {  	s28 =	simm.s32 $0x5000;
	s29 =	simm.s32 $0xC800  }
0x201: {  	[spmem:s2] =	stream.indirect.scatter.add.f32 [tilespmem:s28], [sflag:$0x1], $0x1, s29, s15, $0xb8;
	[tilespmem:$0x19568] =	vst v63  }
0x202: {  	s30 =	simm.s32 $0x7800;
	s31 =	simm.s32 $0xF000  }
0x203: {  	[spmem:s2] =	stream.indirect.scatter.add.f32 [tilespmem:s30], [sflag:$0x1], $0x1, s31, s15, $0xb8;
	[tilespmem:$0x19568] =	vst v63  }
0x204: {  	s19 =	simm.s32 $0x2880;
	s20 =	simm.s32 $0xA080  }
0x205: {  	[spmem:s2] =	stream.indirect.scatter.add.f32 [tilespmem:s19], [sflag:$0x1], $0x1, s20, s15, $0xb8;
	[tilespmem:$0x19568] =	vst v63  }
0x206: {  	s21 =	simm.s32 $0x5080;
	s22 =	simm.s32 $0xC880  }
0x207: {  	[spmem:s2] =	stream.indirect.scatter.add.f32 [tilespmem:s21], [sflag:$0x1], $0x1, s22, s15, $0xb8;
	[tilespmem:$0x19568] =	vst v63  }
0x208: {  	s23 =	simm.s32 $0x7880;
	s24 =	simm.s32 $0xF080  }
0x209: {  	[spmem:s2] =	stream.indirect.scatter.add.f32 [tilespmem:s23], [sflag:$0x1], $0x1, s24, s15, $0xb8;
	[tilespmem:$0x19568] =	vst v63  }
0x20a: {  	s25 =	simm.s32 $0x2900;
	s26 =	simm.s32 $0xA100  }
0x20b: {  	[spmem:s2] =	stream.indirect.scatter.add.f32 [tilespmem:s25], [sflag:$0x1], $0x1, s26, s15, $0xb8;
	[tilespmem:$0x19568] =	vst v63  }
0x20c: {  	s28 =	simm.s32 $0x5100;
	s29 =	simm.s32 $0xC900  }
0x20d: {  	[spmem:s2] =	stream.indirect.scatter.add.f32 [tilespmem:s28], [sflag:$0x1], $0x1, s29, s15, $0xb8;
	[tilespmem:$0x19568] =	vst v63  }
0x20e: {  	s30 =	simm.s32 $0x7900;
	s31 =	simm.s32 $0xF100  }
0x20f: {  	[spmem:s2] =	stream.indirect.scatter.add.f32 [tilespmem:s30], [sflag:$0x1], $0x1, s31, s15, $0xb8;
	[tilespmem:$0x19568] =	vst v63  }
0x210: {  	s19 =	simm.s32 $0x2980;
	s20 =	simm.s32 $0xA180  }
0x211: {  	[spmem:s2] =	stream.indirect.scatter.add.f32 [tilespmem:s19], [sflag:$0x1], $0x1, s20, s15, $0xb8;
	[tilespmem:$0x19568] =	vst v63  }
0x212: {  	s21 =	simm.s32 $0x5180;
	s22 =	simm.s32 $0xC980  }
0x213: {  	[spmem:s2] =	stream.indirect.scatter.add.f32 [tilespmem:s21], [sflag:$0x1], $0x1, s22, s15, $0xb8;
	[tilespmem:$0x19568] =	vst v63  }
0x214: {  	s23 =	simm.s32 $0x7980;
	s24 =	simm.s32 $0xF180  }
0x215: {  	[spmem:s2] =	stream.indirect.scatter.add.f32 [tilespmem:s23], [sflag:$0x1], $0x1, s24, s15, $0xb8;
	[tilespmem:$0x19568] =	vst v63  }
0x216: {  	s25 =	simm.s32 $0x2A00;
	s26 =	simm.s32 $0xA200  }
0x217: {  	[spmem:s2] =	stream.indirect.scatter.add.f32 [tilespmem:s25], [sflag:$0x1], $0x1, s26, s15, $0xb8;
	[tilespmem:$0x19568] =	vst v63  }
0x218: {  	s28 =	simm.s32 $0x5200;
	s29 =	simm.s32 $0xCA00  }
0x219: {  	[spmem:s2] =	stream.indirect.scatter.add.f32 [tilespmem:s28], [sflag:$0x1], $0x1, s29, s15, $0xb8;
	[tilespmem:$0x19568] =	vst v63  }
0x21a: {  	s30 =	simm.s32 $0x7A00;
	s31 =	simm.s32 $0xF200  }
0x21b: {  	[spmem:s2] =	stream.indirect.scatter.add.f32 [tilespmem:s30], [sflag:$0x1], $0x1, s31, s15, $0xb8;
	[tilespmem:$0x19568] =	vst v63  }
0x21c: {  	s19 =	simm.s32 $0x2A80;
	s20 =	simm.s32 $0xA280  }
0x21d: {  	[spmem:s2] =	stream.indirect.scatter.add.f32 [tilespmem:s19], [sflag:$0x1], $0x1, s20, s15, $0xb8;
	[tilespmem:$0x19568] =	vst v63  }
0x21e: {  	s21 =	simm.s32 $0x5280;
	s22 =	simm.s32 $0xCA80  }
0x21f: {  	[spmem:s2] =	stream.indirect.scatter.add.f32 [tilespmem:s21], [sflag:$0x1], $0x1, s22, s15, $0xb8;
	[tilespmem:$0x19568] =	vst v63  }
0x220: {  	s23 =	simm.s32 $0x7A80;
	s24 =	simm.s32 $0xF280  }
0x221: {  	[spmem:s2] =	stream.indirect.scatter.add.f32 [tilespmem:s23], [sflag:$0x1], $0x1, s24, s15, $0xb8;
	[tilespmem:$0x19568] =	vst v63  }
0x222: {  	s25 =	simm.s32 $0x2B00;
	s26 =	simm.s32 $0xA300  }
0x223: {  	[spmem:s2] =	stream.indirect.scatter.add.f32 [tilespmem:s25], [sflag:$0x1], $0x1, s26, s15, $0xb8;
	[tilespmem:$0x19568] =	vst v63  }
0x224: {  	s28 =	simm.s32 $0x5300;
	s29 =	simm.s32 $0xCB00  }
0x225: {  	[spmem:s2] =	stream.indirect.scatter.add.f32 [tilespmem:s28], [sflag:$0x1], $0x1, s29, s15, $0xb8;
	[tilespmem:$0x19568] =	vst v63  }
0x226: {  	s30 =	simm.s32 $0x7B00;
	s31 =	simm.s32 $0xF300  }
0x227: {  	[spmem:s2] =	stream.indirect.scatter.add.f32 [tilespmem:s30], [sflag:$0x1], $0x1, s31, s15, $0xb8;
	[tilespmem:$0x19568] =	vst v63  }
0x228: {  	_ =	swait.ge [sflag:s14], $0x80  }
0x229: {  	[sflag:s14] =	ssyncset.done $0x0  }
0x22a: {  	[sflag:s14] =	ssyncadd.s32 $0xFFFFFF80  }
0x22b: {  	_ =	swait.ge [sflag:s14], $0x80  }
0x22c: {  	[sflag:s14] =	ssyncset.done $0x0  }
0x22d: {  	[sflag:s14] =	ssyncadd.s32 $0xFFFFFF80  }
0x22e: {  	_ =	swait.ge [sflag:s14], $0x80  }
0x22f: {  	[sflag:s14] =	ssyncset.done $0x0  }
0x230: {  	[sflag:s14] =	ssyncadd.s32 $0xFFFFFF80  }
0x231: {  	_ =	swait.ge [sflag:s14], $0x80  }
0x232: {  	[sflag:s14] =	ssyncset.done $0x0  }
0x233: {  	[sflag:s14] =	ssyncadd.s32 $0xFFFFFF80  }
0x234: {  	_ =	swait.ge [sflag:s14], $0x80  }
0x235: {  	[sflag:s14] =	ssyncset.done $0x0  }
0x236: {  	[sflag:s14] =	ssyncadd.s32 $0xFFFFFF80  }
0x237: {  	_ =	swait.ge [sflag:s14], $0x80  }
0x238: {  	[sflag:s14] =	ssyncset.done $0x0  }
0x239: {  	[sflag:s14] =	ssyncadd.s32 $0xFFFFFF80  }
0x23a: {  	_ =	swait.ge [sflag:s14], $0x80  }
0x23b: {  	[sflag:s14] =	ssyncset.done $0x0  }
0x23c: {  	[sflag:s14] =	ssyncadd.s32 $0xFFFFFF80  }
0x23d: {  	_ =	swait.ge [sflag:s14], $0x80  }
0x23e: {  	[sflag:s14] =	ssyncset.done $0x0  }
0x23f: {  	[sflag:s14] =	ssyncadd.s32 $0xFFFFFF80  }
0x240: {  	_ =	swait.ge [sflag:s14], $0x80  }
0x241: {  	[sflag:s14] =	ssyncset.done $0x0  }
0x242: {  	[sflag:s14] =	ssyncadd.s32 $0xFFFFFF80  }
0x243: {  	_ =	swait.ge [sflag:s14], $0x80  }
0x244: {  	[sflag:s14] =	ssyncset.done $0x0  }
0x245: {  	[sflag:s14] =	ssyncadd.s32 $0xFFFFFF80  }
0x246: {  	_ =	swait.ge [sflag:s14], $0x80  }
0x247: {  	[sflag:s14] =	ssyncset.done $0x0  }
0x248: {  	[sflag:s14] =	ssyncadd.s32 $0xFFFFFF80  }
0x249: {  	_ =	swait.ge [sflag:s14], $0x80  }
0x24a: {  	[sflag:s14] =	ssyncset.done $0x0  }
0x24b: {  	[sflag:s14] =	ssyncadd.s32 $0xFFFFFF80  }
0x24c: {  	_ =	swait.ge [sflag:s14], $0x80  }
0x24d: {  	[sflag:s14] =	ssyncset.done $0x0  }
0x24e: {  	[sflag:s14] =	ssyncadd.s32 $0xFFFFFF80  }
0x24f: {  	_ =	swait.ge [sflag:s14], $0x80  }
0x250: {  	[sflag:s14] =	ssyncset.done $0x0  }
0x251: {  	[sflag:s14] =	ssyncadd.s32 $0xFFFFFF80  }
0x252: {  	_ =	swait.ge [sflag:s14], $0x80  }
0x253: {  	[sflag:s14] =	ssyncset.done $0x0  }
0x254: {  	[sflag:s14] =	ssyncadd.s32 $0xFFFFFF80  }
0x255: {  	_ =	swait.ge [sflag:s14], $0x80  }
0x256: {  	[sflag:s14] =	ssyncset.done $0x0  }
0x257: {  	[sflag:s14] =	ssyncadd.s32 $0xFFFFFF80  }
0x258: {  	_ =	swait.ge [sflag:s14], $0x80  }
0x259: {  	[sflag:s14] =	ssyncset.done $0x0  }
0x25a: {  	[sflag:s14] =	ssyncadd.s32 $0xFFFFFF80  }
0x25b: {  	_ =	swait.ge [sflag:s14], $0x80  }
0x25c: {  	[sflag:s14] =	ssyncset.done $0x0  }
0x25d: {  	[sflag:s14] =	ssyncadd.s32 $0xFFFFFF80  }
0x25e: {  	_ =	swait.ge [sflag:s14], $0x80  }
0x25f: {  	[sflag:s14] =	ssyncset.done $0x0  }
0x260: {  	[sflag:s14] =	ssyncadd.s32 $0xFFFFFF80  }
0x261: {  	_ =	swait.ge [sflag:s14], $0x80  }
0x262: {  	[sflag:s14] =	ssyncset.done $0x0  }
0x263: {  	[sflag:s14] =	ssyncadd.s32 $0xFFFFFF80  }
0x264: {  	_ =	swait.ge [sflag:s14], $0x80  }
0x265: {  	[sflag:s14] =	ssyncset.done $0x0  }
0x266: {  	[sflag:s14] =	ssyncadd.s32 $0xFFFFFF80  }
0x267: {  	_ =	swait.ge [sflag:s14], $0x80  }
0x268: {  	[sflag:s14] =	ssyncset.done $0x0  }
0x269: {  	[sflag:s14] =	ssyncadd.s32 $0xFFFFFF80  }
0x26a: {  	_ =	swait.ge [sflag:s14], $0x80  }
0x26b: {  	[sflag:s14] =	ssyncset.done $0x0  }
0x26c: {  	[sflag:s14] =	ssyncadd.s32 $0xFFFFFF80  }
0x26d: {  	_ =	swait.ge [sflag:s14], $0x80  }
0x26e: {  	s20 =	simm.s32 $0x2000;
	s19 =	simm.s32 $0x400;
	[sflag:s14] =	ssyncset.done $0x0  }
.LBB2_4:
0x26f: {  	s18 =	sadd.s32 $0x2780, s19  }
0x270: {  	s21 =	sadd.s32 $0x9F80, s19;
	[sflag:s14] =	ssyncadd.s32 $0xFFFFFF80;
	s17 =	smov.u32 s20  }
0x271: {  	[spmem:s2] =	stream.indirect.scatter.add.f32 [tilespmem:s18], [sflag:$0x1], $0x1, s21, s15, $0xb8;
	[tilespmem:$0x19568] =	vst v63  }
0x272: {  	s22 =	sadd.s32 $0xC780, s19;
	s18 =	sadd.s32 $0x1000, s20;
	s21 =	sadd.s32 $0x4F80, s19  }
0x273: {  	[spmem:s2] =	stream.indirect.scatter.add.f32 [tilespmem:s21], [sflag:$0x1], $0x1, s22, s15, $0xb8;
	[tilespmem:$0x19568] =	vst v63  }
0x274: {  	p1 =	sne.s32 s20, $0x9000;
	s20 =	sadd.s32 $0x7780, s19;
	s21 =	sadd.s32 $0xEF80, s19  }
0x275: {  	[spmem:s2] =	stream.indirect.scatter.add.f32 [tilespmem:s20], [sflag:$0x1], $0x1, s21, s15, $0xb8;
	[tilespmem:$0x19568] =	vst v63  }
0x276: {  	s20 =	sadd.s32 $0x2800, s19;
	s21 =	sadd.s32 $0xA000, s19  }
0x277: {  	[spmem:s2] =	stream.indirect.scatter.add.f32 [tilespmem:s20], [sflag:$0x1], $0x1, s21, s15, $0xb8;
	[tilespmem:$0x19568] =	vst v63  }
0x278: {  	s20 =	sadd.s32 $0x5000, s19;
	s21 =	sadd.s32 $0xC800, s19  }
0x279: {  	[spmem:s2] =	stream.indirect.scatter.add.f32 [tilespmem:s20], [sflag:$0x1], $0x1, s21, s15, $0xb8;
	[tilespmem:$0x19568] =	vst v63  }
0x27a: {  	s20 =	sadd.s32 $0x7800, s19;
	s21 =	sadd.s32 $0xF000, s19  }
0x27b: {  	[spmem:s2] =	stream.indirect.scatter.add.f32 [tilespmem:s20], [sflag:$0x1], $0x1, s21, s15, $0xb8;
	[tilespmem:$0x19568] =	vst v63  }
0x27c: {  	s20 =	sadd.s32 $0x2880, s19;
	s21 =	sadd.s32 $0xA080, s19  }
0x27d: {  	[spmem:s2] =	stream.indirect.scatter.add.f32 [tilespmem:s20], [sflag:$0x1], $0x1, s21, s15, $0xb8;
	[tilespmem:$0x19568] =	vst v63  }
0x27e: {  	s20 =	sadd.s32 $0x5080, s19;
	s21 =	sadd.s32 $0xC880, s19  }
0x27f: {  	[spmem:s2] =	stream.indirect.scatter.add.f32 [tilespmem:s20], [sflag:$0x1], $0x1, s21, s15, $0xb8;
	[tilespmem:$0x19568] =	vst v63  }
0x280: {  	s20 =	sadd.s32 $0x7880, s19;
	s21 =	sadd.s32 $0xF080, s19  }
0x281: {  	[spmem:s2] =	stream.indirect.scatter.add.f32 [tilespmem:s20], [sflag:$0x1], $0x1, s21, s15, $0xb8;
	[tilespmem:$0x19568] =	vst v63  }
0x282: {  	s20 =	sadd.s32 $0x2900, s19;
	s21 =	sadd.s32 $0xA100, s19  }
0x283: {  	[spmem:s2] =	stream.indirect.scatter.add.f32 [tilespmem:s20], [sflag:$0x1], $0x1, s21, s15, $0xb8;
	[tilespmem:$0x19568] =	vst v63  }
0x284: {  	s20 =	sadd.s32 $0x5100, s19;
	s21 =	sadd.s32 $0xC900, s19  }
0x285: {  	[spmem:s2] =	stream.indirect.scatter.add.f32 [tilespmem:s20], [sflag:$0x1], $0x1, s21, s15, $0xb8;
	[tilespmem:$0x19568] =	vst v63  }
0x286: {  	s20 =	sadd.s32 $0x7900, s19;
	s21 =	sadd.s32 $0xF100, s19  }
0x287: {  	[spmem:s2] =	stream.indirect.scatter.add.f32 [tilespmem:s20], [sflag:$0x1], $0x1, s21, s15, $0xb8;
	[tilespmem:$0x19568] =	vst v63  }
0x288: {  	s20 =	sadd.s32 $0x2980, s19;
	s21 =	sadd.s32 $0xA180, s19  }
0x289: {  	[spmem:s2] =	stream.indirect.scatter.add.f32 [tilespmem:s20], [sflag:$0x1], $0x1, s21, s15, $0xb8;
	[tilespmem:$0x19568] =	vst v63  }
0x28a: {  	s20 =	sadd.s32 $0x5180, s19;
	s21 =	sadd.s32 $0xC980, s19  }
0x28b: {  	[spmem:s2] =	stream.indirect.scatter.add.f32 [tilespmem:s20], [sflag:$0x1], $0x1, s21, s15, $0xb8;
	[tilespmem:$0x19568] =	vst v63  }
0x28c: {  	s20 =	sadd.s32 $0x7980, s19;
	s21 =	sadd.s32 $0xF180, s19  }
0x28d: {  	[spmem:s2] =	stream.indirect.scatter.add.f32 [tilespmem:s20], [sflag:$0x1], $0x1, s21, s15, $0xb8;
	[tilespmem:$0x19568] =	vst v63  }
0x28e: {  	s20 =	sadd.s32 $0x2A00, s19;
	s21 =	sadd.s32 $0xA200, s19  }
0x28f: {  	[spmem:s2] =	stream.indirect.scatter.add.f32 [tilespmem:s20], [sflag:$0x1], $0x1, s21, s15, $0xb8;
	[tilespmem:$0x19568] =	vst v63  }
0x290: {  	s20 =	sadd.s32 $0x5200, s19;
	s21 =	sadd.s32 $0xCA00, s19  }
0x291: {  	[spmem:s2] =	stream.indirect.scatter.add.f32 [tilespmem:s20], [sflag:$0x1], $0x1, s21, s15, $0xb8;
	[tilespmem:$0x19568] =	vst v63  }
0x292: {  	s20 =	sadd.s32 $0x7A00, s19;
	s21 =	sadd.s32 $0xF200, s19  }
0x293: {  	[spmem:s2] =	stream.indirect.scatter.add.f32 [tilespmem:s20], [sflag:$0x1], $0x1, s21, s15, $0xb8;
	[tilespmem:$0x19568] =	vst v63  }
0x294: {  	s20 =	sadd.s32 $0x2A80, s19;
	s21 =	sadd.s32 $0xA280, s19  }
0x295: {  	[spmem:s2] =	stream.indirect.scatter.add.f32 [tilespmem:s20], [sflag:$0x1], $0x1, s21, s15, $0xb8;
	[tilespmem:$0x19568] =	vst v63  }
0x296: {  	s20 =	sadd.s32 $0x5280, s19;
	s21 =	sadd.s32 $0xCA80, s19  }
0x297: {  	[spmem:s2] =	stream.indirect.scatter.add.f32 [tilespmem:s20], [sflag:$0x1], $0x1, s21, s15, $0xb8;
	[tilespmem:$0x19568] =	vst v63  }
0x298: {  	s20 =	sadd.s32 $0x7A80, s19;
	s21 =	sadd.s32 $0xF280, s19  }
0x299: {  	[spmem:s2] =	stream.indirect.scatter.add.f32 [tilespmem:s20], [sflag:$0x1], $0x1, s21, s15, $0xb8;
	[tilespmem:$0x19568] =	vst v63  }
0x29a: {  	s20 =	sadd.s32 $0x2B00, s19;
	s21 =	sadd.s32 $0xA300, s19  }
0x29b: {  	[spmem:s2] =	stream.indirect.scatter.add.f32 [tilespmem:s20], [sflag:$0x1], $0x1, s21, s15, $0xb8;
	[tilespmem:$0x19568] =	vst v63  }
0x29c: {  	s20 =	sadd.s32 $0x5300, s19;
	s21 =	sadd.s32 $0xCB00, s19  }
0x29d: {  	[spmem:s2] =	stream.indirect.scatter.add.f32 [tilespmem:s20], [sflag:$0x1], $0x1, s21, s15, $0xb8;
	[tilespmem:$0x19568] =	vst v63  }
0x29e: {  	s20 =	sadd.s32 $0x7B00, s19;
	s19 =	sadd.s32 $0xF300, s19  }
0x29f: {  	[spmem:s2] =	stream.indirect.scatter.add.f32 [tilespmem:s20], [sflag:$0x1], $0x1, s19, s15, $0xb8;
	[tilespmem:$0x19568] =	vst v63  }
0x2a0: {  	_ =	swait.ge [sflag:s14], $0x80  }
0x2a1: {  	[sflag:s14] =	ssyncset.done $0x0  }
0x2a2: {  	[sflag:s14] =	ssyncadd.s32 $0xFFFFFF80  }
0x2a3: {  	_ =	swait.ge [sflag:s14], $0x80  }
0x2a4: {  	[sflag:s14] =	ssyncset.done $0x0  }
0x2a5: {  	[sflag:s14] =	ssyncadd.s32 $0xFFFFFF80  }
0x2a6: {  	_ =	swait.ge [sflag:s14], $0x80  }
0x2a7: {  	[sflag:s14] =	ssyncset.done $0x0  }
0x2a8: {  	[sflag:s14] =	ssyncadd.s32 $0xFFFFFF80  }
0x2a9: {  	_ =	swait.ge [sflag:s14], $0x80  }
0x2aa: {  	[sflag:s14] =	ssyncset.done $0x0  }
0x2ab: {  	[sflag:s14] =	ssyncadd.s32 $0xFFFFFF80  }
0x2ac: {  	_ =	swait.ge [sflag:s14], $0x80  }
0x2ad: {  	[sflag:s14] =	ssyncset.done $0x0  }
0x2ae: {  	[sflag:s14] =	ssyncadd.s32 $0xFFFFFF80  }
0x2af: {  	_ =	swait.ge [sflag:s14], $0x80  }
0x2b0: {  	[sflag:s14] =	ssyncset.done $0x0  }
0x2b1: {  	[sflag:s14] =	ssyncadd.s32 $0xFFFFFF80  }
0x2b2: {  	_ =	swait.ge [sflag:s14], $0x80  }
0x2b3: {  	[sflag:s14] =	ssyncset.done $0x0  }
0x2b4: {  	[sflag:s14] =	ssyncadd.s32 $0xFFFFFF80  }
0x2b5: {  	_ =	swait.ge [sflag:s14], $0x80  }
0x2b6: {  	[sflag:s14] =	ssyncset.done $0x0  }
0x2b7: {  	[sflag:s14] =	ssyncadd.s32 $0xFFFFFF80  }
0x2b8: {  	_ =	swait.ge [sflag:s14], $0x80  }
0x2b9: {  	[sflag:s14] =	ssyncset.done $0x0  }
0x2ba: {  	[sflag:s14] =	ssyncadd.s32 $0xFFFFFF80  }
0x2bb: {  	_ =	swait.ge [sflag:s14], $0x80  }
0x2bc: {  	[sflag:s14] =	ssyncset.done $0x0  }
0x2bd: {  	[sflag:s14] =	ssyncadd.s32 $0xFFFFFF80  }
0x2be: {  	_ =	swait.ge [sflag:s14], $0x80  }
0x2bf: {  	[sflag:s14] =	ssyncset.done $0x0  }
0x2c0: {  	[sflag:s14] =	ssyncadd.s32 $0xFFFFFF80  }
0x2c1: {  	_ =	swait.ge [sflag:s14], $0x80  }
0x2c2: {  	[sflag:s14] =	ssyncset.done $0x0  }
0x2c3: {  	[sflag:s14] =	ssyncadd.s32 $0xFFFFFF80  }
0x2c4: {  	_ =	swait.ge [sflag:s14], $0x80  }
0x2c5: {  	[sflag:s14] =	ssyncset.done $0x0  }
0x2c6: {  	[sflag:s14] =	ssyncadd.s32 $0xFFFFFF80  }
0x2c7: {  	_ =	swait.ge [sflag:s14], $0x80  }
0x2c8: {  	[sflag:s14] =	ssyncset.done $0x0  }
0x2c9: {  	[sflag:s14] =	ssyncadd.s32 $0xFFFFFF80  }
0x2ca: {  	_ =	swait.ge [sflag:s14], $0x80  }
0x2cb: {  	[sflag:s14] =	ssyncset.done $0x0  }
0x2cc: {  	[sflag:s14] =	ssyncadd.s32 $0xFFFFFF80  }
0x2cd: {  	_ =	swait.ge [sflag:s14], $0x80  }
0x2ce: {  	[sflag:s14] =	ssyncset.done $0x0  }
0x2cf: {  	[sflag:s14] =	ssyncadd.s32 $0xFFFFFF80  }
0x2d0: {  	_ =	swait.ge [sflag:s14], $0x80  }
0x2d1: {  	[sflag:s14] =	ssyncset.done $0x0  }
0x2d2: {  	[sflag:s14] =	ssyncadd.s32 $0xFFFFFF80  }
0x2d3: {  	_ =	swait.ge [sflag:s14], $0x80  }
0x2d4: {  	[sflag:s14] =	ssyncset.done $0x0  }
0x2d5: {  	[sflag:s14] =	ssyncadd.s32 $0xFFFFFF80  }
0x2d6: {  	_ =	swait.ge [sflag:s14], $0x80  }
0x2d7: {  	[sflag:s14] =	ssyncset.done $0x0  }
0x2d8: {  	[sflag:s14] =	ssyncadd.s32 $0xFFFFFF80  }
0x2d9: {  	_ =	swait.ge [sflag:s14], $0x80  }
0x2da: {  	[sflag:s14] =	ssyncset.done $0x0  }
0x2db: {  	[sflag:s14] =	ssyncadd.s32 $0xFFFFFF80  }
0x2dc: {  	_ =	swait.ge [sflag:s14], $0x80  }
0x2dd: {  	[sflag:s14] =	ssyncset.done $0x0  }
0x2de: {  	[sflag:s14] =	ssyncadd.s32 $0xFFFFFF80  }
0x2df: {  	_ =	swait.ge [sflag:s14], $0x80  }
0x2e0: {  	[sflag:s14] =	ssyncset.done $0x0  }
0x2e1: {  	[sflag:s14] =	ssyncadd.s32 $0xFFFFFF80  }
.Ltmp1:
0x2e2: {  	_ =	swait.ge [sflag:s14], $0x80;
	(pc) =	sbr.rel @p1 .LBB2_4-.Ltmp1, $4  }
0x2e3: {  	[sflag:s14] =	ssyncset.done $0x0  }
0x2e4: {  	[sflag:s14] =	ssyncadd.s32 $0xFFFFFF80  }
0x2e5: {  	_ =	swait.ge [sflag:s14], $0x80  }
0x2e6: {  	s19 =	sshra.s32 s17, $0x2;
	s20 =	smov.u32 s18;
	[sflag:s14] =	ssyncset.done $0x0  }
0x2e7: {  	s17 =	sadd.s32 $0x2780, s19;
	s18 =	sadd.s32 $0x9F80, s19;
	[sflag:s14] =	ssyncadd.s32 $0xFFFFFF80  }
0x2e8: {  	[spmem:s2] =	stream.indirect.scatter.add.f32 [tilespmem:s17], [sflag:$0x1], $0x1, s18, s15, $0xb8;
	[tilespmem:$0x19568] =	vst v63  }
0x2e9: {  	s21 =	sadd.s32 $0x4F80, s19;
	s22 =	sadd.s32 $0xC780, s19  }
0x2ea: {  	[spmem:s2] =	stream.indirect.scatter.add.f32 [tilespmem:s21], [sflag:$0x1], $0x1, s22, s15, $0xb8;
	[tilespmem:$0x19568] =	vst v63  }
0x2eb: {  	s23 =	sadd.s32 $0x7780, s19;
	s24 =	sadd.s32 $0xEF80, s19  }
0x2ec: {  	[spmem:s2] =	stream.indirect.scatter.add.f32 [tilespmem:s23], [sflag:$0x1], $0x1, s24, s15, $0xb8;
	[tilespmem:$0x19568] =	vst v63  }
0x2ed: {  	s25 =	sadd.s32 $0x2800, s19;
	s26 =	sadd.s32 $0xA000, s19  }
0x2ee: {  	[spmem:s2] =	stream.indirect.scatter.add.f32 [tilespmem:s25], [sflag:$0x1], $0x1, s26, s15, $0xb8;
	[tilespmem:$0x19568] =	vst v63  }
0x2ef: {  	s28 =	sadd.s32 $0x5000, s19;
	s29 =	sadd.s32 $0xC800, s19  }
0x2f0: {  	[spmem:s2] =	stream.indirect.scatter.add.f32 [tilespmem:s28], [sflag:$0x1], $0x1, s29, s15, $0xb8;
	[tilespmem:$0x19568] =	vst v63  }
0x2f1: {  	s30 =	sadd.s32 $0x7800, s19;
	s31 =	sadd.s32 $0xF000, s19  }
0x2f2: {  	[spmem:s2] =	stream.indirect.scatter.add.f32 [tilespmem:s30], [sflag:$0x1], $0x1, s31, s15, $0xb8;
	[tilespmem:$0x19568] =	vst v63  }
0x2f3: {  	s20 =	sadd.s32 $0xA080, s19;
	s18 =	sadd.s32 $0x2880, s19  }
0x2f4: {  	[spmem:s2] =	stream.indirect.scatter.add.f32 [tilespmem:s18], [sflag:$0x1], $0x1, s20, s15, $0xb8;
	[tilespmem:$0x19568] =	vst v63  }
0x2f5: {  	s21 =	sadd.s32 $0x5080, s19;
	s22 =	sadd.s32 $0xC880, s19  }
0x2f6: {  	[spmem:s2] =	stream.indirect.scatter.add.f32 [tilespmem:s21], [sflag:$0x1], $0x1, s22, s15, $0xb8;
	[tilespmem:$0x19568] =	vst v63  }
0x2f7: {  	s23 =	sadd.s32 $0x7880, s19;
	s24 =	sadd.s32 $0xF080, s19  }
0x2f8: {  	[spmem:s2] =	stream.indirect.scatter.add.f32 [tilespmem:s23], [sflag:$0x1], $0x1, s24, s15, $0xb8;
	[tilespmem:$0x19568] =	vst v63  }
0x2f9: {  	s25 =	sadd.s32 $0x2900, s19;
	s26 =	sadd.s32 $0xA100, s19  }
0x2fa: {  	[spmem:s2] =	stream.indirect.scatter.add.f32 [tilespmem:s25], [sflag:$0x1], $0x1, s26, s15, $0xb8;
	[tilespmem:$0x19568] =	vst v63  }
0x2fb: {  	s28 =	sadd.s32 $0x5100, s19;
	s29 =	sadd.s32 $0xC900, s19  }
0x2fc: {  	[spmem:s2] =	stream.indirect.scatter.add.f32 [tilespmem:s28], [sflag:$0x1], $0x1, s29, s15, $0xb8;
	[tilespmem:$0x19568] =	vst v63  }
0x2fd: {  	s30 =	sadd.s32 $0x7900, s19;
	s31 =	sadd.s32 $0xF100, s19  }
0x2fe: {  	[spmem:s2] =	stream.indirect.scatter.add.f32 [tilespmem:s30], [sflag:$0x1], $0x1, s31, s15, $0xb8;
	[tilespmem:$0x19568] =	vst v63  }
0x2ff: {  	s18 =	sadd.s32 $0x2980, s19;
	s20 =	sadd.s32 $0xA180, s19  }
0x300: {  	[spmem:s2] =	stream.indirect.scatter.add.f32 [tilespmem:s18], [sflag:$0x1], $0x1, s20, s15, $0xb8;
	[tilespmem:$0x19568] =	vst v63  }
0x301: {  	s21 =	sadd.s32 $0x5180, s19;
	s22 =	sadd.s32 $0xC980, s19  }
0x302: {  	[spmem:s2] =	stream.indirect.scatter.add.f32 [tilespmem:s21], [sflag:$0x1], $0x1, s22, s15, $0xb8;
	[tilespmem:$0x19568] =	vst v63  }
0x303: {  	s23 =	sadd.s32 $0x7980, s19;
	s24 =	sadd.s32 $0xF180, s19  }
0x304: {  	[spmem:s2] =	stream.indirect.scatter.add.f32 [tilespmem:s23], [sflag:$0x1], $0x1, s24, s15, $0xb8;
	[tilespmem:$0x19568] =	vst v63  }
0x305: {  	s25 =	sadd.s32 $0x2A00, s19;
	s26 =	sadd.s32 $0xA200, s19  }
0x306: {  	[spmem:s2] =	stream.indirect.scatter.add.f32 [tilespmem:s25], [sflag:$0x1], $0x1, s26, s15, $0xb8;
	[tilespmem:$0x19568] =	vst v63  }
0x307: {  	s28 =	sadd.s32 $0x5200, s19;
	s29 =	sadd.s32 $0xCA00, s19  }
0x308: {  	[spmem:s2] =	stream.indirect.scatter.add.f32 [tilespmem:s28], [sflag:$0x1], $0x1, s29, s15, $0xb8;
	[tilespmem:$0x19568] =	vst v63  }
0x309: {  	s30 =	sadd.s32 $0x7A00, s19;
	s31 =	sadd.s32 $0xF200, s19  }
0x30a: {  	[spmem:s2] =	stream.indirect.scatter.add.f32 [tilespmem:s30], [sflag:$0x1], $0x1, s31, s15, $0xb8;
	[tilespmem:$0x19568] =	vst v63  }
0x30b: {  	s18 =	sadd.s32 $0x2A80, s19;
	s20 =	sadd.s32 $0xA280, s19  }
0x30c: {  	[spmem:s2] =	stream.indirect.scatter.add.f32 [tilespmem:s18], [sflag:$0x1], $0x1, s20, s15, $0xb8;
	[tilespmem:$0x19568] =	vst v63  }
0x30d: {  	s21 =	sadd.s32 $0x5280, s19;
	s22 =	sadd.s32 $0xCA80, s19  }
0x30e: {  	[spmem:s2] =	stream.indirect.scatter.add.f32 [tilespmem:s21], [sflag:$0x1], $0x1, s22, s15, $0xb8;
	[tilespmem:$0x19568] =	vst v63  }
0x30f: {  	s23 =	sadd.s32 $0x7A80, s19;
	s24 =	sadd.s32 $0xF280, s19  }
0x310: {  	[spmem:s2] =	stream.indirect.scatter.add.f32 [tilespmem:s23], [sflag:$0x1], $0x1, s24, s15, $0xb8;
	[tilespmem:$0x19568] =	vst v63  }
0x311: {  	s25 =	sadd.s32 $0x2B00, s19;
	s26 =	sadd.s32 $0xA300, s19  }
0x312: {  	[spmem:s2] =	stream.indirect.scatter.add.f32 [tilespmem:s25], [sflag:$0x1], $0x1, s26, s15, $0xb8;
	[tilespmem:$0x19568] =	vst v63  }
0x313: {  	s28 =	sadd.s32 $0x5300, s19;
	s29 =	sadd.s32 $0xCB00, s19  }
0x314: {  	[spmem:s2] =	stream.indirect.scatter.add.f32 [tilespmem:s28], [sflag:$0x1], $0x1, s29, s15, $0xb8;
	[tilespmem:$0x19568] =	vst v63  }
0x315: {  	s30 =	sadd.s32 $0x7B00, s19;
	s31 =	sadd.s32 $0xF300, s19  }
0x316: {  	[spmem:s2] =	stream.indirect.scatter.add.f32 [tilespmem:s30], [sflag:$0x1], $0x1, s31, s15, $0xb8;
	[tilespmem:$0x19568] =	vst v63  }
0x317: {  	_ =	swait.ge [sflag:s14], $0x80  }
0x318: {  	[sflag:s14] =	ssyncset.done $0x0  }
0x319: {  	[sflag:s14] =	ssyncadd.s32 $0xFFFFFF80  }
0x31a: {  	_ =	swait.ge [sflag:s14], $0x80  }
0x31b: {  	[sflag:s14] =	ssyncset.done $0x0  }
0x31c: {  	[sflag:s14] =	ssyncadd.s32 $0xFFFFFF80  }
0x31d: {  	_ =	swait.ge [sflag:s14], $0x80  }
0x31e: {  	[sflag:s14] =	ssyncset.done $0x0  }
0x31f: {  	[sflag:s14] =	ssyncadd.s32 $0xFFFFFF80  }
0x320: {  	_ =	swait.ge [sflag:s14], $0x80  }
0x321: {  	[sflag:s14] =	ssyncset.done $0x0  }
0x322: {  	[sflag:s14] =	ssyncadd.s32 $0xFFFFFF80  }
0x323: {  	_ =	swait.ge [sflag:s14], $0x80  }
0x324: {  	[sflag:s14] =	ssyncset.done $0x0  }
0x325: {  	[sflag:s14] =	ssyncadd.s32 $0xFFFFFF80  }
0x326: {  	_ =	swait.ge [sflag:s14], $0x80  }
0x327: {  	[sflag:s14] =	ssyncset.done $0x0  }
0x328: {  	[sflag:s14] =	ssyncadd.s32 $0xFFFFFF80  }
0x329: {  	_ =	swait.ge [sflag:s14], $0x80  }
0x32a: {  	[sflag:s14] =	ssyncset.done $0x0  }
0x32b: {  	[sflag:s14] =	ssyncadd.s32 $0xFFFFFF80  }
0x32c: {  	_ =	swait.ge [sflag:s14], $0x80  }
0x32d: {  	[sflag:s14] =	ssyncset.done $0x0  }
0x32e: {  	[sflag:s14] =	ssyncadd.s32 $0xFFFFFF80  }
0x32f: {  	_ =	swait.ge [sflag:s14], $0x80  }
0x330: {  	[sflag:s14] =	ssyncset.done $0x0  }
0x331: {  	[sflag:s14] =	ssyncadd.s32 $0xFFFFFF80  }
0x332: {  	_ =	swait.ge [sflag:s14], $0x80  }
0x333: {  	[sflag:s14] =	ssyncset.done $0x0  }
0x334: {  	[sflag:s14] =	ssyncadd.s32 $0xFFFFFF80  }
0x335: {  	_ =	swait.ge [sflag:s14], $0x80  }
0x336: {  	[sflag:s14] =	ssyncset.done $0x0  }
0x337: {  	[sflag:s14] =	ssyncadd.s32 $0xFFFFFF80  }
0x338: {  	_ =	swait.ge [sflag:s14], $0x80  }
0x339: {  	[sflag:s14] =	ssyncset.done $0x0  }
0x33a: {  	[sflag:s14] =	ssyncadd.s32 $0xFFFFFF80  }
0x33b: {  	_ =	swait.ge [sflag:s14], $0x80  }
0x33c: {  	[sflag:s14] =	ssyncset.done $0x0  }
0x33d: {  	[sflag:s14] =	ssyncadd.s32 $0xFFFFFF80  }
0x33e: {  	_ =	swait.ge [sflag:s14], $0x80  }
0x33f: {  	[sflag:s14] =	ssyncset.done $0x0  }
0x340: {  	[sflag:s14] =	ssyncadd.s32 $0xFFFFFF80  }
0x341: {  	_ =	swait.ge [sflag:s14], $0x80  }
0x342: {  	[sflag:s14] =	ssyncset.done $0x0  }
0x343: {  	[sflag:s14] =	ssyncadd.s32 $0xFFFFFF80  }
0x344: {  	_ =	swait.ge [sflag:s14], $0x80  }
0x345: {  	[sflag:s14] =	ssyncset.done $0x0  }
0x346: {  	[sflag:s14] =	ssyncadd.s32 $0xFFFFFF80  }
0x347: {  	_ =	swait.ge [sflag:s14], $0x80  }
0x348: {  	[sflag:s14] =	ssyncset.done $0x0  }
0x349: {  	[sflag:s14] =	ssyncadd.s32 $0xFFFFFF80  }
0x34a: {  	_ =	swait.ge [sflag:s14], $0x80  }
0x34b: {  	[sflag:s14] =	ssyncset.done $0x0  }
0x34c: {  	[sflag:s14] =	ssyncadd.s32 $0xFFFFFF80  }
0x34d: {  	_ =	swait.ge [sflag:s14], $0x80  }
0x34e: {  	[sflag:s14] =	ssyncset.done $0x0  }
0x34f: {  	[sflag:s14] =	ssyncadd.s32 $0xFFFFFF80  }
0x350: {  	_ =	swait.ge [sflag:s14], $0x80  }
0x351: {  	[sflag:s14] =	ssyncset.done $0x0  }
0x352: {  	[sflag:s14] =	ssyncadd.s32 $0xFFFFFF80  }
0x353: {  	_ =	swait.ge [sflag:s14], $0x80  }
0x354: {  	[sflag:s14] =	ssyncset.done $0x0  }
0x355: {  	[sflag:s14] =	ssyncadd.s32 $0xFFFFFF80  }
0x356: {  	_ =	swait.ge [sflag:s14], $0x80  }
0x357: {  	[sflag:s14] =	ssyncset.done $0x0  }
0x358: {  	[sflag:s14] =	ssyncadd.s32 $0xFFFFFF80  }
0x359: {  	_ =	swait.ge [sflag:s14], $0x80  }
0x35a: {  	[sflag:s14] =	ssyncset.done $0x0  }
0x35b: {  	[sflag:s14] =	ssyncadd.s32 $0xFFFFFF80  }
0x35c: {  	_ =	swait.ge [sflag:s14], $0x80  }
0x35d: {  	[sflag:s14] =	ssyncset.done $0x0  }
0x35e: {  	[sflag:s14] =	ssyncadd.s32 $0xFFFFFF80  }
0x35f: {  	s17 =	simm.s32 @!p0 $0x11780;
	s18 =	simm.s32 @!p0 $0x2;
	[bflag:$0x0] =	sbarrier.arrive $0xFFFF  }
0x360: {  	[tilespmem:s17], [sflag:$0x2] =	stream.linear.gather @!p0 [spmem:s2], $0x7680, $0x38;
	[tilespmem:$0x19568] =	vst v63  }
0x361: {  	s16 =	sadd.s32 $0x1, s16;
	_ =	swait.ge @!p0 [sflag:s18], $0x7680  }
0x362: {  	p1 =	sne.s32 s16, s9;
	[sflag:s18] =	ssyncset.done @!p0 $0x0  }
.Ltmp2:
0x363: {  	s19 =	simm.s32 @!p0 $0x0;
	[sflag:s18] =	ssyncadd.s32 @!p0 $0xFFFF8980;
	(pc) =	sbr.rel @p1 .LBB2_1-.Ltmp2, $4  }
0x364: {  	[hbm4b:s8+s19] =	stream.linear.scatter @!p0 [tilespmem:s17], [sflag:$0x2], $0x7680, $0x38;
	[tilespmem:$0x19568] =	vst v63  }
0x365: {  	_ =	swait.ge @!p0 [sflag:s18], $0x7680  }
0x366: {  	[sflag:s18] =	ssyncset.done @!p0 $0x0  }
0x367: {  	[sflag:s18] =	ssyncadd.s32 @!p0 $0xFFFF8980  }
0x368: {  	_ =	sfence.sel $0x180000  }
0x369: {  	[bflag:$0x0] =	sbarrier.arrive $0xFFFF  }
0x36a: {  	_ =	strace $0x9000004A  }
0x36b: {  	s0 =	sadd.s32 @!p0 $0x100000, s0;
	[bflag:$0x2] =	sbarrier.arrive $0xFFFF  }
0x36c: {  	[sflag:s0] =	ssyncadd.tile.s32 @!p0 $0x1;
	_ =	shalt  }
.Lfunc_end2:
_tile_overlayer_lowered:
.L_overlay_start_2:
0x36d: {  	(tag) =	ssettag $0x2  }
0x36e: {  	s0 =	rddreg [dreg:$0x0];
	s2 =	stileid.u32  }
0x36f: {  	s1 =	rddreg [dreg:$0x1];
	p0 =	sne.s32 s2, $0x0  }
0x370: {  	s3 =	rddreg [dreg:$0x2];
	[bflag:$0x3] =	sbarrier.arrive $0xFFFF;
	s2 =	simm.s32 @!p0 $0x1C02  }
0x371: {  	[timem:s3], [sflag:s2] =	dma.local @!p0 [hbm:s0], s1  }
0x372: {  	s0 =	simm.s32 @!p0 $0x2  }
0x373: {  	_ =	swait.ge @!p0 [sflag:s0], s1  }
0x374: {  	s1 =	ssub.s32 @!p0 $0x0, s1;
	[sflag:s0] =	ssyncset.done @!p0 $0x0  }
0x375: {  	[sflag:s0] =	ssyncadd.s32 @!p0 s1  }
0x376: {  	[bflag:$0x3] =	sbarrier.arrive $0xFFFF  }
0x377: {  	_ =	shalt  }

</sc_bundles>
